<compile_context>
chip_gen: v7x
topology: tpu7x:2x2x1
jax: 0.10.2.dev20260603
libtpu: 0.0.44.dev20260713+nightly
codegen_flags: <defaults>
</compile_context>

<pallas_src>
import functools

import jax
import jax.numpy as jnp
from jax import lax
from jax.experimental import pallas as pl
from jax.experimental.pallas import tpu as pltpu
from jax.experimental.pallas import tpu_sc as plsc

D_MODEL = 64
SCALE = 8.0
BT = 128
NB = 5
STP = BT + 1

B_DIM = 4096
L_DIM = 200
LT = L_DIM // 8
BTG = B_DIM // BT
N_SG = LT * BTG


@functools.lru_cache(maxsize=None)
def _make_kernel():
    info = plsc.get_sparse_core_info()
    nc, ns, lanes = info.num_cores, info.num_subcores, info.num_lanes
    nw = nc * ns
    assert N_SG % nw == 0
    sg_per_w = N_SG // nw
    n_k = sg_per_w * 8
    assert n_k % NB == 0
    vpr = D_MODEL // lanes

    mesh = plsc.VectorSubcoreMesh(core_axis_name="c", subcore_axis_name="s")

    @functools.partial(
        pl.kernel,
        mesh=mesh,
        out_type=jax.ShapeDtypeStruct((L_DIM, 8, BTG, 8, BT), jnp.float32),
        scratch_types=[
            pltpu.VMEM((2, 8, BT), jnp.int32),
            pltpu.VMEM((NB, BT, D_MODEL), jnp.float32),
            pltpu.VMEM((NB, 8, 8, STP), jnp.float32),
        ]
        + [pltpu.SemaphoreType.DMA] * (2 + 2 * NB),
        compiler_params=pltpu.CompilerParams(
            use_tc_tiling_on_sc=False, needs_layout_passes=False
        ),
    )
    def emb_kernel(table_hbm, xs_hbm, out_hbm, idx_v, rows, st, *sems):
        isems = sems[:2]
        gsems = sems[2 : 2 + NB]
        ssems = sems[2 + NB :]
        wid = lax.axis_index("s") * nc + lax.axis_index("c")
        sg0 = wid * sg_per_w

        dts = [
            (jnp.arange(lanes, dtype=jnp.int32) + c * lanes) >> 3
            for c in range(vpr)
        ]
        drs = [
            (jnp.arange(lanes, dtype=jnp.int32) + c * lanes) & 7
            for c in range(vpr)
        ]

        def idx_desc(sg, ib):
            return pltpu.make_async_copy(
                xs_hbm.at[sg // BTG, sg % BTG], idx_v.at[ib], isems[ib]
            )

        def gather_desc(ib, lr, rb):
            return pltpu.make_async_copy(
                table_hbm.at[idx_v.at[ib, lr]], rows.at[rb], gsems[rb]
            )

        def store_descs(k, sb):
            sg = sg0 + k // 8
            l = (sg // BTG) * 8 + (k % 8)
            bt = sg % BTG
            return [
                pltpu.make_async_copy(
                    st.at[sb, :, :, pl.ds(0, BT)],
                    out_hbm.at[l, :, bt],
                    ssems[sb],
                )
            ]

        def transpose_scale(rb, sb):
            st1 = st.at[sb]

            @plsc.parallel_loop(0, BT, unroll=8)
            def body(br):
                vb = jnp.full((lanes,), br, jnp.int32)
                for c in range(vpr):
                    vals = rows[rb, br, pl.ds(c * lanes, lanes)] * SCALE
                    plsc.store_scatter(st1, [dts[c], drs[c], vb], vals)

        idx_desc(sg0, 0).start()
        idx_desc(sg0 + 1, 1).start()
        idx_desc(sg0, 0).wait()
        for k in range(NB - 1):
            gather_desc(0, k, k).start()

        def round_body(r, carry):
            for u in range(NB):
                k = r * NB + u
                m = k // 8
                lr = k % 8
                ib = m % 2
                gather_desc(ib, lr, u).wait()
                @pl.when(jnp.logical_and(lr == 7, m + 2 < sg_per_w))
                def _():
                    for ib2 in range(2):
                        @pl.when(ib == ib2)
                        def _():
                            idx_desc(sg0 + m + 2, ib2).start()
                @pl.when(r > 0)
                def _():
                    for d_ in store_descs(k - NB, u):
                        d_.wait()
                transpose_scale(u, u)
                for d_ in store_descs(k, u):
                    d_.start()
                kf = k + NB - 1
                @pl.when(kf < n_k)
                def _():
                    mf = kf // 8
                    lrf = kf % 8
                    ibf = mf % 2
                    @pl.when(lrf == 0)
                    def _():
                        for ib2 in range(2):
                            @pl.when(ibf == ib2)
                            def _():
                                idx_desc(sg0 + mf, ib2).wait()
                    gather_desc(ibf, lrf, (u + NB - 1) % NB).start()
            return carry

        lax.fori_loop(0, n_k // NB, round_body, 0)
        for u in range(NB):
            for d_ in store_descs(n_k - NB + u, u):
                d_.wait()

    return emb_kernel


def kernel(x, table):
    xs = (
        x.astype(jnp.int32)
        .T.reshape(LT, 8, BTG, BT)
        .transpose(0, 2, 1, 3)
    )
    out5 = _make_kernel()(table, xs)
    out = out5.transpose(2, 4, 0, 1, 3).reshape(B_DIM, L_DIM, D_MODEL)
    return out

# --- scband reference (transcript-rebuilt; emitter-appended) ---
"""Pipeline reference for scband-embeddings-90108413870579 (READ-ONLY COPY).

The authoritative reference and input builder live on the scoring server;
editing this copy changes nothing except your own understanding.
"""

import jax, jax.numpy as jnp
import numpy as np

VOCAB = 1000000
D_MODEL = 64
B = 4096
L = 200

def setup_inputs(seed: int = 0) -> dict:
    key = jax.random.key(seed)
    k1, k2 = jax.random.split(key)
    x = jax.random.randint(k1, (B, L), 0, VOCAB, dtype=jnp.int64 if jax.config.read('jax_enable_x64') else jnp.int32)
    table = jax.random.normal(k2, (VOCAB, D_MODEL), dtype=jnp.float32) * 0.02
    return {"x": x, "table": table}

def reference(x, table):
    # Embeddings.forward: self.embed(x) * self.d_model ** 0.5
    emb = jnp.take(table, x, axis=0)
    return emb * (D_MODEL ** 0.5)

if __name__ == "__main__":
    import jax
    _d = setup_inputs()
    print(jax.jit(kernel)(*tuple(_d.values())))

</pallas_src>

<mosaic_0001>
#map = affine_map<(d0, d1) -> (0, 0)>
#map1 = affine_map<(d0, d1) -> (0, 0, 0, 0)>
#map2 = affine_map<(d0, d1) -> (0, 0, 0, 0, 0)>
module attributes {stable_mosaic.version = 14 : i64} {
  func.func @emb_kernel(%arg0: i32, %arg1: i32, %arg2: memref<1000000x64xf32, #tpu.memory_space<hbm>>, %arg3: memref<25x32x8x128xi32, #tpu.memory_space<hbm>>, %arg4: memref<200x8x32x8x128xf32, #tpu.memory_space<hbm>>, %arg5: memref<2x8x128xi32, #tpu.memory_space<vmem>>, %arg6: memref<5x128x64xf32, #tpu.memory_space<vmem>>, %arg7: memref<5x8x8x129xf32, #tpu.memory_space<vmem>>, %arg8: memref<!tpu.dma_semaphore, #tpu.memory_space<semaphore_mem>>, %arg9: memref<!tpu.dma_semaphore, #tpu.memory_space<semaphore_mem>>, %arg10: memref<!tpu.dma_semaphore, #tpu.memory_space<semaphore_mem>>, %arg11: memref<!tpu.dma_semaphore, #tpu.memory_space<semaphore_mem>>, %arg12: memref<!tpu.dma_semaphore, #tpu.memory_space<semaphore_mem>>, %arg13: memref<!tpu.dma_semaphore, #tpu.memory_space<semaphore_mem>>, %arg14: memref<!tpu.dma_semaphore, #tpu.memory_space<semaphore_mem>>, %arg15: memref<!tpu.dma_semaphore, #tpu.memory_space<semaphore_mem>>, %arg16: memref<!tpu.dma_semaphore, #tpu.memory_space<semaphore_mem>>, %arg17: memref<!tpu.dma_semaphore, #tpu.memory_space<semaphore_mem>>, %arg18: memref<!tpu.dma_semaphore, #tpu.memory_space<semaphore_mem>>, %arg19: memref<!tpu.dma_semaphore, #tpu.memory_space<semaphore_mem>>) attributes {dimension_semantics = [#tpu.dimension_semantics<core_parallel>, #tpu.dimension_semantics<subcore_parallel>], iteration_bounds = array<i64: 2, 16>, scalar_prefetch = 0 : i64, scratch_operands = 15 : i64, tpu.core_type = #tpu.core_type<sc_vector_subcore>, window_params = [{transform_indices = #map}, {transform_indices = #map1}, {transform_indices = #map2}]} {
    %mul3A = arith.constant 2 : i32
    %mul3A_0 = arith.muli %arg1, %mul3A : i32
    %add3A = arith.addi %mul3A_0, %arg0 : i32
    %mul3A_1 = arith.constant 25 : i32
    %mul3A_2 = arith.muli %add3A, %mul3A_1 : i32
    %iota3A = tpu.iota {dimensions = array<i32: 0>} : vector<16xi32>
    %add3A_3 = arith.constant 0 : i32
    %add3A_4 = vector.broadcast %add3A_3 : i32 to vector<16xi32>
    %add3A_5 = arith.addi %iota3A, %add3A_4 : vector<16xi32>
    %shift_right_arithmetic3A = arith.constant 3 : i32
    %shift_right_arithmetic3A_6 = vector.broadcast %shift_right_arithmetic3A : i32 to vector<16xi32>
    %shift_right_arithmetic3A_7 = arith.shrsi %add3A_5, %shift_right_arithmetic3A_6 : vector<16xi32>
    %iota3A_8 = tpu.iota {dimensions = array<i32: 0>} : vector<16xi32>
    %add3A_9 = arith.constant 16 : i32
    %add3A_10 = vector.broadcast %add3A_9 : i32 to vector<16xi32>
    %add3A_11 = arith.addi %iota3A_8, %add3A_10 : vector<16xi32>
    %shift_right_arithmetic3A_12 = arith.constant 3 : i32
    %shift_right_arithmetic3A_13 = vector.broadcast %shift_right_arithmetic3A_12 : i32 to vector<16xi32>
    %shift_right_arithmetic3A_14 = arith.shrsi %add3A_11, %shift_right_arithmetic3A_13 : vector<16xi32>
    %iota3A_15 = tpu.iota {dimensions = array<i32: 0>} : vector<16xi32>
    %add3A_16 = arith.constant 32 : i32
    %add3A_17 = vector.broadcast %add3A_16 : i32 to vector<16xi32>
    %add3A_18 = arith.addi %iota3A_15, %add3A_17 : vector<16xi32>
    %shift_right_arithmetic3A_19 = arith.constant 3 : i32
    %shift_right_arithmetic3A_20 = vector.broadcast %shift_right_arithmetic3A_19 : i32 to vector<16xi32>
    %shift_right_arithmetic3A_21 = arith.shrsi %add3A_18, %shift_right_arithmetic3A_20 : vector<16xi32>
    %iota3A_22 = tpu.iota {dimensions = array<i32: 0>} : vector<16xi32>
    %add3A_23 = arith.constant 48 : i32
    %add3A_24 = vector.broadcast %add3A_23 : i32 to vector<16xi32>
    %add3A_25 = arith.addi %iota3A_22, %add3A_24 : vector<16xi32>
    %shift_right_arithmetic3A_26 = arith.constant 3 : i32
    %shift_right_arithmetic3A_27 = vector.broadcast %shift_right_arithmetic3A_26 : i32 to vector<16xi32>
    %shift_right_arithmetic3A_28 = arith.shrsi %add3A_25, %shift_right_arithmetic3A_27 : vector<16xi32>
    %iota3A_29 = tpu.iota {dimensions = array<i32: 0>} : vector<16xi32>
    %add3A_30 = arith.constant 0 : i32
    %add3A_31 = vector.broadcast %add3A_30 : i32 to vector<16xi32>
    %add3A_32 = arith.addi %iota3A_29, %add3A_31 : vector<16xi32>
    %and3A = arith.constant 7 : i32
    %and3A_33 = vector.broadcast %and3A : i32 to vector<16xi32>
    %and3A_34 = arith.andi %add3A_32, %and3A_33 : vector<16xi32>
    %iota3A_35 = tpu.iota {dimensions = array<i32: 0>} : vector<16xi32>
    %add3A_36 = arith.constant 16 : i32
    %add3A_37 = vector.broadcast %add3A_36 : i32 to vector<16xi32>
    %add3A_38 = arith.addi %iota3A_35, %add3A_37 : vector<16xi32>
    %and3A_39 = arith.constant 7 : i32
    %and3A_40 = vector.broadcast %and3A_39 : i32 to vector<16xi32>
    %and3A_41 = arith.andi %add3A_38, %and3A_40 : vector<16xi32>
    %iota3A_42 = tpu.iota {dimensions = array<i32: 0>} : vector<16xi32>
    %add3A_43 = arith.constant 32 : i32
    %add3A_44 = vector.broadcast %add3A_43 : i32 to vector<16xi32>
    %add3A_45 = arith.addi %iota3A_42, %add3A_44 : vector<16xi32>
    %and3A_46 = arith.constant 7 : i32
    %and3A_47 = vector.broadcast %and3A_46 : i32 to vector<16xi32>
    %and3A_48 = arith.andi %add3A_45, %and3A_47 : vector<16xi32>
    %iota3A_49 = tpu.iota {dimensions = array<i32: 0>} : vector<16xi32>
    %add3A_50 = arith.constant 48 : i32
    %add3A_51 = vector.broadcast %add3A_50 : i32 to vector<16xi32>
    %add3A_52 = arith.addi %iota3A_49, %add3A_51 : vector<16xi32>
    %and3A_53 = arith.constant 7 : i32
    %and3A_54 = vector.broadcast %and3A_53 : i32 to vector<16xi32>
    %and3A_55 = arith.andi %add3A_52, %and3A_54 : vector<16xi32>
    %jit3A = arith.constant 32 : i32
    %div3A = arith.divsi %mul3A_2, %jit3A : i32
    %sign3A = arith.constant 0 : i32
    %sign3A_56 = arith.cmpi sgt, %mul3A_2, %sign3A : i32
    %sign3A_57 = arith.extui %sign3A_56 : i1 to i32
    %sign3A_58 = arith.constant 0 : i32
    %sign3A_59 = arith.cmpi slt, %mul3A_2, %sign3A_58 : i32
    %sign3A_60 = arith.extui %sign3A_59 : i1 to i32
    %sign3A_61 = arith.subi %sign3A_57, %sign3A_60 : i32
    %sign3A_62 = arith.constant 0 : i32
    %sign3A_63 = arith.cmpi sgt, %jit3A, %sign3A_62 : i32
    %sign3A_64 = arith.extui %sign3A_63 : i1 to i32
    %sign3A_65 = arith.constant 0 : i32
    %sign3A_66 = arith.cmpi slt, %jit3A, %sign3A_65 : i32
    %sign3A_67 = arith.extui %sign3A_66 : i1 to i32
    %sign3A_68 = arith.subi %sign3A_64, %sign3A_67 : i32
    %ne3A = arith.cmpi ne, %sign3A_61, %sign3A_68 : i32
    %rem3A = arith.remsi %mul3A_2, %jit3A : i32
    %ne3A_69 = arith.constant 0 : i32
    %ne3A_70 = arith.cmpi ne, %rem3A, %ne3A_69 : i32
    %and3A_71 = arith.andi %ne3A, %ne3A_70 : i1
    %sub3A = arith.constant 1 : i32
    %sub3A_72 = arith.subi %div3A, %sub3A : i32
    %select_n3A = arith.select %and3A_71, %sub3A_72, %div3A : i32
    %jit3A_73 = arith.constant 32 : i32
    %eq3A = arith.constant 0 : i32
    %eq3A_74 = arith.cmpi eq, %jit3A_73, %eq3A : i32
    %jit3A_75 = arith.constant 1 : i32
    %select_n3A_76 = arith.select %eq3A_74, %jit3A_75, %jit3A_73 : i32
    %rem3A_77 = arith.remsi %mul3A_2, %select_n3A_76 : i32
    %ne3A_78 = arith.constant 0 : i32
    %ne3A_79 = arith.cmpi ne, %rem3A_77, %ne3A_78 : i32
    %lt3A = arith.constant 0 : i32
    %lt3A_80 = arith.cmpi slt, %rem3A_77, %lt3A : i32
    %lt3A_81 = arith.constant 0 : i32
    %lt3A_82 = arith.cmpi slt, %select_n3A_76, %lt3A_81 : i32
    %ne3A_83 = arith.xori %lt3A_80, %lt3A_82 : i1
    %and3A_84 = arith.andi %ne3A_83, %ne3A_79 : i1
    %add3A_85 = arith.addi %rem3A_77, %select_n3A_76 : i32
    %select_n3A_86 = arith.select %and3A_84, %add3A_85, %rem3A_77 : i32
    %dma_start3A = arith.constant 0 : i32
    %dma_start3A_87 = arith.constant 0 : i32
    %dma_start3A_88 = arith.constant 0 : i32
    %dma_start3A_89 = tpu.memref_slice %arg5[%dma_start3A, %dma_start3A_87, %dma_start3A_88] : memref<2x8x128xi32, #tpu.memory_space<vmem>> -> memref<1x8x128xi32, #tpu.memory_space<vmem>>
    %dma_start3A_90 = tpu.memref_squeeze %dma_start3A_89 : memref<1x8x128xi32, #tpu.memory_space<vmem>> -> memref<8x128xi32, #tpu.memory_space<vmem>>
    %dma_start3A_91 = arith.constant 0 : i32
    %dma_start3A_92 = arith.constant 0 : i32
    %dma_start3A_93 = tpu.memref_slice %arg3[%select_n3A, %select_n3A_86, %dma_start3A_91, %dma_start3A_92] : memref<25x32x8x128xi32, #tpu.memory_space<hbm>> -> memref<1x1x8x128xi32, #tpu.memory_space<hbm>>
    %dma_start3A_94 = tpu.memref_squeeze %dma_start3A_93 : memref<1x1x8x128xi32, #tpu.memory_space<hbm>> -> memref<8x128xi32, #tpu.memory_space<hbm>>
    %dma_start3A_95 = arith.constant 0 : i32
    %dma_start3A_96 = arith.constant 0 : i32
    %dma_start3A_97 = tpu.memref_slice %arg5[%dma_start3A, %dma_start3A_95, %dma_start3A_96] : memref<2x8x128xi32, #tpu.memory_space<vmem>> -> memref<1x8x128xi32, #tpu.memory_space<vmem>>
    %dma_start3A_98 = tpu.memref_squeeze %dma_start3A_97 : memref<1x8x128xi32, #tpu.memory_space<vmem>> -> memref<8x128xi32, #tpu.memory_space<vmem>>
    %dma_start3A_99 = arith.constant 0 : i32
    %dma_start3A_100 = arith.constant 0 : i32
    %dma_start3A_101 = tpu.memref_slice %arg3[%select_n3A, %select_n3A_86, %dma_start3A_99, %dma_start3A_100] : memref<25x32x8x128xi32, #tpu.memory_space<hbm>> -> memref<1x1x8x128xi32, #tpu.memory_space<hbm>>
    %dma_start3A_102 = tpu.memref_squeeze %dma_start3A_101 : memref<1x1x8x128xi32, #tpu.memory_space<hbm>> -> memref<8x128xi32, #tpu.memory_space<hbm>>
    tpu.enqueue_dma source(%dma_start3A_102 : memref<8x128xi32, #tpu.memory_space<hbm>>) target(%dma_start3A_98 : memref<8x128xi32, #tpu.memory_space<vmem>>) target_semaphore(%arg8 : memref<!tpu.dma_semaphore, #tpu.memory_space<semaphore_mem>>)
    %add3A_103 = arith.constant 1 : i32
    %add3A_104 = arith.addi %mul3A_2, %add3A_103 : i32
    %jit3A_105 = arith.constant 32 : i32
    %div3A_106 = arith.divsi %add3A_104, %jit3A_105 : i32
    %sign3A_107 = arith.constant 0 : i32
    %sign3A_108 = arith.cmpi sgt, %add3A_104, %sign3A_107 : i32
    %sign3A_109 = arith.extui %sign3A_108 : i1 to i32
    %sign3A_110 = arith.constant 0 : i32
    %sign3A_111 = arith.cmpi slt, %add3A_104, %sign3A_110 : i32
    %sign3A_112 = arith.extui %sign3A_111 : i1 to i32
    %sign3A_113 = arith.subi %sign3A_109, %sign3A_112 : i32
    %sign3A_114 = arith.constant 0 : i32
    %sign3A_115 = arith.cmpi sgt, %jit3A_105, %sign3A_114 : i32
    %sign3A_116 = arith.extui %sign3A_115 : i1 to i32
    %sign3A_117 = arith.constant 0 : i32
    %sign3A_118 = arith.cmpi slt, %jit3A_105, %sign3A_117 : i32
    %sign3A_119 = arith.extui %sign3A_118 : i1 to i32
    %sign3A_120 = arith.subi %sign3A_116, %sign3A_119 : i32
    %ne3A_121 = arith.cmpi ne, %sign3A_113, %sign3A_120 : i32
    %rem3A_122 = arith.remsi %add3A_104, %jit3A_105 : i32
    %ne3A_123 = arith.constant 0 : i32
    %ne3A_124 = arith.cmpi ne, %rem3A_122, %ne3A_123 : i32
    %and3A_125 = arith.andi %ne3A_121, %ne3A_124 : i1
    %sub3A_126 = arith.constant 1 : i32
    %sub3A_127 = arith.subi %div3A_106, %sub3A_126 : i32
    %select_n3A_128 = arith.select %and3A_125, %sub3A_127, %div3A_106 : i32
    %jit3A_129 = arith.constant 32 : i32
    %eq3A_130 = arith.constant 0 : i32
    %eq3A_131 = arith.cmpi eq, %jit3A_129, %eq3A_130 : i32
    %jit3A_132 = arith.constant 1 : i32
    %select_n3A_133 = arith.select %eq3A_131, %jit3A_132, %jit3A_129 : i32
    %rem3A_134 = arith.remsi %add3A_104, %select_n3A_133 : i32
    %ne3A_135 = arith.constant 0 : i32
    %ne3A_136 = arith.cmpi ne, %rem3A_134, %ne3A_135 : i32
    %lt3A_137 = arith.constant 0 : i32
    %lt3A_138 = arith.cmpi slt, %rem3A_134, %lt3A_137 : i32
    %lt3A_139 = arith.constant 0 : i32
    %lt3A_140 = arith.cmpi slt, %select_n3A_133, %lt3A_139 : i32
    %ne3A_141 = arith.xori %lt3A_138, %lt3A_140 : i1
    %and3A_142 = arith.andi %ne3A_141, %ne3A_136 : i1
    %add3A_143 = arith.addi %rem3A_134, %select_n3A_133 : i32
    %select_n3A_144 = arith.select %and3A_142, %add3A_143, %rem3A_134 : i32
    %dma_start3A_145 = arith.constant 1 : i32
    %dma_start3A_146 = arith.constant 0 : i32
    %dma_start3A_147 = arith.constant 0 : i32
    %dma_start3A_148 = tpu.memref_slice %arg5[%dma_start3A_145, %dma_start3A_146, %dma_start3A_147] : memref<2x8x128xi32, #tpu.memory_space<vmem>> -> memref<1x8x128xi32, #tpu.memory_space<vmem>>
    %dma_start3A_149 = tpu.memref_squeeze %dma_start3A_148 : memref<1x8x128xi32, #tpu.memory_space<vmem>> -> memref<8x128xi32, #tpu.memory_space<vmem>>
    %dma_start3A_150 = arith.constant 0 : i32
    %dma_start3A_151 = arith.constant 0 : i32
    %dma_start3A_152 = tpu.memref_slice %arg3[%select_n3A_128, %select_n3A_144, %dma_start3A_150, %dma_start3A_151] : memref<25x32x8x128xi32, #tpu.memory_space<hbm>> -> memref<1x1x8x128xi32, #tpu.memory_space<hbm>>
    %dma_start3A_153 = tpu.memref_squeeze %dma_start3A_152 : memref<1x1x8x128xi32, #tpu.memory_space<hbm>> -> memref<8x128xi32, #tpu.memory_space<hbm>>
    %dma_start3A_154 = arith.constant 0 : i32
    %dma_start3A_155 = arith.constant 0 : i32
    %dma_start3A_156 = tpu.memref_slice %arg5[%dma_start3A_145, %dma_start3A_154, %dma_start3A_155] : memref<2x8x128xi32, #tpu.memory_space<vmem>> -> memref<1x8x128xi32, #tpu.memory_space<vmem>>
    %dma_start3A_157 = tpu.memref_squeeze %dma_start3A_156 : memref<1x8x128xi32, #tpu.memory_space<vmem>> -> memref<8x128xi32, #tpu.memory_space<vmem>>
    %dma_start3A_158 = arith.constant 0 : i32
    %dma_start3A_159 = arith.constant 0 : i32
    %dma_start3A_160 = tpu.memref_slice %arg3[%select_n3A_128, %select_n3A_144, %dma_start3A_158, %dma_start3A_159] : memref<25x32x8x128xi32, #tpu.memory_space<hbm>> -> memref<1x1x8x128xi32, #tpu.memory_space<hbm>>
    %dma_start3A_161 = tpu.memref_squeeze %dma_start3A_160 : memref<1x1x8x128xi32, #tpu.memory_space<hbm>> -> memref<8x128xi32, #tpu.memory_space<hbm>>
    tpu.enqueue_dma source(%dma_start3A_161 : memref<8x128xi32, #tpu.memory_space<hbm>>) target(%dma_start3A_157 : memref<8x128xi32, #tpu.memory_space<vmem>>) target_semaphore(%arg9 : memref<!tpu.dma_semaphore, #tpu.memory_space<semaphore_mem>>)
    %jit3A_162 = arith.constant 32 : i32
    %div3A_163 = arith.divsi %mul3A_2, %jit3A_162 : i32
    %sign3A_164 = arith.constant 0 : i32
    %sign3A_165 = arith.cmpi sgt, %mul3A_2, %sign3A_164 : i32
    %sign3A_166 = arith.extui %sign3A_165 : i1 to i32
    %sign3A_167 = arith.constant 0 : i32
    %sign3A_168 = arith.cmpi slt, %mul3A_2, %sign3A_167 : i32
    %sign3A_169 = arith.extui %sign3A_168 : i1 to i32
    %sign3A_170 = arith.subi %sign3A_166, %sign3A_169 : i32
    %sign3A_171 = arith.constant 0 : i32
    %sign3A_172 = arith.cmpi sgt, %jit3A_162, %sign3A_171 : i32
    %sign3A_173 = arith.extui %sign3A_172 : i1 to i32
    %sign3A_174 = arith.constant 0 : i32
    %sign3A_175 = arith.cmpi slt, %jit3A_162, %sign3A_174 : i32
    %sign3A_176 = arith.extui %sign3A_175 : i1 to i32
    %sign3A_177 = arith.subi %sign3A_173, %sign3A_176 : i32
    %ne3A_178 = arith.cmpi ne, %sign3A_170, %sign3A_177 : i32
    %rem3A_179 = arith.remsi %mul3A_2, %jit3A_162 : i32
    %ne3A_180 = arith.constant 0 : i32
    %ne3A_181 = arith.cmpi ne, %rem3A_179, %ne3A_180 : i32
    %and3A_182 = arith.andi %ne3A_178, %ne3A_181 : i1
    %sub3A_183 = arith.constant 1 : i32
    %sub3A_184 = arith.subi %div3A_163, %sub3A_183 : i32
    %select_n3A_185 = arith.select %and3A_182, %sub3A_184, %div3A_163 : i32
    %jit3A_186 = arith.constant 32 : i32
    %eq3A_187 = arith.constant 0 : i32
    %eq3A_188 = arith.cmpi eq, %jit3A_186, %eq3A_187 : i32
    %jit3A_189 = arith.constant 1 : i32
    %select_n3A_190 = arith.select %eq3A_188, %jit3A_189, %jit3A_186 : i32
    %rem3A_191 = arith.remsi %mul3A_2, %select_n3A_190 : i32
    %ne3A_192 = arith.constant 0 : i32
    %ne3A_193 = arith.cmpi ne, %rem3A_191, %ne3A_192 : i32
    %lt3A_194 = arith.constant 0 : i32
    %lt3A_195 = arith.cmpi slt, %rem3A_191, %lt3A_194 : i32
    %lt3A_196 = arith.constant 0 : i32
    %lt3A_197 = arith.cmpi slt, %select_n3A_190, %lt3A_196 : i32
    %ne3A_198 = arith.xori %lt3A_195, %lt3A_197 : i1
    %and3A_199 = arith.andi %ne3A_198, %ne3A_193 : i1
    %add3A_200 = arith.addi %rem3A_191, %select_n3A_190 : i32
    %select_n3A_201 = arith.select %and3A_199, %add3A_200, %rem3A_191 : i32
    %dma_wait3A = arith.constant 0 : i32
    %dma_wait3A_202 = arith.constant 0 : i32
    %dma_wait3A_203 = arith.constant 0 : i32
    %dma_wait3A_204 = tpu.memref_slice %arg5[%dma_wait3A, %dma_wait3A_202, %dma_wait3A_203] : memref<2x8x128xi32, #tpu.memory_space<vmem>> -> memref<1x8x128xi32, #tpu.memory_space<vmem>>
    %dma_wait3A_205 = tpu.memref_squeeze %dma_wait3A_204 : memref<1x8x128xi32, #tpu.memory_space<vmem>> -> memref<8x128xi32, #tpu.memory_space<vmem>>
    %dma_wait3A_206 = arith.constant 0 : i32
    %dma_wait3A_207 = arith.constant 0 : i32
    %dma_wait3A_208 = tpu.memref_slice %arg3[%select_n3A_185, %select_n3A_201, %dma_wait3A_206, %dma_wait3A_207] : memref<25x32x8x128xi32, #tpu.memory_space<hbm>> -> memref<1x1x8x128xi32, #tpu.memory_space<hbm>>
    %dma_wait3A_209 = tpu.memref_squeeze %dma_wait3A_208 : memref<1x1x8x128xi32, #tpu.memory_space<hbm>> -> memref<8x128xi32, #tpu.memory_space<hbm>>
    %dma_wait3A_210 = arith.constant 0 : i32
    %dma_wait3A_211 = arith.constant 0 : i32
    %dma_wait3A_212 = tpu.memref_slice %arg5[%dma_wait3A, %dma_wait3A_210, %dma_wait3A_211] : memref<2x8x128xi32, #tpu.memory_space<vmem>> -> memref<1x8x128xi32, #tpu.memory_space<vmem>>
    %dma_wait3A_213 = tpu.memref_squeeze %dma_wait3A_212 : memref<1x8x128xi32, #tpu.memory_space<vmem>> -> memref<8x128xi32, #tpu.memory_space<vmem>>
    %dma_wait3A_214 = arith.constant 0 : i32
    %dma_wait3A_215 = arith.constant 0 : i32
    %dma_wait3A_216 = tpu.memref_slice %arg3[%select_n3A_185, %select_n3A_201, %dma_wait3A_214, %dma_wait3A_215] : memref<25x32x8x128xi32, #tpu.memory_space<hbm>> -> memref<1x1x8x128xi32, #tpu.memory_space<hbm>>
    %dma_wait3A_217 = tpu.memref_squeeze %dma_wait3A_216 : memref<1x1x8x128xi32, #tpu.memory_space<hbm>> -> memref<8x128xi32, #tpu.memory_space<hbm>>
    tpu.wait_dma2 semaphore(%arg8 : memref<!tpu.dma_semaphore, #tpu.memory_space<semaphore_mem>>) src(%dma_wait3A_217 : memref<8x128xi32, #tpu.memory_space<hbm>>) dst(%dma_wait3A_213 : memref<8x128xi32, #tpu.memory_space<vmem>>)
    %dma_start3A_218 = arith.constant 0 : i32
    %dma_start3A_219 = arith.constant 0 : i32
    %dma_start3A_220 = arith.constant 0 : i32
    %dma_start3A_221 = arith.constant 0 : i32
    %dma_start3A_222 = arith.constant 0 : i32
    %dma_start3A_223 = tpu.memref_slice %arg6[%dma_start3A_220, %dma_start3A_221, %dma_start3A_222] : memref<5x128x64xf32, #tpu.memory_space<vmem>> -> memref<1x128x64xf32, #tpu.memory_space<vmem>>
    %dma_start3A_224 = tpu.memref_squeeze %dma_start3A_223 : memref<1x128x64xf32, #tpu.memory_space<vmem>> -> memref<128x64xf32, #tpu.memory_space<vmem>>
    %dma_start3A_225 = arith.constant 0 : i32
    %dma_start3A_226 = tpu.memref_slice %arg5[%dma_start3A_218, %dma_start3A_219, %dma_start3A_225] : memref<2x8x128xi32, #tpu.memory_space<vmem>> -> memref<1x1x128xi32, #tpu.memory_space<vmem>>
    %dma_start3A_227 = tpu.memref_squeeze %dma_start3A_226 : memref<1x1x128xi32, #tpu.memory_space<vmem>> -> memref<128xi32, #tpu.memory_space<vmem>>
    %dma_start3A_228 = arith.constant 0 : i32
    %dma_start3A_229 = arith.constant 0 : i32
    %dma_start3A_230 = tpu.memref_slice %arg2[%dma_start3A_228, %dma_start3A_229] : memref<1000000x64xf32, #tpu.memory_space<hbm>> -> memref<1000000x64xf32, #tpu.memory_space<hbm>>
    tpu.enqueue_indirect_dma source(%dma_start3A_230 : memref<1000000x64xf32, #tpu.memory_space<hbm>>) target(%dma_start3A_224 : memref<128x64xf32, #tpu.memory_space<vmem>>) offsets(%dma_start3A_227 : memref<128xi32, #tpu.memory_space<vmem>>) semaphore(%arg10 : memref<!tpu.dma_semaphore, #tpu.memory_space<semaphore_mem>>)
    %dma_start3A_231 = arith.constant 0 : i32
    %dma_start3A_232 = arith.constant 1 : i32
    %dma_start3A_233 = arith.constant 1 : i32
    %dma_start3A_234 = arith.constant 0 : i32
    %dma_start3A_235 = arith.constant 0 : i32
    %dma_start3A_236 = tpu.memref_slice %arg6[%dma_start3A_233, %dma_start3A_234, %dma_start3A_235] : memref<5x128x64xf32, #tpu.memory_space<vmem>> -> memref<1x128x64xf32, #tpu.memory_space<vmem>>
    %dma_start3A_237 = tpu.memref_squeeze %dma_start3A_236 : memref<1x128x64xf32, #tpu.memory_space<vmem>> -> memref<128x64xf32, #tpu.memory_space<vmem>>
    %dma_start3A_238 = arith.constant 0 : i32
    %dma_start3A_239 = tpu.memref_slice %arg5[%dma_start3A_231, %dma_start3A_232, %dma_start3A_238] : memref<2x8x128xi32, #tpu.memory_space<vmem>> -> memref<1x1x128xi32, #tpu.memory_space<vmem>>
    %dma_start3A_240 = tpu.memref_squeeze %dma_start3A_239 : memref<1x1x128xi32, #tpu.memory_space<vmem>> -> memref<128xi32, #tpu.memory_space<vmem>>
    %dma_start3A_241 = arith.constant 0 : i32
    %dma_start3A_242 = arith.constant 0 : i32
    %dma_start3A_243 = tpu.memref_slice %arg2[%dma_start3A_241, %dma_start3A_242] : memref<1000000x64xf32, #tpu.memory_space<hbm>> -> memref<1000000x64xf32, #tpu.memory_space<hbm>>
    tpu.enqueue_indirect_dma source(%dma_start3A_243 : memref<1000000x64xf32, #tpu.memory_space<hbm>>) target(%dma_start3A_237 : memref<128x64xf32, #tpu.memory_space<vmem>>) offsets(%dma_start3A_240 : memref<128xi32, #tpu.memory_space<vmem>>) semaphore(%arg11 : memref<!tpu.dma_semaphore, #tpu.memory_space<semaphore_mem>>)
    %dma_start3A_244 = arith.constant 0 : i32
    %dma_start3A_245 = arith.constant 2 : i32
    %dma_start3A_246 = arith.constant 2 : i32
    %dma_start3A_247 = arith.constant 0 : i32
    %dma_start3A_248 = arith.constant 0 : i32
    %dma_start3A_249 = tpu.memref_slice %arg6[%dma_start3A_246, %dma_start3A_247, %dma_start3A_248] : memref<5x128x64xf32, #tpu.memory_space<vmem>> -> memref<1x128x64xf32, #tpu.memory_space<vmem>>
    %dma_start3A_250 = tpu.memref_squeeze %dma_start3A_249 : memref<1x128x64xf32, #tpu.memory_space<vmem>> -> memref<128x64xf32, #tpu.memory_space<vmem>>
    %dma_start3A_251 = arith.constant 0 : i32
    %dma_start3A_252 = tpu.memref_slice %arg5[%dma_start3A_244, %dma_start3A_245, %dma_start3A_251] : memref<2x8x128xi32, #tpu.memory_space<vmem>> -> memref<1x1x128xi32, #tpu.memory_space<vmem>>
    %dma_start3A_253 = tpu.memref_squeeze %dma_start3A_252 : memref<1x1x128xi32, #tpu.memory_space<vmem>> -> memref<128xi32, #tpu.memory_space<vmem>>
    %dma_start3A_254 = arith.constant 0 : i32
    %dma_start3A_255 = arith.constant 0 : i32
    %dma_start3A_256 = tpu.memref_slice %arg2[%dma_start3A_254, %dma_start3A_255] : memref<1000000x64xf32, #tpu.memory_space<hbm>> -> memref<1000000x64xf32, #tpu.memory_space<hbm>>
    tpu.enqueue_indirect_dma source(%dma_start3A_256 : memref<1000000x64xf32, #tpu.memory_space<hbm>>) target(%dma_start3A_250 : memref<128x64xf32, #tpu.memory_space<vmem>>) offsets(%dma_start3A_253 : memref<128xi32, #tpu.memory_space<vmem>>) semaphore(%arg12 : memref<!tpu.dma_semaphore, #tpu.memory_space<semaphore_mem>>)
    %dma_start3A_257 = arith.constant 0 : i32
    %dma_start3A_258 = arith.constant 3 : i32
    %dma_start3A_259 = arith.constant 3 : i32
    %dma_start3A_260 = arith.constant 0 : i32
    %dma_start3A_261 = arith.constant 0 : i32
    %dma_start3A_262 = tpu.memref_slice %arg6[%dma_start3A_259, %dma_start3A_260, %dma_start3A_261] : memref<5x128x64xf32, #tpu.memory_space<vmem>> -> memref<1x128x64xf32, #tpu.memory_space<vmem>>
    %dma_start3A_263 = tpu.memref_squeeze %dma_start3A_262 : memref<1x128x64xf32, #tpu.memory_space<vmem>> -> memref<128x64xf32, #tpu.memory_space<vmem>>
    %dma_start3A_264 = arith.constant 0 : i32
    %dma_start3A_265 = tpu.memref_slice %arg5[%dma_start3A_257, %dma_start3A_258, %dma_start3A_264] : memref<2x8x128xi32, #tpu.memory_space<vmem>> -> memref<1x1x128xi32, #tpu.memory_space<vmem>>
    %dma_start3A_266 = tpu.memref_squeeze %dma_start3A_265 : memref<1x1x128xi32, #tpu.memory_space<vmem>> -> memref<128xi32, #tpu.memory_space<vmem>>
    %dma_start3A_267 = arith.constant 0 : i32
    %dma_start3A_268 = arith.constant 0 : i32
    %dma_start3A_269 = tpu.memref_slice %arg2[%dma_start3A_267, %dma_start3A_268] : memref<1000000x64xf32, #tpu.memory_space<hbm>> -> memref<1000000x64xf32, #tpu.memory_space<hbm>>
    tpu.enqueue_indirect_dma source(%dma_start3A_269 : memref<1000000x64xf32, #tpu.memory_space<hbm>>) target(%dma_start3A_263 : memref<128x64xf32, #tpu.memory_space<vmem>>) offsets(%dma_start3A_266 : memref<128xi32, #tpu.memory_space<vmem>>) semaphore(%arg13 : memref<!tpu.dma_semaphore, #tpu.memory_space<semaphore_mem>>)
    %scan3A = arith.constant 0 : i32
    %scan3A_270 = arith.constant 0 : i32
    %scan3A_271 = arith.constant 40 : i32
    %scan3A_272 = arith.addi %scan3A_270, %scan3A_271 : i32
    %scan3A_273 = arith.constant 1 : i32
    scf.for %scan3A_610 = %scan3A_270 to %scan3A_272 step %scan3A_273  : i32 {
      %mul3A_611 = arith.constant 5 : i32
      %mul3A_612 = arith.muli %scan3A_610, %mul3A_611 : i32
      %add3A_613 = arith.constant 0 : i32
      %add3A_614 = arith.addi %mul3A_612, %add3A_613 : i32
      %jit3A_615 = arith.constant 8 : i32
      %div3A_616 = arith.divsi %add3A_614, %jit3A_615 : i32
      %sign3A_617 = arith.constant 0 : i32
      %sign3A_618 = arith.cmpi sgt, %add3A_614, %sign3A_617 : i32
      %sign3A_619 = arith.extui %sign3A_618 : i1 to i32
      %sign3A_620 = arith.constant 0 : i32
      %sign3A_621 = arith.cmpi slt, %add3A_614, %sign3A_620 : i32
      %sign3A_622 = arith.extui %sign3A_621 : i1 to i32
      %sign3A_623 = arith.subi %sign3A_619, %sign3A_622 : i32
      %sign3A_624 = arith.constant 0 : i32
      %sign3A_625 = arith.cmpi sgt, %jit3A_615, %sign3A_624 : i32
      %sign3A_626 = arith.extui %sign3A_625 : i1 to i32
      %sign3A_627 = arith.constant 0 : i32
      %sign3A_628 = arith.cmpi slt, %jit3A_615, %sign3A_627 : i32
      %sign3A_629 = arith.extui %sign3A_628 : i1 to i32
      %sign3A_630 = arith.subi %sign3A_626, %sign3A_629 : i32
      %ne3A_631 = arith.cmpi ne, %sign3A_623, %sign3A_630 : i32
      %rem3A_632 = arith.remsi %add3A_614, %jit3A_615 : i32
      %ne3A_633 = arith.constant 0 : i32
      %ne3A_634 = arith.cmpi ne, %rem3A_632, %ne3A_633 : i32
      %and3A_635 = arith.andi %ne3A_631, %ne3A_634 : i1
      %sub3A_636 = arith.constant 1 : i32
      %sub3A_637 = arith.subi %div3A_616, %sub3A_636 : i32
      %select_n3A_638 = arith.select %and3A_635, %sub3A_637, %div3A_616 : i32
      %jit3A_639 = arith.constant 8 : i32
      %eq3A_640 = arith.constant 0 : i32
      %eq3A_641 = arith.cmpi eq, %jit3A_639, %eq3A_640 : i32
      %jit3A_642 = arith.constant 1 : i32
      %select_n3A_643 = arith.select %eq3A_641, %jit3A_642, %jit3A_639 : i32
      %rem3A_644 = arith.remsi %add3A_614, %select_n3A_643 : i32
      %ne3A_645 = arith.constant 0 : i32
      %ne3A_646 = arith.cmpi ne, %rem3A_644, %ne3A_645 : i32
      %lt3A_647 = arith.constant 0 : i32
      %lt3A_648 = arith.cmpi slt, %rem3A_644, %lt3A_647 : i32
      %lt3A_649 = arith.constant 0 : i32
      %lt3A_650 = arith.cmpi slt, %select_n3A_643, %lt3A_649 : i32
      %ne3A_651 = arith.xori %lt3A_648, %lt3A_650 : i1
      %and3A_652 = arith.andi %ne3A_651, %ne3A_646 : i1
      %add3A_653 = arith.addi %rem3A_644, %select_n3A_643 : i32
      %select_n3A_654 = arith.select %and3A_652, %add3A_653, %rem3A_644 : i32
      %jit3A_655 = arith.constant 2 : i32
      %eq3A_656 = arith.constant 0 : i32
      %eq3A_657 = arith.cmpi eq, %jit3A_655, %eq3A_656 : i32
      %jit3A_658 = arith.constant 1 : i32
      %select_n3A_659 = arith.select %eq3A_657, %jit3A_658, %jit3A_655 : i32
      %rem3A_660 = arith.remsi %select_n3A_638, %select_n3A_659 : i32
      %ne3A_661 = arith.constant 0 : i32
      %ne3A_662 = arith.cmpi ne, %rem3A_660, %ne3A_661 : i32
      %lt3A_663 = arith.constant 0 : i32
      %lt3A_664 = arith.cmpi slt, %rem3A_660, %lt3A_663 : i32
      %lt3A_665 = arith.constant 0 : i32
      %lt3A_666 = arith.cmpi slt, %select_n3A_659, %lt3A_665 : i32
      %ne3A_667 = arith.xori %lt3A_664, %lt3A_666 : i1
      %and3A_668 = arith.andi %ne3A_667, %ne3A_662 : i1
      %add3A_669 = arith.addi %rem3A_660, %select_n3A_659 : i32
      %select_n3A_670 = arith.select %and3A_668, %add3A_669, %rem3A_660 : i32
      %dma_wait3A_671 = arith.constant 0 : i32
      %dma_wait3A_672 = arith.constant 0 : i32
      %dma_wait3A_673 = arith.constant 0 : i32
      %dma_wait3A_674 = tpu.memref_slice %arg6[%dma_wait3A_671, %dma_wait3A_672, %dma_wait3A_673] : memref<5x128x64xf32, #tpu.memory_space<vmem>> -> memref<1x128x64xf32, #tpu.memory_space<vmem>>
      %dma_wait3A_675 = tpu.memref_squeeze %dma_wait3A_674 : memref<1x128x64xf32, #tpu.memory_space<vmem>> -> memref<128x64xf32, #tpu.memory_space<vmem>>
      %dma_wait3A_676 = arith.constant 0 : i32
      %dma_wait3A_677 = tpu.memref_slice %arg5[%select_n3A_670, %select_n3A_654, %dma_wait3A_676] : memref<2x8x128xi32, #tpu.memory_space<vmem>> -> memref<1x1x128xi32, #tpu.memory_space<vmem>>
      %dma_wait3A_678 = tpu.memref_squeeze %dma_wait3A_677 : memref<1x1x128xi32, #tpu.memory_space<vmem>> -> memref<128xi32, #tpu.memory_space<vmem>>
      %dma_wait3A_679 = arith.constant 0 : i32
      %dma_wait3A_680 = arith.constant 0 : i32
      %dma_wait3A_681 = tpu.memref_slice %arg2[%dma_wait3A_679, %dma_wait3A_680] : memref<1000000x64xf32, #tpu.memory_space<hbm>> -> memref<1000000x64xf32, #tpu.memory_space<hbm>>
      tpu.wait_indirect_dma semaphore(%arg10 : memref<!tpu.dma_semaphore, #tpu.memory_space<semaphore_mem>>) src(%dma_wait3A_681 : memref<1000000x64xf32, #tpu.memory_space<hbm>>) dst(%dma_wait3A_675 : memref<128x64xf32, #tpu.memory_space<vmem>>)
      %eq3A_682 = arith.constant 7 : i32
      %eq3A_683 = arith.cmpi eq, %select_n3A_654, %eq3A_682 : i32
      %add3A_684 = arith.constant 2 : i32
      %add3A_685 = arith.addi %select_n3A_638, %add3A_684 : i32
      %lt3A_686 = arith.constant 25 : i32
      %lt3A_687 = arith.cmpi slt, %add3A_685, %lt3A_686 : i32
      %and3A_688 = arith.andi %eq3A_683, %lt3A_687 : i1
      %convert_element_type3A = arith.extui %and3A_688 : i1 to i32
      %cond3A = arith.constant 0 : i32
      %cond3A_689 = arith.cmpi ne, %convert_element_type3A, %cond3A : i32
      scf.if %cond3A_689 {
        %eq3A_1627 = arith.constant 0 : i32
        %eq3A_1628 = arith.cmpi eq, %select_n3A_670, %eq3A_1627 : i32
        %convert_element_type3A_1629 = arith.extui %eq3A_1628 : i1 to i32
        %cond3A_1630 = arith.constant 0 : i32
        %cond3A_1631 = arith.cmpi ne, %convert_element_type3A_1629, %cond3A_1630 : i32
        scf.if %cond3A_1631 {
          %add3A_1637 = arith.addi %mul3A_2, %select_n3A_638 : i32
          %add3A_1638 = arith.constant 2 : i32
          %add3A_1639 = arith.addi %add3A_1637, %add3A_1638 : i32
          %jit3A_1640 = arith.constant 32 : i32
          %div3A_1641 = arith.divsi %add3A_1639, %jit3A_1640 : i32
          %sign3A_1642 = arith.constant 0 : i32
          %sign3A_1643 = arith.cmpi sgt, %add3A_1639, %sign3A_1642 : i32
          %sign3A_1644 = arith.extui %sign3A_1643 : i1 to i32
          %sign3A_1645 = arith.constant 0 : i32
          %sign3A_1646 = arith.cmpi slt, %add3A_1639, %sign3A_1645 : i32
          %sign3A_1647 = arith.extui %sign3A_1646 : i1 to i32
          %sign3A_1648 = arith.subi %sign3A_1644, %sign3A_1647 : i32
          %sign3A_1649 = arith.constant 0 : i32
          %sign3A_1650 = arith.cmpi sgt, %jit3A_1640, %sign3A_1649 : i32
          %sign3A_1651 = arith.extui %sign3A_1650 : i1 to i32
          %sign3A_1652 = arith.constant 0 : i32
          %sign3A_1653 = arith.cmpi slt, %jit3A_1640, %sign3A_1652 : i32
          %sign3A_1654 = arith.extui %sign3A_1653 : i1 to i32
          %sign3A_1655 = arith.subi %sign3A_1651, %sign3A_1654 : i32
          %ne3A_1656 = arith.cmpi ne, %sign3A_1648, %sign3A_1655 : i32
          %rem3A_1657 = arith.remsi %add3A_1639, %jit3A_1640 : i32
          %ne3A_1658 = arith.constant 0 : i32
          %ne3A_1659 = arith.cmpi ne, %rem3A_1657, %ne3A_1658 : i32
          %and3A_1660 = arith.andi %ne3A_1656, %ne3A_1659 : i1
          %sub3A_1661 = arith.constant 1 : i32
          %sub3A_1662 = arith.subi %div3A_1641, %sub3A_1661 : i32
          %select_n3A_1663 = arith.select %and3A_1660, %sub3A_1662, %div3A_1641 : i32
          %jit3A_1664 = arith.constant 32 : i32
          %eq3A_1665 = arith.constant 0 : i32
          %eq3A_1666 = arith.cmpi eq, %jit3A_1664, %eq3A_1665 : i32
          %jit3A_1667 = arith.constant 1 : i32
          %select_n3A_1668 = arith.select %eq3A_1666, %jit3A_1667, %jit3A_1664 : i32
          %rem3A_1669 = arith.remsi %add3A_1639, %select_n3A_1668 : i32
          %ne3A_1670 = arith.constant 0 : i32
          %ne3A_1671 = arith.cmpi ne, %rem3A_1669, %ne3A_1670 : i32
          %lt3A_1672 = arith.constant 0 : i32
          %lt3A_1673 = arith.cmpi slt, %rem3A_1669, %lt3A_1672 : i32
          %lt3A_1674 = arith.constant 0 : i32
          %lt3A_1675 = arith.cmpi slt, %select_n3A_1668, %lt3A_1674 : i32
          %ne3A_1676 = arith.xori %lt3A_1673, %lt3A_1675 : i1
          %and3A_1677 = arith.andi %ne3A_1676, %ne3A_1671 : i1
          %add3A_1678 = arith.addi %rem3A_1669, %select_n3A_1668 : i32
          %select_n3A_1679 = arith.select %and3A_1677, %add3A_1678, %rem3A_1669 : i32
          %dma_start3A_1680 = arith.constant 0 : i32
          %dma_start3A_1681 = arith.constant 0 : i32
          %dma_start3A_1682 = arith.constant 0 : i32
          %dma_start3A_1683 = tpu.memref_slice %arg5[%dma_start3A_1680, %dma_start3A_1681, %dma_start3A_1682] : memref<2x8x128xi32, #tpu.memory_space<vmem>> -> memref<1x8x128xi32, #tpu.memory_space<vmem>>
          %dma_start3A_1684 = tpu.memref_squeeze %dma_start3A_1683 : memref<1x8x128xi32, #tpu.memory_space<vmem>> -> memref<8x128xi32, #tpu.memory_space<vmem>>
          %dma_start3A_1685 = arith.constant 0 : i32
          %dma_start3A_1686 = arith.constant 0 : i32
          %dma_start3A_1687 = tpu.memref_slice %arg3[%select_n3A_1663, %select_n3A_1679, %dma_start3A_1685, %dma_start3A_1686] : memref<25x32x8x128xi32, #tpu.memory_space<hbm>> -> memref<1x1x8x128xi32, #tpu.memory_space<hbm>>
          %dma_start3A_1688 = tpu.memref_squeeze %dma_start3A_1687 : memref<1x1x8x128xi32, #tpu.memory_space<hbm>> -> memref<8x128xi32, #tpu.memory_space<hbm>>
          %dma_start3A_1689 = arith.constant 0 : i32
          %dma_start3A_1690 = arith.constant 0 : i32
          %dma_start3A_1691 = tpu.memref_slice %arg5[%dma_start3A_1680, %dma_start3A_1689, %dma_start3A_1690] : memref<2x8x128xi32, #tpu.memory_space<vmem>> -> memref<1x8x128xi32, #tpu.memory_space<vmem>>
          %dma_start3A_1692 = tpu.memref_squeeze %dma_start3A_1691 : memref<1x8x128xi32, #tpu.memory_space<vmem>> -> memref<8x128xi32, #tpu.memory_space<vmem>>
          %dma_start3A_1693 = arith.constant 0 : i32
          %dma_start3A_1694 = arith.constant 0 : i32
          %dma_start3A_1695 = tpu.memref_slice %arg3[%select_n3A_1663, %select_n3A_1679, %dma_start3A_1693, %dma_start3A_1694] : memref<25x32x8x128xi32, #tpu.memory_space<hbm>> -> memref<1x1x8x128xi32, #tpu.memory_space<hbm>>
          %dma_start3A_1696 = tpu.memref_squeeze %dma_start3A_1695 : memref<1x1x8x128xi32, #tpu.memory_space<hbm>> -> memref<8x128xi32, #tpu.memory_space<hbm>>
          tpu.enqueue_dma source(%dma_start3A_1696 : memref<8x128xi32, #tpu.memory_space<hbm>>) target(%dma_start3A_1692 : memref<8x128xi32, #tpu.memory_space<vmem>>) target_semaphore(%arg8 : memref<!tpu.dma_semaphore, #tpu.memory_space<semaphore_mem>>)
        } else {
        }
        %eq3A_1632 = arith.constant 1 : i32
        %eq3A_1633 = arith.cmpi eq, %select_n3A_670, %eq3A_1632 : i32
        %convert_element_type3A_1634 = arith.extui %eq3A_1633 : i1 to i32
        %cond3A_1635 = arith.constant 0 : i32
        %cond3A_1636 = arith.cmpi ne, %convert_element_type3A_1634, %cond3A_1635 : i32
        scf.if %cond3A_1636 {
          %add3A_1637 = arith.addi %mul3A_2, %select_n3A_638 : i32
          %add3A_1638 = arith.constant 2 : i32
          %add3A_1639 = arith.addi %add3A_1637, %add3A_1638 : i32
          %jit3A_1640 = arith.constant 32 : i32
          %div3A_1641 = arith.divsi %add3A_1639, %jit3A_1640 : i32
          %sign3A_1642 = arith.constant 0 : i32
          %sign3A_1643 = arith.cmpi sgt, %add3A_1639, %sign3A_1642 : i32
          %sign3A_1644 = arith.extui %sign3A_1643 : i1 to i32
          %sign3A_1645 = arith.constant 0 : i32
          %sign3A_1646 = arith.cmpi slt, %add3A_1639, %sign3A_1645 : i32
          %sign3A_1647 = arith.extui %sign3A_1646 : i1 to i32
          %sign3A_1648 = arith.subi %sign3A_1644, %sign3A_1647 : i32
          %sign3A_1649 = arith.constant 0 : i32
          %sign3A_1650 = arith.cmpi sgt, %jit3A_1640, %sign3A_1649 : i32
          %sign3A_1651 = arith.extui %sign3A_1650 : i1 to i32
          %sign3A_1652 = arith.constant 0 : i32
          %sign3A_1653 = arith.cmpi slt, %jit3A_1640, %sign3A_1652 : i32
          %sign3A_1654 = arith.extui %sign3A_1653 : i1 to i32
          %sign3A_1655 = arith.subi %sign3A_1651, %sign3A_1654 : i32
          %ne3A_1656 = arith.cmpi ne, %sign3A_1648, %sign3A_1655 : i32
          %rem3A_1657 = arith.remsi %add3A_1639, %jit3A_1640 : i32
          %ne3A_1658 = arith.constant 0 : i32
          %ne3A_1659 = arith.cmpi ne, %rem3A_1657, %ne3A_1658 : i32
          %and3A_1660 = arith.andi %ne3A_1656, %ne3A_1659 : i1
          %sub3A_1661 = arith.constant 1 : i32
          %sub3A_1662 = arith.subi %div3A_1641, %sub3A_1661 : i32
          %select_n3A_1663 = arith.select %and3A_1660, %sub3A_1662, %div3A_1641 : i32
          %jit3A_1664 = arith.constant 32 : i32
          %eq3A_1665 = arith.constant 0 : i32
          %eq3A_1666 = arith.cmpi eq, %jit3A_1664, %eq3A_1665 : i32
          %jit3A_1667 = arith.constant 1 : i32
          %select_n3A_1668 = arith.select %eq3A_1666, %jit3A_1667, %jit3A_1664 : i32
          %rem3A_1669 = arith.remsi %add3A_1639, %select_n3A_1668 : i32
          %ne3A_1670 = arith.constant 0 : i32
          %ne3A_1671 = arith.cmpi ne, %rem3A_1669, %ne3A_1670 : i32
          %lt3A_1672 = arith.constant 0 : i32
          %lt3A_1673 = arith.cmpi slt, %rem3A_1669, %lt3A_1672 : i32
          %lt3A_1674 = arith.constant 0 : i32
          %lt3A_1675 = arith.cmpi slt, %select_n3A_1668, %lt3A_1674 : i32
          %ne3A_1676 = arith.xori %lt3A_1673, %lt3A_1675 : i1
          %and3A_1677 = arith.andi %ne3A_1676, %ne3A_1671 : i1
          %add3A_1678 = arith.addi %rem3A_1669, %select_n3A_1668 : i32
          %select_n3A_1679 = arith.select %and3A_1677, %add3A_1678, %rem3A_1669 : i32
          %dma_start3A_1680 = arith.constant 1 : i32
          %dma_start3A_1681 = arith.constant 0 : i32
          %dma_start3A_1682 = arith.constant 0 : i32
          %dma_start3A_1683 = tpu.memref_slice %arg5[%dma_start3A_1680, %dma_start3A_1681, %dma_start3A_1682] : memref<2x8x128xi32, #tpu.memory_space<vmem>> -> memref<1x8x128xi32, #tpu.memory_space<vmem>>
          %dma_start3A_1684 = tpu.memref_squeeze %dma_start3A_1683 : memref<1x8x128xi32, #tpu.memory_space<vmem>> -> memref<8x128xi32, #tpu.memory_space<vmem>>
          %dma_start3A_1685 = arith.constant 0 : i32
          %dma_start3A_1686 = arith.constant 0 : i32
          %dma_start3A_1687 = tpu.memref_slice %arg3[%select_n3A_1663, %select_n3A_1679, %dma_start3A_1685, %dma_start3A_1686] : memref<25x32x8x128xi32, #tpu.memory_space<hbm>> -> memref<1x1x8x128xi32, #tpu.memory_space<hbm>>
          %dma_start3A_1688 = tpu.memref_squeeze %dma_start3A_1687 : memref<1x1x8x128xi32, #tpu.memory_space<hbm>> -> memref<8x128xi32, #tpu.memory_space<hbm>>
          %dma_start3A_1689 = arith.constant 0 : i32
          %dma_start3A_1690 = arith.constant 0 : i32
          %dma_start3A_1691 = tpu.memref_slice %arg5[%dma_start3A_1680, %dma_start3A_1689, %dma_start3A_1690] : memref<2x8x128xi32, #tpu.memory_space<vmem>> -> memref<1x8x128xi32, #tpu.memory_space<vmem>>
          %dma_start3A_1692 = tpu.memref_squeeze %dma_start3A_1691 : memref<1x8x128xi32, #tpu.memory_space<vmem>> -> memref<8x128xi32, #tpu.memory_space<vmem>>
          %dma_start3A_1693 = arith.constant 0 : i32
          %dma_start3A_1694 = arith.constant 0 : i32
          %dma_start3A_1695 = tpu.memref_slice %arg3[%select_n3A_1663, %select_n3A_1679, %dma_start3A_1693, %dma_start3A_1694] : memref<25x32x8x128xi32, #tpu.memory_space<hbm>> -> memref<1x1x8x128xi32, #tpu.memory_space<hbm>>
          %dma_start3A_1696 = tpu.memref_squeeze %dma_start3A_1695 : memref<1x1x8x128xi32, #tpu.memory_space<hbm>> -> memref<8x128xi32, #tpu.memory_space<hbm>>
          tpu.enqueue_dma source(%dma_start3A_1696 : memref<8x128xi32, #tpu.memory_space<hbm>>) target(%dma_start3A_1692 : memref<8x128xi32, #tpu.memory_space<vmem>>) target_semaphore(%arg9 : memref<!tpu.dma_semaphore, #tpu.memory_space<semaphore_mem>>)
        } else {
        }
      } else {
      }
      %gt3A = arith.constant 0 : i32
      %gt3A_690 = arith.cmpi sgt, %scan3A_610, %gt3A : i32
      %convert_element_type3A_691 = arith.extui %gt3A_690 : i1 to i32
      %cond3A_692 = arith.constant 0 : i32
      %cond3A_693 = arith.cmpi ne, %convert_element_type3A_691, %cond3A_692 : i32
      scf.if %cond3A_693 {
        %sub3A_1627 = arith.constant 5 : i32
        %sub3A_1628 = arith.subi %add3A_614, %sub3A_1627 : i32
        %jit3A_1629 = arith.constant 8 : i32
        %div3A_1630 = arith.divsi %sub3A_1628, %jit3A_1629 : i32
        %sign3A_1631 = arith.constant 0 : i32
        %sign3A_1632 = arith.cmpi sgt, %sub3A_1628, %sign3A_1631 : i32
        %sign3A_1633 = arith.extui %sign3A_1632 : i1 to i32
        %sign3A_1634 = arith.constant 0 : i32
        %sign3A_1635 = arith.cmpi slt, %sub3A_1628, %sign3A_1634 : i32
        %sign3A_1636 = arith.extui %sign3A_1635 : i1 to i32
        %sign3A_1637 = arith.subi %sign3A_1633, %sign3A_1636 : i32
        %sign3A_1638 = arith.constant 0 : i32
        %sign3A_1639 = arith.cmpi sgt, %jit3A_1629, %sign3A_1638 : i32
        %sign3A_1640 = arith.extui %sign3A_1639 : i1 to i32
        %sign3A_1641 = arith.constant 0 : i32
        %sign3A_1642 = arith.cmpi slt, %jit3A_1629, %sign3A_1641 : i32
        %sign3A_1643 = arith.extui %sign3A_1642 : i1 to i32
        %sign3A_1644 = arith.subi %sign3A_1640, %sign3A_1643 : i32
        %ne3A_1645 = arith.cmpi ne, %sign3A_1637, %sign3A_1644 : i32
        %rem3A_1646 = arith.remsi %sub3A_1628, %jit3A_1629 : i32
        %ne3A_1647 = arith.constant 0 : i32
        %ne3A_1648 = arith.cmpi ne, %rem3A_1646, %ne3A_1647 : i32
        %and3A_1649 = arith.andi %ne3A_1645, %ne3A_1648 : i1
        %sub3A_1650 = arith.constant 1 : i32
        %sub3A_1651 = arith.subi %div3A_1630, %sub3A_1650 : i32
        %select_n3A_1652 = arith.select %and3A_1649, %sub3A_1651, %div3A_1630 : i32
        %add3A_1653 = arith.addi %mul3A_2, %select_n3A_1652 : i32
        %jit3A_1654 = arith.constant 32 : i32
        %div3A_1655 = arith.divsi %add3A_1653, %jit3A_1654 : i32
        %sign3A_1656 = arith.constant 0 : i32
        %sign3A_1657 = arith.cmpi sgt, %add3A_1653, %sign3A_1656 : i32
        %sign3A_1658 = arith.extui %sign3A_1657 : i1 to i32
        %sign3A_1659 = arith.constant 0 : i32
        %sign3A_1660 = arith.cmpi slt, %add3A_1653, %sign3A_1659 : i32
        %sign3A_1661 = arith.extui %sign3A_1660 : i1 to i32
        %sign3A_1662 = arith.subi %sign3A_1658, %sign3A_1661 : i32
        %sign3A_1663 = arith.constant 0 : i32
        %sign3A_1664 = arith.cmpi sgt, %jit3A_1654, %sign3A_1663 : i32
        %sign3A_1665 = arith.extui %sign3A_1664 : i1 to i32
        %sign3A_1666 = arith.constant 0 : i32
        %sign3A_1667 = arith.cmpi slt, %jit3A_1654, %sign3A_1666 : i32
        %sign3A_1668 = arith.extui %sign3A_1667 : i1 to i32
        %sign3A_1669 = arith.subi %sign3A_1665, %sign3A_1668 : i32
        %ne3A_1670 = arith.cmpi ne, %sign3A_1662, %sign3A_1669 : i32
        %rem3A_1671 = arith.remsi %add3A_1653, %jit3A_1654 : i32
        %ne3A_1672 = arith.constant 0 : i32
        %ne3A_1673 = arith.cmpi ne, %rem3A_1671, %ne3A_1672 : i32
        %and3A_1674 = arith.andi %ne3A_1670, %ne3A_1673 : i1
        %sub3A_1675 = arith.constant 1 : i32
        %sub3A_1676 = arith.subi %div3A_1655, %sub3A_1675 : i32
        %select_n3A_1677 = arith.select %and3A_1674, %sub3A_1676, %div3A_1655 : i32
        %mul3A_1678 = arith.constant 8 : i32
        %mul3A_1679 = arith.muli %select_n3A_1677, %mul3A_1678 : i32
        %jit3A_1680 = arith.constant 8 : i32
        %eq3A_1681 = arith.constant 0 : i32
        %eq3A_1682 = arith.cmpi eq, %jit3A_1680, %eq3A_1681 : i32
        %jit3A_1683 = arith.constant 1 : i32
        %select_n3A_1684 = arith.select %eq3A_1682, %jit3A_1683, %jit3A_1680 : i32
        %rem3A_1685 = arith.remsi %sub3A_1628, %select_n3A_1684 : i32
        %ne3A_1686 = arith.constant 0 : i32
        %ne3A_1687 = arith.cmpi ne, %rem3A_1685, %ne3A_1686 : i32
        %lt3A_1688 = arith.constant 0 : i32
        %lt3A_1689 = arith.cmpi slt, %rem3A_1685, %lt3A_1688 : i32
        %lt3A_1690 = arith.constant 0 : i32
        %lt3A_1691 = arith.cmpi slt, %select_n3A_1684, %lt3A_1690 : i32
        %ne3A_1692 = arith.xori %lt3A_1689, %lt3A_1691 : i1
        %and3A_1693 = arith.andi %ne3A_1692, %ne3A_1687 : i1
        %add3A_1694 = arith.addi %rem3A_1685, %select_n3A_1684 : i32
        %select_n3A_1695 = arith.select %and3A_1693, %add3A_1694, %rem3A_1685 : i32
        %add3A_1696 = arith.addi %mul3A_1679, %select_n3A_1695 : i32
        %jit3A_1697 = arith.constant 32 : i32
        %eq3A_1698 = arith.constant 0 : i32
        %eq3A_1699 = arith.cmpi eq, %jit3A_1697, %eq3A_1698 : i32
        %jit3A_1700 = arith.constant 1 : i32
        %select_n3A_1701 = arith.select %eq3A_1699, %jit3A_1700, %jit3A_1697 : i32
        %rem3A_1702 = arith.remsi %add3A_1653, %select_n3A_1701 : i32
        %ne3A_1703 = arith.constant 0 : i32
        %ne3A_1704 = arith.cmpi ne, %rem3A_1702, %ne3A_1703 : i32
        %lt3A_1705 = arith.constant 0 : i32
        %lt3A_1706 = arith.cmpi slt, %rem3A_1702, %lt3A_1705 : i32
        %lt3A_1707 = arith.constant 0 : i32
        %lt3A_1708 = arith.cmpi slt, %select_n3A_1701, %lt3A_1707 : i32
        %ne3A_1709 = arith.xori %lt3A_1706, %lt3A_1708 : i1
        %and3A_1710 = arith.andi %ne3A_1709, %ne3A_1704 : i1
        %add3A_1711 = arith.addi %rem3A_1702, %select_n3A_1701 : i32
        %select_n3A_1712 = arith.select %and3A_1710, %add3A_1711, %rem3A_1702 : i32
        %dma_wait3A_1713 = arith.constant 0 : i32
        %dma_wait3A_1714 = arith.constant 0 : i32
        %dma_wait3A_1715 = arith.constant 0 : i32
        %dma_wait3A_1716 = arith.constant 0 : i32
        %dma_wait3A_1717 = tpu.memref_slice %arg7[%dma_wait3A_1713, %dma_wait3A_1714, %dma_wait3A_1715, %dma_wait3A_1716] : memref<5x8x8x129xf32, #tpu.memory_space<vmem>> -> memref<1x8x8x128xf32, #tpu.memory_space<vmem>>
        %dma_wait3A_1718 = tpu.memref_squeeze %dma_wait3A_1717 : memref<1x8x8x128xf32, #tpu.memory_space<vmem>> -> memref<8x8x128xf32, #tpu.memory_space<vmem>>
        %dma_wait3A_1719 = arith.constant 0 : i32
        %dma_wait3A_1720 = arith.constant 0 : i32
        %dma_wait3A_1721 = arith.constant 0 : i32
        %dma_wait3A_1722 = tpu.memref_slice %arg4[%add3A_1696, %dma_wait3A_1719, %select_n3A_1712, %dma_wait3A_1720, %dma_wait3A_1721] : memref<200x8x32x8x128xf32, #tpu.memory_space<hbm>> -> memref<1x8x1x8x128xf32, #tpu.memory_space<hbm>>
        %dma_wait3A_1723 = tpu.memref_squeeze %dma_wait3A_1722 : memref<1x8x1x8x128xf32, #tpu.memory_space<hbm>> -> memref<8x8x128xf32, #tpu.memory_space<hbm>>
        %dma_wait3A_1724 = arith.constant 0 : i32
        %dma_wait3A_1725 = arith.constant 0 : i32
        %dma_wait3A_1726 = arith.constant 0 : i32
        %dma_wait3A_1727 = tpu.memref_slice %arg4[%add3A_1696, %dma_wait3A_1724, %select_n3A_1712, %dma_wait3A_1725, %dma_wait3A_1726] : memref<200x8x32x8x128xf32, #tpu.memory_space<hbm>> -> memref<1x8x1x8x128xf32, #tpu.memory_space<hbm>>
        %dma_wait3A_1728 = tpu.memref_squeeze %dma_wait3A_1727 : memref<1x8x1x8x128xf32, #tpu.memory_space<hbm>> -> memref<8x8x128xf32, #tpu.memory_space<hbm>>
        %dma_wait3A_1729 = arith.constant 0 : i32
        %dma_wait3A_1730 = arith.constant 0 : i32
        %dma_wait3A_1731 = arith.constant 0 : i32
        %dma_wait3A_1732 = tpu.memref_slice %arg7[%dma_wait3A_1713, %dma_wait3A_1729, %dma_wait3A_1730, %dma_wait3A_1731] : memref<5x8x8x129xf32, #tpu.memory_space<vmem>> -> memref<1x8x8x128xf32, #tpu.memory_space<vmem>>
        %dma_wait3A_1733 = tpu.memref_squeeze %dma_wait3A_1732 : memref<1x8x8x128xf32, #tpu.memory_space<vmem>> -> memref<8x8x128xf32, #tpu.memory_space<vmem>>
        tpu.wait_dma2 semaphore(%arg15 : memref<!tpu.dma_semaphore, #tpu.memory_space<semaphore_mem>>) src(%dma_wait3A_1733 : memref<8x8x128xf32, #tpu.memory_space<vmem>>) dst(%dma_wait3A_1728 : memref<8x8x128xf32, #tpu.memory_space<hbm>>)
      } else {
      }
      %parallel_loop3A = arith.constant 0 : i32
      %parallel_loop3A_694 = arith.constant 128 : i32
      %parallel_loop3A_695 = arith.constant 1 : i32
      %parallel_loop3A_696 = arith.constant 0 : i32
      scf.for %parallel_loop3A_1627 = %parallel_loop3A to %parallel_loop3A_694 step %parallel_loop3A_695  : i32 {
        %parallel_loop3A_1628 = vector.broadcast %parallel_loop3A_1627 : i32 to vector<16xi32>
        %parallel_loop3A_1629 = arith.constant 0 : i32
        %parallel_loop3A_1630 = arith.index_cast %parallel_loop3A_1629 : i32 to index
        %parallel_loop3A_1631 = arith.index_cast %parallel_loop3A_1627 : i32 to index
        %parallel_loop3A_1632 = arith.constant 0 : index
        %parallel_loop3A_1633 = tpu.vector_load %arg6[%parallel_loop3A_1630, %parallel_loop3A_1631, %parallel_loop3A_1632] {strides = array<i32>} : memref<5x128x64xf32, #tpu.memory_space<vmem>>, vector<16xf32>,
        %parallel_loop3A_1634 = arith.constant 8.000000e+00 : f32
        %parallel_loop3A_1635 = vector.broadcast %parallel_loop3A_1634 : f32 to vector<16xf32>
        %parallel_loop3A_1636 = arith.mulf %parallel_loop3A_1633, %parallel_loop3A_1635 : vector<16xf32>
        %parallel_loop3A_1637 = arith.constant 0 : i32
        %parallel_loop3A_1638 = arith.constant 0 : i32
        %parallel_loop3A_1639 = arith.constant 0 : i32
        %parallel_loop3A_1640 = tpu.memref_slice %arg7[%parallel_loop3A_696, %parallel_loop3A_1637, %parallel_loop3A_1638, %parallel_loop3A_1639] : memref<5x8x8x129xf32, #tpu.memory_space<vmem>> -> memref<1x8x8x129xf32, #tpu.memory_space<vmem>>
        %parallel_loop3A_1641 = tpu.memref_squeeze %parallel_loop3A_1640 : memref<1x8x8x129xf32, #tpu.memory_space<vmem>> -> memref<8x8x129xf32, #tpu.memory_space<vmem>>
        tpu.vector_store_idx %parallel_loop3A_1641[%shift_right_arithmetic3A_7, %and3A_34, %parallel_loop3A_1628], %parallel_loop3A_1636 : memref<8x8x129xf32, #tpu.memory_space<vmem>>[vector<16xi32>, vector<16xi32>, vector<16xi32>], vector<16xf32>,
        %parallel_loop3A_1642 = arith.constant 0 : i32
        %parallel_loop3A_1643 = arith.index_cast %parallel_loop3A_1642 : i32 to index
        %parallel_loop3A_1644 = arith.index_cast %parallel_loop3A_1627 : i32 to index
        %parallel_loop3A_1645 = arith.constant 16 : index
        %parallel_loop3A_1646 = tpu.vector_load %arg6[%parallel_loop3A_1643, %parallel_loop3A_1644, %parallel_loop3A_1645] {strides = array<i32>} : memref<5x128x64xf32, #tpu.memory_space<vmem>>, vector<16xf32>,
        %parallel_loop3A_1647 = arith.constant 8.000000e+00 : f32
        %parallel_loop3A_1648 = vector.broadcast %parallel_loop3A_1647 : f32 to vector<16xf32>
        %parallel_loop3A_1649 = arith.mulf %parallel_loop3A_1646, %parallel_loop3A_1648 : vector<16xf32>
        %parallel_loop3A_1650 = arith.constant 0 : i32
        %parallel_loop3A_1651 = arith.constant 0 : i32
        %parallel_loop3A_1652 = arith.constant 0 : i32
        %parallel_loop3A_1653 = tpu.memref_slice %arg7[%parallel_loop3A_696, %parallel_loop3A_1650, %parallel_loop3A_1651, %parallel_loop3A_1652] : memref<5x8x8x129xf32, #tpu.memory_space<vmem>> -> memref<1x8x8x129xf32, #tpu.memory_space<vmem>>
        %parallel_loop3A_1654 = tpu.memref_squeeze %parallel_loop3A_1653 : memref<1x8x8x129xf32, #tpu.memory_space<vmem>> -> memref<8x8x129xf32, #tpu.memory_space<vmem>>
        tpu.vector_store_idx %parallel_loop3A_1654[%shift_right_arithmetic3A_14, %and3A_41, %parallel_loop3A_1628], %parallel_loop3A_1649 : memref<8x8x129xf32, #tpu.memory_space<vmem>>[vector<16xi32>, vector<16xi32>, vector<16xi32>], vector<16xf32>,
        %parallel_loop3A_1655 = arith.constant 0 : i32
        %parallel_loop3A_1656 = arith.index_cast %parallel_loop3A_1655 : i32 to index
        %parallel_loop3A_1657 = arith.index_cast %parallel_loop3A_1627 : i32 to index
        %parallel_loop3A_1658 = arith.constant 32 : index
        %parallel_loop3A_1659 = tpu.vector_load %arg6[%parallel_loop3A_1656, %parallel_loop3A_1657, %parallel_loop3A_1658] {strides = array<i32>} : memref<5x128x64xf32, #tpu.memory_space<vmem>>, vector<16xf32>,
        %parallel_loop3A_1660 = arith.constant 8.000000e+00 : f32
        %parallel_loop3A_1661 = vector.broadcast %parallel_loop3A_1660 : f32 to vector<16xf32>
        %parallel_loop3A_1662 = arith.mulf %parallel_loop3A_1659, %parallel_loop3A_1661 : vector<16xf32>
        %parallel_loop3A_1663 = arith.constant 0 : i32
        %parallel_loop3A_1664 = arith.constant 0 : i32
        %parallel_loop3A_1665 = arith.constant 0 : i32
        %parallel_loop3A_1666 = tpu.memref_slice %arg7[%parallel_loop3A_696, %parallel_loop3A_1663, %parallel_loop3A_1664, %parallel_loop3A_1665] : memref<5x8x8x129xf32, #tpu.memory_space<vmem>> -> memref<1x8x8x129xf32, #tpu.memory_space<vmem>>
        %parallel_loop3A_1667 = tpu.memref_squeeze %parallel_loop3A_1666 : memref<1x8x8x129xf32, #tpu.memory_space<vmem>> -> memref<8x8x129xf32, #tpu.memory_space<vmem>>
        tpu.vector_store_idx %parallel_loop3A_1667[%shift_right_arithmetic3A_21, %and3A_48, %parallel_loop3A_1628], %parallel_loop3A_1662 : memref<8x8x129xf32, #tpu.memory_space<vmem>>[vector<16xi32>, vector<16xi32>, vector<16xi32>], vector<16xf32>,
        %parallel_loop3A_1668 = arith.constant 0 : i32
        %parallel_loop3A_1669 = arith.index_cast %parallel_loop3A_1668 : i32 to index
        %parallel_loop3A_1670 = arith.index_cast %parallel_loop3A_1627 : i32 to index
        %parallel_loop3A_1671 = arith.constant 48 : index
        %parallel_loop3A_1672 = tpu.vector_load %arg6[%parallel_loop3A_1669, %parallel_loop3A_1670, %parallel_loop3A_1671] {strides = array<i32>} : memref<5x128x64xf32, #tpu.memory_space<vmem>>, vector<16xf32>,
        %parallel_loop3A_1673 = arith.constant 8.000000e+00 : f32
        %parallel_loop3A_1674 = vector.broadcast %parallel_loop3A_1673 : f32 to vector<16xf32>
        %parallel_loop3A_1675 = arith.mulf %parallel_loop3A_1672, %parallel_loop3A_1674 : vector<16xf32>
        %parallel_loop3A_1676 = arith.constant 0 : i32
        %parallel_loop3A_1677 = arith.constant 0 : i32
        %parallel_loop3A_1678 = arith.constant 0 : i32
        %parallel_loop3A_1679 = tpu.memref_slice %arg7[%parallel_loop3A_696, %parallel_loop3A_1676, %parallel_loop3A_1677, %parallel_loop3A_1678] : memref<5x8x8x129xf32, #tpu.memory_space<vmem>> -> memref<1x8x8x129xf32, #tpu.memory_space<vmem>>
        %parallel_loop3A_1680 = tpu.memref_squeeze %parallel_loop3A_1679 : memref<1x8x8x129xf32, #tpu.memory_space<vmem>> -> memref<8x8x129xf32, #tpu.memory_space<vmem>>
        tpu.vector_store_idx %parallel_loop3A_1680[%shift_right_arithmetic3A_28, %and3A_55, %parallel_loop3A_1628], %parallel_loop3A_1675 : memref<8x8x129xf32, #tpu.memory_space<vmem>>[vector<16xi32>, vector<16xi32>, vector<16xi32>], vector<16xf32>,
      } {sc.loop_unroll_factor = 8 : i64, sc.parallel_access}
      %jit3A_697 = arith.constant 8 : i32
      %div3A_698 = arith.divsi %add3A_614, %jit3A_697 : i32
      %sign3A_699 = arith.constant 0 : i32
      %sign3A_700 = arith.cmpi sgt, %add3A_614, %sign3A_699 : i32
      %sign3A_701 = arith.extui %sign3A_700 : i1 to i32
      %sign3A_702 = arith.constant 0 : i32
      %sign3A_703 = arith.cmpi slt, %add3A_614, %sign3A_702 : i32
      %sign3A_704 = arith.extui %sign3A_703 : i1 to i32
      %sign3A_705 = arith.subi %sign3A_701, %sign3A_704 : i32
      %sign3A_706 = arith.constant 0 : i32
      %sign3A_707 = arith.cmpi sgt, %jit3A_697, %sign3A_706 : i32
      %sign3A_708 = arith.extui %sign3A_707 : i1 to i32
      %sign3A_709 = arith.constant 0 : i32
      %sign3A_710 = arith.cmpi slt, %jit3A_697, %sign3A_709 : i32
      %sign3A_711 = arith.extui %sign3A_710 : i1 to i32
      %sign3A_712 = arith.subi %sign3A_708, %sign3A_711 : i32
      %ne3A_713 = arith.cmpi ne, %sign3A_705, %sign3A_712 : i32
      %rem3A_714 = arith.remsi %add3A_614, %jit3A_697 : i32
      %ne3A_715 = arith.constant 0 : i32
      %ne3A_716 = arith.cmpi ne, %rem3A_714, %ne3A_715 : i32
      %and3A_717 = arith.andi %ne3A_713, %ne3A_716 : i1
      %sub3A_718 = arith.constant 1 : i32
      %sub3A_719 = arith.subi %div3A_698, %sub3A_718 : i32
      %select_n3A_720 = arith.select %and3A_717, %sub3A_719, %div3A_698 : i32
      %add3A_721 = arith.addi %mul3A_2, %select_n3A_720 : i32
      %jit3A_722 = arith.constant 32 : i32
      %div3A_723 = arith.divsi %add3A_721, %jit3A_722 : i32
      %sign3A_724 = arith.constant 0 : i32
      %sign3A_725 = arith.cmpi sgt, %add3A_721, %sign3A_724 : i32
      %sign3A_726 = arith.extui %sign3A_725 : i1 to i32
      %sign3A_727 = arith.constant 0 : i32
      %sign3A_728 = arith.cmpi slt, %add3A_721, %sign3A_727 : i32
      %sign3A_729 = arith.extui %sign3A_728 : i1 to i32
      %sign3A_730 = arith.subi %sign3A_726, %sign3A_729 : i32
      %sign3A_731 = arith.constant 0 : i32
      %sign3A_732 = arith.cmpi sgt, %jit3A_722, %sign3A_731 : i32
      %sign3A_733 = arith.extui %sign3A_732 : i1 to i32
      %sign3A_734 = arith.constant 0 : i32
      %sign3A_735 = arith.cmpi slt, %jit3A_722, %sign3A_734 : i32
      %sign3A_736 = arith.extui %sign3A_735 : i1 to i32
      %sign3A_737 = arith.subi %sign3A_733, %sign3A_736 : i32
      %ne3A_738 = arith.cmpi ne, %sign3A_730, %sign3A_737 : i32
      %rem3A_739 = arith.remsi %add3A_721, %jit3A_722 : i32
      %ne3A_740 = arith.constant 0 : i32
      %ne3A_741 = arith.cmpi ne, %rem3A_739, %ne3A_740 : i32
      %and3A_742 = arith.andi %ne3A_738, %ne3A_741 : i1
      %sub3A_743 = arith.constant 1 : i32
      %sub3A_744 = arith.subi %div3A_723, %sub3A_743 : i32
      %select_n3A_745 = arith.select %and3A_742, %sub3A_744, %div3A_723 : i32
      %mul3A_746 = arith.constant 8 : i32
      %mul3A_747 = arith.muli %select_n3A_745, %mul3A_746 : i32
      %jit3A_748 = arith.constant 8 : i32
      %eq3A_749 = arith.constant 0 : i32
      %eq3A_750 = arith.cmpi eq, %jit3A_748, %eq3A_749 : i32
      %jit3A_751 = arith.constant 1 : i32
      %select_n3A_752 = arith.select %eq3A_750, %jit3A_751, %jit3A_748 : i32
      %rem3A_753 = arith.remsi %add3A_614, %select_n3A_752 : i32
      %ne3A_754 = arith.constant 0 : i32
      %ne3A_755 = arith.cmpi ne, %rem3A_753, %ne3A_754 : i32
      %lt3A_756 = arith.constant 0 : i32
      %lt3A_757 = arith.cmpi slt, %rem3A_753, %lt3A_756 : i32
      %lt3A_758 = arith.constant 0 : i32
      %lt3A_759 = arith.cmpi slt, %select_n3A_752, %lt3A_758 : i32
      %ne3A_760 = arith.xori %lt3A_757, %lt3A_759 : i1
      %and3A_761 = arith.andi %ne3A_760, %ne3A_755 : i1
      %add3A_762 = arith.addi %rem3A_753, %select_n3A_752 : i32
      %select_n3A_763 = arith.select %and3A_761, %add3A_762, %rem3A_753 : i32
      %add3A_764 = arith.addi %mul3A_747, %select_n3A_763 : i32
      %jit3A_765 = arith.constant 32 : i32
      %eq3A_766 = arith.constant 0 : i32
      %eq3A_767 = arith.cmpi eq, %jit3A_765, %eq3A_766 : i32
      %jit3A_768 = arith.constant 1 : i32
      %select_n3A_769 = arith.select %eq3A_767, %jit3A_768, %jit3A_765 : i32
      %rem3A_770 = arith.remsi %add3A_721, %select_n3A_769 : i32
      %ne3A_771 = arith.constant 0 : i32
      %ne3A_772 = arith.cmpi ne, %rem3A_770, %ne3A_771 : i32
      %lt3A_773 = arith.constant 0 : i32
      %lt3A_774 = arith.cmpi slt, %rem3A_770, %lt3A_773 : i32
      %lt3A_775 = arith.constant 0 : i32
      %lt3A_776 = arith.cmpi slt, %select_n3A_769, %lt3A_775 : i32
      %ne3A_777 = arith.xori %lt3A_774, %lt3A_776 : i1
      %and3A_778 = arith.andi %ne3A_777, %ne3A_772 : i1
      %add3A_779 = arith.addi %rem3A_770, %select_n3A_769 : i32
      %select_n3A_780 = arith.select %and3A_778, %add3A_779, %rem3A_770 : i32
      %dma_start3A_781 = arith.constant 0 : i32
      %dma_start3A_782 = arith.constant 0 : i32
      %dma_start3A_783 = arith.constant 0 : i32
      %dma_start3A_784 = arith.constant 0 : i32
      %dma_start3A_785 = tpu.memref_slice %arg7[%dma_start3A_781, %dma_start3A_782, %dma_start3A_783, %dma_start3A_784] : memref<5x8x8x129xf32, #tpu.memory_space<vmem>> -> memref<1x8x8x128xf32, #tpu.memory_space<vmem>>
      %dma_start3A_786 = tpu.memref_squeeze %dma_start3A_785 : memref<1x8x8x128xf32, #tpu.memory_space<vmem>> -> memref<8x8x128xf32, #tpu.memory_space<vmem>>
      %dma_start3A_787 = arith.constant 0 : i32
      %dma_start3A_788 = arith.constant 0 : i32
      %dma_start3A_789 = arith.constant 0 : i32
      %dma_start3A_790 = tpu.memref_slice %arg4[%add3A_764, %dma_start3A_787, %select_n3A_780, %dma_start3A_788, %dma_start3A_789] : memref<200x8x32x8x128xf32, #tpu.memory_space<hbm>> -> memref<1x8x1x8x128xf32, #tpu.memory_space<hbm>>
      %dma_start3A_791 = tpu.memref_squeeze %dma_start3A_790 : memref<1x8x1x8x128xf32, #tpu.memory_space<hbm>> -> memref<8x8x128xf32, #tpu.memory_space<hbm>>
      %dma_start3A_792 = arith.constant 0 : i32
      %dma_start3A_793 = arith.constant 0 : i32
      %dma_start3A_794 = arith.constant 0 : i32
      %dma_start3A_795 = tpu.memref_slice %arg4[%add3A_764, %dma_start3A_792, %select_n3A_780, %dma_start3A_793, %dma_start3A_794] : memref<200x8x32x8x128xf32, #tpu.memory_space<hbm>> -> memref<1x8x1x8x128xf32, #tpu.memory_space<hbm>>
      %dma_start3A_796 = tpu.memref_squeeze %dma_start3A_795 : memref<1x8x1x8x128xf32, #tpu.memory_space<hbm>> -> memref<8x8x128xf32, #tpu.memory_space<hbm>>
      %dma_start3A_797 = arith.constant 0 : i32
      %dma_start3A_798 = arith.constant 0 : i32
      %dma_start3A_799 = arith.constant 0 : i32
      %dma_start3A_800 = tpu.memref_slice %arg7[%dma_start3A_781, %dma_start3A_797, %dma_start3A_798, %dma_start3A_799] : memref<5x8x8x129xf32, #tpu.memory_space<vmem>> -> memref<1x8x8x128xf32, #tpu.memory_space<vmem>>
      %dma_start3A_801 = tpu.memref_squeeze %dma_start3A_800 : memref<1x8x8x128xf32, #tpu.memory_space<vmem>> -> memref<8x8x128xf32, #tpu.memory_space<vmem>>
      tpu.enqueue_dma source(%dma_start3A_801 : memref<8x8x128xf32, #tpu.memory_space<vmem>>) target(%dma_start3A_796 : memref<8x8x128xf32, #tpu.memory_space<hbm>>) target_semaphore(%arg15 : memref<!tpu.dma_semaphore, #tpu.memory_space<semaphore_mem>>)
      %add3A_802 = arith.constant 5 : i32
      %add3A_803 = arith.addi %add3A_614, %add3A_802 : i32
      %sub3A_804 = arith.constant 1 : i32
      %sub3A_805 = arith.subi %add3A_803, %sub3A_804 : i32
      %lt3A_806 = arith.constant 200 : i32
      %lt3A_807 = arith.cmpi slt, %sub3A_805, %lt3A_806 : i32
      %convert_element_type3A_808 = arith.extui %lt3A_807 : i1 to i32
      %cond3A_809 = arith.constant 0 : i32
      %cond3A_810 = arith.cmpi ne, %convert_element_type3A_808, %cond3A_809 : i32
      scf.if %cond3A_810 {
        %jit3A_1627 = arith.constant 8 : i32
        %div3A_1628 = arith.divsi %sub3A_805, %jit3A_1627 : i32
        %sign3A_1629 = arith.constant 0 : i32
        %sign3A_1630 = arith.cmpi sgt, %sub3A_805, %sign3A_1629 : i32
        %sign3A_1631 = arith.extui %sign3A_1630 : i1 to i32
        %sign3A_1632 = arith.constant 0 : i32
        %sign3A_1633 = arith.cmpi slt, %sub3A_805, %sign3A_1632 : i32
        %sign3A_1634 = arith.extui %sign3A_1633 : i1 to i32
        %sign3A_1635 = arith.subi %sign3A_1631, %sign3A_1634 : i32
        %sign3A_1636 = arith.constant 0 : i32
        %sign3A_1637 = arith.cmpi sgt, %jit3A_1627, %sign3A_1636 : i32
        %sign3A_1638 = arith.extui %sign3A_1637 : i1 to i32
        %sign3A_1639 = arith.constant 0 : i32
        %sign3A_1640 = arith.cmpi slt, %jit3A_1627, %sign3A_1639 : i32
        %sign3A_1641 = arith.extui %sign3A_1640 : i1 to i32
        %sign3A_1642 = arith.subi %sign3A_1638, %sign3A_1641 : i32
        %ne3A_1643 = arith.cmpi ne, %sign3A_1635, %sign3A_1642 : i32
        %rem3A_1644 = arith.remsi %sub3A_805, %jit3A_1627 : i32
        %ne3A_1645 = arith.constant 0 : i32
        %ne3A_1646 = arith.cmpi ne, %rem3A_1644, %ne3A_1645 : i32
        %and3A_1647 = arith.andi %ne3A_1643, %ne3A_1646 : i1
        %sub3A_1648 = arith.constant 1 : i32
        %sub3A_1649 = arith.subi %div3A_1628, %sub3A_1648 : i32
        %select_n3A_1650 = arith.select %and3A_1647, %sub3A_1649, %div3A_1628 : i32
        %jit3A_1651 = arith.constant 8 : i32
        %eq3A_1652 = arith.constant 0 : i32
        %eq3A_1653 = arith.cmpi eq, %jit3A_1651, %eq3A_1652 : i32
        %jit3A_1654 = arith.constant 1 : i32
        %select_n3A_1655 = arith.select %eq3A_1653, %jit3A_1654, %jit3A_1651 : i32
        %rem3A_1656 = arith.remsi %sub3A_805, %select_n3A_1655 : i32
        %ne3A_1657 = arith.constant 0 : i32
        %ne3A_1658 = arith.cmpi ne, %rem3A_1656, %ne3A_1657 : i32
        %lt3A_1659 = arith.constant 0 : i32
        %lt3A_1660 = arith.cmpi slt, %rem3A_1656, %lt3A_1659 : i32
        %lt3A_1661 = arith.constant 0 : i32
        %lt3A_1662 = arith.cmpi slt, %select_n3A_1655, %lt3A_1661 : i32
        %ne3A_1663 = arith.xori %lt3A_1660, %lt3A_1662 : i1
        %and3A_1664 = arith.andi %ne3A_1663, %ne3A_1658 : i1
        %add3A_1665 = arith.addi %rem3A_1656, %select_n3A_1655 : i32
        %select_n3A_1666 = arith.select %and3A_1664, %add3A_1665, %rem3A_1656 : i32
        %jit3A_1667 = arith.constant 2 : i32
        %eq3A_1668 = arith.constant 0 : i32
        %eq3A_1669 = arith.cmpi eq, %jit3A_1667, %eq3A_1668 : i32
        %jit3A_1670 = arith.constant 1 : i32
        %select_n3A_1671 = arith.select %eq3A_1669, %jit3A_1670, %jit3A_1667 : i32
        %rem3A_1672 = arith.remsi %select_n3A_1650, %select_n3A_1671 : i32
        %ne3A_1673 = arith.constant 0 : i32
        %ne3A_1674 = arith.cmpi ne, %rem3A_1672, %ne3A_1673 : i32
        %lt3A_1675 = arith.constant 0 : i32
        %lt3A_1676 = arith.cmpi slt, %rem3A_1672, %lt3A_1675 : i32
        %lt3A_1677 = arith.constant 0 : i32
        %lt3A_1678 = arith.cmpi slt, %select_n3A_1671, %lt3A_1677 : i32
        %ne3A_1679 = arith.xori %lt3A_1676, %lt3A_1678 : i1
        %and3A_1680 = arith.andi %ne3A_1679, %ne3A_1674 : i1
        %add3A_1681 = arith.addi %rem3A_1672, %select_n3A_1671 : i32
        %select_n3A_1682 = arith.select %and3A_1680, %add3A_1681, %rem3A_1672 : i32
        %eq3A_1683 = arith.constant 0 : i32
        %eq3A_1684 = arith.cmpi eq, %select_n3A_1666, %eq3A_1683 : i32
        %convert_element_type3A_1685 = arith.extui %eq3A_1684 : i1 to i32
        %cond3A_1686 = arith.constant 0 : i32
        %cond3A_1687 = arith.cmpi ne, %convert_element_type3A_1685, %cond3A_1686 : i32
        scf.if %cond3A_1687 {
          %eq3A_1699 = arith.constant 0 : i32
          %eq3A_1700 = arith.cmpi eq, %select_n3A_1682, %eq3A_1699 : i32
          %convert_element_type3A_1701 = arith.extui %eq3A_1700 : i1 to i32
          %cond3A_1702 = arith.constant 0 : i32
          %cond3A_1703 = arith.cmpi ne, %convert_element_type3A_1701, %cond3A_1702 : i32
          scf.if %cond3A_1703 {
            %add3A_1709 = arith.addi %mul3A_2, %select_n3A_1650 : i32
            %jit3A_1710 = arith.constant 32 : i32
            %div3A_1711 = arith.divsi %add3A_1709, %jit3A_1710 : i32
            %sign3A_1712 = arith.constant 0 : i32
            %sign3A_1713 = arith.cmpi sgt, %add3A_1709, %sign3A_1712 : i32
            %sign3A_1714 = arith.extui %sign3A_1713 : i1 to i32
            %sign3A_1715 = arith.constant 0 : i32
            %sign3A_1716 = arith.cmpi slt, %add3A_1709, %sign3A_1715 : i32
            %sign3A_1717 = arith.extui %sign3A_1716 : i1 to i32
            %sign3A_1718 = arith.subi %sign3A_1714, %sign3A_1717 : i32
            %sign3A_1719 = arith.constant 0 : i32
            %sign3A_1720 = arith.cmpi sgt, %jit3A_1710, %sign3A_1719 : i32
            %sign3A_1721 = arith.extui %sign3A_1720 : i1 to i32
            %sign3A_1722 = arith.constant 0 : i32
            %sign3A_1723 = arith.cmpi slt, %jit3A_1710, %sign3A_1722 : i32
            %sign3A_1724 = arith.extui %sign3A_1723 : i1 to i32
            %sign3A_1725 = arith.subi %sign3A_1721, %sign3A_1724 : i32
            %ne3A_1726 = arith.cmpi ne, %sign3A_1718, %sign3A_1725 : i32
            %rem3A_1727 = arith.remsi %add3A_1709, %jit3A_1710 : i32
            %ne3A_1728 = arith.constant 0 : i32
            %ne3A_1729 = arith.cmpi ne, %rem3A_1727, %ne3A_1728 : i32
            %and3A_1730 = arith.andi %ne3A_1726, %ne3A_1729 : i1
            %sub3A_1731 = arith.constant 1 : i32
            %sub3A_1732 = arith.subi %div3A_1711, %sub3A_1731 : i32
            %select_n3A_1733 = arith.select %and3A_1730, %sub3A_1732, %div3A_1711 : i32
            %jit3A_1734 = arith.constant 32 : i32
            %eq3A_1735 = arith.constant 0 : i32
            %eq3A_1736 = arith.cmpi eq, %jit3A_1734, %eq3A_1735 : i32
            %jit3A_1737 = arith.constant 1 : i32
            %select_n3A_1738 = arith.select %eq3A_1736, %jit3A_1737, %jit3A_1734 : i32
            %rem3A_1739 = arith.remsi %add3A_1709, %select_n3A_1738 : i32
            %ne3A_1740 = arith.constant 0 : i32
            %ne3A_1741 = arith.cmpi ne, %rem3A_1739, %ne3A_1740 : i32
            %lt3A_1742 = arith.constant 0 : i32
            %lt3A_1743 = arith.cmpi slt, %rem3A_1739, %lt3A_1742 : i32
            %lt3A_1744 = arith.constant 0 : i32
            %lt3A_1745 = arith.cmpi slt, %select_n3A_1738, %lt3A_1744 : i32
            %ne3A_1746 = arith.xori %lt3A_1743, %lt3A_1745 : i1
            %and3A_1747 = arith.andi %ne3A_1746, %ne3A_1741 : i1
            %add3A_1748 = arith.addi %rem3A_1739, %select_n3A_1738 : i32
            %select_n3A_1749 = arith.select %and3A_1747, %add3A_1748, %rem3A_1739 : i32
            %dma_wait3A_1750 = arith.constant 0 : i32
            %dma_wait3A_1751 = arith.constant 0 : i32
            %dma_wait3A_1752 = arith.constant 0 : i32
            %dma_wait3A_1753 = tpu.memref_slice %arg5[%dma_wait3A_1750, %dma_wait3A_1751, %dma_wait3A_1752] : memref<2x8x128xi32, #tpu.memory_space<vmem>> -> memref<1x8x128xi32, #tpu.memory_space<vmem>>
            %dma_wait3A_1754 = tpu.memref_squeeze %dma_wait3A_1753 : memref<1x8x128xi32, #tpu.memory_space<vmem>> -> memref<8x128xi32, #tpu.memory_space<vmem>>
            %dma_wait3A_1755 = arith.constant 0 : i32
            %dma_wait3A_1756 = arith.constant 0 : i32
            %dma_wait3A_1757 = tpu.memref_slice %arg3[%select_n3A_1733, %select_n3A_1749, %dma_wait3A_1755, %dma_wait3A_1756] : memref<25x32x8x128xi32, #tpu.memory_space<hbm>> -> memref<1x1x8x128xi32, #tpu.memory_space<hbm>>
            %dma_wait3A_1758 = tpu.memref_squeeze %dma_wait3A_1757 : memref<1x1x8x128xi32, #tpu.memory_space<hbm>> -> memref<8x128xi32, #tpu.memory_space<hbm>>
            %dma_wait3A_1759 = arith.constant 0 : i32
            %dma_wait3A_1760 = arith.constant 0 : i32
            %dma_wait3A_1761 = tpu.memref_slice %arg5[%dma_wait3A_1750, %dma_wait3A_1759, %dma_wait3A_1760] : memref<2x8x128xi32, #tpu.memory_space<vmem>> -> memref<1x8x128xi32, #tpu.memory_space<vmem>>
            %dma_wait3A_1762 = tpu.memref_squeeze %dma_wait3A_1761 : memref<1x8x128xi32, #tpu.memory_space<vmem>> -> memref<8x128xi32, #tpu.memory_space<vmem>>
            %dma_wait3A_1763 = arith.constant 0 : i32
            %dma_wait3A_1764 = arith.constant 0 : i32
            %dma_wait3A_1765 = tpu.memref_slice %arg3[%select_n3A_1733, %select_n3A_1749, %dma_wait3A_1763, %dma_wait3A_1764] : memref<25x32x8x128xi32, #tpu.memory_space<hbm>> -> memref<1x1x8x128xi32, #tpu.memory_space<hbm>>
            %dma_wait3A_1766 = tpu.memref_squeeze %dma_wait3A_1765 : memref<1x1x8x128xi32, #tpu.memory_space<hbm>> -> memref<8x128xi32, #tpu.memory_space<hbm>>
            tpu.wait_dma2 semaphore(%arg8 : memref<!tpu.dma_semaphore, #tpu.memory_space<semaphore_mem>>) src(%dma_wait3A_1766 : memref<8x128xi32, #tpu.memory_space<hbm>>) dst(%dma_wait3A_1762 : memref<8x128xi32, #tpu.memory_space<vmem>>)
          } else {
          }
          %eq3A_1704 = arith.constant 1 : i32
          %eq3A_1705 = arith.cmpi eq, %select_n3A_1682, %eq3A_1704 : i32
          %convert_element_type3A_1706 = arith.extui %eq3A_1705 : i1 to i32
          %cond3A_1707 = arith.constant 0 : i32
          %cond3A_1708 = arith.cmpi ne, %convert_element_type3A_1706, %cond3A_1707 : i32
          scf.if %cond3A_1708 {
            %add3A_1709 = arith.addi %mul3A_2, %select_n3A_1650 : i32
            %jit3A_1710 = arith.constant 32 : i32
            %div3A_1711 = arith.divsi %add3A_1709, %jit3A_1710 : i32
            %sign3A_1712 = arith.constant 0 : i32
            %sign3A_1713 = arith.cmpi sgt, %add3A_1709, %sign3A_1712 : i32
            %sign3A_1714 = arith.extui %sign3A_1713 : i1 to i32
            %sign3A_1715 = arith.constant 0 : i32
            %sign3A_1716 = arith.cmpi slt, %add3A_1709, %sign3A_1715 : i32
            %sign3A_1717 = arith.extui %sign3A_1716 : i1 to i32
            %sign3A_1718 = arith.subi %sign3A_1714, %sign3A_1717 : i32
            %sign3A_1719 = arith.constant 0 : i32
            %sign3A_1720 = arith.cmpi sgt, %jit3A_1710, %sign3A_1719 : i32
            %sign3A_1721 = arith.extui %sign3A_1720 : i1 to i32
            %sign3A_1722 = arith.constant 0 : i32
            %sign3A_1723 = arith.cmpi slt, %jit3A_1710, %sign3A_1722 : i32
            %sign3A_1724 = arith.extui %sign3A_1723 : i1 to i32
            %sign3A_1725 = arith.subi %sign3A_1721, %sign3A_1724 : i32
            %ne3A_1726 = arith.cmpi ne, %sign3A_1718, %sign3A_1725 : i32
            %rem3A_1727 = arith.remsi %add3A_1709, %jit3A_1710 : i32
            %ne3A_1728 = arith.constant 0 : i32
            %ne3A_1729 = arith.cmpi ne, %rem3A_1727, %ne3A_1728 : i32
            %and3A_1730 = arith.andi %ne3A_1726, %ne3A_1729 : i1
            %sub3A_1731 = arith.constant 1 : i32
            %sub3A_1732 = arith.subi %div3A_1711, %sub3A_1731 : i32
            %select_n3A_1733 = arith.select %and3A_1730, %sub3A_1732, %div3A_1711 : i32
            %jit3A_1734 = arith.constant 32 : i32
            %eq3A_1735 = arith.constant 0 : i32
            %eq3A_1736 = arith.cmpi eq, %jit3A_1734, %eq3A_1735 : i32
            %jit3A_1737 = arith.constant 1 : i32
            %select_n3A_1738 = arith.select %eq3A_1736, %jit3A_1737, %jit3A_1734 : i32
            %rem3A_1739 = arith.remsi %add3A_1709, %select_n3A_1738 : i32
            %ne3A_1740 = arith.constant 0 : i32
            %ne3A_1741 = arith.cmpi ne, %rem3A_1739, %ne3A_1740 : i32
            %lt3A_1742 = arith.constant 0 : i32
            %lt3A_1743 = arith.cmpi slt, %rem3A_1739, %lt3A_1742 : i32
            %lt3A_1744 = arith.constant 0 : i32
            %lt3A_1745 = arith.cmpi slt, %select_n3A_1738, %lt3A_1744 : i32
            %ne3A_1746 = arith.xori %lt3A_1743, %lt3A_1745 : i1
            %and3A_1747 = arith.andi %ne3A_1746, %ne3A_1741 : i1
            %add3A_1748 = arith.addi %rem3A_1739, %select_n3A_1738 : i32
            %select_n3A_1749 = arith.select %and3A_1747, %add3A_1748, %rem3A_1739 : i32
            %dma_wait3A_1750 = arith.constant 1 : i32
            %dma_wait3A_1751 = arith.constant 0 : i32
            %dma_wait3A_1752 = arith.constant 0 : i32
            %dma_wait3A_1753 = tpu.memref_slice %arg5[%dma_wait3A_1750, %dma_wait3A_1751, %dma_wait3A_1752] : memref<2x8x128xi32, #tpu.memory_space<vmem>> -> memref<1x8x128xi32, #tpu.memory_space<vmem>>
            %dma_wait3A_1754 = tpu.memref_squeeze %dma_wait3A_1753 : memref<1x8x128xi32, #tpu.memory_space<vmem>> -> memref<8x128xi32, #tpu.memory_space<vmem>>
            %dma_wait3A_1755 = arith.constant 0 : i32
            %dma_wait3A_1756 = arith.constant 0 : i32
            %dma_wait3A_1757 = tpu.memref_slice %arg3[%select_n3A_1733, %select_n3A_1749, %dma_wait3A_1755, %dma_wait3A_1756] : memref<25x32x8x128xi32, #tpu.memory_space<hbm>> -> memref<1x1x8x128xi32, #tpu.memory_space<hbm>>
            %dma_wait3A_1758 = tpu.memref_squeeze %dma_wait3A_1757 : memref<1x1x8x128xi32, #tpu.memory_space<hbm>> -> memref<8x128xi32, #tpu.memory_space<hbm>>
            %dma_wait3A_1759 = arith.constant 0 : i32
            %dma_wait3A_1760 = arith.constant 0 : i32
            %dma_wait3A_1761 = tpu.memref_slice %arg5[%dma_wait3A_1750, %dma_wait3A_1759, %dma_wait3A_1760] : memref<2x8x128xi32, #tpu.memory_space<vmem>> -> memref<1x8x128xi32, #tpu.memory_space<vmem>>
            %dma_wait3A_1762 = tpu.memref_squeeze %dma_wait3A_1761 : memref<1x8x128xi32, #tpu.memory_space<vmem>> -> memref<8x128xi32, #tpu.memory_space<vmem>>
            %dma_wait3A_1763 = arith.constant 0 : i32
            %dma_wait3A_1764 = arith.constant 0 : i32
            %dma_wait3A_1765 = tpu.memref_slice %arg3[%select_n3A_1733, %select_n3A_1749, %dma_wait3A_1763, %dma_wait3A_1764] : memref<25x32x8x128xi32, #tpu.memory_space<hbm>> -> memref<1x1x8x128xi32, #tpu.memory_space<hbm>>
            %dma_wait3A_1766 = tpu.memref_squeeze %dma_wait3A_1765 : memref<1x1x8x128xi32, #tpu.memory_space<hbm>> -> memref<8x128xi32, #tpu.memory_space<hbm>>
            tpu.wait_dma2 semaphore(%arg9 : memref<!tpu.dma_semaphore, #tpu.memory_space<semaphore_mem>>) src(%dma_wait3A_1766 : memref<8x128xi32, #tpu.memory_space<hbm>>) dst(%dma_wait3A_1762 : memref<8x128xi32, #tpu.memory_space<vmem>>)
          } else {
          }
        } else {
        }
        %dma_start3A_1688 = arith.constant 4 : i32
        %dma_start3A_1689 = arith.constant 0 : i32
        %dma_start3A_1690 = arith.constant 0 : i32
        %dma_start3A_1691 = tpu.memref_slice %arg6[%dma_start3A_1688, %dma_start3A_1689, %dma_start3A_1690] : memref<5x128x64xf32, #tpu.memory_space<vmem>> -> memref<1x128x64xf32, #tpu.memory_space<vmem>>
        %dma_start3A_1692 = tpu.memref_squeeze %dma_start3A_1691 : memref<1x128x64xf32, #tpu.memory_space<vmem>> -> memref<128x64xf32, #tpu.memory_space<vmem>>
        %dma_start3A_1693 = arith.constant 0 : i32
        %dma_start3A_1694 = tpu.memref_slice %arg5[%select_n3A_1682, %select_n3A_1666, %dma_start3A_1693] : memref<2x8x128xi32, #tpu.memory_space<vmem>> -> memref<1x1x128xi32, #tpu.memory_space<vmem>>
        %dma_start3A_1695 = tpu.memref_squeeze %dma_start3A_1694 : memref<1x1x128xi32, #tpu.memory_space<vmem>> -> memref<128xi32, #tpu.memory_space<vmem>>
        %dma_start3A_1696 = arith.constant 0 : i32
        %dma_start3A_1697 = arith.constant 0 : i32
        %dma_start3A_1698 = tpu.memref_slice %arg2[%dma_start3A_1696, %dma_start3A_1697] : memref<1000000x64xf32, #tpu.memory_space<hbm>> -> memref<1000000x64xf32, #tpu.memory_space<hbm>>
        tpu.enqueue_indirect_dma source(%dma_start3A_1698 : memref<1000000x64xf32, #tpu.memory_space<hbm>>) target(%dma_start3A_1692 : memref<128x64xf32, #tpu.memory_space<vmem>>) offsets(%dma_start3A_1695 : memref<128xi32, #tpu.memory_space<vmem>>) semaphore(%arg14 : memref<!tpu.dma_semaphore, #tpu.memory_space<semaphore_mem>>)
      } else {
      }
      %mul3A_811 = arith.constant 5 : i32
      %mul3A_812 = arith.muli %scan3A_610, %mul3A_811 : i32
      %add3A_813 = arith.constant 1 : i32
      %add3A_814 = arith.addi %mul3A_812, %add3A_813 : i32
      %jit3A_815 = arith.constant 8 : i32
      %div3A_816 = arith.divsi %add3A_814, %jit3A_815 : i32
      %sign3A_817 = arith.constant 0 : i32
      %sign3A_818 = arith.cmpi sgt, %add3A_814, %sign3A_817 : i32
      %sign3A_819 = arith.extui %sign3A_818 : i1 to i32
      %sign3A_820 = arith.constant 0 : i32
      %sign3A_821 = arith.cmpi slt, %add3A_814, %sign3A_820 : i32
      %sign3A_822 = arith.extui %sign3A_821 : i1 to i32
      %sign3A_823 = arith.subi %sign3A_819, %sign3A_822 : i32
      %sign3A_824 = arith.constant 0 : i32
      %sign3A_825 = arith.cmpi sgt, %jit3A_815, %sign3A_824 : i32
      %sign3A_826 = arith.extui %sign3A_825 : i1 to i32
      %sign3A_827 = arith.constant 0 : i32
      %sign3A_828 = arith.cmpi slt, %jit3A_815, %sign3A_827 : i32
      %sign3A_829 = arith.extui %sign3A_828 : i1 to i32
      %sign3A_830 = arith.subi %sign3A_826, %sign3A_829 : i32
      %ne3A_831 = arith.cmpi ne, %sign3A_823, %sign3A_830 : i32
      %rem3A_832 = arith.remsi %add3A_814, %jit3A_815 : i32
      %ne3A_833 = arith.constant 0 : i32
      %ne3A_834 = arith.cmpi ne, %rem3A_832, %ne3A_833 : i32
      %and3A_835 = arith.andi %ne3A_831, %ne3A_834 : i1
      %sub3A_836 = arith.constant 1 : i32
      %sub3A_837 = arith.subi %div3A_816, %sub3A_836 : i32
      %select_n3A_838 = arith.select %and3A_835, %sub3A_837, %div3A_816 : i32
      %jit3A_839 = arith.constant 8 : i32
      %eq3A_840 = arith.constant 0 : i32
      %eq3A_841 = arith.cmpi eq, %jit3A_839, %eq3A_840 : i32
      %jit3A_842 = arith.constant 1 : i32
      %select_n3A_843 = arith.select %eq3A_841, %jit3A_842, %jit3A_839 : i32
      %rem3A_844 = arith.remsi %add3A_814, %select_n3A_843 : i32
      %ne3A_845 = arith.constant 0 : i32
      %ne3A_846 = arith.cmpi ne, %rem3A_844, %ne3A_845 : i32
      %lt3A_847 = arith.constant 0 : i32
      %lt3A_848 = arith.cmpi slt, %rem3A_844, %lt3A_847 : i32
      %lt3A_849 = arith.constant 0 : i32
      %lt3A_850 = arith.cmpi slt, %select_n3A_843, %lt3A_849 : i32
      %ne3A_851 = arith.xori %lt3A_848, %lt3A_850 : i1
      %and3A_852 = arith.andi %ne3A_851, %ne3A_846 : i1
      %add3A_853 = arith.addi %rem3A_844, %select_n3A_843 : i32
      %select_n3A_854 = arith.select %and3A_852, %add3A_853, %rem3A_844 : i32
      %jit3A_855 = arith.constant 2 : i32
      %eq3A_856 = arith.constant 0 : i32
      %eq3A_857 = arith.cmpi eq, %jit3A_855, %eq3A_856 : i32
      %jit3A_858 = arith.constant 1 : i32
      %select_n3A_859 = arith.select %eq3A_857, %jit3A_858, %jit3A_855 : i32
      %rem3A_860 = arith.remsi %select_n3A_838, %select_n3A_859 : i32
      %ne3A_861 = arith.constant 0 : i32
      %ne3A_862 = arith.cmpi ne, %rem3A_860, %ne3A_861 : i32
      %lt3A_863 = arith.constant 0 : i32
      %lt3A_864 = arith.cmpi slt, %rem3A_860, %lt3A_863 : i32
      %lt3A_865 = arith.constant 0 : i32
      %lt3A_866 = arith.cmpi slt, %select_n3A_859, %lt3A_865 : i32
      %ne3A_867 = arith.xori %lt3A_864, %lt3A_866 : i1
      %and3A_868 = arith.andi %ne3A_867, %ne3A_862 : i1
      %add3A_869 = arith.addi %rem3A_860, %select_n3A_859 : i32
      %select_n3A_870 = arith.select %and3A_868, %add3A_869, %rem3A_860 : i32
      %dma_wait3A_871 = arith.constant 1 : i32
      %dma_wait3A_872 = arith.constant 0 : i32
      %dma_wait3A_873 = arith.constant 0 : i32
      %dma_wait3A_874 = tpu.memref_slice %arg6[%dma_wait3A_871, %dma_wait3A_872, %dma_wait3A_873] : memref<5x128x64xf32, #tpu.memory_space<vmem>> -> memref<1x128x64xf32, #tpu.memory_space<vmem>>
      %dma_wait3A_875 = tpu.memref_squeeze %dma_wait3A_874 : memref<1x128x64xf32, #tpu.memory_space<vmem>> -> memref<128x64xf32, #tpu.memory_space<vmem>>
      %dma_wait3A_876 = arith.constant 0 : i32
      %dma_wait3A_877 = tpu.memref_slice %arg5[%select_n3A_870, %select_n3A_854, %dma_wait3A_876] : memref<2x8x128xi32, #tpu.memory_space<vmem>> -> memref<1x1x128xi32, #tpu.memory_space<vmem>>
      %dma_wait3A_878 = tpu.memref_squeeze %dma_wait3A_877 : memref<1x1x128xi32, #tpu.memory_space<vmem>> -> memref<128xi32, #tpu.memory_space<vmem>>
      %dma_wait3A_879 = arith.constant 0 : i32
      %dma_wait3A_880 = arith.constant 0 : i32
      %dma_wait3A_881 = tpu.memref_slice %arg2[%dma_wait3A_879, %dma_wait3A_880] : memref<1000000x64xf32, #tpu.memory_space<hbm>> -> memref<1000000x64xf32, #tpu.memory_space<hbm>>
      tpu.wait_indirect_dma semaphore(%arg11 : memref<!tpu.dma_semaphore, #tpu.memory_space<semaphore_mem>>) src(%dma_wait3A_881 : memref<1000000x64xf32, #tpu.memory_space<hbm>>) dst(%dma_wait3A_875 : memref<128x64xf32, #tpu.memory_space<vmem>>)
      %eq3A_882 = arith.constant 7 : i32
      %eq3A_883 = arith.cmpi eq, %select_n3A_854, %eq3A_882 : i32
      %add3A_884 = arith.constant 2 : i32
      %add3A_885 = arith.addi %select_n3A_838, %add3A_884 : i32
      %lt3A_886 = arith.constant 25 : i32
      %lt3A_887 = arith.cmpi slt, %add3A_885, %lt3A_886 : i32
      %and3A_888 = arith.andi %eq3A_883, %lt3A_887 : i1
      %convert_element_type3A_889 = arith.extui %and3A_888 : i1 to i32
      %cond3A_890 = arith.constant 0 : i32
      %cond3A_891 = arith.cmpi ne, %convert_element_type3A_889, %cond3A_890 : i32
      scf.if %cond3A_891 {
        %eq3A_1627 = arith.constant 0 : i32
        %eq3A_1628 = arith.cmpi eq, %select_n3A_870, %eq3A_1627 : i32
        %convert_element_type3A_1629 = arith.extui %eq3A_1628 : i1 to i32
        %cond3A_1630 = arith.constant 0 : i32
        %cond3A_1631 = arith.cmpi ne, %convert_element_type3A_1629, %cond3A_1630 : i32
        scf.if %cond3A_1631 {
          %add3A_1637 = arith.addi %mul3A_2, %select_n3A_838 : i32
          %add3A_1638 = arith.constant 2 : i32
          %add3A_1639 = arith.addi %add3A_1637, %add3A_1638 : i32
          %jit3A_1640 = arith.constant 32 : i32
          %div3A_1641 = arith.divsi %add3A_1639, %jit3A_1640 : i32
          %sign3A_1642 = arith.constant 0 : i32
          %sign3A_1643 = arith.cmpi sgt, %add3A_1639, %sign3A_1642 : i32
          %sign3A_1644 = arith.extui %sign3A_1643 : i1 to i32
          %sign3A_1645 = arith.constant 0 : i32
          %sign3A_1646 = arith.cmpi slt, %add3A_1639, %sign3A_1645 : i32
          %sign3A_1647 = arith.extui %sign3A_1646 : i1 to i32
          %sign3A_1648 = arith.subi %sign3A_1644, %sign3A_1647 : i32
          %sign3A_1649 = arith.constant 0 : i32
          %sign3A_1650 = arith.cmpi sgt, %jit3A_1640, %sign3A_1649 : i32
          %sign3A_1651 = arith.extui %sign3A_1650 : i1 to i32
          %sign3A_1652 = arith.constant 0 : i32
          %sign3A_1653 = arith.cmpi slt, %jit3A_1640, %sign3A_1652 : i32
          %sign3A_1654 = arith.extui %sign3A_1653 : i1 to i32
          %sign3A_1655 = arith.subi %sign3A_1651, %sign3A_1654 : i32
          %ne3A_1656 = arith.cmpi ne, %sign3A_1648, %sign3A_1655 : i32
          %rem3A_1657 = arith.remsi %add3A_1639, %jit3A_1640 : i32
          %ne3A_1658 = arith.constant 0 : i32
          %ne3A_1659 = arith.cmpi ne, %rem3A_1657, %ne3A_1658 : i32
          %and3A_1660 = arith.andi %ne3A_1656, %ne3A_1659 : i1
          %sub3A_1661 = arith.constant 1 : i32
          %sub3A_1662 = arith.subi %div3A_1641, %sub3A_1661 : i32
          %select_n3A_1663 = arith.select %and3A_1660, %sub3A_1662, %div3A_1641 : i32
          %jit3A_1664 = arith.constant 32 : i32
          %eq3A_1665 = arith.constant 0 : i32
          %eq3A_1666 = arith.cmpi eq, %jit3A_1664, %eq3A_1665 : i32
          %jit3A_1667 = arith.constant 1 : i32
          %select_n3A_1668 = arith.select %eq3A_1666, %jit3A_1667, %jit3A_1664 : i32
          %rem3A_1669 = arith.remsi %add3A_1639, %select_n3A_1668 : i32
          %ne3A_1670 = arith.constant 0 : i32
          %ne3A_1671 = arith.cmpi ne, %rem3A_1669, %ne3A_1670 : i32
          %lt3A_1672 = arith.constant 0 : i32
          %lt3A_1673 = arith.cmpi slt, %rem3A_1669, %lt3A_1672 : i32
          %lt3A_1674 = arith.constant 0 : i32
          %lt3A_1675 = arith.cmpi slt, %select_n3A_1668, %lt3A_1674 : i32
          %ne3A_1676 = arith.xori %lt3A_1673, %lt3A_1675 : i1
          %and3A_1677 = arith.andi %ne3A_1676, %ne3A_1671 : i1
          %add3A_1678 = arith.addi %rem3A_1669, %select_n3A_1668 : i32
          %select_n3A_1679 = arith.select %and3A_1677, %add3A_1678, %rem3A_1669 : i32
          %dma_start3A_1680 = arith.constant 0 : i32
          %dma_start3A_1681 = arith.constant 0 : i32
          %dma_start3A_1682 = arith.constant 0 : i32
          %dma_start3A_1683 = tpu.memref_slice %arg5[%dma_start3A_1680, %dma_start3A_1681, %dma_start3A_1682] : memref<2x8x128xi32, #tpu.memory_space<vmem>> -> memref<1x8x128xi32, #tpu.memory_space<vmem>>
          %dma_start3A_1684 = tpu.memref_squeeze %dma_start3A_1683 : memref<1x8x128xi32, #tpu.memory_space<vmem>> -> memref<8x128xi32, #tpu.memory_space<vmem>>
          %dma_start3A_1685 = arith.constant 0 : i32
          %dma_start3A_1686 = arith.constant 0 : i32
          %dma_start3A_1687 = tpu.memref_slice %arg3[%select_n3A_1663, %select_n3A_1679, %dma_start3A_1685, %dma_start3A_1686] : memref<25x32x8x128xi32, #tpu.memory_space<hbm>> -> memref<1x1x8x128xi32, #tpu.memory_space<hbm>>
          %dma_start3A_1688 = tpu.memref_squeeze %dma_start3A_1687 : memref<1x1x8x128xi32, #tpu.memory_space<hbm>> -> memref<8x128xi32, #tpu.memory_space<hbm>>
          %dma_start3A_1689 = arith.constant 0 : i32
          %dma_start3A_1690 = arith.constant 0 : i32
          %dma_start3A_1691 = tpu.memref_slice %arg5[%dma_start3A_1680, %dma_start3A_1689, %dma_start3A_1690] : memref<2x8x128xi32, #tpu.memory_space<vmem>> -> memref<1x8x128xi32, #tpu.memory_space<vmem>>
          %dma_start3A_1692 = tpu.memref_squeeze %dma_start3A_1691 : memref<1x8x128xi32, #tpu.memory_space<vmem>> -> memref<8x128xi32, #tpu.memory_space<vmem>>
          %dma_start3A_1693 = arith.constant 0 : i32
          %dma_start3A_1694 = arith.constant 0 : i32
          %dma_start3A_1695 = tpu.memref_slice %arg3[%select_n3A_1663, %select_n3A_1679, %dma_start3A_1693, %dma_start3A_1694] : memref<25x32x8x128xi32, #tpu.memory_space<hbm>> -> memref<1x1x8x128xi32, #tpu.memory_space<hbm>>
          %dma_start3A_1696 = tpu.memref_squeeze %dma_start3A_1695 : memref<1x1x8x128xi32, #tpu.memory_space<hbm>> -> memref<8x128xi32, #tpu.memory_space<hbm>>
          tpu.enqueue_dma source(%dma_start3A_1696 : memref<8x128xi32, #tpu.memory_space<hbm>>) target(%dma_start3A_1692 : memref<8x128xi32, #tpu.memory_space<vmem>>) target_semaphore(%arg8 : memref<!tpu.dma_semaphore, #tpu.memory_space<semaphore_mem>>)
        } else {
        }
        %eq3A_1632 = arith.constant 1 : i32
        %eq3A_1633 = arith.cmpi eq, %select_n3A_870, %eq3A_1632 : i32
        %convert_element_type3A_1634 = arith.extui %eq3A_1633 : i1 to i32
        %cond3A_1635 = arith.constant 0 : i32
        %cond3A_1636 = arith.cmpi ne, %convert_element_type3A_1634, %cond3A_1635 : i32
        scf.if %cond3A_1636 {
          %add3A_1637 = arith.addi %mul3A_2, %select_n3A_838 : i32
          %add3A_1638 = arith.constant 2 : i32
          %add3A_1639 = arith.addi %add3A_1637, %add3A_1638 : i32
          %jit3A_1640 = arith.constant 32 : i32
          %div3A_1641 = arith.divsi %add3A_1639, %jit3A_1640 : i32
          %sign3A_1642 = arith.constant 0 : i32
          %sign3A_1643 = arith.cmpi sgt, %add3A_1639, %sign3A_1642 : i32
          %sign3A_1644 = arith.extui %sign3A_1643 : i1 to i32
          %sign3A_1645 = arith.constant 0 : i32
          %sign3A_1646 = arith.cmpi slt, %add3A_1639, %sign3A_1645 : i32
          %sign3A_1647 = arith.extui %sign3A_1646 : i1 to i32
          %sign3A_1648 = arith.subi %sign3A_1644, %sign3A_1647 : i32
          %sign3A_1649 = arith.constant 0 : i32
          %sign3A_1650 = arith.cmpi sgt, %jit3A_1640, %sign3A_1649 : i32
          %sign3A_1651 = arith.extui %sign3A_1650 : i1 to i32
          %sign3A_1652 = arith.constant 0 : i32
          %sign3A_1653 = arith.cmpi slt, %jit3A_1640, %sign3A_1652 : i32
          %sign3A_1654 = arith.extui %sign3A_1653 : i1 to i32
          %sign3A_1655 = arith.subi %sign3A_1651, %sign3A_1654 : i32
          %ne3A_1656 = arith.cmpi ne, %sign3A_1648, %sign3A_1655 : i32
          %rem3A_1657 = arith.remsi %add3A_1639, %jit3A_1640 : i32
          %ne3A_1658 = arith.constant 0 : i32
          %ne3A_1659 = arith.cmpi ne, %rem3A_1657, %ne3A_1658 : i32
          %and3A_1660 = arith.andi %ne3A_1656, %ne3A_1659 : i1
          %sub3A_1661 = arith.constant 1 : i32
          %sub3A_1662 = arith.subi %div3A_1641, %sub3A_1661 : i32
          %select_n3A_1663 = arith.select %and3A_1660, %sub3A_1662, %div3A_1641 : i32
          %jit3A_1664 = arith.constant 32 : i32
          %eq3A_1665 = arith.constant 0 : i32
          %eq3A_1666 = arith.cmpi eq, %jit3A_1664, %eq3A_1665 : i32
          %jit3A_1667 = arith.constant 1 : i32
          %select_n3A_1668 = arith.select %eq3A_1666, %jit3A_1667, %jit3A_1664 : i32
          %rem3A_1669 = arith.remsi %add3A_1639, %select_n3A_1668 : i32
          %ne3A_1670 = arith.constant 0 : i32
          %ne3A_1671 = arith.cmpi ne, %rem3A_1669, %ne3A_1670 : i32
          %lt3A_1672 = arith.constant 0 : i32
          %lt3A_1673 = arith.cmpi slt, %rem3A_1669, %lt3A_1672 : i32
          %lt3A_1674 = arith.constant 0 : i32
          %lt3A_1675 = arith.cmpi slt, %select_n3A_1668, %lt3A_1674 : i32
          %ne3A_1676 = arith.xori %lt3A_1673, %lt3A_1675 : i1
          %and3A_1677 = arith.andi %ne3A_1676, %ne3A_1671 : i1
          %add3A_1678 = arith.addi %rem3A_1669, %select_n3A_1668 : i32
          %select_n3A_1679 = arith.select %and3A_1677, %add3A_1678, %rem3A_1669 : i32
          %dma_start3A_1680 = arith.constant 1 : i32
          %dma_start3A_1681 = arith.constant 0 : i32
          %dma_start3A_1682 = arith.constant 0 : i32
          %dma_start3A_1683 = tpu.memref_slice %arg5[%dma_start3A_1680, %dma_start3A_1681, %dma_start3A_1682] : memref<2x8x128xi32, #tpu.memory_space<vmem>> -> memref<1x8x128xi32, #tpu.memory_space<vmem>>
          %dma_start3A_1684 = tpu.memref_squeeze %dma_start3A_1683 : memref<1x8x128xi32, #tpu.memory_space<vmem>> -> memref<8x128xi32, #tpu.memory_space<vmem>>
          %dma_start3A_1685 = arith.constant 0 : i32
          %dma_start3A_1686 = arith.constant 0 : i32
          %dma_start3A_1687 = tpu.memref_slice %arg3[%select_n3A_1663, %select_n3A_1679, %dma_start3A_1685, %dma_start3A_1686] : memref<25x32x8x128xi32, #tpu.memory_space<hbm>> -> memref<1x1x8x128xi32, #tpu.memory_space<hbm>>
          %dma_start3A_1688 = tpu.memref_squeeze %dma_start3A_1687 : memref<1x1x8x128xi32, #tpu.memory_space<hbm>> -> memref<8x128xi32, #tpu.memory_space<hbm>>
          %dma_start3A_1689 = arith.constant 0 : i32
          %dma_start3A_1690 = arith.constant 0 : i32
          %dma_start3A_1691 = tpu.memref_slice %arg5[%dma_start3A_1680, %dma_start3A_1689, %dma_start3A_1690] : memref<2x8x128xi32, #tpu.memory_space<vmem>> -> memref<1x8x128xi32, #tpu.memory_space<vmem>>
          %dma_start3A_1692 = tpu.memref_squeeze %dma_start3A_1691 : memref<1x8x128xi32, #tpu.memory_space<vmem>> -> memref<8x128xi32, #tpu.memory_space<vmem>>
          %dma_start3A_1693 = arith.constant 0 : i32
          %dma_start3A_1694 = arith.constant 0 : i32
          %dma_start3A_1695 = tpu.memref_slice %arg3[%select_n3A_1663, %select_n3A_1679, %dma_start3A_1693, %dma_start3A_1694] : memref<25x32x8x128xi32, #tpu.memory_space<hbm>> -> memref<1x1x8x128xi32, #tpu.memory_space<hbm>>
          %dma_start3A_1696 = tpu.memref_squeeze %dma_start3A_1695 : memref<1x1x8x128xi32, #tpu.memory_space<hbm>> -> memref<8x128xi32, #tpu.memory_space<hbm>>
          tpu.enqueue_dma source(%dma_start3A_1696 : memref<8x128xi32, #tpu.memory_space<hbm>>) target(%dma_start3A_1692 : memref<8x128xi32, #tpu.memory_space<vmem>>) target_semaphore(%arg9 : memref<!tpu.dma_semaphore, #tpu.memory_space<semaphore_mem>>)
        } else {
        }
      } else {
      }
      %gt3A_892 = arith.constant 0 : i32
      %gt3A_893 = arith.cmpi sgt, %scan3A_610, %gt3A_892 : i32
      %convert_element_type3A_894 = arith.extui %gt3A_893 : i1 to i32
      %cond3A_895 = arith.constant 0 : i32
      %cond3A_896 = arith.cmpi ne, %convert_element_type3A_894, %cond3A_895 : i32
      scf.if %cond3A_896 {
        %sub3A_1627 = arith.constant 5 : i32
        %sub3A_1628 = arith.subi %add3A_814, %sub3A_1627 : i32
        %jit3A_1629 = arith.constant 8 : i32
        %div3A_1630 = arith.divsi %sub3A_1628, %jit3A_1629 : i32
        %sign3A_1631 = arith.constant 0 : i32
        %sign3A_1632 = arith.cmpi sgt, %sub3A_1628, %sign3A_1631 : i32
        %sign3A_1633 = arith.extui %sign3A_1632 : i1 to i32
        %sign3A_1634 = arith.constant 0 : i32
        %sign3A_1635 = arith.cmpi slt, %sub3A_1628, %sign3A_1634 : i32
        %sign3A_1636 = arith.extui %sign3A_1635 : i1 to i32
        %sign3A_1637 = arith.subi %sign3A_1633, %sign3A_1636 : i32
        %sign3A_1638 = arith.constant 0 : i32
        %sign3A_1639 = arith.cmpi sgt, %jit3A_1629, %sign3A_1638 : i32
        %sign3A_1640 = arith.extui %sign3A_1639 : i1 to i32
        %sign3A_1641 = arith.constant 0 : i32
        %sign3A_1642 = arith.cmpi slt, %jit3A_1629, %sign3A_1641 : i32
        %sign3A_1643 = arith.extui %sign3A_1642 : i1 to i32
        %sign3A_1644 = arith.subi %sign3A_1640, %sign3A_1643 : i32
        %ne3A_1645 = arith.cmpi ne, %sign3A_1637, %sign3A_1644 : i32
        %rem3A_1646 = arith.remsi %sub3A_1628, %jit3A_1629 : i32
        %ne3A_1647 = arith.constant 0 : i32
        %ne3A_1648 = arith.cmpi ne, %rem3A_1646, %ne3A_1647 : i32
        %and3A_1649 = arith.andi %ne3A_1645, %ne3A_1648 : i1
        %sub3A_1650 = arith.constant 1 : i32
        %sub3A_1651 = arith.subi %div3A_1630, %sub3A_1650 : i32
        %select_n3A_1652 = arith.select %and3A_1649, %sub3A_1651, %div3A_1630 : i32
        %add3A_1653 = arith.addi %mul3A_2, %select_n3A_1652 : i32
        %jit3A_1654 = arith.constant 32 : i32
        %div3A_1655 = arith.divsi %add3A_1653, %jit3A_1654 : i32
        %sign3A_1656 = arith.constant 0 : i32
        %sign3A_1657 = arith.cmpi sgt, %add3A_1653, %sign3A_1656 : i32
        %sign3A_1658 = arith.extui %sign3A_1657 : i1 to i32
        %sign3A_1659 = arith.constant 0 : i32
        %sign3A_1660 = arith.cmpi slt, %add3A_1653, %sign3A_1659 : i32
        %sign3A_1661 = arith.extui %sign3A_1660 : i1 to i32
        %sign3A_1662 = arith.subi %sign3A_1658, %sign3A_1661 : i32
        %sign3A_1663 = arith.constant 0 : i32
        %sign3A_1664 = arith.cmpi sgt, %jit3A_1654, %sign3A_1663 : i32
        %sign3A_1665 = arith.extui %sign3A_1664 : i1 to i32
        %sign3A_1666 = arith.constant 0 : i32
        %sign3A_1667 = arith.cmpi slt, %jit3A_1654, %sign3A_1666 : i32
        %sign3A_1668 = arith.extui %sign3A_1667 : i1 to i32
        %sign3A_1669 = arith.subi %sign3A_1665, %sign3A_1668 : i32
        %ne3A_1670 = arith.cmpi ne, %sign3A_1662, %sign3A_1669 : i32
        %rem3A_1671 = arith.remsi %add3A_1653, %jit3A_1654 : i32
        %ne3A_1672 = arith.constant 0 : i32
        %ne3A_1673 = arith.cmpi ne, %rem3A_1671, %ne3A_1672 : i32
        %and3A_1674 = arith.andi %ne3A_1670, %ne3A_1673 : i1
        %sub3A_1675 = arith.constant 1 : i32
        %sub3A_1676 = arith.subi %div3A_1655, %sub3A_1675 : i32
        %select_n3A_1677 = arith.select %and3A_1674, %sub3A_1676, %div3A_1655 : i32
        %mul3A_1678 = arith.constant 8 : i32
        %mul3A_1679 = arith.muli %select_n3A_1677, %mul3A_1678 : i32
        %jit3A_1680 = arith.constant 8 : i32
        %eq3A_1681 = arith.constant 0 : i32
        %eq3A_1682 = arith.cmpi eq, %jit3A_1680, %eq3A_1681 : i32
        %jit3A_1683 = arith.constant 1 : i32
        %select_n3A_1684 = arith.select %eq3A_1682, %jit3A_1683, %jit3A_1680 : i32
        %rem3A_1685 = arith.remsi %sub3A_1628, %select_n3A_1684 : i32
        %ne3A_1686 = arith.constant 0 : i32
        %ne3A_1687 = arith.cmpi ne, %rem3A_1685, %ne3A_1686 : i32
        %lt3A_1688 = arith.constant 0 : i32
        %lt3A_1689 = arith.cmpi slt, %rem3A_1685, %lt3A_1688 : i32
        %lt3A_1690 = arith.constant 0 : i32
        %lt3A_1691 = arith.cmpi slt, %select_n3A_1684, %lt3A_1690 : i32
        %ne3A_1692 = arith.xori %lt3A_1689, %lt3A_1691 : i1
        %and3A_1693 = arith.andi %ne3A_1692, %ne3A_1687 : i1
        %add3A_1694 = arith.addi %rem3A_1685, %select_n3A_1684 : i32
        %select_n3A_1695 = arith.select %and3A_1693, %add3A_1694, %rem3A_1685 : i32
        %add3A_1696 = arith.addi %mul3A_1679, %select_n3A_1695 : i32
        %jit3A_1697 = arith.constant 32 : i32
        %eq3A_1698 = arith.constant 0 : i32
        %eq3A_1699 = arith.cmpi eq, %jit3A_1697, %eq3A_1698 : i32
        %jit3A_1700 = arith.constant 1 : i32
        %select_n3A_1701 = arith.select %eq3A_1699, %jit3A_1700, %jit3A_1697 : i32
        %rem3A_1702 = arith.remsi %add3A_1653, %select_n3A_1701 : i32
        %ne3A_1703 = arith.constant 0 : i32
        %ne3A_1704 = arith.cmpi ne, %rem3A_1702, %ne3A_1703 : i32
        %lt3A_1705 = arith.constant 0 : i32
        %lt3A_1706 = arith.cmpi slt, %rem3A_1702, %lt3A_1705 : i32
        %lt3A_1707 = arith.constant 0 : i32
        %lt3A_1708 = arith.cmpi slt, %select_n3A_1701, %lt3A_1707 : i32
        %ne3A_1709 = arith.xori %lt3A_1706, %lt3A_1708 : i1
        %and3A_1710 = arith.andi %ne3A_1709, %ne3A_1704 : i1
        %add3A_1711 = arith.addi %rem3A_1702, %select_n3A_1701 : i32
        %select_n3A_1712 = arith.select %and3A_1710, %add3A_1711, %rem3A_1702 : i32
        %dma_wait3A_1713 = arith.constant 1 : i32
        %dma_wait3A_1714 = arith.constant 0 : i32
        %dma_wait3A_1715 = arith.constant 0 : i32
        %dma_wait3A_1716 = arith.constant 0 : i32
        %dma_wait3A_1717 = tpu.memref_slice %arg7[%dma_wait3A_1713, %dma_wait3A_1714, %dma_wait3A_1715, %dma_wait3A_1716] : memref<5x8x8x129xf32, #tpu.memory_space<vmem>> -> memref<1x8x8x128xf32, #tpu.memory_space<vmem>>
        %dma_wait3A_1718 = tpu.memref_squeeze %dma_wait3A_1717 : memref<1x8x8x128xf32, #tpu.memory_space<vmem>> -> memref<8x8x128xf32, #tpu.memory_space<vmem>>
        %dma_wait3A_1719 = arith.constant 0 : i32
        %dma_wait3A_1720 = arith.constant 0 : i32
        %dma_wait3A_1721 = arith.constant 0 : i32
        %dma_wait3A_1722 = tpu.memref_slice %arg4[%add3A_1696, %dma_wait3A_1719, %select_n3A_1712, %dma_wait3A_1720, %dma_wait3A_1721] : memref<200x8x32x8x128xf32, #tpu.memory_space<hbm>> -> memref<1x8x1x8x128xf32, #tpu.memory_space<hbm>>
        %dma_wait3A_1723 = tpu.memref_squeeze %dma_wait3A_1722 : memref<1x8x1x8x128xf32, #tpu.memory_space<hbm>> -> memref<8x8x128xf32, #tpu.memory_space<hbm>>
        %dma_wait3A_1724 = arith.constant 0 : i32
        %dma_wait3A_1725 = arith.constant 0 : i32
        %dma_wait3A_1726 = arith.constant 0 : i32
        %dma_wait3A_1727 = tpu.memref_slice %arg4[%add3A_1696, %dma_wait3A_1724, %select_n3A_1712, %dma_wait3A_1725, %dma_wait3A_1726] : memref<200x8x32x8x128xf32, #tpu.memory_space<hbm>> -> memref<1x8x1x8x128xf32, #tpu.memory_space<hbm>>
        %dma_wait3A_1728 = tpu.memref_squeeze %dma_wait3A_1727 : memref<1x8x1x8x128xf32, #tpu.memory_space<hbm>> -> memref<8x8x128xf32, #tpu.memory_space<hbm>>
        %dma_wait3A_1729 = arith.constant 0 : i32
        %dma_wait3A_1730 = arith.constant 0 : i32
        %dma_wait3A_1731 = arith.constant 0 : i32
        %dma_wait3A_1732 = tpu.memref_slice %arg7[%dma_wait3A_1713, %dma_wait3A_1729, %dma_wait3A_1730, %dma_wait3A_1731] : memref<5x8x8x129xf32, #tpu.memory_space<vmem>> -> memref<1x8x8x128xf32, #tpu.memory_space<vmem>>
        %dma_wait3A_1733 = tpu.memref_squeeze %dma_wait3A_1732 : memref<1x8x8x128xf32, #tpu.memory_space<vmem>> -> memref<8x8x128xf32, #tpu.memory_space<vmem>>
        tpu.wait_dma2 semaphore(%arg16 : memref<!tpu.dma_semaphore, #tpu.memory_space<semaphore_mem>>) src(%dma_wait3A_1733 : memref<8x8x128xf32, #tpu.memory_space<vmem>>) dst(%dma_wait3A_1728 : memref<8x8x128xf32, #tpu.memory_space<hbm>>)
      } else {
      }
      %parallel_loop3A_897 = arith.constant 0 : i32
      %parallel_loop3A_898 = arith.constant 128 : i32
      %parallel_loop3A_899 = arith.constant 1 : i32
      %parallel_loop3A_900 = arith.constant 1 : i32
      scf.for %parallel_loop3A_1627 = %parallel_loop3A_897 to %parallel_loop3A_898 step %parallel_loop3A_899  : i32 {
        %parallel_loop3A_1628 = vector.broadcast %parallel_loop3A_1627 : i32 to vector<16xi32>
        %parallel_loop3A_1629 = arith.constant 1 : i32
        %parallel_loop3A_1630 = arith.index_cast %parallel_loop3A_1629 : i32 to index
        %parallel_loop3A_1631 = arith.index_cast %parallel_loop3A_1627 : i32 to index
        %parallel_loop3A_1632 = arith.constant 0 : index
        %parallel_loop3A_1633 = tpu.vector_load %arg6[%parallel_loop3A_1630, %parallel_loop3A_1631, %parallel_loop3A_1632] {strides = array<i32>} : memref<5x128x64xf32, #tpu.memory_space<vmem>>, vector<16xf32>,
        %parallel_loop3A_1634 = arith.constant 8.000000e+00 : f32
        %parallel_loop3A_1635 = vector.broadcast %parallel_loop3A_1634 : f32 to vector<16xf32>
        %parallel_loop3A_1636 = arith.mulf %parallel_loop3A_1633, %parallel_loop3A_1635 : vector<16xf32>
        %parallel_loop3A_1637 = arith.constant 0 : i32
        %parallel_loop3A_1638 = arith.constant 0 : i32
        %parallel_loop3A_1639 = arith.constant 0 : i32
        %parallel_loop3A_1640 = tpu.memref_slice %arg7[%parallel_loop3A_900, %parallel_loop3A_1637, %parallel_loop3A_1638, %parallel_loop3A_1639] : memref<5x8x8x129xf32, #tpu.memory_space<vmem>> -> memref<1x8x8x129xf32, #tpu.memory_space<vmem>>
        %parallel_loop3A_1641 = tpu.memref_squeeze %parallel_loop3A_1640 : memref<1x8x8x129xf32, #tpu.memory_space<vmem>> -> memref<8x8x129xf32, #tpu.memory_space<vmem>>
        tpu.vector_store_idx %parallel_loop3A_1641[%shift_right_arithmetic3A_7, %and3A_34, %parallel_loop3A_1628], %parallel_loop3A_1636 : memref<8x8x129xf32, #tpu.memory_space<vmem>>[vector<16xi32>, vector<16xi32>, vector<16xi32>], vector<16xf32>,
        %parallel_loop3A_1642 = arith.constant 1 : i32
        %parallel_loop3A_1643 = arith.index_cast %parallel_loop3A_1642 : i32 to index
        %parallel_loop3A_1644 = arith.index_cast %parallel_loop3A_1627 : i32 to index
        %parallel_loop3A_1645 = arith.constant 16 : index
        %parallel_loop3A_1646 = tpu.vector_load %arg6[%parallel_loop3A_1643, %parallel_loop3A_1644, %parallel_loop3A_1645] {strides = array<i32>} : memref<5x128x64xf32, #tpu.memory_space<vmem>>, vector<16xf32>,
        %parallel_loop3A_1647 = arith.constant 8.000000e+00 : f32
        %parallel_loop3A_1648 = vector.broadcast %parallel_loop3A_1647 : f32 to vector<16xf32>
        %parallel_loop3A_1649 = arith.mulf %parallel_loop3A_1646, %parallel_loop3A_1648 : vector<16xf32>
        %parallel_loop3A_1650 = arith.constant 0 : i32
        %parallel_loop3A_1651 = arith.constant 0 : i32
        %parallel_loop3A_1652 = arith.constant 0 : i32
        %parallel_loop3A_1653 = tpu.memref_slice %arg7[%parallel_loop3A_900, %parallel_loop3A_1650, %parallel_loop3A_1651, %parallel_loop3A_1652] : memref<5x8x8x129xf32, #tpu.memory_space<vmem>> -> memref<1x8x8x129xf32, #tpu.memory_space<vmem>>
        %parallel_loop3A_1654 = tpu.memref_squeeze %parallel_loop3A_1653 : memref<1x8x8x129xf32, #tpu.memory_space<vmem>> -> memref<8x8x129xf32, #tpu.memory_space<vmem>>
        tpu.vector_store_idx %parallel_loop3A_1654[%shift_right_arithmetic3A_14, %and3A_41, %parallel_loop3A_1628], %parallel_loop3A_1649 : memref<8x8x129xf32, #tpu.memory_space<vmem>>[vector<16xi32>, vector<16xi32>, vector<16xi32>], vector<16xf32>,
        %parallel_loop3A_1655 = arith.constant 1 : i32
        %parallel_loop3A_1656 = arith.index_cast %parallel_loop3A_1655 : i32 to index
        %parallel_loop3A_1657 = arith.index_cast %parallel_loop3A_1627 : i32 to index
        %parallel_loop3A_1658 = arith.constant 32 : index
        %parallel_loop3A_1659 = tpu.vector_load %arg6[%parallel_loop3A_1656, %parallel_loop3A_1657, %parallel_loop3A_1658] {strides = array<i32>} : memref<5x128x64xf32, #tpu.memory_space<vmem>>, vector<16xf32>,
        %parallel_loop3A_1660 = arith.constant 8.000000e+00 : f32
        %parallel_loop3A_1661 = vector.broadcast %parallel_loop3A_1660 : f32 to vector<16xf32>
        %parallel_loop3A_1662 = arith.mulf %parallel_loop3A_1659, %parallel_loop3A_1661 : vector<16xf32>
        %parallel_loop3A_1663 = arith.constant 0 : i32
        %parallel_loop3A_1664 = arith.constant 0 : i32
        %parallel_loop3A_1665 = arith.constant 0 : i32
        %parallel_loop3A_1666 = tpu.memref_slice %arg7[%parallel_loop3A_900, %parallel_loop3A_1663, %parallel_loop3A_1664, %parallel_loop3A_1665] : memref<5x8x8x129xf32, #tpu.memory_space<vmem>> -> memref<1x8x8x129xf32, #tpu.memory_space<vmem>>
        %parallel_loop3A_1667 = tpu.memref_squeeze %parallel_loop3A_1666 : memref<1x8x8x129xf32, #tpu.memory_space<vmem>> -> memref<8x8x129xf32, #tpu.memory_space<vmem>>
        tpu.vector_store_idx %parallel_loop3A_1667[%shift_right_arithmetic3A_21, %and3A_48, %parallel_loop3A_1628], %parallel_loop3A_1662 : memref<8x8x129xf32, #tpu.memory_space<vmem>>[vector<16xi32>, vector<16xi32>, vector<16xi32>], vector<16xf32>,
        %parallel_loop3A_1668 = arith.constant 1 : i32
        %parallel_loop3A_1669 = arith.index_cast %parallel_loop3A_1668 : i32 to index
        %parallel_loop3A_1670 = arith.index_cast %parallel_loop3A_1627 : i32 to index
        %parallel_loop3A_1671 = arith.constant 48 : index
        %parallel_loop3A_1672 = tpu.vector_load %arg6[%parallel_loop3A_1669, %parallel_loop3A_1670, %parallel_loop3A_1671] {strides = array<i32>} : memref<5x128x64xf32, #tpu.memory_space<vmem>>, vector<16xf32>,
        %parallel_loop3A_1673 = arith.constant 8.000000e+00 : f32
        %parallel_loop3A_1674 = vector.broadcast %parallel_loop3A_1673 : f32 to vector<16xf32>
        %parallel_loop3A_1675 = arith.mulf %parallel_loop3A_1672, %parallel_loop3A_1674 : vector<16xf32>
        %parallel_loop3A_1676 = arith.constant 0 : i32
        %parallel_loop3A_1677 = arith.constant 0 : i32
        %parallel_loop3A_1678 = arith.constant 0 : i32
        %parallel_loop3A_1679 = tpu.memref_slice %arg7[%parallel_loop3A_900, %parallel_loop3A_1676, %parallel_loop3A_1677, %parallel_loop3A_1678] : memref<5x8x8x129xf32, #tpu.memory_space<vmem>> -> memref<1x8x8x129xf32, #tpu.memory_space<vmem>>
        %parallel_loop3A_1680 = tpu.memref_squeeze %parallel_loop3A_1679 : memref<1x8x8x129xf32, #tpu.memory_space<vmem>> -> memref<8x8x129xf32, #tpu.memory_space<vmem>>
        tpu.vector_store_idx %parallel_loop3A_1680[%shift_right_arithmetic3A_28, %and3A_55, %parallel_loop3A_1628], %parallel_loop3A_1675 : memref<8x8x129xf32, #tpu.memory_space<vmem>>[vector<16xi32>, vector<16xi32>, vector<16xi32>], vector<16xf32>,
      } {sc.loop_unroll_factor = 8 : i64, sc.parallel_access}
      %jit3A_901 = arith.constant 8 : i32
      %div3A_902 = arith.divsi %add3A_814, %jit3A_901 : i32
      %sign3A_903 = arith.constant 0 : i32
      %sign3A_904 = arith.cmpi sgt, %add3A_814, %sign3A_903 : i32
      %sign3A_905 = arith.extui %sign3A_904 : i1 to i32
      %sign3A_906 = arith.constant 0 : i32
      %sign3A_907 = arith.cmpi slt, %add3A_814, %sign3A_906 : i32
      %sign3A_908 = arith.extui %sign3A_907 : i1 to i32
      %sign3A_909 = arith.subi %sign3A_905, %sign3A_908 : i32
      %sign3A_910 = arith.constant 0 : i32
      %sign3A_911 = arith.cmpi sgt, %jit3A_901, %sign3A_910 : i32
      %sign3A_912 = arith.extui %sign3A_911 : i1 to i32
      %sign3A_913 = arith.constant 0 : i32
      %sign3A_914 = arith.cmpi slt, %jit3A_901, %sign3A_913 : i32
      %sign3A_915 = arith.extui %sign3A_914 : i1 to i32
      %sign3A_916 = arith.subi %sign3A_912, %sign3A_915 : i32
      %ne3A_917 = arith.cmpi ne, %sign3A_909, %sign3A_916 : i32
      %rem3A_918 = arith.remsi %add3A_814, %jit3A_901 : i32
      %ne3A_919 = arith.constant 0 : i32
      %ne3A_920 = arith.cmpi ne, %rem3A_918, %ne3A_919 : i32
      %and3A_921 = arith.andi %ne3A_917, %ne3A_920 : i1
      %sub3A_922 = arith.constant 1 : i32
      %sub3A_923 = arith.subi %div3A_902, %sub3A_922 : i32
      %select_n3A_924 = arith.select %and3A_921, %sub3A_923, %div3A_902 : i32
      %add3A_925 = arith.addi %mul3A_2, %select_n3A_924 : i32
      %jit3A_926 = arith.constant 32 : i32
      %div3A_927 = arith.divsi %add3A_925, %jit3A_926 : i32
      %sign3A_928 = arith.constant 0 : i32
      %sign3A_929 = arith.cmpi sgt, %add3A_925, %sign3A_928 : i32
      %sign3A_930 = arith.extui %sign3A_929 : i1 to i32
      %sign3A_931 = arith.constant 0 : i32
      %sign3A_932 = arith.cmpi slt, %add3A_925, %sign3A_931 : i32
      %sign3A_933 = arith.extui %sign3A_932 : i1 to i32
      %sign3A_934 = arith.subi %sign3A_930, %sign3A_933 : i32
      %sign3A_935 = arith.constant 0 : i32
      %sign3A_936 = arith.cmpi sgt, %jit3A_926, %sign3A_935 : i32
      %sign3A_937 = arith.extui %sign3A_936 : i1 to i32
      %sign3A_938 = arith.constant 0 : i32
      %sign3A_939 = arith.cmpi slt, %jit3A_926, %sign3A_938 : i32
      %sign3A_940 = arith.extui %sign3A_939 : i1 to i32
      %sign3A_941 = arith.subi %sign3A_937, %sign3A_940 : i32
      %ne3A_942 = arith.cmpi ne, %sign3A_934, %sign3A_941 : i32
      %rem3A_943 = arith.remsi %add3A_925, %jit3A_926 : i32
      %ne3A_944 = arith.constant 0 : i32
      %ne3A_945 = arith.cmpi ne, %rem3A_943, %ne3A_944 : i32
      %and3A_946 = arith.andi %ne3A_942, %ne3A_945 : i1
      %sub3A_947 = arith.constant 1 : i32
      %sub3A_948 = arith.subi %div3A_927, %sub3A_947 : i32
      %select_n3A_949 = arith.select %and3A_946, %sub3A_948, %div3A_927 : i32
      %mul3A_950 = arith.constant 8 : i32
      %mul3A_951 = arith.muli %select_n3A_949, %mul3A_950 : i32
      %jit3A_952 = arith.constant 8 : i32
      %eq3A_953 = arith.constant 0 : i32
      %eq3A_954 = arith.cmpi eq, %jit3A_952, %eq3A_953 : i32
      %jit3A_955 = arith.constant 1 : i32
      %select_n3A_956 = arith.select %eq3A_954, %jit3A_955, %jit3A_952 : i32
      %rem3A_957 = arith.remsi %add3A_814, %select_n3A_956 : i32
      %ne3A_958 = arith.constant 0 : i32
      %ne3A_959 = arith.cmpi ne, %rem3A_957, %ne3A_958 : i32
      %lt3A_960 = arith.constant 0 : i32
      %lt3A_961 = arith.cmpi slt, %rem3A_957, %lt3A_960 : i32
      %lt3A_962 = arith.constant 0 : i32
      %lt3A_963 = arith.cmpi slt, %select_n3A_956, %lt3A_962 : i32
      %ne3A_964 = arith.xori %lt3A_961, %lt3A_963 : i1
      %and3A_965 = arith.andi %ne3A_964, %ne3A_959 : i1
      %add3A_966 = arith.addi %rem3A_957, %select_n3A_956 : i32
      %select_n3A_967 = arith.select %and3A_965, %add3A_966, %rem3A_957 : i32
      %add3A_968 = arith.addi %mul3A_951, %select_n3A_967 : i32
      %jit3A_969 = arith.constant 32 : i32
      %eq3A_970 = arith.constant 0 : i32
      %eq3A_971 = arith.cmpi eq, %jit3A_969, %eq3A_970 : i32
      %jit3A_972 = arith.constant 1 : i32
      %select_n3A_973 = arith.select %eq3A_971, %jit3A_972, %jit3A_969 : i32
      %rem3A_974 = arith.remsi %add3A_925, %select_n3A_973 : i32
      %ne3A_975 = arith.constant 0 : i32
      %ne3A_976 = arith.cmpi ne, %rem3A_974, %ne3A_975 : i32
      %lt3A_977 = arith.constant 0 : i32
      %lt3A_978 = arith.cmpi slt, %rem3A_974, %lt3A_977 : i32
      %lt3A_979 = arith.constant 0 : i32
      %lt3A_980 = arith.cmpi slt, %select_n3A_973, %lt3A_979 : i32
      %ne3A_981 = arith.xori %lt3A_978, %lt3A_980 : i1
      %and3A_982 = arith.andi %ne3A_981, %ne3A_976 : i1
      %add3A_983 = arith.addi %rem3A_974, %select_n3A_973 : i32
      %select_n3A_984 = arith.select %and3A_982, %add3A_983, %rem3A_974 : i32
      %dma_start3A_985 = arith.constant 1 : i32
      %dma_start3A_986 = arith.constant 0 : i32
      %dma_start3A_987 = arith.constant 0 : i32
      %dma_start3A_988 = arith.constant 0 : i32
      %dma_start3A_989 = tpu.memref_slice %arg7[%dma_start3A_985, %dma_start3A_986, %dma_start3A_987, %dma_start3A_988] : memref<5x8x8x129xf32, #tpu.memory_space<vmem>> -> memref<1x8x8x128xf32, #tpu.memory_space<vmem>>
      %dma_start3A_990 = tpu.memref_squeeze %dma_start3A_989 : memref<1x8x8x128xf32, #tpu.memory_space<vmem>> -> memref<8x8x128xf32, #tpu.memory_space<vmem>>
      %dma_start3A_991 = arith.constant 0 : i32
      %dma_start3A_992 = arith.constant 0 : i32
      %dma_start3A_993 = arith.constant 0 : i32
      %dma_start3A_994 = tpu.memref_slice %arg4[%add3A_968, %dma_start3A_991, %select_n3A_984, %dma_start3A_992, %dma_start3A_993] : memref<200x8x32x8x128xf32, #tpu.memory_space<hbm>> -> memref<1x8x1x8x128xf32, #tpu.memory_space<hbm>>
      %dma_start3A_995 = tpu.memref_squeeze %dma_start3A_994 : memref<1x8x1x8x128xf32, #tpu.memory_space<hbm>> -> memref<8x8x128xf32, #tpu.memory_space<hbm>>
      %dma_start3A_996 = arith.constant 0 : i32
      %dma_start3A_997 = arith.constant 0 : i32
      %dma_start3A_998 = arith.constant 0 : i32
      %dma_start3A_999 = tpu.memref_slice %arg4[%add3A_968, %dma_start3A_996, %select_n3A_984, %dma_start3A_997, %dma_start3A_998] : memref<200x8x32x8x128xf32, #tpu.memory_space<hbm>> -> memref<1x8x1x8x128xf32, #tpu.memory_space<hbm>>
      %dma_start3A_1000 = tpu.memref_squeeze %dma_start3A_999 : memref<1x8x1x8x128xf32, #tpu.memory_space<hbm>> -> memref<8x8x128xf32, #tpu.memory_space<hbm>>
      %dma_start3A_1001 = arith.constant 0 : i32
      %dma_start3A_1002 = arith.constant 0 : i32
      %dma_start3A_1003 = arith.constant 0 : i32
      %dma_start3A_1004 = tpu.memref_slice %arg7[%dma_start3A_985, %dma_start3A_1001, %dma_start3A_1002, %dma_start3A_1003] : memref<5x8x8x129xf32, #tpu.memory_space<vmem>> -> memref<1x8x8x128xf32, #tpu.memory_space<vmem>>
      %dma_start3A_1005 = tpu.memref_squeeze %dma_start3A_1004 : memref<1x8x8x128xf32, #tpu.memory_space<vmem>> -> memref<8x8x128xf32, #tpu.memory_space<vmem>>
      tpu.enqueue_dma source(%dma_start3A_1005 : memref<8x8x128xf32, #tpu.memory_space<vmem>>) target(%dma_start3A_1000 : memref<8x8x128xf32, #tpu.memory_space<hbm>>) target_semaphore(%arg16 : memref<!tpu.dma_semaphore, #tpu.memory_space<semaphore_mem>>)
      %add3A_1006 = arith.constant 5 : i32
      %add3A_1007 = arith.addi %add3A_814, %add3A_1006 : i32
      %sub3A_1008 = arith.constant 1 : i32
      %sub3A_1009 = arith.subi %add3A_1007, %sub3A_1008 : i32
      %lt3A_1010 = arith.constant 200 : i32
      %lt3A_1011 = arith.cmpi slt, %sub3A_1009, %lt3A_1010 : i32
      %convert_element_type3A_1012 = arith.extui %lt3A_1011 : i1 to i32
      %cond3A_1013 = arith.constant 0 : i32
      %cond3A_1014 = arith.cmpi ne, %convert_element_type3A_1012, %cond3A_1013 : i32
      scf.if %cond3A_1014 {
        %jit3A_1627 = arith.constant 8 : i32
        %div3A_1628 = arith.divsi %sub3A_1009, %jit3A_1627 : i32
        %sign3A_1629 = arith.constant 0 : i32
        %sign3A_1630 = arith.cmpi sgt, %sub3A_1009, %sign3A_1629 : i32
        %sign3A_1631 = arith.extui %sign3A_1630 : i1 to i32
        %sign3A_1632 = arith.constant 0 : i32
        %sign3A_1633 = arith.cmpi slt, %sub3A_1009, %sign3A_1632 : i32
        %sign3A_1634 = arith.extui %sign3A_1633 : i1 to i32
        %sign3A_1635 = arith.subi %sign3A_1631, %sign3A_1634 : i32
        %sign3A_1636 = arith.constant 0 : i32
        %sign3A_1637 = arith.cmpi sgt, %jit3A_1627, %sign3A_1636 : i32
        %sign3A_1638 = arith.extui %sign3A_1637 : i1 to i32
        %sign3A_1639 = arith.constant 0 : i32
        %sign3A_1640 = arith.cmpi slt, %jit3A_1627, %sign3A_1639 : i32
        %sign3A_1641 = arith.extui %sign3A_1640 : i1 to i32
        %sign3A_1642 = arith.subi %sign3A_1638, %sign3A_1641 : i32
        %ne3A_1643 = arith.cmpi ne, %sign3A_1635, %sign3A_1642 : i32
        %rem3A_1644 = arith.remsi %sub3A_1009, %jit3A_1627 : i32
        %ne3A_1645 = arith.constant 0 : i32
        %ne3A_1646 = arith.cmpi ne, %rem3A_1644, %ne3A_1645 : i32
        %and3A_1647 = arith.andi %ne3A_1643, %ne3A_1646 : i1
        %sub3A_1648 = arith.constant 1 : i32
        %sub3A_1649 = arith.subi %div3A_1628, %sub3A_1648 : i32
        %select_n3A_1650 = arith.select %and3A_1647, %sub3A_1649, %div3A_1628 : i32
        %jit3A_1651 = arith.constant 8 : i32
        %eq3A_1652 = arith.constant 0 : i32
        %eq3A_1653 = arith.cmpi eq, %jit3A_1651, %eq3A_1652 : i32
        %jit3A_1654 = arith.constant 1 : i32
        %select_n3A_1655 = arith.select %eq3A_1653, %jit3A_1654, %jit3A_1651 : i32
        %rem3A_1656 = arith.remsi %sub3A_1009, %select_n3A_1655 : i32
        %ne3A_1657 = arith.constant 0 : i32
        %ne3A_1658 = arith.cmpi ne, %rem3A_1656, %ne3A_1657 : i32
        %lt3A_1659 = arith.constant 0 : i32
        %lt3A_1660 = arith.cmpi slt, %rem3A_1656, %lt3A_1659 : i32
        %lt3A_1661 = arith.constant 0 : i32
        %lt3A_1662 = arith.cmpi slt, %select_n3A_1655, %lt3A_1661 : i32
        %ne3A_1663 = arith.xori %lt3A_1660, %lt3A_1662 : i1
        %and3A_1664 = arith.andi %ne3A_1663, %ne3A_1658 : i1
        %add3A_1665 = arith.addi %rem3A_1656, %select_n3A_1655 : i32
        %select_n3A_1666 = arith.select %and3A_1664, %add3A_1665, %rem3A_1656 : i32
        %jit3A_1667 = arith.constant 2 : i32
        %eq3A_1668 = arith.constant 0 : i32
        %eq3A_1669 = arith.cmpi eq, %jit3A_1667, %eq3A_1668 : i32
        %jit3A_1670 = arith.constant 1 : i32
        %select_n3A_1671 = arith.select %eq3A_1669, %jit3A_1670, %jit3A_1667 : i32
        %rem3A_1672 = arith.remsi %select_n3A_1650, %select_n3A_1671 : i32
        %ne3A_1673 = arith.constant 0 : i32
        %ne3A_1674 = arith.cmpi ne, %rem3A_1672, %ne3A_1673 : i32
        %lt3A_1675 = arith.constant 0 : i32
        %lt3A_1676 = arith.cmpi slt, %rem3A_1672, %lt3A_1675 : i32
        %lt3A_1677 = arith.constant 0 : i32
        %lt3A_1678 = arith.cmpi slt, %select_n3A_1671, %lt3A_1677 : i32
        %ne3A_1679 = arith.xori %lt3A_1676, %lt3A_1678 : i1
        %and3A_1680 = arith.andi %ne3A_1679, %ne3A_1674 : i1
        %add3A_1681 = arith.addi %rem3A_1672, %select_n3A_1671 : i32
        %select_n3A_1682 = arith.select %and3A_1680, %add3A_1681, %rem3A_1672 : i32
        %eq3A_1683 = arith.constant 0 : i32
        %eq3A_1684 = arith.cmpi eq, %select_n3A_1666, %eq3A_1683 : i32
        %convert_element_type3A_1685 = arith.extui %eq3A_1684 : i1 to i32
        %cond3A_1686 = arith.constant 0 : i32
        %cond3A_1687 = arith.cmpi ne, %convert_element_type3A_1685, %cond3A_1686 : i32
        scf.if %cond3A_1687 {
          %eq3A_1699 = arith.constant 0 : i32
          %eq3A_1700 = arith.cmpi eq, %select_n3A_1682, %eq3A_1699 : i32
          %convert_element_type3A_1701 = arith.extui %eq3A_1700 : i1 to i32
          %cond3A_1702 = arith.constant 0 : i32
          %cond3A_1703 = arith.cmpi ne, %convert_element_type3A_1701, %cond3A_1702 : i32
          scf.if %cond3A_1703 {
            %add3A_1709 = arith.addi %mul3A_2, %select_n3A_1650 : i32
            %jit3A_1710 = arith.constant 32 : i32
            %div3A_1711 = arith.divsi %add3A_1709, %jit3A_1710 : i32
            %sign3A_1712 = arith.constant 0 : i32
            %sign3A_1713 = arith.cmpi sgt, %add3A_1709, %sign3A_1712 : i32
            %sign3A_1714 = arith.extui %sign3A_1713 : i1 to i32
            %sign3A_1715 = arith.constant 0 : i32
            %sign3A_1716 = arith.cmpi slt, %add3A_1709, %sign3A_1715 : i32
            %sign3A_1717 = arith.extui %sign3A_1716 : i1 to i32
            %sign3A_1718 = arith.subi %sign3A_1714, %sign3A_1717 : i32
            %sign3A_1719 = arith.constant 0 : i32
            %sign3A_1720 = arith.cmpi sgt, %jit3A_1710, %sign3A_1719 : i32
            %sign3A_1721 = arith.extui %sign3A_1720 : i1 to i32
            %sign3A_1722 = arith.constant 0 : i32
            %sign3A_1723 = arith.cmpi slt, %jit3A_1710, %sign3A_1722 : i32
            %sign3A_1724 = arith.extui %sign3A_1723 : i1 to i32
            %sign3A_1725 = arith.subi %sign3A_1721, %sign3A_1724 : i32
            %ne3A_1726 = arith.cmpi ne, %sign3A_1718, %sign3A_1725 : i32
            %rem3A_1727 = arith.remsi %add3A_1709, %jit3A_1710 : i32
            %ne3A_1728 = arith.constant 0 : i32
            %ne3A_1729 = arith.cmpi ne, %rem3A_1727, %ne3A_1728 : i32
            %and3A_1730 = arith.andi %ne3A_1726, %ne3A_1729 : i1
            %sub3A_1731 = arith.constant 1 : i32
            %sub3A_1732 = arith.subi %div3A_1711, %sub3A_1731 : i32
            %select_n3A_1733 = arith.select %and3A_1730, %sub3A_1732, %div3A_1711 : i32
            %jit3A_1734 = arith.constant 32 : i32
            %eq3A_1735 = arith.constant 0 : i32
            %eq3A_1736 = arith.cmpi eq, %jit3A_1734, %eq3A_1735 : i32
            %jit3A_1737 = arith.constant 1 : i32
            %select_n3A_1738 = arith.select %eq3A_1736, %jit3A_1737, %jit3A_1734 : i32
            %rem3A_1739 = arith.remsi %add3A_1709, %select_n3A_1738 : i32
            %ne3A_1740 = arith.constant 0 : i32
            %ne3A_1741 = arith.cmpi ne, %rem3A_1739, %ne3A_1740 : i32
            %lt3A_1742 = arith.constant 0 : i32
            %lt3A_1743 = arith.cmpi slt, %rem3A_1739, %lt3A_1742 : i32
            %lt3A_1744 = arith.constant 0 : i32
            %lt3A_1745 = arith.cmpi slt, %select_n3A_1738, %lt3A_1744 : i32
            %ne3A_1746 = arith.xori %lt3A_1743, %lt3A_1745 : i1
            %and3A_1747 = arith.andi %ne3A_1746, %ne3A_1741 : i1
            %add3A_1748 = arith.addi %rem3A_1739, %select_n3A_1738 : i32
            %select_n3A_1749 = arith.select %and3A_1747, %add3A_1748, %rem3A_1739 : i32
            %dma_wait3A_1750 = arith.constant 0 : i32
            %dma_wait3A_1751 = arith.constant 0 : i32
            %dma_wait3A_1752 = arith.constant 0 : i32
            %dma_wait3A_1753 = tpu.memref_slice %arg5[%dma_wait3A_1750, %dma_wait3A_1751, %dma_wait3A_1752] : memref<2x8x128xi32, #tpu.memory_space<vmem>> -> memref<1x8x128xi32, #tpu.memory_space<vmem>>
            %dma_wait3A_1754 = tpu.memref_squeeze %dma_wait3A_1753 : memref<1x8x128xi32, #tpu.memory_space<vmem>> -> memref<8x128xi32, #tpu.memory_space<vmem>>
            %dma_wait3A_1755 = arith.constant 0 : i32
            %dma_wait3A_1756 = arith.constant 0 : i32
            %dma_wait3A_1757 = tpu.memref_slice %arg3[%select_n3A_1733, %select_n3A_1749, %dma_wait3A_1755, %dma_wait3A_1756] : memref<25x32x8x128xi32, #tpu.memory_space<hbm>> -> memref<1x1x8x128xi32, #tpu.memory_space<hbm>>
            %dma_wait3A_1758 = tpu.memref_squeeze %dma_wait3A_1757 : memref<1x1x8x128xi32, #tpu.memory_space<hbm>> -> memref<8x128xi32, #tpu.memory_space<hbm>>
            %dma_wait3A_1759 = arith.constant 0 : i32
            %dma_wait3A_1760 = arith.constant 0 : i32
            %dma_wait3A_1761 = tpu.memref_slice %arg5[%dma_wait3A_1750, %dma_wait3A_1759, %dma_wait3A_1760] : memref<2x8x128xi32, #tpu.memory_space<vmem>> -> memref<1x8x128xi32, #tpu.memory_space<vmem>>
            %dma_wait3A_1762 = tpu.memref_squeeze %dma_wait3A_1761 : memref<1x8x128xi32, #tpu.memory_space<vmem>> -> memref<8x128xi32, #tpu.memory_space<vmem>>
            %dma_wait3A_1763 = arith.constant 0 : i32
            %dma_wait3A_1764 = arith.constant 0 : i32
            %dma_wait3A_1765 = tpu.memref_slice %arg3[%select_n3A_1733, %select_n3A_1749, %dma_wait3A_1763, %dma_wait3A_1764] : memref<25x32x8x128xi32, #tpu.memory_space<hbm>> -> memref<1x1x8x128xi32, #tpu.memory_space<hbm>>
            %dma_wait3A_1766 = tpu.memref_squeeze %dma_wait3A_1765 : memref<1x1x8x128xi32, #tpu.memory_space<hbm>> -> memref<8x128xi32, #tpu.memory_space<hbm>>
            tpu.wait_dma2 semaphore(%arg8 : memref<!tpu.dma_semaphore, #tpu.memory_space<semaphore_mem>>) src(%dma_wait3A_1766 : memref<8x128xi32, #tpu.memory_space<hbm>>) dst(%dma_wait3A_1762 : memref<8x128xi32, #tpu.memory_space<vmem>>)
          } else {
          }
          %eq3A_1704 = arith.constant 1 : i32
          %eq3A_1705 = arith.cmpi eq, %select_n3A_1682, %eq3A_1704 : i32
          %convert_element_type3A_1706 = arith.extui %eq3A_1705 : i1 to i32
          %cond3A_1707 = arith.constant 0 : i32
          %cond3A_1708 = arith.cmpi ne, %convert_element_type3A_1706, %cond3A_1707 : i32
          scf.if %cond3A_1708 {
            %add3A_1709 = arith.addi %mul3A_2, %select_n3A_1650 : i32
            %jit3A_1710 = arith.constant 32 : i32
            %div3A_1711 = arith.divsi %add3A_1709, %jit3A_1710 : i32
            %sign3A_1712 = arith.constant 0 : i32
            %sign3A_1713 = arith.cmpi sgt, %add3A_1709, %sign3A_1712 : i32
            %sign3A_1714 = arith.extui %sign3A_1713 : i1 to i32
            %sign3A_1715 = arith.constant 0 : i32
            %sign3A_1716 = arith.cmpi slt, %add3A_1709, %sign3A_1715 : i32
            %sign3A_1717 = arith.extui %sign3A_1716 : i1 to i32
            %sign3A_1718 = arith.subi %sign3A_1714, %sign3A_1717 : i32
            %sign3A_1719 = arith.constant 0 : i32
            %sign3A_1720 = arith.cmpi sgt, %jit3A_1710, %sign3A_1719 : i32
            %sign3A_1721 = arith.extui %sign3A_1720 : i1 to i32
            %sign3A_1722 = arith.constant 0 : i32
            %sign3A_1723 = arith.cmpi slt, %jit3A_1710, %sign3A_1722 : i32
            %sign3A_1724 = arith.extui %sign3A_1723 : i1 to i32
            %sign3A_1725 = arith.subi %sign3A_1721, %sign3A_1724 : i32
            %ne3A_1726 = arith.cmpi ne, %sign3A_1718, %sign3A_1725 : i32
            %rem3A_1727 = arith.remsi %add3A_1709, %jit3A_1710 : i32
            %ne3A_1728 = arith.constant 0 : i32
            %ne3A_1729 = arith.cmpi ne, %rem3A_1727, %ne3A_1728 : i32
            %and3A_1730 = arith.andi %ne3A_1726, %ne3A_1729 : i1
            %sub3A_1731 = arith.constant 1 : i32
            %sub3A_1732 = arith.subi %div3A_1711, %sub3A_1731 : i32
            %select_n3A_1733 = arith.select %and3A_1730, %sub3A_1732, %div3A_1711 : i32
            %jit3A_1734 = arith.constant 32 : i32
            %eq3A_1735 = arith.constant 0 : i32
            %eq3A_1736 = arith.cmpi eq, %jit3A_1734, %eq3A_1735 : i32
            %jit3A_1737 = arith.constant 1 : i32
            %select_n3A_1738 = arith.select %eq3A_1736, %jit3A_1737, %jit3A_1734 : i32
            %rem3A_1739 = arith.remsi %add3A_1709, %select_n3A_1738 : i32
            %ne3A_1740 = arith.constant 0 : i32
            %ne3A_1741 = arith.cmpi ne, %rem3A_1739, %ne3A_1740 : i32
            %lt3A_1742 = arith.constant 0 : i32
            %lt3A_1743 = arith.cmpi slt, %rem3A_1739, %lt3A_1742 : i32
            %lt3A_1744 = arith.constant 0 : i32
            %lt3A_1745 = arith.cmpi slt, %select_n3A_1738, %lt3A_1744 : i32
            %ne3A_1746 = arith.xori %lt3A_1743, %lt3A_1745 : i1
            %and3A_1747 = arith.andi %ne3A_1746, %ne3A_1741 : i1
            %add3A_1748 = arith.addi %rem3A_1739, %select_n3A_1738 : i32
            %select_n3A_1749 = arith.select %and3A_1747, %add3A_1748, %rem3A_1739 : i32
            %dma_wait3A_1750 = arith.constant 1 : i32
            %dma_wait3A_1751 = arith.constant 0 : i32
            %dma_wait3A_1752 = arith.constant 0 : i32
            %dma_wait3A_1753 = tpu.memref_slice %arg5[%dma_wait3A_1750, %dma_wait3A_1751, %dma_wait3A_1752] : memref<2x8x128xi32, #tpu.memory_space<vmem>> -> memref<1x8x128xi32, #tpu.memory_space<vmem>>
            %dma_wait3A_1754 = tpu.memref_squeeze %dma_wait3A_1753 : memref<1x8x128xi32, #tpu.memory_space<vmem>> -> memref<8x128xi32, #tpu.memory_space<vmem>>
            %dma_wait3A_1755 = arith.constant 0 : i32
            %dma_wait3A_1756 = arith.constant 0 : i32
            %dma_wait3A_1757 = tpu.memref_slice %arg3[%select_n3A_1733, %select_n3A_1749, %dma_wait3A_1755, %dma_wait3A_1756] : memref<25x32x8x128xi32, #tpu.memory_space<hbm>> -> memref<1x1x8x128xi32, #tpu.memory_space<hbm>>
            %dma_wait3A_1758 = tpu.memref_squeeze %dma_wait3A_1757 : memref<1x1x8x128xi32, #tpu.memory_space<hbm>> -> memref<8x128xi32, #tpu.memory_space<hbm>>
            %dma_wait3A_1759 = arith.constant 0 : i32
            %dma_wait3A_1760 = arith.constant 0 : i32
            %dma_wait3A_1761 = tpu.memref_slice %arg5[%dma_wait3A_1750, %dma_wait3A_1759, %dma_wait3A_1760] : memref<2x8x128xi32, #tpu.memory_space<vmem>> -> memref<1x8x128xi32, #tpu.memory_space<vmem>>
            %dma_wait3A_1762 = tpu.memref_squeeze %dma_wait3A_1761 : memref<1x8x128xi32, #tpu.memory_space<vmem>> -> memref<8x128xi32, #tpu.memory_space<vmem>>
            %dma_wait3A_1763 = arith.constant 0 : i32
            %dma_wait3A_1764 = arith.constant 0 : i32
            %dma_wait3A_1765 = tpu.memref_slice %arg3[%select_n3A_1733, %select_n3A_1749, %dma_wait3A_1763, %dma_wait3A_1764] : memref<25x32x8x128xi32, #tpu.memory_space<hbm>> -> memref<1x1x8x128xi32, #tpu.memory_space<hbm>>
            %dma_wait3A_1766 = tpu.memref_squeeze %dma_wait3A_1765 : memref<1x1x8x128xi32, #tpu.memory_space<hbm>> -> memref<8x128xi32, #tpu.memory_space<hbm>>
            tpu.wait_dma2 semaphore(%arg9 : memref<!tpu.dma_semaphore, #tpu.memory_space<semaphore_mem>>) src(%dma_wait3A_1766 : memref<8x128xi32, #tpu.memory_space<hbm>>) dst(%dma_wait3A_1762 : memref<8x128xi32, #tpu.memory_space<vmem>>)
          } else {
          }
        } else {
        }
        %dma_start3A_1688 = arith.constant 0 : i32
        %dma_start3A_1689 = arith.constant 0 : i32
        %dma_start3A_1690 = arith.constant 0 : i32
        %dma_start3A_1691 = tpu.memref_slice %arg6[%dma_start3A_1688, %dma_start3A_1689, %dma_start3A_1690] : memref<5x128x64xf32, #tpu.memory_space<vmem>> -> memref<1x128x64xf32, #tpu.memory_space<vmem>>
        %dma_start3A_1692 = tpu.memref_squeeze %dma_start3A_1691 : memref<1x128x64xf32, #tpu.memory_space<vmem>> -> memref<128x64xf32, #tpu.memory_space<vmem>>
        %dma_start3A_1693 = arith.constant 0 : i32
        %dma_start3A_1694 = tpu.memref_slice %arg5[%select_n3A_1682, %select_n3A_1666, %dma_start3A_1693] : memref<2x8x128xi32, #tpu.memory_space<vmem>> -> memref<1x1x128xi32, #tpu.memory_space<vmem>>
        %dma_start3A_1695 = tpu.memref_squeeze %dma_start3A_1694 : memref<1x1x128xi32, #tpu.memory_space<vmem>> -> memref<128xi32, #tpu.memory_space<vmem>>
        %dma_start3A_1696 = arith.constant 0 : i32
        %dma_start3A_1697 = arith.constant 0 : i32
        %dma_start3A_1698 = tpu.memref_slice %arg2[%dma_start3A_1696, %dma_start3A_1697] : memref<1000000x64xf32, #tpu.memory_space<hbm>> -> memref<1000000x64xf32, #tpu.memory_space<hbm>>
        tpu.enqueue_indirect_dma source(%dma_start3A_1698 : memref<1000000x64xf32, #tpu.memory_space<hbm>>) target(%dma_start3A_1692 : memref<128x64xf32, #tpu.memory_space<vmem>>) offsets(%dma_start3A_1695 : memref<128xi32, #tpu.memory_space<vmem>>) semaphore(%arg10 : memref<!tpu.dma_semaphore, #tpu.memory_space<semaphore_mem>>)
      } else {
      }
      %mul3A_1015 = arith.constant 5 : i32
      %mul3A_1016 = arith.muli %scan3A_610, %mul3A_1015 : i32
      %add3A_1017 = arith.constant 2 : i32
      %add3A_1018 = arith.addi %mul3A_1016, %add3A_1017 : i32
      %jit3A_1019 = arith.constant 8 : i32
      %div3A_1020 = arith.divsi %add3A_1018, %jit3A_1019 : i32
      %sign3A_1021 = arith.constant 0 : i32
      %sign3A_1022 = arith.cmpi sgt, %add3A_1018, %sign3A_1021 : i32
      %sign3A_1023 = arith.extui %sign3A_1022 : i1 to i32
      %sign3A_1024 = arith.constant 0 : i32
      %sign3A_1025 = arith.cmpi slt, %add3A_1018, %sign3A_1024 : i32
      %sign3A_1026 = arith.extui %sign3A_1025 : i1 to i32
      %sign3A_1027 = arith.subi %sign3A_1023, %sign3A_1026 : i32
      %sign3A_1028 = arith.constant 0 : i32
      %sign3A_1029 = arith.cmpi sgt, %jit3A_1019, %sign3A_1028 : i32
      %sign3A_1030 = arith.extui %sign3A_1029 : i1 to i32
      %sign3A_1031 = arith.constant 0 : i32
      %sign3A_1032 = arith.cmpi slt, %jit3A_1019, %sign3A_1031 : i32
      %sign3A_1033 = arith.extui %sign3A_1032 : i1 to i32
      %sign3A_1034 = arith.subi %sign3A_1030, %sign3A_1033 : i32
      %ne3A_1035 = arith.cmpi ne, %sign3A_1027, %sign3A_1034 : i32
      %rem3A_1036 = arith.remsi %add3A_1018, %jit3A_1019 : i32
      %ne3A_1037 = arith.constant 0 : i32
      %ne3A_1038 = arith.cmpi ne, %rem3A_1036, %ne3A_1037 : i32
      %and3A_1039 = arith.andi %ne3A_1035, %ne3A_1038 : i1
      %sub3A_1040 = arith.constant 1 : i32
      %sub3A_1041 = arith.subi %div3A_1020, %sub3A_1040 : i32
      %select_n3A_1042 = arith.select %and3A_1039, %sub3A_1041, %div3A_1020 : i32
      %jit3A_1043 = arith.constant 8 : i32
      %eq3A_1044 = arith.constant 0 : i32
      %eq3A_1045 = arith.cmpi eq, %jit3A_1043, %eq3A_1044 : i32
      %jit3A_1046 = arith.constant 1 : i32
      %select_n3A_1047 = arith.select %eq3A_1045, %jit3A_1046, %jit3A_1043 : i32
      %rem3A_1048 = arith.remsi %add3A_1018, %select_n3A_1047 : i32
      %ne3A_1049 = arith.constant 0 : i32
      %ne3A_1050 = arith.cmpi ne, %rem3A_1048, %ne3A_1049 : i32
      %lt3A_1051 = arith.constant 0 : i32
      %lt3A_1052 = arith.cmpi slt, %rem3A_1048, %lt3A_1051 : i32
      %lt3A_1053 = arith.constant 0 : i32
      %lt3A_1054 = arith.cmpi slt, %select_n3A_1047, %lt3A_1053 : i32
      %ne3A_1055 = arith.xori %lt3A_1052, %lt3A_1054 : i1
      %and3A_1056 = arith.andi %ne3A_1055, %ne3A_1050 : i1
      %add3A_1057 = arith.addi %rem3A_1048, %select_n3A_1047 : i32
      %select_n3A_1058 = arith.select %and3A_1056, %add3A_1057, %rem3A_1048 : i32
      %jit3A_1059 = arith.constant 2 : i32
      %eq3A_1060 = arith.constant 0 : i32
      %eq3A_1061 = arith.cmpi eq, %jit3A_1059, %eq3A_1060 : i32
      %jit3A_1062 = arith.constant 1 : i32
      %select_n3A_1063 = arith.select %eq3A_1061, %jit3A_1062, %jit3A_1059 : i32
      %rem3A_1064 = arith.remsi %select_n3A_1042, %select_n3A_1063 : i32
      %ne3A_1065 = arith.constant 0 : i32
      %ne3A_1066 = arith.cmpi ne, %rem3A_1064, %ne3A_1065 : i32
      %lt3A_1067 = arith.constant 0 : i32
      %lt3A_1068 = arith.cmpi slt, %rem3A_1064, %lt3A_1067 : i32
      %lt3A_1069 = arith.constant 0 : i32
      %lt3A_1070 = arith.cmpi slt, %select_n3A_1063, %lt3A_1069 : i32
      %ne3A_1071 = arith.xori %lt3A_1068, %lt3A_1070 : i1
      %and3A_1072 = arith.andi %ne3A_1071, %ne3A_1066 : i1
      %add3A_1073 = arith.addi %rem3A_1064, %select_n3A_1063 : i32
      %select_n3A_1074 = arith.select %and3A_1072, %add3A_1073, %rem3A_1064 : i32
      %dma_wait3A_1075 = arith.constant 2 : i32
      %dma_wait3A_1076 = arith.constant 0 : i32
      %dma_wait3A_1077 = arith.constant 0 : i32
      %dma_wait3A_1078 = tpu.memref_slice %arg6[%dma_wait3A_1075, %dma_wait3A_1076, %dma_wait3A_1077] : memref<5x128x64xf32, #tpu.memory_space<vmem>> -> memref<1x128x64xf32, #tpu.memory_space<vmem>>
      %dma_wait3A_1079 = tpu.memref_squeeze %dma_wait3A_1078 : memref<1x128x64xf32, #tpu.memory_space<vmem>> -> memref<128x64xf32, #tpu.memory_space<vmem>>
      %dma_wait3A_1080 = arith.constant 0 : i32
      %dma_wait3A_1081 = tpu.memref_slice %arg5[%select_n3A_1074, %select_n3A_1058, %dma_wait3A_1080] : memref<2x8x128xi32, #tpu.memory_space<vmem>> -> memref<1x1x128xi32, #tpu.memory_space<vmem>>
      %dma_wait3A_1082 = tpu.memref_squeeze %dma_wait3A_1081 : memref<1x1x128xi32, #tpu.memory_space<vmem>> -> memref<128xi32, #tpu.memory_space<vmem>>
      %dma_wait3A_1083 = arith.constant 0 : i32
      %dma_wait3A_1084 = arith.constant 0 : i32
      %dma_wait3A_1085 = tpu.memref_slice %arg2[%dma_wait3A_1083, %dma_wait3A_1084] : memref<1000000x64xf32, #tpu.memory_space<hbm>> -> memref<1000000x64xf32, #tpu.memory_space<hbm>>
      tpu.wait_indirect_dma semaphore(%arg12 : memref<!tpu.dma_semaphore, #tpu.memory_space<semaphore_mem>>) src(%dma_wait3A_1085 : memref<1000000x64xf32, #tpu.memory_space<hbm>>) dst(%dma_wait3A_1079 : memref<128x64xf32, #tpu.memory_space<vmem>>)
      %eq3A_1086 = arith.constant 7 : i32
      %eq3A_1087 = arith.cmpi eq, %select_n3A_1058, %eq3A_1086 : i32
      %add3A_1088 = arith.constant 2 : i32
      %add3A_1089 = arith.addi %select_n3A_1042, %add3A_1088 : i32
      %lt3A_1090 = arith.constant 25 : i32
      %lt3A_1091 = arith.cmpi slt, %add3A_1089, %lt3A_1090 : i32
      %and3A_1092 = arith.andi %eq3A_1087, %lt3A_1091 : i1
      %convert_element_type3A_1093 = arith.extui %and3A_1092 : i1 to i32
      %cond3A_1094 = arith.constant 0 : i32
      %cond3A_1095 = arith.cmpi ne, %convert_element_type3A_1093, %cond3A_1094 : i32
      scf.if %cond3A_1095 {
        %eq3A_1627 = arith.constant 0 : i32
        %eq3A_1628 = arith.cmpi eq, %select_n3A_1074, %eq3A_1627 : i32
        %convert_element_type3A_1629 = arith.extui %eq3A_1628 : i1 to i32
        %cond3A_1630 = arith.constant 0 : i32
        %cond3A_1631 = arith.cmpi ne, %convert_element_type3A_1629, %cond3A_1630 : i32
        scf.if %cond3A_1631 {
          %add3A_1637 = arith.addi %mul3A_2, %select_n3A_1042 : i32
          %add3A_1638 = arith.constant 2 : i32
          %add3A_1639 = arith.addi %add3A_1637, %add3A_1638 : i32
          %jit3A_1640 = arith.constant 32 : i32
          %div3A_1641 = arith.divsi %add3A_1639, %jit3A_1640 : i32
          %sign3A_1642 = arith.constant 0 : i32
          %sign3A_1643 = arith.cmpi sgt, %add3A_1639, %sign3A_1642 : i32
          %sign3A_1644 = arith.extui %sign3A_1643 : i1 to i32
          %sign3A_1645 = arith.constant 0 : i32
          %sign3A_1646 = arith.cmpi slt, %add3A_1639, %sign3A_1645 : i32
          %sign3A_1647 = arith.extui %sign3A_1646 : i1 to i32
          %sign3A_1648 = arith.subi %sign3A_1644, %sign3A_1647 : i32
          %sign3A_1649 = arith.constant 0 : i32
          %sign3A_1650 = arith.cmpi sgt, %jit3A_1640, %sign3A_1649 : i32
          %sign3A_1651 = arith.extui %sign3A_1650 : i1 to i32
          %sign3A_1652 = arith.constant 0 : i32
          %sign3A_1653 = arith.cmpi slt, %jit3A_1640, %sign3A_1652 : i32
          %sign3A_1654 = arith.extui %sign3A_1653 : i1 to i32
          %sign3A_1655 = arith.subi %sign3A_1651, %sign3A_1654 : i32
          %ne3A_1656 = arith.cmpi ne, %sign3A_1648, %sign3A_1655 : i32
          %rem3A_1657 = arith.remsi %add3A_1639, %jit3A_1640 : i32
          %ne3A_1658 = arith.constant 0 : i32
          %ne3A_1659 = arith.cmpi ne, %rem3A_1657, %ne3A_1658 : i32
          %and3A_1660 = arith.andi %ne3A_1656, %ne3A_1659 : i1
          %sub3A_1661 = arith.constant 1 : i32
          %sub3A_1662 = arith.subi %div3A_1641, %sub3A_1661 : i32
          %select_n3A_1663 = arith.select %and3A_1660, %sub3A_1662, %div3A_1641 : i32
          %jit3A_1664 = arith.constant 32 : i32
          %eq3A_1665 = arith.constant 0 : i32
          %eq3A_1666 = arith.cmpi eq, %jit3A_1664, %eq3A_1665 : i32
          %jit3A_1667 = arith.constant 1 : i32
          %select_n3A_1668 = arith.select %eq3A_1666, %jit3A_1667, %jit3A_1664 : i32
          %rem3A_1669 = arith.remsi %add3A_1639, %select_n3A_1668 : i32
          %ne3A_1670 = arith.constant 0 : i32
          %ne3A_1671 = arith.cmpi ne, %rem3A_1669, %ne3A_1670 : i32
          %lt3A_1672 = arith.constant 0 : i32
          %lt3A_1673 = arith.cmpi slt, %rem3A_1669, %lt3A_1672 : i32
          %lt3A_1674 = arith.constant 0 : i32
          %lt3A_1675 = arith.cmpi slt, %select_n3A_1668, %lt3A_1674 : i32
          %ne3A_1676 = arith.xori %lt3A_1673, %lt3A_1675 : i1
          %and3A_1677 = arith.andi %ne3A_1676, %ne3A_1671 : i1
          %add3A_1678 = arith.addi %rem3A_1669, %select_n3A_1668 : i32
          %select_n3A_1679 = arith.select %and3A_1677, %add3A_1678, %rem3A_1669 : i32
          %dma_start3A_1680 = arith.constant 0 : i32
          %dma_start3A_1681 = arith.constant 0 : i32
          %dma_start3A_1682 = arith.constant 0 : i32
          %dma_start3A_1683 = tpu.memref_slice %arg5[%dma_start3A_1680, %dma_start3A_1681, %dma_start3A_1682] : memref<2x8x128xi32, #tpu.memory_space<vmem>> -> memref<1x8x128xi32, #tpu.memory_space<vmem>>
          %dma_start3A_1684 = tpu.memref_squeeze %dma_start3A_1683 : memref<1x8x128xi32, #tpu.memory_space<vmem>> -> memref<8x128xi32, #tpu.memory_space<vmem>>
          %dma_start3A_1685 = arith.constant 0 : i32
          %dma_start3A_1686 = arith.constant 0 : i32
          %dma_start3A_1687 = tpu.memref_slice %arg3[%select_n3A_1663, %select_n3A_1679, %dma_start3A_1685, %dma_start3A_1686] : memref<25x32x8x128xi32, #tpu.memory_space<hbm>> -> memref<1x1x8x128xi32, #tpu.memory_space<hbm>>
          %dma_start3A_1688 = tpu.memref_squeeze %dma_start3A_1687 : memref<1x1x8x128xi32, #tpu.memory_space<hbm>> -> memref<8x128xi32, #tpu.memory_space<hbm>>
          %dma_start3A_1689 = arith.constant 0 : i32
          %dma_start3A_1690 = arith.constant 0 : i32
          %dma_start3A_1691 = tpu.memref_slice %arg5[%dma_start3A_1680, %dma_start3A_1689, %dma_start3A_1690] : memref<2x8x128xi32, #tpu.memory_space<vmem>> -> memref<1x8x128xi32, #tpu.memory_space<vmem>>
          %dma_start3A_1692 = tpu.memref_squeeze %dma_start3A_1691 : memref<1x8x128xi32, #tpu.memory_space<vmem>> -> memref<8x128xi32, #tpu.memory_space<vmem>>
          %dma_start3A_1693 = arith.constant 0 : i32
          %dma_start3A_1694 = arith.constant 0 : i32
          %dma_start3A_1695 = tpu.memref_slice %arg3[%select_n3A_1663, %select_n3A_1679, %dma_start3A_1693, %dma_start3A_1694] : memref<25x32x8x128xi32, #tpu.memory_space<hbm>> -> memref<1x1x8x128xi32, #tpu.memory_space<hbm>>
          %dma_start3A_1696 = tpu.memref_squeeze %dma_start3A_1695 : memref<1x1x8x128xi32, #tpu.memory_space<hbm>> -> memref<8x128xi32, #tpu.memory_space<hbm>>
          tpu.enqueue_dma source(%dma_start3A_1696 : memref<8x128xi32, #tpu.memory_space<hbm>>) target(%dma_start3A_1692 : memref<8x128xi32, #tpu.memory_space<vmem>>) target_semaphore(%arg8 : memref<!tpu.dma_semaphore, #tpu.memory_space<semaphore_mem>>)
        } else {
        }
        %eq3A_1632 = arith.constant 1 : i32
        %eq3A_1633 = arith.cmpi eq, %select_n3A_1074, %eq3A_1632 : i32
        %convert_element_type3A_1634 = arith.extui %eq3A_1633 : i1 to i32
        %cond3A_1635 = arith.constant 0 : i32
        %cond3A_1636 = arith.cmpi ne, %convert_element_type3A_1634, %cond3A_1635 : i32
        scf.if %cond3A_1636 {
          %add3A_1637 = arith.addi %mul3A_2, %select_n3A_1042 : i32
          %add3A_1638 = arith.constant 2 : i32
          %add3A_1639 = arith.addi %add3A_1637, %add3A_1638 : i32
          %jit3A_1640 = arith.constant 32 : i32
          %div3A_1641 = arith.divsi %add3A_1639, %jit3A_1640 : i32
          %sign3A_1642 = arith.constant 0 : i32
          %sign3A_1643 = arith.cmpi sgt, %add3A_1639, %sign3A_1642 : i32
          %sign3A_1644 = arith.extui %sign3A_1643 : i1 to i32
          %sign3A_1645 = arith.constant 0 : i32
          %sign3A_1646 = arith.cmpi slt, %add3A_1639, %sign3A_1645 : i32
          %sign3A_1647 = arith.extui %sign3A_1646 : i1 to i32
          %sign3A_1648 = arith.subi %sign3A_1644, %sign3A_1647 : i32
          %sign3A_1649 = arith.constant 0 : i32
          %sign3A_1650 = arith.cmpi sgt, %jit3A_1640, %sign3A_1649 : i32
          %sign3A_1651 = arith.extui %sign3A_1650 : i1 to i32
          %sign3A_1652 = arith.constant 0 : i32
          %sign3A_1653 = arith.cmpi slt, %jit3A_1640, %sign3A_1652 : i32
          %sign3A_1654 = arith.extui %sign3A_1653 : i1 to i32
          %sign3A_1655 = arith.subi %sign3A_1651, %sign3A_1654 : i32
          %ne3A_1656 = arith.cmpi ne, %sign3A_1648, %sign3A_1655 : i32
          %rem3A_1657 = arith.remsi %add3A_1639, %jit3A_1640 : i32
          %ne3A_1658 = arith.constant 0 : i32
          %ne3A_1659 = arith.cmpi ne, %rem3A_1657, %ne3A_1658 : i32
          %and3A_1660 = arith.andi %ne3A_1656, %ne3A_1659 : i1
          %sub3A_1661 = arith.constant 1 : i32
          %sub3A_1662 = arith.subi %div3A_1641, %sub3A_1661 : i32
          %select_n3A_1663 = arith.select %and3A_1660, %sub3A_1662, %div3A_1641 : i32
          %jit3A_1664 = arith.constant 32 : i32
          %eq3A_1665 = arith.constant 0 : i32
          %eq3A_1666 = arith.cmpi eq, %jit3A_1664, %eq3A_1665 : i32
          %jit3A_1667 = arith.constant 1 : i32
          %select_n3A_1668 = arith.select %eq3A_1666, %jit3A_1667, %jit3A_1664 : i32
          %rem3A_1669 = arith.remsi %add3A_1639, %select_n3A_1668 : i32
          %ne3A_1670 = arith.constant 0 : i32
          %ne3A_1671 = arith.cmpi ne, %rem3A_1669, %ne3A_1670 : i32
          %lt3A_1672 = arith.constant 0 : i32
          %lt3A_1673 = arith.cmpi slt, %rem3A_1669, %lt3A_1672 : i32
          %lt3A_1674 = arith.constant 0 : i32
          %lt3A_1675 = arith.cmpi slt, %select_n3A_1668, %lt3A_1674 : i32
          %ne3A_1676 = arith.xori %lt3A_1673, %lt3A_1675 : i1
          %and3A_1677 = arith.andi %ne3A_1676, %ne3A_1671 : i1
          %add3A_1678 = arith.addi %rem3A_1669, %select_n3A_1668 : i32
          %select_n3A_1679 = arith.select %and3A_1677, %add3A_1678, %rem3A_1669 : i32
          %dma_start3A_1680 = arith.constant 1 : i32
          %dma_start3A_1681 = arith.constant 0 : i32
          %dma_start3A_1682 = arith.constant 0 : i32
          %dma_start3A_1683 = tpu.memref_slice %arg5[%dma_start3A_1680, %dma_start3A_1681, %dma_start3A_1682] : memref<2x8x128xi32, #tpu.memory_space<vmem>> -> memref<1x8x128xi32, #tpu.memory_space<vmem>>
          %dma_start3A_1684 = tpu.memref_squeeze %dma_start3A_1683 : memref<1x8x128xi32, #tpu.memory_space<vmem>> -> memref<8x128xi32, #tpu.memory_space<vmem>>
          %dma_start3A_1685 = arith.constant 0 : i32
          %dma_start3A_1686 = arith.constant 0 : i32
          %dma_start3A_1687 = tpu.memref_slice %arg3[%select_n3A_1663, %select_n3A_1679, %dma_start3A_1685, %dma_start3A_1686] : memref<25x32x8x128xi32, #tpu.memory_space<hbm>> -> memref<1x1x8x128xi32, #tpu.memory_space<hbm>>
          %dma_start3A_1688 = tpu.memref_squeeze %dma_start3A_1687 : memref<1x1x8x128xi32, #tpu.memory_space<hbm>> -> memref<8x128xi32, #tpu.memory_space<hbm>>
          %dma_start3A_1689 = arith.constant 0 : i32
          %dma_start3A_1690 = arith.constant 0 : i32
          %dma_start3A_1691 = tpu.memref_slice %arg5[%dma_start3A_1680, %dma_start3A_1689, %dma_start3A_1690] : memref<2x8x128xi32, #tpu.memory_space<vmem>> -> memref<1x8x128xi32, #tpu.memory_space<vmem>>
          %dma_start3A_1692 = tpu.memref_squeeze %dma_start3A_1691 : memref<1x8x128xi32, #tpu.memory_space<vmem>> -> memref<8x128xi32, #tpu.memory_space<vmem>>
          %dma_start3A_1693 = arith.constant 0 : i32
          %dma_start3A_1694 = arith.constant 0 : i32
          %dma_start3A_1695 = tpu.memref_slice %arg3[%select_n3A_1663, %select_n3A_1679, %dma_start3A_1693, %dma_start3A_1694] : memref<25x32x8x128xi32, #tpu.memory_space<hbm>> -> memref<1x1x8x128xi32, #tpu.memory_space<hbm>>
          %dma_start3A_1696 = tpu.memref_squeeze %dma_start3A_1695 : memref<1x1x8x128xi32, #tpu.memory_space<hbm>> -> memref<8x128xi32, #tpu.memory_space<hbm>>
          tpu.enqueue_dma source(%dma_start3A_1696 : memref<8x128xi32, #tpu.memory_space<hbm>>) target(%dma_start3A_1692 : memref<8x128xi32, #tpu.memory_space<vmem>>) target_semaphore(%arg9 : memref<!tpu.dma_semaphore, #tpu.memory_space<semaphore_mem>>)
        } else {
        }
      } else {
      }
      %gt3A_1096 = arith.constant 0 : i32
      %gt3A_1097 = arith.cmpi sgt, %scan3A_610, %gt3A_1096 : i32
      %convert_element_type3A_1098 = arith.extui %gt3A_1097 : i1 to i32
      %cond3A_1099 = arith.constant 0 : i32
      %cond3A_1100 = arith.cmpi ne, %convert_element_type3A_1098, %cond3A_1099 : i32
      scf.if %cond3A_1100 {
        %sub3A_1627 = arith.constant 5 : i32
        %sub3A_1628 = arith.subi %add3A_1018, %sub3A_1627 : i32
        %jit3A_1629 = arith.constant 8 : i32
        %div3A_1630 = arith.divsi %sub3A_1628, %jit3A_1629 : i32
        %sign3A_1631 = arith.constant 0 : i32
        %sign3A_1632 = arith.cmpi sgt, %sub3A_1628, %sign3A_1631 : i32
        %sign3A_1633 = arith.extui %sign3A_1632 : i1 to i32
        %sign3A_1634 = arith.constant 0 : i32
        %sign3A_1635 = arith.cmpi slt, %sub3A_1628, %sign3A_1634 : i32
        %sign3A_1636 = arith.extui %sign3A_1635 : i1 to i32
        %sign3A_1637 = arith.subi %sign3A_1633, %sign3A_1636 : i32
        %sign3A_1638 = arith.constant 0 : i32
        %sign3A_1639 = arith.cmpi sgt, %jit3A_1629, %sign3A_1638 : i32
        %sign3A_1640 = arith.extui %sign3A_1639 : i1 to i32
        %sign3A_1641 = arith.constant 0 : i32
        %sign3A_1642 = arith.cmpi slt, %jit3A_1629, %sign3A_1641 : i32
        %sign3A_1643 = arith.extui %sign3A_1642 : i1 to i32
        %sign3A_1644 = arith.subi %sign3A_1640, %sign3A_1643 : i32
        %ne3A_1645 = arith.cmpi ne, %sign3A_1637, %sign3A_1644 : i32
        %rem3A_1646 = arith.remsi %sub3A_1628, %jit3A_1629 : i32
        %ne3A_1647 = arith.constant 0 : i32
        %ne3A_1648 = arith.cmpi ne, %rem3A_1646, %ne3A_1647 : i32
        %and3A_1649 = arith.andi %ne3A_1645, %ne3A_1648 : i1
        %sub3A_1650 = arith.constant 1 : i32
        %sub3A_1651 = arith.subi %div3A_1630, %sub3A_1650 : i32
        %select_n3A_1652 = arith.select %and3A_1649, %sub3A_1651, %div3A_1630 : i32
        %add3A_1653 = arith.addi %mul3A_2, %select_n3A_1652 : i32
        %jit3A_1654 = arith.constant 32 : i32
        %div3A_1655 = arith.divsi %add3A_1653, %jit3A_1654 : i32
        %sign3A_1656 = arith.constant 0 : i32
        %sign3A_1657 = arith.cmpi sgt, %add3A_1653, %sign3A_1656 : i32
        %sign3A_1658 = arith.extui %sign3A_1657 : i1 to i32
        %sign3A_1659 = arith.constant 0 : i32
        %sign3A_1660 = arith.cmpi slt, %add3A_1653, %sign3A_1659 : i32
        %sign3A_1661 = arith.extui %sign3A_1660 : i1 to i32
        %sign3A_1662 = arith.subi %sign3A_1658, %sign3A_1661 : i32
        %sign3A_1663 = arith.constant 0 : i32
        %sign3A_1664 = arith.cmpi sgt, %jit3A_1654, %sign3A_1663 : i32
        %sign3A_1665 = arith.extui %sign3A_1664 : i1 to i32
        %sign3A_1666 = arith.constant 0 : i32
        %sign3A_1667 = arith.cmpi slt, %jit3A_1654, %sign3A_1666 : i32
        %sign3A_1668 = arith.extui %sign3A_1667 : i1 to i32
        %sign3A_1669 = arith.subi %sign3A_1665, %sign3A_1668 : i32
        %ne3A_1670 = arith.cmpi ne, %sign3A_1662, %sign3A_1669 : i32
        %rem3A_1671 = arith.remsi %add3A_1653, %jit3A_1654 : i32
        %ne3A_1672 = arith.constant 0 : i32
        %ne3A_1673 = arith.cmpi ne, %rem3A_1671, %ne3A_1672 : i32
        %and3A_1674 = arith.andi %ne3A_1670, %ne3A_1673 : i1
        %sub3A_1675 = arith.constant 1 : i32
        %sub3A_1676 = arith.subi %div3A_1655, %sub3A_1675 : i32
        %select_n3A_1677 = arith.select %and3A_1674, %sub3A_1676, %div3A_1655 : i32
        %mul3A_1678 = arith.constant 8 : i32
        %mul3A_1679 = arith.muli %select_n3A_1677, %mul3A_1678 : i32
        %jit3A_1680 = arith.constant 8 : i32
        %eq3A_1681 = arith.constant 0 : i32
        %eq3A_1682 = arith.cmpi eq, %jit3A_1680, %eq3A_1681 : i32
        %jit3A_1683 = arith.constant 1 : i32
        %select_n3A_1684 = arith.select %eq3A_1682, %jit3A_1683, %jit3A_1680 : i32
        %rem3A_1685 = arith.remsi %sub3A_1628, %select_n3A_1684 : i32
        %ne3A_1686 = arith.constant 0 : i32
        %ne3A_1687 = arith.cmpi ne, %rem3A_1685, %ne3A_1686 : i32
        %lt3A_1688 = arith.constant 0 : i32
        %lt3A_1689 = arith.cmpi slt, %rem3A_1685, %lt3A_1688 : i32
        %lt3A_1690 = arith.constant 0 : i32
        %lt3A_1691 = arith.cmpi slt, %select_n3A_1684, %lt3A_1690 : i32
        %ne3A_1692 = arith.xori %lt3A_1689, %lt3A_1691 : i1
        %and3A_1693 = arith.andi %ne3A_1692, %ne3A_1687 : i1
        %add3A_1694 = arith.addi %rem3A_1685, %select_n3A_1684 : i32
        %select_n3A_1695 = arith.select %and3A_1693, %add3A_1694, %rem3A_1685 : i32
        %add3A_1696 = arith.addi %mul3A_1679, %select_n3A_1695 : i32
        %jit3A_1697 = arith.constant 32 : i32
        %eq3A_1698 = arith.constant 0 : i32
        %eq3A_1699 = arith.cmpi eq, %jit3A_1697, %eq3A_1698 : i32
        %jit3A_1700 = arith.constant 1 : i32
        %select_n3A_1701 = arith.select %eq3A_1699, %jit3A_1700, %jit3A_1697 : i32
        %rem3A_1702 = arith.remsi %add3A_1653, %select_n3A_1701 : i32
        %ne3A_1703 = arith.constant 0 : i32
        %ne3A_1704 = arith.cmpi ne, %rem3A_1702, %ne3A_1703 : i32
        %lt3A_1705 = arith.constant 0 : i32
        %lt3A_1706 = arith.cmpi slt, %rem3A_1702, %lt3A_1705 : i32
        %lt3A_1707 = arith.constant 0 : i32
        %lt3A_1708 = arith.cmpi slt, %select_n3A_1701, %lt3A_1707 : i32
        %ne3A_1709 = arith.xori %lt3A_1706, %lt3A_1708 : i1
        %and3A_1710 = arith.andi %ne3A_1709, %ne3A_1704 : i1
        %add3A_1711 = arith.addi %rem3A_1702, %select_n3A_1701 : i32
        %select_n3A_1712 = arith.select %and3A_1710, %add3A_1711, %rem3A_1702 : i32
        %dma_wait3A_1713 = arith.constant 2 : i32
        %dma_wait3A_1714 = arith.constant 0 : i32
        %dma_wait3A_1715 = arith.constant 0 : i32
        %dma_wait3A_1716 = arith.constant 0 : i32
        %dma_wait3A_1717 = tpu.memref_slice %arg7[%dma_wait3A_1713, %dma_wait3A_1714, %dma_wait3A_1715, %dma_wait3A_1716] : memref<5x8x8x129xf32, #tpu.memory_space<vmem>> -> memref<1x8x8x128xf32, #tpu.memory_space<vmem>>
        %dma_wait3A_1718 = tpu.memref_squeeze %dma_wait3A_1717 : memref<1x8x8x128xf32, #tpu.memory_space<vmem>> -> memref<8x8x128xf32, #tpu.memory_space<vmem>>
        %dma_wait3A_1719 = arith.constant 0 : i32
        %dma_wait3A_1720 = arith.constant 0 : i32
        %dma_wait3A_1721 = arith.constant 0 : i32
        %dma_wait3A_1722 = tpu.memref_slice %arg4[%add3A_1696, %dma_wait3A_1719, %select_n3A_1712, %dma_wait3A_1720, %dma_wait3A_1721] : memref<200x8x32x8x128xf32, #tpu.memory_space<hbm>> -> memref<1x8x1x8x128xf32, #tpu.memory_space<hbm>>
        %dma_wait3A_1723 = tpu.memref_squeeze %dma_wait3A_1722 : memref<1x8x1x8x128xf32, #tpu.memory_space<hbm>> -> memref<8x8x128xf32, #tpu.memory_space<hbm>>
        %dma_wait3A_1724 = arith.constant 0 : i32
        %dma_wait3A_1725 = arith.constant 0 : i32
        %dma_wait3A_1726 = arith.constant 0 : i32
        %dma_wait3A_1727 = tpu.memref_slice %arg4[%add3A_1696, %dma_wait3A_1724, %select_n3A_1712, %dma_wait3A_1725, %dma_wait3A_1726] : memref<200x8x32x8x128xf32, #tpu.memory_space<hbm>> -> memref<1x8x1x8x128xf32, #tpu.memory_space<hbm>>
        %dma_wait3A_1728 = tpu.memref_squeeze %dma_wait3A_1727 : memref<1x8x1x8x128xf32, #tpu.memory_space<hbm>> -> memref<8x8x128xf32, #tpu.memory_space<hbm>>
        %dma_wait3A_1729 = arith.constant 0 : i32
        %dma_wait3A_1730 = arith.constant 0 : i32
        %dma_wait3A_1731 = arith.constant 0 : i32
        %dma_wait3A_1732 = tpu.memref_slice %arg7[%dma_wait3A_1713, %dma_wait3A_1729, %dma_wait3A_1730, %dma_wait3A_1731] : memref<5x8x8x129xf32, #tpu.memory_space<vmem>> -> memref<1x8x8x128xf32, #tpu.memory_space<vmem>>
        %dma_wait3A_1733 = tpu.memref_squeeze %dma_wait3A_1732 : memref<1x8x8x128xf32, #tpu.memory_space<vmem>> -> memref<8x8x128xf32, #tpu.memory_space<vmem>>
        tpu.wait_dma2 semaphore(%arg17 : memref<!tpu.dma_semaphore, #tpu.memory_space<semaphore_mem>>) src(%dma_wait3A_1733 : memref<8x8x128xf32, #tpu.memory_space<vmem>>) dst(%dma_wait3A_1728 : memref<8x8x128xf32, #tpu.memory_space<hbm>>)
      } else {
      }
      %parallel_loop3A_1101 = arith.constant 0 : i32
      %parallel_loop3A_1102 = arith.constant 128 : i32
      %parallel_loop3A_1103 = arith.constant 1 : i32
      %parallel_loop3A_1104 = arith.constant 2 : i32
      scf.for %parallel_loop3A_1627 = %parallel_loop3A_1101 to %parallel_loop3A_1102 step %parallel_loop3A_1103  : i32 {
        %parallel_loop3A_1628 = vector.broadcast %parallel_loop3A_1627 : i32 to vector<16xi32>
        %parallel_loop3A_1629 = arith.constant 2 : i32
        %parallel_loop3A_1630 = arith.index_cast %parallel_loop3A_1629 : i32 to index
        %parallel_loop3A_1631 = arith.index_cast %parallel_loop3A_1627 : i32 to index
        %parallel_loop3A_1632 = arith.constant 0 : index
        %parallel_loop3A_1633 = tpu.vector_load %arg6[%parallel_loop3A_1630, %parallel_loop3A_1631, %parallel_loop3A_1632] {strides = array<i32>} : memref<5x128x64xf32, #tpu.memory_space<vmem>>, vector<16xf32>,
        %parallel_loop3A_1634 = arith.constant 8.000000e+00 : f32
        %parallel_loop3A_1635 = vector.broadcast %parallel_loop3A_1634 : f32 to vector<16xf32>
        %parallel_loop3A_1636 = arith.mulf %parallel_loop3A_1633, %parallel_loop3A_1635 : vector<16xf32>
        %parallel_loop3A_1637 = arith.constant 0 : i32
        %parallel_loop3A_1638 = arith.constant 0 : i32
        %parallel_loop3A_1639 = arith.constant 0 : i32
        %parallel_loop3A_1640 = tpu.memref_slice %arg7[%parallel_loop3A_1104, %parallel_loop3A_1637, %parallel_loop3A_1638, %parallel_loop3A_1639] : memref<5x8x8x129xf32, #tpu.memory_space<vmem>> -> memref<1x8x8x129xf32, #tpu.memory_space<vmem>>
        %parallel_loop3A_1641 = tpu.memref_squeeze %parallel_loop3A_1640 : memref<1x8x8x129xf32, #tpu.memory_space<vmem>> -> memref<8x8x129xf32, #tpu.memory_space<vmem>>
        tpu.vector_store_idx %parallel_loop3A_1641[%shift_right_arithmetic3A_7, %and3A_34, %parallel_loop3A_1628], %parallel_loop3A_1636 : memref<8x8x129xf32, #tpu.memory_space<vmem>>[vector<16xi32>, vector<16xi32>, vector<16xi32>], vector<16xf32>,
        %parallel_loop3A_1642 = arith.constant 2 : i32
        %parallel_loop3A_1643 = arith.index_cast %parallel_loop3A_1642 : i32 to index
        %parallel_loop3A_1644 = arith.index_cast %parallel_loop3A_1627 : i32 to index
        %parallel_loop3A_1645 = arith.constant 16 : index
        %parallel_loop3A_1646 = tpu.vector_load %arg6[%parallel_loop3A_1643, %parallel_loop3A_1644, %parallel_loop3A_1645] {strides = array<i32>} : memref<5x128x64xf32, #tpu.memory_space<vmem>>, vector<16xf32>,
        %parallel_loop3A_1647 = arith.constant 8.000000e+00 : f32
        %parallel_loop3A_1648 = vector.broadcast %parallel_loop3A_1647 : f32 to vector<16xf32>
        %parallel_loop3A_1649 = arith.mulf %parallel_loop3A_1646, %parallel_loop3A_1648 : vector<16xf32>
        %parallel_loop3A_1650 = arith.constant 0 : i32
        %parallel_loop3A_1651 = arith.constant 0 : i32
        %parallel_loop3A_1652 = arith.constant 0 : i32
        %parallel_loop3A_1653 = tpu.memref_slice %arg7[%parallel_loop3A_1104, %parallel_loop3A_1650, %parallel_loop3A_1651, %parallel_loop3A_1652] : memref<5x8x8x129xf32, #tpu.memory_space<vmem>> -> memref<1x8x8x129xf32, #tpu.memory_space<vmem>>
        %parallel_loop3A_1654 = tpu.memref_squeeze %parallel_loop3A_1653 : memref<1x8x8x129xf32, #tpu.memory_space<vmem>> -> memref<8x8x129xf32, #tpu.memory_space<vmem>>
        tpu.vector_store_idx %parallel_loop3A_1654[%shift_right_arithmetic3A_14, %and3A_41, %parallel_loop3A_1628], %parallel_loop3A_1649 : memref<8x8x129xf32, #tpu.memory_space<vmem>>[vector<16xi32>, vector<16xi32>, vector<16xi32>], vector<16xf32>,
        %parallel_loop3A_1655 = arith.constant 2 : i32
        %parallel_loop3A_1656 = arith.index_cast %parallel_loop3A_1655 : i32 to index
        %parallel_loop3A_1657 = arith.index_cast %parallel_loop3A_1627 : i32 to index
        %parallel_loop3A_1658 = arith.constant 32 : index
        %parallel_loop3A_1659 = tpu.vector_load %arg6[%parallel_loop3A_1656, %parallel_loop3A_1657, %parallel_loop3A_1658] {strides = array<i32>} : memref<5x128x64xf32, #tpu.memory_space<vmem>>, vector<16xf32>,
        %parallel_loop3A_1660 = arith.constant 8.000000e+00 : f32
        %parallel_loop3A_1661 = vector.broadcast %parallel_loop3A_1660 : f32 to vector<16xf32>
        %parallel_loop3A_1662 = arith.mulf %parallel_loop3A_1659, %parallel_loop3A_1661 : vector<16xf32>
        %parallel_loop3A_1663 = arith.constant 0 : i32
        %parallel_loop3A_1664 = arith.constant 0 : i32
        %parallel_loop3A_1665 = arith.constant 0 : i32
        %parallel_loop3A_1666 = tpu.memref_slice %arg7[%parallel_loop3A_1104, %parallel_loop3A_1663, %parallel_loop3A_1664, %parallel_loop3A_1665] : memref<5x8x8x129xf32, #tpu.memory_space<vmem>> -> memref<1x8x8x129xf32, #tpu.memory_space<vmem>>
        %parallel_loop3A_1667 = tpu.memref_squeeze %parallel_loop3A_1666 : memref<1x8x8x129xf32, #tpu.memory_space<vmem>> -> memref<8x8x129xf32, #tpu.memory_space<vmem>>
        tpu.vector_store_idx %parallel_loop3A_1667[%shift_right_arithmetic3A_21, %and3A_48, %parallel_loop3A_1628], %parallel_loop3A_1662 : memref<8x8x129xf32, #tpu.memory_space<vmem>>[vector<16xi32>, vector<16xi32>, vector<16xi32>], vector<16xf32>,
        %parallel_loop3A_1668 = arith.constant 2 : i32
        %parallel_loop3A_1669 = arith.index_cast %parallel_loop3A_1668 : i32 to index
        %parallel_loop3A_1670 = arith.index_cast %parallel_loop3A_1627 : i32 to index
        %parallel_loop3A_1671 = arith.constant 48 : index
        %parallel_loop3A_1672 = tpu.vector_load %arg6[%parallel_loop3A_1669, %parallel_loop3A_1670, %parallel_loop3A_1671] {strides = array<i32>} : memref<5x128x64xf32, #tpu.memory_space<vmem>>, vector<16xf32>,
        %parallel_loop3A_1673 = arith.constant 8.000000e+00 : f32
        %parallel_loop3A_1674 = vector.broadcast %parallel_loop3A_1673 : f32 to vector<16xf32>
        %parallel_loop3A_1675 = arith.mulf %parallel_loop3A_1672, %parallel_loop3A_1674 : vector<16xf32>
        %parallel_loop3A_1676 = arith.constant 0 : i32
        %parallel_loop3A_1677 = arith.constant 0 : i32
        %parallel_loop3A_1678 = arith.constant 0 : i32
        %parallel_loop3A_1679 = tpu.memref_slice %arg7[%parallel_loop3A_1104, %parallel_loop3A_1676, %parallel_loop3A_1677, %parallel_loop3A_1678] : memref<5x8x8x129xf32, #tpu.memory_space<vmem>> -> memref<1x8x8x129xf32, #tpu.memory_space<vmem>>
        %parallel_loop3A_1680 = tpu.memref_squeeze %parallel_loop3A_1679 : memref<1x8x8x129xf32, #tpu.memory_space<vmem>> -> memref<8x8x129xf32, #tpu.memory_space<vmem>>
        tpu.vector_store_idx %parallel_loop3A_1680[%shift_right_arithmetic3A_28, %and3A_55, %parallel_loop3A_1628], %parallel_loop3A_1675 : memref<8x8x129xf32, #tpu.memory_space<vmem>>[vector<16xi32>, vector<16xi32>, vector<16xi32>], vector<16xf32>,
      } {sc.loop_unroll_factor = 8 : i64, sc.parallel_access}
      %jit3A_1105 = arith.constant 8 : i32
      %div3A_1106 = arith.divsi %add3A_1018, %jit3A_1105 : i32
      %sign3A_1107 = arith.constant 0 : i32
      %sign3A_1108 = arith.cmpi sgt, %add3A_1018, %sign3A_1107 : i32
      %sign3A_1109 = arith.extui %sign3A_1108 : i1 to i32
      %sign3A_1110 = arith.constant 0 : i32
      %sign3A_1111 = arith.cmpi slt, %add3A_1018, %sign3A_1110 : i32
      %sign3A_1112 = arith.extui %sign3A_1111 : i1 to i32
      %sign3A_1113 = arith.subi %sign3A_1109, %sign3A_1112 : i32
      %sign3A_1114 = arith.constant 0 : i32
      %sign3A_1115 = arith.cmpi sgt, %jit3A_1105, %sign3A_1114 : i32
      %sign3A_1116 = arith.extui %sign3A_1115 : i1 to i32
      %sign3A_1117 = arith.constant 0 : i32
      %sign3A_1118 = arith.cmpi slt, %jit3A_1105, %sign3A_1117 : i32
      %sign3A_1119 = arith.extui %sign3A_1118 : i1 to i32
      %sign3A_1120 = arith.subi %sign3A_1116, %sign3A_1119 : i32
      %ne3A_1121 = arith.cmpi ne, %sign3A_1113, %sign3A_1120 : i32
      %rem3A_1122 = arith.remsi %add3A_1018, %jit3A_1105 : i32
      %ne3A_1123 = arith.constant 0 : i32
      %ne3A_1124 = arith.cmpi ne, %rem3A_1122, %ne3A_1123 : i32
      %and3A_1125 = arith.andi %ne3A_1121, %ne3A_1124 : i1
      %sub3A_1126 = arith.constant 1 : i32
      %sub3A_1127 = arith.subi %div3A_1106, %sub3A_1126 : i32
      %select_n3A_1128 = arith.select %and3A_1125, %sub3A_1127, %div3A_1106 : i32
      %add3A_1129 = arith.addi %mul3A_2, %select_n3A_1128 : i32
      %jit3A_1130 = arith.constant 32 : i32
      %div3A_1131 = arith.divsi %add3A_1129, %jit3A_1130 : i32
      %sign3A_1132 = arith.constant 0 : i32
      %sign3A_1133 = arith.cmpi sgt, %add3A_1129, %sign3A_1132 : i32
      %sign3A_1134 = arith.extui %sign3A_1133 : i1 to i32
      %sign3A_1135 = arith.constant 0 : i32
      %sign3A_1136 = arith.cmpi slt, %add3A_1129, %sign3A_1135 : i32
      %sign3A_1137 = arith.extui %sign3A_1136 : i1 to i32
      %sign3A_1138 = arith.subi %sign3A_1134, %sign3A_1137 : i32
      %sign3A_1139 = arith.constant 0 : i32
      %sign3A_1140 = arith.cmpi sgt, %jit3A_1130, %sign3A_1139 : i32
      %sign3A_1141 = arith.extui %sign3A_1140 : i1 to i32
      %sign3A_1142 = arith.constant 0 : i32
      %sign3A_1143 = arith.cmpi slt, %jit3A_1130, %sign3A_1142 : i32
      %sign3A_1144 = arith.extui %sign3A_1143 : i1 to i32
      %sign3A_1145 = arith.subi %sign3A_1141, %sign3A_1144 : i32
      %ne3A_1146 = arith.cmpi ne, %sign3A_1138, %sign3A_1145 : i32
      %rem3A_1147 = arith.remsi %add3A_1129, %jit3A_1130 : i32
      %ne3A_1148 = arith.constant 0 : i32
      %ne3A_1149 = arith.cmpi ne, %rem3A_1147, %ne3A_1148 : i32
      %and3A_1150 = arith.andi %ne3A_1146, %ne3A_1149 : i1
      %sub3A_1151 = arith.constant 1 : i32
      %sub3A_1152 = arith.subi %div3A_1131, %sub3A_1151 : i32
      %select_n3A_1153 = arith.select %and3A_1150, %sub3A_1152, %div3A_1131 : i32
      %mul3A_1154 = arith.constant 8 : i32
      %mul3A_1155 = arith.muli %select_n3A_1153, %mul3A_1154 : i32
      %jit3A_1156 = arith.constant 8 : i32
      %eq3A_1157 = arith.constant 0 : i32
      %eq3A_1158 = arith.cmpi eq, %jit3A_1156, %eq3A_1157 : i32
      %jit3A_1159 = arith.constant 1 : i32
      %select_n3A_1160 = arith.select %eq3A_1158, %jit3A_1159, %jit3A_1156 : i32
      %rem3A_1161 = arith.remsi %add3A_1018, %select_n3A_1160 : i32
      %ne3A_1162 = arith.constant 0 : i32
      %ne3A_1163 = arith.cmpi ne, %rem3A_1161, %ne3A_1162 : i32
      %lt3A_1164 = arith.constant 0 : i32
      %lt3A_1165 = arith.cmpi slt, %rem3A_1161, %lt3A_1164 : i32
      %lt3A_1166 = arith.constant 0 : i32
      %lt3A_1167 = arith.cmpi slt, %select_n3A_1160, %lt3A_1166 : i32
      %ne3A_1168 = arith.xori %lt3A_1165, %lt3A_1167 : i1
      %and3A_1169 = arith.andi %ne3A_1168, %ne3A_1163 : i1
      %add3A_1170 = arith.addi %rem3A_1161, %select_n3A_1160 : i32
      %select_n3A_1171 = arith.select %and3A_1169, %add3A_1170, %rem3A_1161 : i32
      %add3A_1172 = arith.addi %mul3A_1155, %select_n3A_1171 : i32
      %jit3A_1173 = arith.constant 32 : i32
      %eq3A_1174 = arith.constant 0 : i32
      %eq3A_1175 = arith.cmpi eq, %jit3A_1173, %eq3A_1174 : i32
      %jit3A_1176 = arith.constant 1 : i32
      %select_n3A_1177 = arith.select %eq3A_1175, %jit3A_1176, %jit3A_1173 : i32
      %rem3A_1178 = arith.remsi %add3A_1129, %select_n3A_1177 : i32
      %ne3A_1179 = arith.constant 0 : i32
      %ne3A_1180 = arith.cmpi ne, %rem3A_1178, %ne3A_1179 : i32
      %lt3A_1181 = arith.constant 0 : i32
      %lt3A_1182 = arith.cmpi slt, %rem3A_1178, %lt3A_1181 : i32
      %lt3A_1183 = arith.constant 0 : i32
      %lt3A_1184 = arith.cmpi slt, %select_n3A_1177, %lt3A_1183 : i32
      %ne3A_1185 = arith.xori %lt3A_1182, %lt3A_1184 : i1
      %and3A_1186 = arith.andi %ne3A_1185, %ne3A_1180 : i1
      %add3A_1187 = arith.addi %rem3A_1178, %select_n3A_1177 : i32
      %select_n3A_1188 = arith.select %and3A_1186, %add3A_1187, %rem3A_1178 : i32
      %dma_start3A_1189 = arith.constant 2 : i32
      %dma_start3A_1190 = arith.constant 0 : i32
      %dma_start3A_1191 = arith.constant 0 : i32
      %dma_start3A_1192 = arith.constant 0 : i32
      %dma_start3A_1193 = tpu.memref_slice %arg7[%dma_start3A_1189, %dma_start3A_1190, %dma_start3A_1191, %dma_start3A_1192] : memref<5x8x8x129xf32, #tpu.memory_space<vmem>> -> memref<1x8x8x128xf32, #tpu.memory_space<vmem>>
      %dma_start3A_1194 = tpu.memref_squeeze %dma_start3A_1193 : memref<1x8x8x128xf32, #tpu.memory_space<vmem>> -> memref<8x8x128xf32, #tpu.memory_space<vmem>>
      %dma_start3A_1195 = arith.constant 0 : i32
      %dma_start3A_1196 = arith.constant 0 : i32
      %dma_start3A_1197 = arith.constant 0 : i32
      %dma_start3A_1198 = tpu.memref_slice %arg4[%add3A_1172, %dma_start3A_1195, %select_n3A_1188, %dma_start3A_1196, %dma_start3A_1197] : memref<200x8x32x8x128xf32, #tpu.memory_space<hbm>> -> memref<1x8x1x8x128xf32, #tpu.memory_space<hbm>>
      %dma_start3A_1199 = tpu.memref_squeeze %dma_start3A_1198 : memref<1x8x1x8x128xf32, #tpu.memory_space<hbm>> -> memref<8x8x128xf32, #tpu.memory_space<hbm>>
      %dma_start3A_1200 = arith.constant 0 : i32
      %dma_start3A_1201 = arith.constant 0 : i32
      %dma_start3A_1202 = arith.constant 0 : i32
      %dma_start3A_1203 = tpu.memref_slice %arg4[%add3A_1172, %dma_start3A_1200, %select_n3A_1188, %dma_start3A_1201, %dma_start3A_1202] : memref<200x8x32x8x128xf32, #tpu.memory_space<hbm>> -> memref<1x8x1x8x128xf32, #tpu.memory_space<hbm>>
      %dma_start3A_1204 = tpu.memref_squeeze %dma_start3A_1203 : memref<1x8x1x8x128xf32, #tpu.memory_space<hbm>> -> memref<8x8x128xf32, #tpu.memory_space<hbm>>
      %dma_start3A_1205 = arith.constant 0 : i32
      %dma_start3A_1206 = arith.constant 0 : i32
      %dma_start3A_1207 = arith.constant 0 : i32
      %dma_start3A_1208 = tpu.memref_slice %arg7[%dma_start3A_1189, %dma_start3A_1205, %dma_start3A_1206, %dma_start3A_1207] : memref<5x8x8x129xf32, #tpu.memory_space<vmem>> -> memref<1x8x8x128xf32, #tpu.memory_space<vmem>>
      %dma_start3A_1209 = tpu.memref_squeeze %dma_start3A_1208 : memref<1x8x8x128xf32, #tpu.memory_space<vmem>> -> memref<8x8x128xf32, #tpu.memory_space<vmem>>
      tpu.enqueue_dma source(%dma_start3A_1209 : memref<8x8x128xf32, #tpu.memory_space<vmem>>) target(%dma_start3A_1204 : memref<8x8x128xf32, #tpu.memory_space<hbm>>) target_semaphore(%arg17 : memref<!tpu.dma_semaphore, #tpu.memory_space<semaphore_mem>>)
      %add3A_1210 = arith.constant 5 : i32
      %add3A_1211 = arith.addi %add3A_1018, %add3A_1210 : i32
      %sub3A_1212 = arith.constant 1 : i32
      %sub3A_1213 = arith.subi %add3A_1211, %sub3A_1212 : i32
      %lt3A_1214 = arith.constant 200 : i32
      %lt3A_1215 = arith.cmpi slt, %sub3A_1213, %lt3A_1214 : i32
      %convert_element_type3A_1216 = arith.extui %lt3A_1215 : i1 to i32
      %cond3A_1217 = arith.constant 0 : i32
      %cond3A_1218 = arith.cmpi ne, %convert_element_type3A_1216, %cond3A_1217 : i32
      scf.if %cond3A_1218 {
        %jit3A_1627 = arith.constant 8 : i32
        %div3A_1628 = arith.divsi %sub3A_1213, %jit3A_1627 : i32
        %sign3A_1629 = arith.constant 0 : i32
        %sign3A_1630 = arith.cmpi sgt, %sub3A_1213, %sign3A_1629 : i32
        %sign3A_1631 = arith.extui %sign3A_1630 : i1 to i32
        %sign3A_1632 = arith.constant 0 : i32
        %sign3A_1633 = arith.cmpi slt, %sub3A_1213, %sign3A_1632 : i32
        %sign3A_1634 = arith.extui %sign3A_1633 : i1 to i32
        %sign3A_1635 = arith.subi %sign3A_1631, %sign3A_1634 : i32
        %sign3A_1636 = arith.constant 0 : i32
        %sign3A_1637 = arith.cmpi sgt, %jit3A_1627, %sign3A_1636 : i32
        %sign3A_1638 = arith.extui %sign3A_1637 : i1 to i32
        %sign3A_1639 = arith.constant 0 : i32
        %sign3A_1640 = arith.cmpi slt, %jit3A_1627, %sign3A_1639 : i32
        %sign3A_1641 = arith.extui %sign3A_1640 : i1 to i32
        %sign3A_1642 = arith.subi %sign3A_1638, %sign3A_1641 : i32
        %ne3A_1643 = arith.cmpi ne, %sign3A_1635, %sign3A_1642 : i32
        %rem3A_1644 = arith.remsi %sub3A_1213, %jit3A_1627 : i32
        %ne3A_1645 = arith.constant 0 : i32
        %ne3A_1646 = arith.cmpi ne, %rem3A_1644, %ne3A_1645 : i32
        %and3A_1647 = arith.andi %ne3A_1643, %ne3A_1646 : i1
        %sub3A_1648 = arith.constant 1 : i32
        %sub3A_1649 = arith.subi %div3A_1628, %sub3A_1648 : i32
        %select_n3A_1650 = arith.select %and3A_1647, %sub3A_1649, %div3A_1628 : i32
        %jit3A_1651 = arith.constant 8 : i32
        %eq3A_1652 = arith.constant 0 : i32
        %eq3A_1653 = arith.cmpi eq, %jit3A_1651, %eq3A_1652 : i32
        %jit3A_1654 = arith.constant 1 : i32
        %select_n3A_1655 = arith.select %eq3A_1653, %jit3A_1654, %jit3A_1651 : i32
        %rem3A_1656 = arith.remsi %sub3A_1213, %select_n3A_1655 : i32
        %ne3A_1657 = arith.constant 0 : i32
        %ne3A_1658 = arith.cmpi ne, %rem3A_1656, %ne3A_1657 : i32
        %lt3A_1659 = arith.constant 0 : i32
        %lt3A_1660 = arith.cmpi slt, %rem3A_1656, %lt3A_1659 : i32
        %lt3A_1661 = arith.constant 0 : i32
        %lt3A_1662 = arith.cmpi slt, %select_n3A_1655, %lt3A_1661 : i32
        %ne3A_1663 = arith.xori %lt3A_1660, %lt3A_1662 : i1
        %and3A_1664 = arith.andi %ne3A_1663, %ne3A_1658 : i1
        %add3A_1665 = arith.addi %rem3A_1656, %select_n3A_1655 : i32
        %select_n3A_1666 = arith.select %and3A_1664, %add3A_1665, %rem3A_1656 : i32
        %jit3A_1667 = arith.constant 2 : i32
        %eq3A_1668 = arith.constant 0 : i32
        %eq3A_1669 = arith.cmpi eq, %jit3A_1667, %eq3A_1668 : i32
        %jit3A_1670 = arith.constant 1 : i32
        %select_n3A_1671 = arith.select %eq3A_1669, %jit3A_1670, %jit3A_1667 : i32
        %rem3A_1672 = arith.remsi %select_n3A_1650, %select_n3A_1671 : i32
        %ne3A_1673 = arith.constant 0 : i32
        %ne3A_1674 = arith.cmpi ne, %rem3A_1672, %ne3A_1673 : i32
        %lt3A_1675 = arith.constant 0 : i32
        %lt3A_1676 = arith.cmpi slt, %rem3A_1672, %lt3A_1675 : i32
        %lt3A_1677 = arith.constant 0 : i32
        %lt3A_1678 = arith.cmpi slt, %select_n3A_1671, %lt3A_1677 : i32
        %ne3A_1679 = arith.xori %lt3A_1676, %lt3A_1678 : i1
        %and3A_1680 = arith.andi %ne3A_1679, %ne3A_1674 : i1
        %add3A_1681 = arith.addi %rem3A_1672, %select_n3A_1671 : i32
        %select_n3A_1682 = arith.select %and3A_1680, %add3A_1681, %rem3A_1672 : i32
        %eq3A_1683 = arith.constant 0 : i32
        %eq3A_1684 = arith.cmpi eq, %select_n3A_1666, %eq3A_1683 : i32
        %convert_element_type3A_1685 = arith.extui %eq3A_1684 : i1 to i32
        %cond3A_1686 = arith.constant 0 : i32
        %cond3A_1687 = arith.cmpi ne, %convert_element_type3A_1685, %cond3A_1686 : i32
        scf.if %cond3A_1687 {
          %eq3A_1699 = arith.constant 0 : i32
          %eq3A_1700 = arith.cmpi eq, %select_n3A_1682, %eq3A_1699 : i32
          %convert_element_type3A_1701 = arith.extui %eq3A_1700 : i1 to i32
          %cond3A_1702 = arith.constant 0 : i32
          %cond3A_1703 = arith.cmpi ne, %convert_element_type3A_1701, %cond3A_1702 : i32
          scf.if %cond3A_1703 {
            %add3A_1709 = arith.addi %mul3A_2, %select_n3A_1650 : i32
            %jit3A_1710 = arith.constant 32 : i32
            %div3A_1711 = arith.divsi %add3A_1709, %jit3A_1710 : i32
            %sign3A_1712 = arith.constant 0 : i32
            %sign3A_1713 = arith.cmpi sgt, %add3A_1709, %sign3A_1712 : i32
            %sign3A_1714 = arith.extui %sign3A_1713 : i1 to i32
            %sign3A_1715 = arith.constant 0 : i32
            %sign3A_1716 = arith.cmpi slt, %add3A_1709, %sign3A_1715 : i32
            %sign3A_1717 = arith.extui %sign3A_1716 : i1 to i32
            %sign3A_1718 = arith.subi %sign3A_1714, %sign3A_1717 : i32
            %sign3A_1719 = arith.constant 0 : i32
            %sign3A_1720 = arith.cmpi sgt, %jit3A_1710, %sign3A_1719 : i32
            %sign3A_1721 = arith.extui %sign3A_1720 : i1 to i32
            %sign3A_1722 = arith.constant 0 : i32
            %sign3A_1723 = arith.cmpi slt, %jit3A_1710, %sign3A_1722 : i32
            %sign3A_1724 = arith.extui %sign3A_1723 : i1 to i32
            %sign3A_1725 = arith.subi %sign3A_1721, %sign3A_1724 : i32
            %ne3A_1726 = arith.cmpi ne, %sign3A_1718, %sign3A_1725 : i32
            %rem3A_1727 = arith.remsi %add3A_1709, %jit3A_1710 : i32
            %ne3A_1728 = arith.constant 0 : i32
            %ne3A_1729 = arith.cmpi ne, %rem3A_1727, %ne3A_1728 : i32
            %and3A_1730 = arith.andi %ne3A_1726, %ne3A_1729 : i1
            %sub3A_1731 = arith.constant 1 : i32
            %sub3A_1732 = arith.subi %div3A_1711, %sub3A_1731 : i32
            %select_n3A_1733 = arith.select %and3A_1730, %sub3A_1732, %div3A_1711 : i32
            %jit3A_1734 = arith.constant 32 : i32
            %eq3A_1735 = arith.constant 0 : i32
            %eq3A_1736 = arith.cmpi eq, %jit3A_1734, %eq3A_1735 : i32
            %jit3A_1737 = arith.constant 1 : i32
            %select_n3A_1738 = arith.select %eq3A_1736, %jit3A_1737, %jit3A_1734 : i32
            %rem3A_1739 = arith.remsi %add3A_1709, %select_n3A_1738 : i32
            %ne3A_1740 = arith.constant 0 : i32
            %ne3A_1741 = arith.cmpi ne, %rem3A_1739, %ne3A_1740 : i32
            %lt3A_1742 = arith.constant 0 : i32
            %lt3A_1743 = arith.cmpi slt, %rem3A_1739, %lt3A_1742 : i32
            %lt3A_1744 = arith.constant 0 : i32
            %lt3A_1745 = arith.cmpi slt, %select_n3A_1738, %lt3A_1744 : i32
            %ne3A_1746 = arith.xori %lt3A_1743, %lt3A_1745 : i1
            %and3A_1747 = arith.andi %ne3A_1746, %ne3A_1741 : i1
            %add3A_1748 = arith.addi %rem3A_1739, %select_n3A_1738 : i32
            %select_n3A_1749 = arith.select %and3A_1747, %add3A_1748, %rem3A_1739 : i32
            %dma_wait3A_1750 = arith.constant 0 : i32
            %dma_wait3A_1751 = arith.constant 0 : i32
            %dma_wait3A_1752 = arith.constant 0 : i32
            %dma_wait3A_1753 = tpu.memref_slice %arg5[%dma_wait3A_1750, %dma_wait3A_1751, %dma_wait3A_1752] : memref<2x8x128xi32, #tpu.memory_space<vmem>> -> memref<1x8x128xi32, #tpu.memory_space<vmem>>
            %dma_wait3A_1754 = tpu.memref_squeeze %dma_wait3A_1753 : memref<1x8x128xi32, #tpu.memory_space<vmem>> -> memref<8x128xi32, #tpu.memory_space<vmem>>
            %dma_wait3A_1755 = arith.constant 0 : i32
            %dma_wait3A_1756 = arith.constant 0 : i32
            %dma_wait3A_1757 = tpu.memref_slice %arg3[%select_n3A_1733, %select_n3A_1749, %dma_wait3A_1755, %dma_wait3A_1756] : memref<25x32x8x128xi32, #tpu.memory_space<hbm>> -> memref<1x1x8x128xi32, #tpu.memory_space<hbm>>
            %dma_wait3A_1758 = tpu.memref_squeeze %dma_wait3A_1757 : memref<1x1x8x128xi32, #tpu.memory_space<hbm>> -> memref<8x128xi32, #tpu.memory_space<hbm>>
            %dma_wait3A_1759 = arith.constant 0 : i32
            %dma_wait3A_1760 = arith.constant 0 : i32
            %dma_wait3A_1761 = tpu.memref_slice %arg5[%dma_wait3A_1750, %dma_wait3A_1759, %dma_wait3A_1760] : memref<2x8x128xi32, #tpu.memory_space<vmem>> -> memref<1x8x128xi32, #tpu.memory_space<vmem>>
            %dma_wait3A_1762 = tpu.memref_squeeze %dma_wait3A_1761 : memref<1x8x128xi32, #tpu.memory_space<vmem>> -> memref<8x128xi32, #tpu.memory_space<vmem>>
            %dma_wait3A_1763 = arith.constant 0 : i32
            %dma_wait3A_1764 = arith.constant 0 : i32
            %dma_wait3A_1765 = tpu.memref_slice %arg3[%select_n3A_1733, %select_n3A_1749, %dma_wait3A_1763, %dma_wait3A_1764] : memref<25x32x8x128xi32, #tpu.memory_space<hbm>> -> memref<1x1x8x128xi32, #tpu.memory_space<hbm>>
            %dma_wait3A_1766 = tpu.memref_squeeze %dma_wait3A_1765 : memref<1x1x8x128xi32, #tpu.memory_space<hbm>> -> memref<8x128xi32, #tpu.memory_space<hbm>>
            tpu.wait_dma2 semaphore(%arg8 : memref<!tpu.dma_semaphore, #tpu.memory_space<semaphore_mem>>) src(%dma_wait3A_1766 : memref<8x128xi32, #tpu.memory_space<hbm>>) dst(%dma_wait3A_1762 : memref<8x128xi32, #tpu.memory_space<vmem>>)
          } else {
          }
          %eq3A_1704 = arith.constant 1 : i32
          %eq3A_1705 = arith.cmpi eq, %select_n3A_1682, %eq3A_1704 : i32
          %convert_element_type3A_1706 = arith.extui %eq3A_1705 : i1 to i32
          %cond3A_1707 = arith.constant 0 : i32
          %cond3A_1708 = arith.cmpi ne, %convert_element_type3A_1706, %cond3A_1707 : i32
          scf.if %cond3A_1708 {
            %add3A_1709 = arith.addi %mul3A_2, %select_n3A_1650 : i32
            %jit3A_1710 = arith.constant 32 : i32
            %div3A_1711 = arith.divsi %add3A_1709, %jit3A_1710 : i32
            %sign3A_1712 = arith.constant 0 : i32
            %sign3A_1713 = arith.cmpi sgt, %add3A_1709, %sign3A_1712 : i32
            %sign3A_1714 = arith.extui %sign3A_1713 : i1 to i32
            %sign3A_1715 = arith.constant 0 : i32
            %sign3A_1716 = arith.cmpi slt, %add3A_1709, %sign3A_1715 : i32
            %sign3A_1717 = arith.extui %sign3A_1716 : i1 to i32
            %sign3A_1718 = arith.subi %sign3A_1714, %sign3A_1717 : i32
            %sign3A_1719 = arith.constant 0 : i32
            %sign3A_1720 = arith.cmpi sgt, %jit3A_1710, %sign3A_1719 : i32
            %sign3A_1721 = arith.extui %sign3A_1720 : i1 to i32
            %sign3A_1722 = arith.constant 0 : i32
            %sign3A_1723 = arith.cmpi slt, %jit3A_1710, %sign3A_1722 : i32
            %sign3A_1724 = arith.extui %sign3A_1723 : i1 to i32
            %sign3A_1725 = arith.subi %sign3A_1721, %sign3A_1724 : i32
            %ne3A_1726 = arith.cmpi ne, %sign3A_1718, %sign3A_1725 : i32
            %rem3A_1727 = arith.remsi %add3A_1709, %jit3A_1710 : i32
            %ne3A_1728 = arith.constant 0 : i32
            %ne3A_1729 = arith.cmpi ne, %rem3A_1727, %ne3A_1728 : i32
            %and3A_1730 = arith.andi %ne3A_1726, %ne3A_1729 : i1
            %sub3A_1731 = arith.constant 1 : i32
            %sub3A_1732 = arith.subi %div3A_1711, %sub3A_1731 : i32
            %select_n3A_1733 = arith.select %and3A_1730, %sub3A_1732, %div3A_1711 : i32
            %jit3A_1734 = arith.constant 32 : i32
            %eq3A_1735 = arith.constant 0 : i32
            %eq3A_1736 = arith.cmpi eq, %jit3A_1734, %eq3A_1735 : i32
            %jit3A_1737 = arith.constant 1 : i32
            %select_n3A_1738 = arith.select %eq3A_1736, %jit3A_1737, %jit3A_1734 : i32
            %rem3A_1739 = arith.remsi %add3A_1709, %select_n3A_1738 : i32
            %ne3A_1740 = arith.constant 0 : i32
            %ne3A_1741 = arith.cmpi ne, %rem3A_1739, %ne3A_1740 : i32
            %lt3A_1742 = arith.constant 0 : i32
            %lt3A_1743 = arith.cmpi slt, %rem3A_1739, %lt3A_1742 : i32
            %lt3A_1744 = arith.constant 0 : i32
            %lt3A_1745 = arith.cmpi slt, %select_n3A_1738, %lt3A_1744 : i32
            %ne3A_1746 = arith.xori %lt3A_1743, %lt3A_1745 : i1
            %and3A_1747 = arith.andi %ne3A_1746, %ne3A_1741 : i1
            %add3A_1748 = arith.addi %rem3A_1739, %select_n3A_1738 : i32
            %select_n3A_1749 = arith.select %and3A_1747, %add3A_1748, %rem3A_1739 : i32
            %dma_wait3A_1750 = arith.constant 1 : i32
            %dma_wait3A_1751 = arith.constant 0 : i32
            %dma_wait3A_1752 = arith.constant 0 : i32
            %dma_wait3A_1753 = tpu.memref_slice %arg5[%dma_wait3A_1750, %dma_wait3A_1751, %dma_wait3A_1752] : memref<2x8x128xi32, #tpu.memory_space<vmem>> -> memref<1x8x128xi32, #tpu.memory_space<vmem>>
            %dma_wait3A_1754 = tpu.memref_squeeze %dma_wait3A_1753 : memref<1x8x128xi32, #tpu.memory_space<vmem>> -> memref<8x128xi32, #tpu.memory_space<vmem>>
            %dma_wait3A_1755 = arith.constant 0 : i32
            %dma_wait3A_1756 = arith.constant 0 : i32
            %dma_wait3A_1757 = tpu.memref_slice %arg3[%select_n3A_1733, %select_n3A_1749, %dma_wait3A_1755, %dma_wait3A_1756] : memref<25x32x8x128xi32, #tpu.memory_space<hbm>> -> memref<1x1x8x128xi32, #tpu.memory_space<hbm>>
            %dma_wait3A_1758 = tpu.memref_squeeze %dma_wait3A_1757 : memref<1x1x8x128xi32, #tpu.memory_space<hbm>> -> memref<8x128xi32, #tpu.memory_space<hbm>>
            %dma_wait3A_1759 = arith.constant 0 : i32
            %dma_wait3A_1760 = arith.constant 0 : i32
            %dma_wait3A_1761 = tpu.memref_slice %arg5[%dma_wait3A_1750, %dma_wait3A_1759, %dma_wait3A_1760] : memref<2x8x128xi32, #tpu.memory_space<vmem>> -> memref<1x8x128xi32, #tpu.memory_space<vmem>>
            %dma_wait3A_1762 = tpu.memref_squeeze %dma_wait3A_1761 : memref<1x8x128xi32, #tpu.memory_space<vmem>> -> memref<8x128xi32, #tpu.memory_space<vmem>>
            %dma_wait3A_1763 = arith.constant 0 : i32
            %dma_wait3A_1764 = arith.constant 0 : i32
            %dma_wait3A_1765 = tpu.memref_slice %arg3[%select_n3A_1733, %select_n3A_1749, %dma_wait3A_1763, %dma_wait3A_1764] : memref<25x32x8x128xi32, #tpu.memory_space<hbm>> -> memref<1x1x8x128xi32, #tpu.memory_space<hbm>>
            %dma_wait3A_1766 = tpu.memref_squeeze %dma_wait3A_1765 : memref<1x1x8x128xi32, #tpu.memory_space<hbm>> -> memref<8x128xi32, #tpu.memory_space<hbm>>
            tpu.wait_dma2 semaphore(%arg9 : memref<!tpu.dma_semaphore, #tpu.memory_space<semaphore_mem>>) src(%dma_wait3A_1766 : memref<8x128xi32, #tpu.memory_space<hbm>>) dst(%dma_wait3A_1762 : memref<8x128xi32, #tpu.memory_space<vmem>>)
          } else {
          }
        } else {
        }
        %dma_start3A_1688 = arith.constant 1 : i32
        %dma_start3A_1689 = arith.constant 0 : i32
        %dma_start3A_1690 = arith.constant 0 : i32
        %dma_start3A_1691 = tpu.memref_slice %arg6[%dma_start3A_1688, %dma_start3A_1689, %dma_start3A_1690] : memref<5x128x64xf32, #tpu.memory_space<vmem>> -> memref<1x128x64xf32, #tpu.memory_space<vmem>>
        %dma_start3A_1692 = tpu.memref_squeeze %dma_start3A_1691 : memref<1x128x64xf32, #tpu.memory_space<vmem>> -> memref<128x64xf32, #tpu.memory_space<vmem>>
        %dma_start3A_1693 = arith.constant 0 : i32
        %dma_start3A_1694 = tpu.memref_slice %arg5[%select_n3A_1682, %select_n3A_1666, %dma_start3A_1693] : memref<2x8x128xi32, #tpu.memory_space<vmem>> -> memref<1x1x128xi32, #tpu.memory_space<vmem>>
        %dma_start3A_1695 = tpu.memref_squeeze %dma_start3A_1694 : memref<1x1x128xi32, #tpu.memory_space<vmem>> -> memref<128xi32, #tpu.memory_space<vmem>>
        %dma_start3A_1696 = arith.constant 0 : i32
        %dma_start3A_1697 = arith.constant 0 : i32
        %dma_start3A_1698 = tpu.memref_slice %arg2[%dma_start3A_1696, %dma_start3A_1697] : memref<1000000x64xf32, #tpu.memory_space<hbm>> -> memref<1000000x64xf32, #tpu.memory_space<hbm>>
        tpu.enqueue_indirect_dma source(%dma_start3A_1698 : memref<1000000x64xf32, #tpu.memory_space<hbm>>) target(%dma_start3A_1692 : memref<128x64xf32, #tpu.memory_space<vmem>>) offsets(%dma_start3A_1695 : memref<128xi32, #tpu.memory_space<vmem>>) semaphore(%arg11 : memref<!tpu.dma_semaphore, #tpu.memory_space<semaphore_mem>>)
      } else {
      }
      %mul3A_1219 = arith.constant 5 : i32
      %mul3A_1220 = arith.muli %scan3A_610, %mul3A_1219 : i32
      %add3A_1221 = arith.constant 3 : i32
      %add3A_1222 = arith.addi %mul3A_1220, %add3A_1221 : i32
      %jit3A_1223 = arith.constant 8 : i32
      %div3A_1224 = arith.divsi %add3A_1222, %jit3A_1223 : i32
      %sign3A_1225 = arith.constant 0 : i32
      %sign3A_1226 = arith.cmpi sgt, %add3A_1222, %sign3A_1225 : i32
      %sign3A_1227 = arith.extui %sign3A_1226 : i1 to i32
      %sign3A_1228 = arith.constant 0 : i32
      %sign3A_1229 = arith.cmpi slt, %add3A_1222, %sign3A_1228 : i32
      %sign3A_1230 = arith.extui %sign3A_1229 : i1 to i32
      %sign3A_1231 = arith.subi %sign3A_1227, %sign3A_1230 : i32
      %sign3A_1232 = arith.constant 0 : i32
      %sign3A_1233 = arith.cmpi sgt, %jit3A_1223, %sign3A_1232 : i32
      %sign3A_1234 = arith.extui %sign3A_1233 : i1 to i32
      %sign3A_1235 = arith.constant 0 : i32
      %sign3A_1236 = arith.cmpi slt, %jit3A_1223, %sign3A_1235 : i32
      %sign3A_1237 = arith.extui %sign3A_1236 : i1 to i32
      %sign3A_1238 = arith.subi %sign3A_1234, %sign3A_1237 : i32
      %ne3A_1239 = arith.cmpi ne, %sign3A_1231, %sign3A_1238 : i32
      %rem3A_1240 = arith.remsi %add3A_1222, %jit3A_1223 : i32
      %ne3A_1241 = arith.constant 0 : i32
      %ne3A_1242 = arith.cmpi ne, %rem3A_1240, %ne3A_1241 : i32
      %and3A_1243 = arith.andi %ne3A_1239, %ne3A_1242 : i1
      %sub3A_1244 = arith.constant 1 : i32
      %sub3A_1245 = arith.subi %div3A_1224, %sub3A_1244 : i32
      %select_n3A_1246 = arith.select %and3A_1243, %sub3A_1245, %div3A_1224 : i32
      %jit3A_1247 = arith.constant 8 : i32
      %eq3A_1248 = arith.constant 0 : i32
      %eq3A_1249 = arith.cmpi eq, %jit3A_1247, %eq3A_1248 : i32
      %jit3A_1250 = arith.constant 1 : i32
      %select_n3A_1251 = arith.select %eq3A_1249, %jit3A_1250, %jit3A_1247 : i32
      %rem3A_1252 = arith.remsi %add3A_1222, %select_n3A_1251 : i32
      %ne3A_1253 = arith.constant 0 : i32
      %ne3A_1254 = arith.cmpi ne, %rem3A_1252, %ne3A_1253 : i32
      %lt3A_1255 = arith.constant 0 : i32
      %lt3A_1256 = arith.cmpi slt, %rem3A_1252, %lt3A_1255 : i32
      %lt3A_1257 = arith.constant 0 : i32
      %lt3A_1258 = arith.cmpi slt, %select_n3A_1251, %lt3A_1257 : i32
      %ne3A_1259 = arith.xori %lt3A_1256, %lt3A_1258 : i1
      %and3A_1260 = arith.andi %ne3A_1259, %ne3A_1254 : i1
      %add3A_1261 = arith.addi %rem3A_1252, %select_n3A_1251 : i32
      %select_n3A_1262 = arith.select %and3A_1260, %add3A_1261, %rem3A_1252 : i32
      %jit3A_1263 = arith.constant 2 : i32
      %eq3A_1264 = arith.constant 0 : i32
      %eq3A_1265 = arith.cmpi eq, %jit3A_1263, %eq3A_1264 : i32
      %jit3A_1266 = arith.constant 1 : i32
      %select_n3A_1267 = arith.select %eq3A_1265, %jit3A_1266, %jit3A_1263 : i32
      %rem3A_1268 = arith.remsi %select_n3A_1246, %select_n3A_1267 : i32
      %ne3A_1269 = arith.constant 0 : i32
      %ne3A_1270 = arith.cmpi ne, %rem3A_1268, %ne3A_1269 : i32
      %lt3A_1271 = arith.constant 0 : i32
      %lt3A_1272 = arith.cmpi slt, %rem3A_1268, %lt3A_1271 : i32
      %lt3A_1273 = arith.constant 0 : i32
      %lt3A_1274 = arith.cmpi slt, %select_n3A_1267, %lt3A_1273 : i32
      %ne3A_1275 = arith.xori %lt3A_1272, %lt3A_1274 : i1
      %and3A_1276 = arith.andi %ne3A_1275, %ne3A_1270 : i1
      %add3A_1277 = arith.addi %rem3A_1268, %select_n3A_1267 : i32
      %select_n3A_1278 = arith.select %and3A_1276, %add3A_1277, %rem3A_1268 : i32
      %dma_wait3A_1279 = arith.constant 3 : i32
      %dma_wait3A_1280 = arith.constant 0 : i32
      %dma_wait3A_1281 = arith.constant 0 : i32
      %dma_wait3A_1282 = tpu.memref_slice %arg6[%dma_wait3A_1279, %dma_wait3A_1280, %dma_wait3A_1281] : memref<5x128x64xf32, #tpu.memory_space<vmem>> -> memref<1x128x64xf32, #tpu.memory_space<vmem>>
      %dma_wait3A_1283 = tpu.memref_squeeze %dma_wait3A_1282 : memref<1x128x64xf32, #tpu.memory_space<vmem>> -> memref<128x64xf32, #tpu.memory_space<vmem>>
      %dma_wait3A_1284 = arith.constant 0 : i32
      %dma_wait3A_1285 = tpu.memref_slice %arg5[%select_n3A_1278, %select_n3A_1262, %dma_wait3A_1284] : memref<2x8x128xi32, #tpu.memory_space<vmem>> -> memref<1x1x128xi32, #tpu.memory_space<vmem>>
      %dma_wait3A_1286 = tpu.memref_squeeze %dma_wait3A_1285 : memref<1x1x128xi32, #tpu.memory_space<vmem>> -> memref<128xi32, #tpu.memory_space<vmem>>
      %dma_wait3A_1287 = arith.constant 0 : i32
      %dma_wait3A_1288 = arith.constant 0 : i32
      %dma_wait3A_1289 = tpu.memref_slice %arg2[%dma_wait3A_1287, %dma_wait3A_1288] : memref<1000000x64xf32, #tpu.memory_space<hbm>> -> memref<1000000x64xf32, #tpu.memory_space<hbm>>
      tpu.wait_indirect_dma semaphore(%arg13 : memref<!tpu.dma_semaphore, #tpu.memory_space<semaphore_mem>>) src(%dma_wait3A_1289 : memref<1000000x64xf32, #tpu.memory_space<hbm>>) dst(%dma_wait3A_1283 : memref<128x64xf32, #tpu.memory_space<vmem>>)
      %eq3A_1290 = arith.constant 7 : i32
      %eq3A_1291 = arith.cmpi eq, %select_n3A_1262, %eq3A_1290 : i32
      %add3A_1292 = arith.constant 2 : i32
      %add3A_1293 = arith.addi %select_n3A_1246, %add3A_1292 : i32
      %lt3A_1294 = arith.constant 25 : i32
      %lt3A_1295 = arith.cmpi slt, %add3A_1293, %lt3A_1294 : i32
      %and3A_1296 = arith.andi %eq3A_1291, %lt3A_1295 : i1
      %convert_element_type3A_1297 = arith.extui %and3A_1296 : i1 to i32
      %cond3A_1298 = arith.constant 0 : i32
      %cond3A_1299 = arith.cmpi ne, %convert_element_type3A_1297, %cond3A_1298 : i32
      scf.if %cond3A_1299 {
        %eq3A_1627 = arith.constant 0 : i32
        %eq3A_1628 = arith.cmpi eq, %select_n3A_1278, %eq3A_1627 : i32
        %convert_element_type3A_1629 = arith.extui %eq3A_1628 : i1 to i32
        %cond3A_1630 = arith.constant 0 : i32
        %cond3A_1631 = arith.cmpi ne, %convert_element_type3A_1629, %cond3A_1630 : i32
        scf.if %cond3A_1631 {
          %add3A_1637 = arith.addi %mul3A_2, %select_n3A_1246 : i32
          %add3A_1638 = arith.constant 2 : i32
          %add3A_1639 = arith.addi %add3A_1637, %add3A_1638 : i32
          %jit3A_1640 = arith.constant 32 : i32
          %div3A_1641 = arith.divsi %add3A_1639, %jit3A_1640 : i32
          %sign3A_1642 = arith.constant 0 : i32
          %sign3A_1643 = arith.cmpi sgt, %add3A_1639, %sign3A_1642 : i32
          %sign3A_1644 = arith.extui %sign3A_1643 : i1 to i32
          %sign3A_1645 = arith.constant 0 : i32
          %sign3A_1646 = arith.cmpi slt, %add3A_1639, %sign3A_1645 : i32
          %sign3A_1647 = arith.extui %sign3A_1646 : i1 to i32
          %sign3A_1648 = arith.subi %sign3A_1644, %sign3A_1647 : i32
          %sign3A_1649 = arith.constant 0 : i32
          %sign3A_1650 = arith.cmpi sgt, %jit3A_1640, %sign3A_1649 : i32
          %sign3A_1651 = arith.extui %sign3A_1650 : i1 to i32
          %sign3A_1652 = arith.constant 0 : i32
          %sign3A_1653 = arith.cmpi slt, %jit3A_1640, %sign3A_1652 : i32
          %sign3A_1654 = arith.extui %sign3A_1653 : i1 to i32
          %sign3A_1655 = arith.subi %sign3A_1651, %sign3A_1654 : i32
          %ne3A_1656 = arith.cmpi ne, %sign3A_1648, %sign3A_1655 : i32
          %rem3A_1657 = arith.remsi %add3A_1639, %jit3A_1640 : i32
          %ne3A_1658 = arith.constant 0 : i32
          %ne3A_1659 = arith.cmpi ne, %rem3A_1657, %ne3A_1658 : i32
          %and3A_1660 = arith.andi %ne3A_1656, %ne3A_1659 : i1
          %sub3A_1661 = arith.constant 1 : i32
          %sub3A_1662 = arith.subi %div3A_1641, %sub3A_1661 : i32
          %select_n3A_1663 = arith.select %and3A_1660, %sub3A_1662, %div3A_1641 : i32
          %jit3A_1664 = arith.constant 32 : i32
          %eq3A_1665 = arith.constant 0 : i32
          %eq3A_1666 = arith.cmpi eq, %jit3A_1664, %eq3A_1665 : i32
          %jit3A_1667 = arith.constant 1 : i32
          %select_n3A_1668 = arith.select %eq3A_1666, %jit3A_1667, %jit3A_1664 : i32
          %rem3A_1669 = arith.remsi %add3A_1639, %select_n3A_1668 : i32
          %ne3A_1670 = arith.constant 0 : i32
          %ne3A_1671 = arith.cmpi ne, %rem3A_1669, %ne3A_1670 : i32
          %lt3A_1672 = arith.constant 0 : i32
          %lt3A_1673 = arith.cmpi slt, %rem3A_1669, %lt3A_1672 : i32
          %lt3A_1674 = arith.constant 0 : i32
          %lt3A_1675 = arith.cmpi slt, %select_n3A_1668, %lt3A_1674 : i32
          %ne3A_1676 = arith.xori %lt3A_1673, %lt3A_1675 : i1
          %and3A_1677 = arith.andi %ne3A_1676, %ne3A_1671 : i1
          %add3A_1678 = arith.addi %rem3A_1669, %select_n3A_1668 : i32
          %select_n3A_1679 = arith.select %and3A_1677, %add3A_1678, %rem3A_1669 : i32
          %dma_start3A_1680 = arith.constant 0 : i32
          %dma_start3A_1681 = arith.constant 0 : i32
          %dma_start3A_1682 = arith.constant 0 : i32
          %dma_start3A_1683 = tpu.memref_slice %arg5[%dma_start3A_1680, %dma_start3A_1681, %dma_start3A_1682] : memref<2x8x128xi32, #tpu.memory_space<vmem>> -> memref<1x8x128xi32, #tpu.memory_space<vmem>>
          %dma_start3A_1684 = tpu.memref_squeeze %dma_start3A_1683 : memref<1x8x128xi32, #tpu.memory_space<vmem>> -> memref<8x128xi32, #tpu.memory_space<vmem>>
          %dma_start3A_1685 = arith.constant 0 : i32
          %dma_start3A_1686 = arith.constant 0 : i32
          %dma_start3A_1687 = tpu.memref_slice %arg3[%select_n3A_1663, %select_n3A_1679, %dma_start3A_1685, %dma_start3A_1686] : memref<25x32x8x128xi32, #tpu.memory_space<hbm>> -> memref<1x1x8x128xi32, #tpu.memory_space<hbm>>
          %dma_start3A_1688 = tpu.memref_squeeze %dma_start3A_1687 : memref<1x1x8x128xi32, #tpu.memory_space<hbm>> -> memref<8x128xi32, #tpu.memory_space<hbm>>
          %dma_start3A_1689 = arith.constant 0 : i32
          %dma_start3A_1690 = arith.constant 0 : i32
          %dma_start3A_1691 = tpu.memref_slice %arg5[%dma_start3A_1680, %dma_start3A_1689, %dma_start3A_1690] : memref<2x8x128xi32, #tpu.memory_space<vmem>> -> memref<1x8x128xi32, #tpu.memory_space<vmem>>
          %dma_start3A_1692 = tpu.memref_squeeze %dma_start3A_1691 : memref<1x8x128xi32, #tpu.memory_space<vmem>> -> memref<8x128xi32, #tpu.memory_space<vmem>>
          %dma_start3A_1693 = arith.constant 0 : i32
          %dma_start3A_1694 = arith.constant 0 : i32
          %dma_start3A_1695 = tpu.memref_slice %arg3[%select_n3A_1663, %select_n3A_1679, %dma_start3A_1693, %dma_start3A_1694] : memref<25x32x8x128xi32, #tpu.memory_space<hbm>> -> memref<1x1x8x128xi32, #tpu.memory_space<hbm>>
          %dma_start3A_1696 = tpu.memref_squeeze %dma_start3A_1695 : memref<1x1x8x128xi32, #tpu.memory_space<hbm>> -> memref<8x128xi32, #tpu.memory_space<hbm>>
          tpu.enqueue_dma source(%dma_start3A_1696 : memref<8x128xi32, #tpu.memory_space<hbm>>) target(%dma_start3A_1692 : memref<8x128xi32, #tpu.memory_space<vmem>>) target_semaphore(%arg8 : memref<!tpu.dma_semaphore, #tpu.memory_space<semaphore_mem>>)
        } else {
        }
        %eq3A_1632 = arith.constant 1 : i32
        %eq3A_1633 = arith.cmpi eq, %select_n3A_1278, %eq3A_1632 : i32
        %convert_element_type3A_1634 = arith.extui %eq3A_1633 : i1 to i32
        %cond3A_1635 = arith.constant 0 : i32
        %cond3A_1636 = arith.cmpi ne, %convert_element_type3A_1634, %cond3A_1635 : i32
        scf.if %cond3A_1636 {
          %add3A_1637 = arith.addi %mul3A_2, %select_n3A_1246 : i32
          %add3A_1638 = arith.constant 2 : i32
          %add3A_1639 = arith.addi %add3A_1637, %add3A_1638 : i32
          %jit3A_1640 = arith.constant 32 : i32
          %div3A_1641 = arith.divsi %add3A_1639, %jit3A_1640 : i32
          %sign3A_1642 = arith.constant 0 : i32
          %sign3A_1643 = arith.cmpi sgt, %add3A_1639, %sign3A_1642 : i32
          %sign3A_1644 = arith.extui %sign3A_1643 : i1 to i32
          %sign3A_1645 = arith.constant 0 : i32
          %sign3A_1646 = arith.cmpi slt, %add3A_1639, %sign3A_1645 : i32
          %sign3A_1647 = arith.extui %sign3A_1646 : i1 to i32
          %sign3A_1648 = arith.subi %sign3A_1644, %sign3A_1647 : i32
          %sign3A_1649 = arith.constant 0 : i32
          %sign3A_1650 = arith.cmpi sgt, %jit3A_1640, %sign3A_1649 : i32
          %sign3A_1651 = arith.extui %sign3A_1650 : i1 to i32
          %sign3A_1652 = arith.constant 0 : i32
          %sign3A_1653 = arith.cmpi slt, %jit3A_1640, %sign3A_1652 : i32
          %sign3A_1654 = arith.extui %sign3A_1653 : i1 to i32
          %sign3A_1655 = arith.subi %sign3A_1651, %sign3A_1654 : i32
          %ne3A_1656 = arith.cmpi ne, %sign3A_1648, %sign3A_1655 : i32
          %rem3A_1657 = arith.remsi %add3A_1639, %jit3A_1640 : i32
          %ne3A_1658 = arith.constant 0 : i32
          %ne3A_1659 = arith.cmpi ne, %rem3A_1657, %ne3A_1658 : i32
          %and3A_1660 = arith.andi %ne3A_1656, %ne3A_1659 : i1
          %sub3A_1661 = arith.constant 1 : i32
          %sub3A_1662 = arith.subi %div3A_1641, %sub3A_1661 : i32
          %select_n3A_1663 = arith.select %and3A_1660, %sub3A_1662, %div3A_1641 : i32
          %jit3A_1664 = arith.constant 32 : i32
          %eq3A_1665 = arith.constant 0 : i32
          %eq3A_1666 = arith.cmpi eq, %jit3A_1664, %eq3A_1665 : i32
          %jit3A_1667 = arith.constant 1 : i32
          %select_n3A_1668 = arith.select %eq3A_1666, %jit3A_1667, %jit3A_1664 : i32
          %rem3A_1669 = arith.remsi %add3A_1639, %select_n3A_1668 : i32
          %ne3A_1670 = arith.constant 0 : i32
          %ne3A_1671 = arith.cmpi ne, %rem3A_1669, %ne3A_1670 : i32
          %lt3A_1672 = arith.constant 0 : i32
          %lt3A_1673 = arith.cmpi slt, %rem3A_1669, %lt3A_1672 : i32
          %lt3A_1674 = arith.constant 0 : i32
          %lt3A_1675 = arith.cmpi slt, %select_n3A_1668, %lt3A_1674 : i32
          %ne3A_1676 = arith.xori %lt3A_1673, %lt3A_1675 : i1
          %and3A_1677 = arith.andi %ne3A_1676, %ne3A_1671 : i1
          %add3A_1678 = arith.addi %rem3A_1669, %select_n3A_1668 : i32
          %select_n3A_1679 = arith.select %and3A_1677, %add3A_1678, %rem3A_1669 : i32
          %dma_start3A_1680 = arith.constant 1 : i32
          %dma_start3A_1681 = arith.constant 0 : i32
          %dma_start3A_1682 = arith.constant 0 : i32
          %dma_start3A_1683 = tpu.memref_slice %arg5[%dma_start3A_1680, %dma_start3A_1681, %dma_start3A_1682] : memref<2x8x128xi32, #tpu.memory_space<vmem>> -> memref<1x8x128xi32, #tpu.memory_space<vmem>>
          %dma_start3A_1684 = tpu.memref_squeeze %dma_start3A_1683 : memref<1x8x128xi32, #tpu.memory_space<vmem>> -> memref<8x128xi32, #tpu.memory_space<vmem>>
          %dma_start3A_1685 = arith.constant 0 : i32
          %dma_start3A_1686 = arith.constant 0 : i32
          %dma_start3A_1687 = tpu.memref_slice %arg3[%select_n3A_1663, %select_n3A_1679, %dma_start3A_1685, %dma_start3A_1686] : memref<25x32x8x128xi32, #tpu.memory_space<hbm>> -> memref<1x1x8x128xi32, #tpu.memory_space<hbm>>
          %dma_start3A_1688 = tpu.memref_squeeze %dma_start3A_1687 : memref<1x1x8x128xi32, #tpu.memory_space<hbm>> -> memref<8x128xi32, #tpu.memory_space<hbm>>
          %dma_start3A_1689 = arith.constant 0 : i32
          %dma_start3A_1690 = arith.constant 0 : i32
          %dma_start3A_1691 = tpu.memref_slice %arg5[%dma_start3A_1680, %dma_start3A_1689, %dma_start3A_1690] : memref<2x8x128xi32, #tpu.memory_space<vmem>> -> memref<1x8x128xi32, #tpu.memory_space<vmem>>
          %dma_start3A_1692 = tpu.memref_squeeze %dma_start3A_1691 : memref<1x8x128xi32, #tpu.memory_space<vmem>> -> memref<8x128xi32, #tpu.memory_space<vmem>>
          %dma_start3A_1693 = arith.constant 0 : i32
          %dma_start3A_1694 = arith.constant 0 : i32
          %dma_start3A_1695 = tpu.memref_slice %arg3[%select_n3A_1663, %select_n3A_1679, %dma_start3A_1693, %dma_start3A_1694] : memref<25x32x8x128xi32, #tpu.memory_space<hbm>> -> memref<1x1x8x128xi32, #tpu.memory_space<hbm>>
          %dma_start3A_1696 = tpu.memref_squeeze %dma_start3A_1695 : memref<1x1x8x128xi32, #tpu.memory_space<hbm>> -> memref<8x128xi32, #tpu.memory_space<hbm>>
          tpu.enqueue_dma source(%dma_start3A_1696 : memref<8x128xi32, #tpu.memory_space<hbm>>) target(%dma_start3A_1692 : memref<8x128xi32, #tpu.memory_space<vmem>>) target_semaphore(%arg9 : memref<!tpu.dma_semaphore, #tpu.memory_space<semaphore_mem>>)
        } else {
        }
      } else {
      }
      %gt3A_1300 = arith.constant 0 : i32
      %gt3A_1301 = arith.cmpi sgt, %scan3A_610, %gt3A_1300 : i32
      %convert_element_type3A_1302 = arith.extui %gt3A_1301 : i1 to i32
      %cond3A_1303 = arith.constant 0 : i32
      %cond3A_1304 = arith.cmpi ne, %convert_element_type3A_1302, %cond3A_1303 : i32
      scf.if %cond3A_1304 {
        %sub3A_1627 = arith.constant 5 : i32
        %sub3A_1628 = arith.subi %add3A_1222, %sub3A_1627 : i32
        %jit3A_1629 = arith.constant 8 : i32
        %div3A_1630 = arith.divsi %sub3A_1628, %jit3A_1629 : i32
        %sign3A_1631 = arith.constant 0 : i32
        %sign3A_1632 = arith.cmpi sgt, %sub3A_1628, %sign3A_1631 : i32
        %sign3A_1633 = arith.extui %sign3A_1632 : i1 to i32
        %sign3A_1634 = arith.constant 0 : i32
        %sign3A_1635 = arith.cmpi slt, %sub3A_1628, %sign3A_1634 : i32
        %sign3A_1636 = arith.extui %sign3A_1635 : i1 to i32
        %sign3A_1637 = arith.subi %sign3A_1633, %sign3A_1636 : i32
        %sign3A_1638 = arith.constant 0 : i32
        %sign3A_1639 = arith.cmpi sgt, %jit3A_1629, %sign3A_1638 : i32
        %sign3A_1640 = arith.extui %sign3A_1639 : i1 to i32
        %sign3A_1641 = arith.constant 0 : i32
        %sign3A_1642 = arith.cmpi slt, %jit3A_1629, %sign3A_1641 : i32
        %sign3A_1643 = arith.extui %sign3A_1642 : i1 to i32
        %sign3A_1644 = arith.subi %sign3A_1640, %sign3A_1643 : i32
        %ne3A_1645 = arith.cmpi ne, %sign3A_1637, %sign3A_1644 : i32
        %rem3A_1646 = arith.remsi %sub3A_1628, %jit3A_1629 : i32
        %ne3A_1647 = arith.constant 0 : i32
        %ne3A_1648 = arith.cmpi ne, %rem3A_1646, %ne3A_1647 : i32
        %and3A_1649 = arith.andi %ne3A_1645, %ne3A_1648 : i1
        %sub3A_1650 = arith.constant 1 : i32
        %sub3A_1651 = arith.subi %div3A_1630, %sub3A_1650 : i32
        %select_n3A_1652 = arith.select %and3A_1649, %sub3A_1651, %div3A_1630 : i32
        %add3A_1653 = arith.addi %mul3A_2, %select_n3A_1652 : i32
        %jit3A_1654 = arith.constant 32 : i32
        %div3A_1655 = arith.divsi %add3A_1653, %jit3A_1654 : i32
        %sign3A_1656 = arith.constant 0 : i32
        %sign3A_1657 = arith.cmpi sgt, %add3A_1653, %sign3A_1656 : i32
        %sign3A_1658 = arith.extui %sign3A_1657 : i1 to i32
        %sign3A_1659 = arith.constant 0 : i32
        %sign3A_1660 = arith.cmpi slt, %add3A_1653, %sign3A_1659 : i32
        %sign3A_1661 = arith.extui %sign3A_1660 : i1 to i32
        %sign3A_1662 = arith.subi %sign3A_1658, %sign3A_1661 : i32
        %sign3A_1663 = arith.constant 0 : i32
        %sign3A_1664 = arith.cmpi sgt, %jit3A_1654, %sign3A_1663 : i32
        %sign3A_1665 = arith.extui %sign3A_1664 : i1 to i32
        %sign3A_1666 = arith.constant 0 : i32
        %sign3A_1667 = arith.cmpi slt, %jit3A_1654, %sign3A_1666 : i32
        %sign3A_1668 = arith.extui %sign3A_1667 : i1 to i32
        %sign3A_1669 = arith.subi %sign3A_1665, %sign3A_1668 : i32
        %ne3A_1670 = arith.cmpi ne, %sign3A_1662, %sign3A_1669 : i32
        %rem3A_1671 = arith.remsi %add3A_1653, %jit3A_1654 : i32
        %ne3A_1672 = arith.constant 0 : i32
        %ne3A_1673 = arith.cmpi ne, %rem3A_1671, %ne3A_1672 : i32
        %and3A_1674 = arith.andi %ne3A_1670, %ne3A_1673 : i1
        %sub3A_1675 = arith.constant 1 : i32
        %sub3A_1676 = arith.subi %div3A_1655, %sub3A_1675 : i32
        %select_n3A_1677 = arith.select %and3A_1674, %sub3A_1676, %div3A_1655 : i32
        %mul3A_1678 = arith.constant 8 : i32
        %mul3A_1679 = arith.muli %select_n3A_1677, %mul3A_1678 : i32
        %jit3A_1680 = arith.constant 8 : i32
        %eq3A_1681 = arith.constant 0 : i32
        %eq3A_1682 = arith.cmpi eq, %jit3A_1680, %eq3A_1681 : i32
        %jit3A_1683 = arith.constant 1 : i32
        %select_n3A_1684 = arith.select %eq3A_1682, %jit3A_1683, %jit3A_1680 : i32
        %rem3A_1685 = arith.remsi %sub3A_1628, %select_n3A_1684 : i32
        %ne3A_1686 = arith.constant 0 : i32
        %ne3A_1687 = arith.cmpi ne, %rem3A_1685, %ne3A_1686 : i32
        %lt3A_1688 = arith.constant 0 : i32
        %lt3A_1689 = arith.cmpi slt, %rem3A_1685, %lt3A_1688 : i32
        %lt3A_1690 = arith.constant 0 : i32
        %lt3A_1691 = arith.cmpi slt, %select_n3A_1684, %lt3A_1690 : i32
        %ne3A_1692 = arith.xori %lt3A_1689, %lt3A_1691 : i1
        %and3A_1693 = arith.andi %ne3A_1692, %ne3A_1687 : i1
        %add3A_1694 = arith.addi %rem3A_1685, %select_n3A_1684 : i32
        %select_n3A_1695 = arith.select %and3A_1693, %add3A_1694, %rem3A_1685 : i32
        %add3A_1696 = arith.addi %mul3A_1679, %select_n3A_1695 : i32
        %jit3A_1697 = arith.constant 32 : i32
        %eq3A_1698 = arith.constant 0 : i32
        %eq3A_1699 = arith.cmpi eq, %jit3A_1697, %eq3A_1698 : i32
        %jit3A_1700 = arith.constant 1 : i32
        %select_n3A_1701 = arith.select %eq3A_1699, %jit3A_1700, %jit3A_1697 : i32
        %rem3A_1702 = arith.remsi %add3A_1653, %select_n3A_1701 : i32
        %ne3A_1703 = arith.constant 0 : i32
        %ne3A_1704 = arith.cmpi ne, %rem3A_1702, %ne3A_1703 : i32
        %lt3A_1705 = arith.constant 0 : i32
        %lt3A_1706 = arith.cmpi slt, %rem3A_1702, %lt3A_1705 : i32
        %lt3A_1707 = arith.constant 0 : i32
        %lt3A_1708 = arith.cmpi slt, %select_n3A_1701, %lt3A_1707 : i32
        %ne3A_1709 = arith.xori %lt3A_1706, %lt3A_1708 : i1
        %and3A_1710 = arith.andi %ne3A_1709, %ne3A_1704 : i1
        %add3A_1711 = arith.addi %rem3A_1702, %select_n3A_1701 : i32
        %select_n3A_1712 = arith.select %and3A_1710, %add3A_1711, %rem3A_1702 : i32
        %dma_wait3A_1713 = arith.constant 3 : i32
        %dma_wait3A_1714 = arith.constant 0 : i32
        %dma_wait3A_1715 = arith.constant 0 : i32
        %dma_wait3A_1716 = arith.constant 0 : i32
        %dma_wait3A_1717 = tpu.memref_slice %arg7[%dma_wait3A_1713, %dma_wait3A_1714, %dma_wait3A_1715, %dma_wait3A_1716] : memref<5x8x8x129xf32, #tpu.memory_space<vmem>> -> memref<1x8x8x128xf32, #tpu.memory_space<vmem>>
        %dma_wait3A_1718 = tpu.memref_squeeze %dma_wait3A_1717 : memref<1x8x8x128xf32, #tpu.memory_space<vmem>> -> memref<8x8x128xf32, #tpu.memory_space<vmem>>
        %dma_wait3A_1719 = arith.constant 0 : i32
        %dma_wait3A_1720 = arith.constant 0 : i32
        %dma_wait3A_1721 = arith.constant 0 : i32
        %dma_wait3A_1722 = tpu.memref_slice %arg4[%add3A_1696, %dma_wait3A_1719, %select_n3A_1712, %dma_wait3A_1720, %dma_wait3A_1721] : memref<200x8x32x8x128xf32, #tpu.memory_space<hbm>> -> memref<1x8x1x8x128xf32, #tpu.memory_space<hbm>>
        %dma_wait3A_1723 = tpu.memref_squeeze %dma_wait3A_1722 : memref<1x8x1x8x128xf32, #tpu.memory_space<hbm>> -> memref<8x8x128xf32, #tpu.memory_space<hbm>>
        %dma_wait3A_1724 = arith.constant 0 : i32
        %dma_wait3A_1725 = arith.constant 0 : i32
        %dma_wait3A_1726 = arith.constant 0 : i32
        %dma_wait3A_1727 = tpu.memref_slice %arg4[%add3A_1696, %dma_wait3A_1724, %select_n3A_1712, %dma_wait3A_1725, %dma_wait3A_1726] : memref<200x8x32x8x128xf32, #tpu.memory_space<hbm>> -> memref<1x8x1x8x128xf32, #tpu.memory_space<hbm>>
        %dma_wait3A_1728 = tpu.memref_squeeze %dma_wait3A_1727 : memref<1x8x1x8x128xf32, #tpu.memory_space<hbm>> -> memref<8x8x128xf32, #tpu.memory_space<hbm>>
        %dma_wait3A_1729 = arith.constant 0 : i32
        %dma_wait3A_1730 = arith.constant 0 : i32
        %dma_wait3A_1731 = arith.constant 0 : i32
        %dma_wait3A_1732 = tpu.memref_slice %arg7[%dma_wait3A_1713, %dma_wait3A_1729, %dma_wait3A_1730, %dma_wait3A_1731] : memref<5x8x8x129xf32, #tpu.memory_space<vmem>> -> memref<1x8x8x128xf32, #tpu.memory_space<vmem>>
        %dma_wait3A_1733 = tpu.memref_squeeze %dma_wait3A_1732 : memref<1x8x8x128xf32, #tpu.memory_space<vmem>> -> memref<8x8x128xf32, #tpu.memory_space<vmem>>
        tpu.wait_dma2 semaphore(%arg18 : memref<!tpu.dma_semaphore, #tpu.memory_space<semaphore_mem>>) src(%dma_wait3A_1733 : memref<8x8x128xf32, #tpu.memory_space<vmem>>) dst(%dma_wait3A_1728 : memref<8x8x128xf32, #tpu.memory_space<hbm>>)
      } else {
      }
      %parallel_loop3A_1305 = arith.constant 0 : i32
      %parallel_loop3A_1306 = arith.constant 128 : i32
      %parallel_loop3A_1307 = arith.constant 1 : i32
      %parallel_loop3A_1308 = arith.constant 3 : i32
      scf.for %parallel_loop3A_1627 = %parallel_loop3A_1305 to %parallel_loop3A_1306 step %parallel_loop3A_1307  : i32 {
        %parallel_loop3A_1628 = vector.broadcast %parallel_loop3A_1627 : i32 to vector<16xi32>
        %parallel_loop3A_1629 = arith.constant 3 : i32
        %parallel_loop3A_1630 = arith.index_cast %parallel_loop3A_1629 : i32 to index
        %parallel_loop3A_1631 = arith.index_cast %parallel_loop3A_1627 : i32 to index
        %parallel_loop3A_1632 = arith.constant 0 : index
        %parallel_loop3A_1633 = tpu.vector_load %arg6[%parallel_loop3A_1630, %parallel_loop3A_1631, %parallel_loop3A_1632] {strides = array<i32>} : memref<5x128x64xf32, #tpu.memory_space<vmem>>, vector<16xf32>,
        %parallel_loop3A_1634 = arith.constant 8.000000e+00 : f32
        %parallel_loop3A_1635 = vector.broadcast %parallel_loop3A_1634 : f32 to vector<16xf32>
        %parallel_loop3A_1636 = arith.mulf %parallel_loop3A_1633, %parallel_loop3A_1635 : vector<16xf32>
        %parallel_loop3A_1637 = arith.constant 0 : i32
        %parallel_loop3A_1638 = arith.constant 0 : i32
        %parallel_loop3A_1639 = arith.constant 0 : i32
        %parallel_loop3A_1640 = tpu.memref_slice %arg7[%parallel_loop3A_1308, %parallel_loop3A_1637, %parallel_loop3A_1638, %parallel_loop3A_1639] : memref<5x8x8x129xf32, #tpu.memory_space<vmem>> -> memref<1x8x8x129xf32, #tpu.memory_space<vmem>>
        %parallel_loop3A_1641 = tpu.memref_squeeze %parallel_loop3A_1640 : memref<1x8x8x129xf32, #tpu.memory_space<vmem>> -> memref<8x8x129xf32, #tpu.memory_space<vmem>>
        tpu.vector_store_idx %parallel_loop3A_1641[%shift_right_arithmetic3A_7, %and3A_34, %parallel_loop3A_1628], %parallel_loop3A_1636 : memref<8x8x129xf32, #tpu.memory_space<vmem>>[vector<16xi32>, vector<16xi32>, vector<16xi32>], vector<16xf32>,
        %parallel_loop3A_1642 = arith.constant 3 : i32
        %parallel_loop3A_1643 = arith.index_cast %parallel_loop3A_1642 : i32 to index
        %parallel_loop3A_1644 = arith.index_cast %parallel_loop3A_1627 : i32 to index
        %parallel_loop3A_1645 = arith.constant 16 : index
        %parallel_loop3A_1646 = tpu.vector_load %arg6[%parallel_loop3A_1643, %parallel_loop3A_1644, %parallel_loop3A_1645] {strides = array<i32>} : memref<5x128x64xf32, #tpu.memory_space<vmem>>, vector<16xf32>,
        %parallel_loop3A_1647 = arith.constant 8.000000e+00 : f32
        %parallel_loop3A_1648 = vector.broadcast %parallel_loop3A_1647 : f32 to vector<16xf32>
        %parallel_loop3A_1649 = arith.mulf %parallel_loop3A_1646, %parallel_loop3A_1648 : vector<16xf32>
        %parallel_loop3A_1650 = arith.constant 0 : i32
        %parallel_loop3A_1651 = arith.constant 0 : i32
        %parallel_loop3A_1652 = arith.constant 0 : i32
        %parallel_loop3A_1653 = tpu.memref_slice %arg7[%parallel_loop3A_1308, %parallel_loop3A_1650, %parallel_loop3A_1651, %parallel_loop3A_1652] : memref<5x8x8x129xf32, #tpu.memory_space<vmem>> -> memref<1x8x8x129xf32, #tpu.memory_space<vmem>>
        %parallel_loop3A_1654 = tpu.memref_squeeze %parallel_loop3A_1653 : memref<1x8x8x129xf32, #tpu.memory_space<vmem>> -> memref<8x8x129xf32, #tpu.memory_space<vmem>>
        tpu.vector_store_idx %parallel_loop3A_1654[%shift_right_arithmetic3A_14, %and3A_41, %parallel_loop3A_1628], %parallel_loop3A_1649 : memref<8x8x129xf32, #tpu.memory_space<vmem>>[vector<16xi32>, vector<16xi32>, vector<16xi32>], vector<16xf32>,
        %parallel_loop3A_1655 = arith.constant 3 : i32
        %parallel_loop3A_1656 = arith.index_cast %parallel_loop3A_1655 : i32 to index
        %parallel_loop3A_1657 = arith.index_cast %parallel_loop3A_1627 : i32 to index
        %parallel_loop3A_1658 = arith.constant 32 : index
        %parallel_loop3A_1659 = tpu.vector_load %arg6[%parallel_loop3A_1656, %parallel_loop3A_1657, %parallel_loop3A_1658] {strides = array<i32>} : memref<5x128x64xf32, #tpu.memory_space<vmem>>, vector<16xf32>,
        %parallel_loop3A_1660 = arith.constant 8.000000e+00 : f32
        %parallel_loop3A_1661 = vector.broadcast %parallel_loop3A_1660 : f32 to vector<16xf32>
        %parallel_loop3A_1662 = arith.mulf %parallel_loop3A_1659, %parallel_loop3A_1661 : vector<16xf32>
        %parallel_loop3A_1663 = arith.constant 0 : i32
        %parallel_loop3A_1664 = arith.constant 0 : i32
        %parallel_loop3A_1665 = arith.constant 0 : i32
        %parallel_loop3A_1666 = tpu.memref_slice %arg7[%parallel_loop3A_1308, %parallel_loop3A_1663, %parallel_loop3A_1664, %parallel_loop3A_1665] : memref<5x8x8x129xf32, #tpu.memory_space<vmem>> -> memref<1x8x8x129xf32, #tpu.memory_space<vmem>>
        %parallel_loop3A_1667 = tpu.memref_squeeze %parallel_loop3A_1666 : memref<1x8x8x129xf32, #tpu.memory_space<vmem>> -> memref<8x8x129xf32, #tpu.memory_space<vmem>>
        tpu.vector_store_idx %parallel_loop3A_1667[%shift_right_arithmetic3A_21, %and3A_48, %parallel_loop3A_1628], %parallel_loop3A_1662 : memref<8x8x129xf32, #tpu.memory_space<vmem>>[vector<16xi32>, vector<16xi32>, vector<16xi32>], vector<16xf32>,
        %parallel_loop3A_1668 = arith.constant 3 : i32
        %parallel_loop3A_1669 = arith.index_cast %parallel_loop3A_1668 : i32 to index
        %parallel_loop3A_1670 = arith.index_cast %parallel_loop3A_1627 : i32 to index
        %parallel_loop3A_1671 = arith.constant 48 : index
        %parallel_loop3A_1672 = tpu.vector_load %arg6[%parallel_loop3A_1669, %parallel_loop3A_1670, %parallel_loop3A_1671] {strides = array<i32>} : memref<5x128x64xf32, #tpu.memory_space<vmem>>, vector<16xf32>,
        %parallel_loop3A_1673 = arith.constant 8.000000e+00 : f32
        %parallel_loop3A_1674 = vector.broadcast %parallel_loop3A_1673 : f32 to vector<16xf32>
        %parallel_loop3A_1675 = arith.mulf %parallel_loop3A_1672, %parallel_loop3A_1674 : vector<16xf32>
        %parallel_loop3A_1676 = arith.constant 0 : i32
        %parallel_loop3A_1677 = arith.constant 0 : i32
        %parallel_loop3A_1678 = arith.constant 0 : i32
        %parallel_loop3A_1679 = tpu.memref_slice %arg7[%parallel_loop3A_1308, %parallel_loop3A_1676, %parallel_loop3A_1677, %parallel_loop3A_1678] : memref<5x8x8x129xf32, #tpu.memory_space<vmem>> -> memref<1x8x8x129xf32, #tpu.memory_space<vmem>>
        %parallel_loop3A_1680 = tpu.memref_squeeze %parallel_loop3A_1679 : memref<1x8x8x129xf32, #tpu.memory_space<vmem>> -> memref<8x8x129xf32, #tpu.memory_space<vmem>>
        tpu.vector_store_idx %parallel_loop3A_1680[%shift_right_arithmetic3A_28, %and3A_55, %parallel_loop3A_1628], %parallel_loop3A_1675 : memref<8x8x129xf32, #tpu.memory_space<vmem>>[vector<16xi32>, vector<16xi32>, vector<16xi32>], vector<16xf32>,
      } {sc.loop_unroll_factor = 8 : i64, sc.parallel_access}
      %jit3A_1309 = arith.constant 8 : i32
      %div3A_1310 = arith.divsi %add3A_1222, %jit3A_1309 : i32
      %sign3A_1311 = arith.constant 0 : i32
      %sign3A_1312 = arith.cmpi sgt, %add3A_1222, %sign3A_1311 : i32
      %sign3A_1313 = arith.extui %sign3A_1312 : i1 to i32
      %sign3A_1314 = arith.constant 0 : i32
      %sign3A_1315 = arith.cmpi slt, %add3A_1222, %sign3A_1314 : i32
      %sign3A_1316 = arith.extui %sign3A_1315 : i1 to i32
      %sign3A_1317 = arith.subi %sign3A_1313, %sign3A_1316 : i32
      %sign3A_1318 = arith.constant 0 : i32
      %sign3A_1319 = arith.cmpi sgt, %jit3A_1309, %sign3A_1318 : i32
      %sign3A_1320 = arith.extui %sign3A_1319 : i1 to i32
      %sign3A_1321 = arith.constant 0 : i32
      %sign3A_1322 = arith.cmpi slt, %jit3A_1309, %sign3A_1321 : i32
      %sign3A_1323 = arith.extui %sign3A_1322 : i1 to i32
      %sign3A_1324 = arith.subi %sign3A_1320, %sign3A_1323 : i32
      %ne3A_1325 = arith.cmpi ne, %sign3A_1317, %sign3A_1324 : i32
      %rem3A_1326 = arith.remsi %add3A_1222, %jit3A_1309 : i32
      %ne3A_1327 = arith.constant 0 : i32
      %ne3A_1328 = arith.cmpi ne, %rem3A_1326, %ne3A_1327 : i32
      %and3A_1329 = arith.andi %ne3A_1325, %ne3A_1328 : i1
      %sub3A_1330 = arith.constant 1 : i32
      %sub3A_1331 = arith.subi %div3A_1310, %sub3A_1330 : i32
      %select_n3A_1332 = arith.select %and3A_1329, %sub3A_1331, %div3A_1310 : i32
      %add3A_1333 = arith.addi %mul3A_2, %select_n3A_1332 : i32
      %jit3A_1334 = arith.constant 32 : i32
      %div3A_1335 = arith.divsi %add3A_1333, %jit3A_1334 : i32
      %sign3A_1336 = arith.constant 0 : i32
      %sign3A_1337 = arith.cmpi sgt, %add3A_1333, %sign3A_1336 : i32
      %sign3A_1338 = arith.extui %sign3A_1337 : i1 to i32
      %sign3A_1339 = arith.constant 0 : i32
      %sign3A_1340 = arith.cmpi slt, %add3A_1333, %sign3A_1339 : i32
      %sign3A_1341 = arith.extui %sign3A_1340 : i1 to i32
      %sign3A_1342 = arith.subi %sign3A_1338, %sign3A_1341 : i32
      %sign3A_1343 = arith.constant 0 : i32
      %sign3A_1344 = arith.cmpi sgt, %jit3A_1334, %sign3A_1343 : i32
      %sign3A_1345 = arith.extui %sign3A_1344 : i1 to i32
      %sign3A_1346 = arith.constant 0 : i32
      %sign3A_1347 = arith.cmpi slt, %jit3A_1334, %sign3A_1346 : i32
      %sign3A_1348 = arith.extui %sign3A_1347 : i1 to i32
      %sign3A_1349 = arith.subi %sign3A_1345, %sign3A_1348 : i32
      %ne3A_1350 = arith.cmpi ne, %sign3A_1342, %sign3A_1349 : i32
      %rem3A_1351 = arith.remsi %add3A_1333, %jit3A_1334 : i32
      %ne3A_1352 = arith.constant 0 : i32
      %ne3A_1353 = arith.cmpi ne, %rem3A_1351, %ne3A_1352 : i32
      %and3A_1354 = arith.andi %ne3A_1350, %ne3A_1353 : i1
      %sub3A_1355 = arith.constant 1 : i32
      %sub3A_1356 = arith.subi %div3A_1335, %sub3A_1355 : i32
      %select_n3A_1357 = arith.select %and3A_1354, %sub3A_1356, %div3A_1335 : i32
      %mul3A_1358 = arith.constant 8 : i32
      %mul3A_1359 = arith.muli %select_n3A_1357, %mul3A_1358 : i32
      %jit3A_1360 = arith.constant 8 : i32
      %eq3A_1361 = arith.constant 0 : i32
      %eq3A_1362 = arith.cmpi eq, %jit3A_1360, %eq3A_1361 : i32
      %jit3A_1363 = arith.constant 1 : i32
      %select_n3A_1364 = arith.select %eq3A_1362, %jit3A_1363, %jit3A_1360 : i32
      %rem3A_1365 = arith.remsi %add3A_1222, %select_n3A_1364 : i32
      %ne3A_1366 = arith.constant 0 : i32
      %ne3A_1367 = arith.cmpi ne, %rem3A_1365, %ne3A_1366 : i32
      %lt3A_1368 = arith.constant 0 : i32
      %lt3A_1369 = arith.cmpi slt, %rem3A_1365, %lt3A_1368 : i32
      %lt3A_1370 = arith.constant 0 : i32
      %lt3A_1371 = arith.cmpi slt, %select_n3A_1364, %lt3A_1370 : i32
      %ne3A_1372 = arith.xori %lt3A_1369, %lt3A_1371 : i1
      %and3A_1373 = arith.andi %ne3A_1372, %ne3A_1367 : i1
      %add3A_1374 = arith.addi %rem3A_1365, %select_n3A_1364 : i32
      %select_n3A_1375 = arith.select %and3A_1373, %add3A_1374, %rem3A_1365 : i32
      %add3A_1376 = arith.addi %mul3A_1359, %select_n3A_1375 : i32
      %jit3A_1377 = arith.constant 32 : i32
      %eq3A_1378 = arith.constant 0 : i32
      %eq3A_1379 = arith.cmpi eq, %jit3A_1377, %eq3A_1378 : i32
      %jit3A_1380 = arith.constant 1 : i32
      %select_n3A_1381 = arith.select %eq3A_1379, %jit3A_1380, %jit3A_1377 : i32
      %rem3A_1382 = arith.remsi %add3A_1333, %select_n3A_1381 : i32
      %ne3A_1383 = arith.constant 0 : i32
      %ne3A_1384 = arith.cmpi ne, %rem3A_1382, %ne3A_1383 : i32
      %lt3A_1385 = arith.constant 0 : i32
      %lt3A_1386 = arith.cmpi slt, %rem3A_1382, %lt3A_1385 : i32
      %lt3A_1387 = arith.constant 0 : i32
      %lt3A_1388 = arith.cmpi slt, %select_n3A_1381, %lt3A_1387 : i32
      %ne3A_1389 = arith.xori %lt3A_1386, %lt3A_1388 : i1
      %and3A_1390 = arith.andi %ne3A_1389, %ne3A_1384 : i1
      %add3A_1391 = arith.addi %rem3A_1382, %select_n3A_1381 : i32
      %select_n3A_1392 = arith.select %and3A_1390, %add3A_1391, %rem3A_1382 : i32
      %dma_start3A_1393 = arith.constant 3 : i32
      %dma_start3A_1394 = arith.constant 0 : i32
      %dma_start3A_1395 = arith.constant 0 : i32
      %dma_start3A_1396 = arith.constant 0 : i32
      %dma_start3A_1397 = tpu.memref_slice %arg7[%dma_start3A_1393, %dma_start3A_1394, %dma_start3A_1395, %dma_start3A_1396] : memref<5x8x8x129xf32, #tpu.memory_space<vmem>> -> memref<1x8x8x128xf32, #tpu.memory_space<vmem>>
      %dma_start3A_1398 = tpu.memref_squeeze %dma_start3A_1397 : memref<1x8x8x128xf32, #tpu.memory_space<vmem>> -> memref<8x8x128xf32, #tpu.memory_space<vmem>>
      %dma_start3A_1399 = arith.constant 0 : i32
      %dma_start3A_1400 = arith.constant 0 : i32
      %dma_start3A_1401 = arith.constant 0 : i32
      %dma_start3A_1402 = tpu.memref_slice %arg4[%add3A_1376, %dma_start3A_1399, %select_n3A_1392, %dma_start3A_1400, %dma_start3A_1401] : memref<200x8x32x8x128xf32, #tpu.memory_space<hbm>> -> memref<1x8x1x8x128xf32, #tpu.memory_space<hbm>>
      %dma_start3A_1403 = tpu.memref_squeeze %dma_start3A_1402 : memref<1x8x1x8x128xf32, #tpu.memory_space<hbm>> -> memref<8x8x128xf32, #tpu.memory_space<hbm>>
      %dma_start3A_1404 = arith.constant 0 : i32
      %dma_start3A_1405 = arith.constant 0 : i32
      %dma_start3A_1406 = arith.constant 0 : i32
      %dma_start3A_1407 = tpu.memref_slice %arg4[%add3A_1376, %dma_start3A_1404, %select_n3A_1392, %dma_start3A_1405, %dma_start3A_1406] : memref<200x8x32x8x128xf32, #tpu.memory_space<hbm>> -> memref<1x8x1x8x128xf32, #tpu.memory_space<hbm>>
      %dma_start3A_1408 = tpu.memref_squeeze %dma_start3A_1407 : memref<1x8x1x8x128xf32, #tpu.memory_space<hbm>> -> memref<8x8x128xf32, #tpu.memory_space<hbm>>
      %dma_start3A_1409 = arith.constant 0 : i32
      %dma_start3A_1410 = arith.constant 0 : i32
      %dma_start3A_1411 = arith.constant 0 : i32
      %dma_start3A_1412 = tpu.memref_slice %arg7[%dma_start3A_1393, %dma_start3A_1409, %dma_start3A_1410, %dma_start3A_1411] : memref<5x8x8x129xf32, #tpu.memory_space<vmem>> -> memref<1x8x8x128xf32, #tpu.memory_space<vmem>>
      %dma_start3A_1413 = tpu.memref_squeeze %dma_start3A_1412 : memref<1x8x8x128xf32, #tpu.memory_space<vmem>> -> memref<8x8x128xf32, #tpu.memory_space<vmem>>
      tpu.enqueue_dma source(%dma_start3A_1413 : memref<8x8x128xf32, #tpu.memory_space<vmem>>) target(%dma_start3A_1408 : memref<8x8x128xf32, #tpu.memory_space<hbm>>) target_semaphore(%arg18 : memref<!tpu.dma_semaphore, #tpu.memory_space<semaphore_mem>>)
      %add3A_1414 = arith.constant 5 : i32
      %add3A_1415 = arith.addi %add3A_1222, %add3A_1414 : i32
      %sub3A_1416 = arith.constant 1 : i32
      %sub3A_1417 = arith.subi %add3A_1415, %sub3A_1416 : i32
      %lt3A_1418 = arith.constant 200 : i32
      %lt3A_1419 = arith.cmpi slt, %sub3A_1417, %lt3A_1418 : i32
      %convert_element_type3A_1420 = arith.extui %lt3A_1419 : i1 to i32
      %cond3A_1421 = arith.constant 0 : i32
      %cond3A_1422 = arith.cmpi ne, %convert_element_type3A_1420, %cond3A_1421 : i32
      scf.if %cond3A_1422 {
        %jit3A_1627 = arith.constant 8 : i32
        %div3A_1628 = arith.divsi %sub3A_1417, %jit3A_1627 : i32
        %sign3A_1629 = arith.constant 0 : i32
        %sign3A_1630 = arith.cmpi sgt, %sub3A_1417, %sign3A_1629 : i32
        %sign3A_1631 = arith.extui %sign3A_1630 : i1 to i32
        %sign3A_1632 = arith.constant 0 : i32
        %sign3A_1633 = arith.cmpi slt, %sub3A_1417, %sign3A_1632 : i32
        %sign3A_1634 = arith.extui %sign3A_1633 : i1 to i32
        %sign3A_1635 = arith.subi %sign3A_1631, %sign3A_1634 : i32
        %sign3A_1636 = arith.constant 0 : i32
        %sign3A_1637 = arith.cmpi sgt, %jit3A_1627, %sign3A_1636 : i32
        %sign3A_1638 = arith.extui %sign3A_1637 : i1 to i32
        %sign3A_1639 = arith.constant 0 : i32
        %sign3A_1640 = arith.cmpi slt, %jit3A_1627, %sign3A_1639 : i32
        %sign3A_1641 = arith.extui %sign3A_1640 : i1 to i32
        %sign3A_1642 = arith.subi %sign3A_1638, %sign3A_1641 : i32
        %ne3A_1643 = arith.cmpi ne, %sign3A_1635, %sign3A_1642 : i32
        %rem3A_1644 = arith.remsi %sub3A_1417, %jit3A_1627 : i32
        %ne3A_1645 = arith.constant 0 : i32
        %ne3A_1646 = arith.cmpi ne, %rem3A_1644, %ne3A_1645 : i32
        %and3A_1647 = arith.andi %ne3A_1643, %ne3A_1646 : i1
        %sub3A_1648 = arith.constant 1 : i32
        %sub3A_1649 = arith.subi %div3A_1628, %sub3A_1648 : i32
        %select_n3A_1650 = arith.select %and3A_1647, %sub3A_1649, %div3A_1628 : i32
        %jit3A_1651 = arith.constant 8 : i32
        %eq3A_1652 = arith.constant 0 : i32
        %eq3A_1653 = arith.cmpi eq, %jit3A_1651, %eq3A_1652 : i32
        %jit3A_1654 = arith.constant 1 : i32
        %select_n3A_1655 = arith.select %eq3A_1653, %jit3A_1654, %jit3A_1651 : i32
        %rem3A_1656 = arith.remsi %sub3A_1417, %select_n3A_1655 : i32
        %ne3A_1657 = arith.constant 0 : i32
        %ne3A_1658 = arith.cmpi ne, %rem3A_1656, %ne3A_1657 : i32
        %lt3A_1659 = arith.constant 0 : i32
        %lt3A_1660 = arith.cmpi slt, %rem3A_1656, %lt3A_1659 : i32
        %lt3A_1661 = arith.constant 0 : i32
        %lt3A_1662 = arith.cmpi slt, %select_n3A_1655, %lt3A_1661 : i32
        %ne3A_1663 = arith.xori %lt3A_1660, %lt3A_1662 : i1
        %and3A_1664 = arith.andi %ne3A_1663, %ne3A_1658 : i1
        %add3A_1665 = arith.addi %rem3A_1656, %select_n3A_1655 : i32
        %select_n3A_1666 = arith.select %and3A_1664, %add3A_1665, %rem3A_1656 : i32
        %jit3A_1667 = arith.constant 2 : i32
        %eq3A_1668 = arith.constant 0 : i32
        %eq3A_1669 = arith.cmpi eq, %jit3A_1667, %eq3A_1668 : i32
        %jit3A_1670 = arith.constant 1 : i32
        %select_n3A_1671 = arith.select %eq3A_1669, %jit3A_1670, %jit3A_1667 : i32
        %rem3A_1672 = arith.remsi %select_n3A_1650, %select_n3A_1671 : i32
        %ne3A_1673 = arith.constant 0 : i32
        %ne3A_1674 = arith.cmpi ne, %rem3A_1672, %ne3A_1673 : i32
        %lt3A_1675 = arith.constant 0 : i32
        %lt3A_1676 = arith.cmpi slt, %rem3A_1672, %lt3A_1675 : i32
        %lt3A_1677 = arith.constant 0 : i32
        %lt3A_1678 = arith.cmpi slt, %select_n3A_1671, %lt3A_1677 : i32
        %ne3A_1679 = arith.xori %lt3A_1676, %lt3A_1678 : i1
        %and3A_1680 = arith.andi %ne3A_1679, %ne3A_1674 : i1
        %add3A_1681 = arith.addi %rem3A_1672, %select_n3A_1671 : i32
        %select_n3A_1682 = arith.select %and3A_1680, %add3A_1681, %rem3A_1672 : i32
        %eq3A_1683 = arith.constant 0 : i32
        %eq3A_1684 = arith.cmpi eq, %select_n3A_1666, %eq3A_1683 : i32
        %convert_element_type3A_1685 = arith.extui %eq3A_1684 : i1 to i32
        %cond3A_1686 = arith.constant 0 : i32
        %cond3A_1687 = arith.cmpi ne, %convert_element_type3A_1685, %cond3A_1686 : i32
        scf.if %cond3A_1687 {
          %eq3A_1699 = arith.constant 0 : i32
          %eq3A_1700 = arith.cmpi eq, %select_n3A_1682, %eq3A_1699 : i32
          %convert_element_type3A_1701 = arith.extui %eq3A_1700 : i1 to i32
          %cond3A_1702 = arith.constant 0 : i32
          %cond3A_1703 = arith.cmpi ne, %convert_element_type3A_1701, %cond3A_1702 : i32
          scf.if %cond3A_1703 {
            %add3A_1709 = arith.addi %mul3A_2, %select_n3A_1650 : i32
            %jit3A_1710 = arith.constant 32 : i32
            %div3A_1711 = arith.divsi %add3A_1709, %jit3A_1710 : i32
            %sign3A_1712 = arith.constant 0 : i32
            %sign3A_1713 = arith.cmpi sgt, %add3A_1709, %sign3A_1712 : i32
            %sign3A_1714 = arith.extui %sign3A_1713 : i1 to i32
            %sign3A_1715 = arith.constant 0 : i32
            %sign3A_1716 = arith.cmpi slt, %add3A_1709, %sign3A_1715 : i32
            %sign3A_1717 = arith.extui %sign3A_1716 : i1 to i32
            %sign3A_1718 = arith.subi %sign3A_1714, %sign3A_1717 : i32
            %sign3A_1719 = arith.constant 0 : i32
            %sign3A_1720 = arith.cmpi sgt, %jit3A_1710, %sign3A_1719 : i32
            %sign3A_1721 = arith.extui %sign3A_1720 : i1 to i32
            %sign3A_1722 = arith.constant 0 : i32
            %sign3A_1723 = arith.cmpi slt, %jit3A_1710, %sign3A_1722 : i32
            %sign3A_1724 = arith.extui %sign3A_1723 : i1 to i32
            %sign3A_1725 = arith.subi %sign3A_1721, %sign3A_1724 : i32
            %ne3A_1726 = arith.cmpi ne, %sign3A_1718, %sign3A_1725 : i32
            %rem3A_1727 = arith.remsi %add3A_1709, %jit3A_1710 : i32
            %ne3A_1728 = arith.constant 0 : i32
            %ne3A_1729 = arith.cmpi ne, %rem3A_1727, %ne3A_1728 : i32
            %and3A_1730 = arith.andi %ne3A_1726, %ne3A_1729 : i1
            %sub3A_1731 = arith.constant 1 : i32
            %sub3A_1732 = arith.subi %div3A_1711, %sub3A_1731 : i32
            %select_n3A_1733 = arith.select %and3A_1730, %sub3A_1732, %div3A_1711 : i32
            %jit3A_1734 = arith.constant 32 : i32
            %eq3A_1735 = arith.constant 0 : i32
            %eq3A_1736 = arith.cmpi eq, %jit3A_1734, %eq3A_1735 : i32
            %jit3A_1737 = arith.constant 1 : i32
            %select_n3A_1738 = arith.select %eq3A_1736, %jit3A_1737, %jit3A_1734 : i32
            %rem3A_1739 = arith.remsi %add3A_1709, %select_n3A_1738 : i32
            %ne3A_1740 = arith.constant 0 : i32
            %ne3A_1741 = arith.cmpi ne, %rem3A_1739, %ne3A_1740 : i32
            %lt3A_1742 = arith.constant 0 : i32
            %lt3A_1743 = arith.cmpi slt, %rem3A_1739, %lt3A_1742 : i32
            %lt3A_1744 = arith.constant 0 : i32
            %lt3A_1745 = arith.cmpi slt, %select_n3A_1738, %lt3A_1744 : i32
            %ne3A_1746 = arith.xori %lt3A_1743, %lt3A_1745 : i1
            %and3A_1747 = arith.andi %ne3A_1746, %ne3A_1741 : i1
            %add3A_1748 = arith.addi %rem3A_1739, %select_n3A_1738 : i32
            %select_n3A_1749 = arith.select %and3A_1747, %add3A_1748, %rem3A_1739 : i32
            %dma_wait3A_1750 = arith.constant 0 : i32
            %dma_wait3A_1751 = arith.constant 0 : i32
            %dma_wait3A_1752 = arith.constant 0 : i32
            %dma_wait3A_1753 = tpu.memref_slice %arg5[%dma_wait3A_1750, %dma_wait3A_1751, %dma_wait3A_1752] : memref<2x8x128xi32, #tpu.memory_space<vmem>> -> memref<1x8x128xi32, #tpu.memory_space<vmem>>
            %dma_wait3A_1754 = tpu.memref_squeeze %dma_wait3A_1753 : memref<1x8x128xi32, #tpu.memory_space<vmem>> -> memref<8x128xi32, #tpu.memory_space<vmem>>
            %dma_wait3A_1755 = arith.constant 0 : i32
            %dma_wait3A_1756 = arith.constant 0 : i32
            %dma_wait3A_1757 = tpu.memref_slice %arg3[%select_n3A_1733, %select_n3A_1749, %dma_wait3A_1755, %dma_wait3A_1756] : memref<25x32x8x128xi32, #tpu.memory_space<hbm>> -> memref<1x1x8x128xi32, #tpu.memory_space<hbm>>
            %dma_wait3A_1758 = tpu.memref_squeeze %dma_wait3A_1757 : memref<1x1x8x128xi32, #tpu.memory_space<hbm>> -> memref<8x128xi32, #tpu.memory_space<hbm>>
            %dma_wait3A_1759 = arith.constant 0 : i32
            %dma_wait3A_1760 = arith.constant 0 : i32
            %dma_wait3A_1761 = tpu.memref_slice %arg5[%dma_wait3A_1750, %dma_wait3A_1759, %dma_wait3A_1760] : memref<2x8x128xi32, #tpu.memory_space<vmem>> -> memref<1x8x128xi32, #tpu.memory_space<vmem>>
            %dma_wait3A_1762 = tpu.memref_squeeze %dma_wait3A_1761 : memref<1x8x128xi32, #tpu.memory_space<vmem>> -> memref<8x128xi32, #tpu.memory_space<vmem>>
            %dma_wait3A_1763 = arith.constant 0 : i32
            %dma_wait3A_1764 = arith.constant 0 : i32
            %dma_wait3A_1765 = tpu.memref_slice %arg3[%select_n3A_1733, %select_n3A_1749, %dma_wait3A_1763, %dma_wait3A_1764] : memref<25x32x8x128xi32, #tpu.memory_space<hbm>> -> memref<1x1x8x128xi32, #tpu.memory_space<hbm>>
            %dma_wait3A_1766 = tpu.memref_squeeze %dma_wait3A_1765 : memref<1x1x8x128xi32, #tpu.memory_space<hbm>> -> memref<8x128xi32, #tpu.memory_space<hbm>>
            tpu.wait_dma2 semaphore(%arg8 : memref<!tpu.dma_semaphore, #tpu.memory_space<semaphore_mem>>) src(%dma_wait3A_1766 : memref<8x128xi32, #tpu.memory_space<hbm>>) dst(%dma_wait3A_1762 : memref<8x128xi32, #tpu.memory_space<vmem>>)
          } else {
          }
          %eq3A_1704 = arith.constant 1 : i32
          %eq3A_1705 = arith.cmpi eq, %select_n3A_1682, %eq3A_1704 : i32
          %convert_element_type3A_1706 = arith.extui %eq3A_1705 : i1 to i32
          %cond3A_1707 = arith.constant 0 : i32
          %cond3A_1708 = arith.cmpi ne, %convert_element_type3A_1706, %cond3A_1707 : i32
          scf.if %cond3A_1708 {
            %add3A_1709 = arith.addi %mul3A_2, %select_n3A_1650 : i32
            %jit3A_1710 = arith.constant 32 : i32
            %div3A_1711 = arith.divsi %add3A_1709, %jit3A_1710 : i32
            %sign3A_1712 = arith.constant 0 : i32
            %sign3A_1713 = arith.cmpi sgt, %add3A_1709, %sign3A_1712 : i32
            %sign3A_1714 = arith.extui %sign3A_1713 : i1 to i32
            %sign3A_1715 = arith.constant 0 : i32
            %sign3A_1716 = arith.cmpi slt, %add3A_1709, %sign3A_1715 : i32
            %sign3A_1717 = arith.extui %sign3A_1716 : i1 to i32
            %sign3A_1718 = arith.subi %sign3A_1714, %sign3A_1717 : i32
            %sign3A_1719 = arith.constant 0 : i32
            %sign3A_1720 = arith.cmpi sgt, %jit3A_1710, %sign3A_1719 : i32
            %sign3A_1721 = arith.extui %sign3A_1720 : i1 to i32
            %sign3A_1722 = arith.constant 0 : i32
            %sign3A_1723 = arith.cmpi slt, %jit3A_1710, %sign3A_1722 : i32
            %sign3A_1724 = arith.extui %sign3A_1723 : i1 to i32
            %sign3A_1725 = arith.subi %sign3A_1721, %sign3A_1724 : i32
            %ne3A_1726 = arith.cmpi ne, %sign3A_1718, %sign3A_1725 : i32
            %rem3A_1727 = arith.remsi %add3A_1709, %jit3A_1710 : i32
            %ne3A_1728 = arith.constant 0 : i32
            %ne3A_1729 = arith.cmpi ne, %rem3A_1727, %ne3A_1728 : i32
            %and3A_1730 = arith.andi %ne3A_1726, %ne3A_1729 : i1
            %sub3A_1731 = arith.constant 1 : i32
            %sub3A_1732 = arith.subi %div3A_1711, %sub3A_1731 : i32
            %select_n3A_1733 = arith.select %and3A_1730, %sub3A_1732, %div3A_1711 : i32
            %jit3A_1734 = arith.constant 32 : i32
            %eq3A_1735 = arith.constant 0 : i32
            %eq3A_1736 = arith.cmpi eq, %jit3A_1734, %eq3A_1735 : i32
            %jit3A_1737 = arith.constant 1 : i32
            %select_n3A_1738 = arith.select %eq3A_1736, %jit3A_1737, %jit3A_1734 : i32
            %rem3A_1739 = arith.remsi %add3A_1709, %select_n3A_1738 : i32
            %ne3A_1740 = arith.constant 0 : i32
            %ne3A_1741 = arith.cmpi ne, %rem3A_1739, %ne3A_1740 : i32
            %lt3A_1742 = arith.constant 0 : i32
            %lt3A_1743 = arith.cmpi slt, %rem3A_1739, %lt3A_1742 : i32
            %lt3A_1744 = arith.constant 0 : i32
            %lt3A_1745 = arith.cmpi slt, %select_n3A_1738, %lt3A_1744 : i32
            %ne3A_1746 = arith.xori %lt3A_1743, %lt3A_1745 : i1
            %and3A_1747 = arith.andi %ne3A_1746, %ne3A_1741 : i1
            %add3A_1748 = arith.addi %rem3A_1739, %select_n3A_1738 : i32
            %select_n3A_1749 = arith.select %and3A_1747, %add3A_1748, %rem3A_1739 : i32
            %dma_wait3A_1750 = arith.constant 1 : i32
            %dma_wait3A_1751 = arith.constant 0 : i32
            %dma_wait3A_1752 = arith.constant 0 : i32
            %dma_wait3A_1753 = tpu.memref_slice %arg5[%dma_wait3A_1750, %dma_wait3A_1751, %dma_wait3A_1752] : memref<2x8x128xi32, #tpu.memory_space<vmem>> -> memref<1x8x128xi32, #tpu.memory_space<vmem>>
            %dma_wait3A_1754 = tpu.memref_squeeze %dma_wait3A_1753 : memref<1x8x128xi32, #tpu.memory_space<vmem>> -> memref<8x128xi32, #tpu.memory_space<vmem>>
            %dma_wait3A_1755 = arith.constant 0 : i32
            %dma_wait3A_1756 = arith.constant 0 : i32
            %dma_wait3A_1757 = tpu.memref_slice %arg3[%select_n3A_1733, %select_n3A_1749, %dma_wait3A_1755, %dma_wait3A_1756] : memref<25x32x8x128xi32, #tpu.memory_space<hbm>> -> memref<1x1x8x128xi32, #tpu.memory_space<hbm>>
            %dma_wait3A_1758 = tpu.memref_squeeze %dma_wait3A_1757 : memref<1x1x8x128xi32, #tpu.memory_space<hbm>> -> memref<8x128xi32, #tpu.memory_space<hbm>>
            %dma_wait3A_1759 = arith.constant 0 : i32
            %dma_wait3A_1760 = arith.constant 0 : i32
            %dma_wait3A_1761 = tpu.memref_slice %arg5[%dma_wait3A_1750, %dma_wait3A_1759, %dma_wait3A_1760] : memref<2x8x128xi32, #tpu.memory_space<vmem>> -> memref<1x8x128xi32, #tpu.memory_space<vmem>>
            %dma_wait3A_1762 = tpu.memref_squeeze %dma_wait3A_1761 : memref<1x8x128xi32, #tpu.memory_space<vmem>> -> memref<8x128xi32, #tpu.memory_space<vmem>>
            %dma_wait3A_1763 = arith.constant 0 : i32
            %dma_wait3A_1764 = arith.constant 0 : i32
            %dma_wait3A_1765 = tpu.memref_slice %arg3[%select_n3A_1733, %select_n3A_1749, %dma_wait3A_1763, %dma_wait3A_1764] : memref<25x32x8x128xi32, #tpu.memory_space<hbm>> -> memref<1x1x8x128xi32, #tpu.memory_space<hbm>>
            %dma_wait3A_1766 = tpu.memref_squeeze %dma_wait3A_1765 : memref<1x1x8x128xi32, #tpu.memory_space<hbm>> -> memref<8x128xi32, #tpu.memory_space<hbm>>
            tpu.wait_dma2 semaphore(%arg9 : memref<!tpu.dma_semaphore, #tpu.memory_space<semaphore_mem>>) src(%dma_wait3A_1766 : memref<8x128xi32, #tpu.memory_space<hbm>>) dst(%dma_wait3A_1762 : memref<8x128xi32, #tpu.memory_space<vmem>>)
          } else {
          }
        } else {
        }
        %dma_start3A_1688 = arith.constant 2 : i32
        %dma_start3A_1689 = arith.constant 0 : i32
        %dma_start3A_1690 = arith.constant 0 : i32
        %dma_start3A_1691 = tpu.memref_slice %arg6[%dma_start3A_1688, %dma_start3A_1689, %dma_start3A_1690] : memref<5x128x64xf32, #tpu.memory_space<vmem>> -> memref<1x128x64xf32, #tpu.memory_space<vmem>>
        %dma_start3A_1692 = tpu.memref_squeeze %dma_start3A_1691 : memref<1x128x64xf32, #tpu.memory_space<vmem>> -> memref<128x64xf32, #tpu.memory_space<vmem>>
        %dma_start3A_1693 = arith.constant 0 : i32
        %dma_start3A_1694 = tpu.memref_slice %arg5[%select_n3A_1682, %select_n3A_1666, %dma_start3A_1693] : memref<2x8x128xi32, #tpu.memory_space<vmem>> -> memref<1x1x128xi32, #tpu.memory_space<vmem>>
        %dma_start3A_1695 = tpu.memref_squeeze %dma_start3A_1694 : memref<1x1x128xi32, #tpu.memory_space<vmem>> -> memref<128xi32, #tpu.memory_space<vmem>>
        %dma_start3A_1696 = arith.constant 0 : i32
        %dma_start3A_1697 = arith.constant 0 : i32
        %dma_start3A_1698 = tpu.memref_slice %arg2[%dma_start3A_1696, %dma_start3A_1697] : memref<1000000x64xf32, #tpu.memory_space<hbm>> -> memref<1000000x64xf32, #tpu.memory_space<hbm>>
        tpu.enqueue_indirect_dma source(%dma_start3A_1698 : memref<1000000x64xf32, #tpu.memory_space<hbm>>) target(%dma_start3A_1692 : memref<128x64xf32, #tpu.memory_space<vmem>>) offsets(%dma_start3A_1695 : memref<128xi32, #tpu.memory_space<vmem>>) semaphore(%arg12 : memref<!tpu.dma_semaphore, #tpu.memory_space<semaphore_mem>>)
      } else {
      }
      %mul3A_1423 = arith.constant 5 : i32
      %mul3A_1424 = arith.muli %scan3A_610, %mul3A_1423 : i32
      %add3A_1425 = arith.constant 4 : i32
      %add3A_1426 = arith.addi %mul3A_1424, %add3A_1425 : i32
      %jit3A_1427 = arith.constant 8 : i32
      %div3A_1428 = arith.divsi %add3A_1426, %jit3A_1427 : i32
      %sign3A_1429 = arith.constant 0 : i32
      %sign3A_1430 = arith.cmpi sgt, %add3A_1426, %sign3A_1429 : i32
      %sign3A_1431 = arith.extui %sign3A_1430 : i1 to i32
      %sign3A_1432 = arith.constant 0 : i32
      %sign3A_1433 = arith.cmpi slt, %add3A_1426, %sign3A_1432 : i32
      %sign3A_1434 = arith.extui %sign3A_1433 : i1 to i32
      %sign3A_1435 = arith.subi %sign3A_1431, %sign3A_1434 : i32
      %sign3A_1436 = arith.constant 0 : i32
      %sign3A_1437 = arith.cmpi sgt, %jit3A_1427, %sign3A_1436 : i32
      %sign3A_1438 = arith.extui %sign3A_1437 : i1 to i32
      %sign3A_1439 = arith.constant 0 : i32
      %sign3A_1440 = arith.cmpi slt, %jit3A_1427, %sign3A_1439 : i32
      %sign3A_1441 = arith.extui %sign3A_1440 : i1 to i32
      %sign3A_1442 = arith.subi %sign3A_1438, %sign3A_1441 : i32
      %ne3A_1443 = arith.cmpi ne, %sign3A_1435, %sign3A_1442 : i32
      %rem3A_1444 = arith.remsi %add3A_1426, %jit3A_1427 : i32
      %ne3A_1445 = arith.constant 0 : i32
      %ne3A_1446 = arith.cmpi ne, %rem3A_1444, %ne3A_1445 : i32
      %and3A_1447 = arith.andi %ne3A_1443, %ne3A_1446 : i1
      %sub3A_1448 = arith.constant 1 : i32
      %sub3A_1449 = arith.subi %div3A_1428, %sub3A_1448 : i32
      %select_n3A_1450 = arith.select %and3A_1447, %sub3A_1449, %div3A_1428 : i32
      %jit3A_1451 = arith.constant 8 : i32
      %eq3A_1452 = arith.constant 0 : i32
      %eq3A_1453 = arith.cmpi eq, %jit3A_1451, %eq3A_1452 : i32
      %jit3A_1454 = arith.constant 1 : i32
      %select_n3A_1455 = arith.select %eq3A_1453, %jit3A_1454, %jit3A_1451 : i32
      %rem3A_1456 = arith.remsi %add3A_1426, %select_n3A_1455 : i32
      %ne3A_1457 = arith.constant 0 : i32
      %ne3A_1458 = arith.cmpi ne, %rem3A_1456, %ne3A_1457 : i32
      %lt3A_1459 = arith.constant 0 : i32
      %lt3A_1460 = arith.cmpi slt, %rem3A_1456, %lt3A_1459 : i32
      %lt3A_1461 = arith.constant 0 : i32
      %lt3A_1462 = arith.cmpi slt, %select_n3A_1455, %lt3A_1461 : i32
      %ne3A_1463 = arith.xori %lt3A_1460, %lt3A_1462 : i1
      %and3A_1464 = arith.andi %ne3A_1463, %ne3A_1458 : i1
      %add3A_1465 = arith.addi %rem3A_1456, %select_n3A_1455 : i32
      %select_n3A_1466 = arith.select %and3A_1464, %add3A_1465, %rem3A_1456 : i32
      %jit3A_1467 = arith.constant 2 : i32
      %eq3A_1468 = arith.constant 0 : i32
      %eq3A_1469 = arith.cmpi eq, %jit3A_1467, %eq3A_1468 : i32
      %jit3A_1470 = arith.constant 1 : i32
      %select_n3A_1471 = arith.select %eq3A_1469, %jit3A_1470, %jit3A_1467 : i32
      %rem3A_1472 = arith.remsi %select_n3A_1450, %select_n3A_1471 : i32
      %ne3A_1473 = arith.constant 0 : i32
      %ne3A_1474 = arith.cmpi ne, %rem3A_1472, %ne3A_1473 : i32
      %lt3A_1475 = arith.constant 0 : i32
      %lt3A_1476 = arith.cmpi slt, %rem3A_1472, %lt3A_1475 : i32
      %lt3A_1477 = arith.constant 0 : i32
      %lt3A_1478 = arith.cmpi slt, %select_n3A_1471, %lt3A_1477 : i32
      %ne3A_1479 = arith.xori %lt3A_1476, %lt3A_1478 : i1
      %and3A_1480 = arith.andi %ne3A_1479, %ne3A_1474 : i1
      %add3A_1481 = arith.addi %rem3A_1472, %select_n3A_1471 : i32
      %select_n3A_1482 = arith.select %and3A_1480, %add3A_1481, %rem3A_1472 : i32
      %dma_wait3A_1483 = arith.constant 4 : i32
      %dma_wait3A_1484 = arith.constant 0 : i32
      %dma_wait3A_1485 = arith.constant 0 : i32
      %dma_wait3A_1486 = tpu.memref_slice %arg6[%dma_wait3A_1483, %dma_wait3A_1484, %dma_wait3A_1485] : memref<5x128x64xf32, #tpu.memory_space<vmem>> -> memref<1x128x64xf32, #tpu.memory_space<vmem>>
      %dma_wait3A_1487 = tpu.memref_squeeze %dma_wait3A_1486 : memref<1x128x64xf32, #tpu.memory_space<vmem>> -> memref<128x64xf32, #tpu.memory_space<vmem>>
      %dma_wait3A_1488 = arith.constant 0 : i32
      %dma_wait3A_1489 = tpu.memref_slice %arg5[%select_n3A_1482, %select_n3A_1466, %dma_wait3A_1488] : memref<2x8x128xi32, #tpu.memory_space<vmem>> -> memref<1x1x128xi32, #tpu.memory_space<vmem>>
      %dma_wait3A_1490 = tpu.memref_squeeze %dma_wait3A_1489 : memref<1x1x128xi32, #tpu.memory_space<vmem>> -> memref<128xi32, #tpu.memory_space<vmem>>
      %dma_wait3A_1491 = arith.constant 0 : i32
      %dma_wait3A_1492 = arith.constant 0 : i32
      %dma_wait3A_1493 = tpu.memref_slice %arg2[%dma_wait3A_1491, %dma_wait3A_1492] : memref<1000000x64xf32, #tpu.memory_space<hbm>> -> memref<1000000x64xf32, #tpu.memory_space<hbm>>
      tpu.wait_indirect_dma semaphore(%arg14 : memref<!tpu.dma_semaphore, #tpu.memory_space<semaphore_mem>>) src(%dma_wait3A_1493 : memref<1000000x64xf32, #tpu.memory_space<hbm>>) dst(%dma_wait3A_1487 : memref<128x64xf32, #tpu.memory_space<vmem>>)
      %eq3A_1494 = arith.constant 7 : i32
      %eq3A_1495 = arith.cmpi eq, %select_n3A_1466, %eq3A_1494 : i32
      %add3A_1496 = arith.constant 2 : i32
      %add3A_1497 = arith.addi %select_n3A_1450, %add3A_1496 : i32
      %lt3A_1498 = arith.constant 25 : i32
      %lt3A_1499 = arith.cmpi slt, %add3A_1497, %lt3A_1498 : i32
      %and3A_1500 = arith.andi %eq3A_1495, %lt3A_1499 : i1
      %convert_element_type3A_1501 = arith.extui %and3A_1500 : i1 to i32
      %cond3A_1502 = arith.constant 0 : i32
      %cond3A_1503 = arith.cmpi ne, %convert_element_type3A_1501, %cond3A_1502 : i32
      scf.if %cond3A_1503 {
        %eq3A_1627 = arith.constant 0 : i32
        %eq3A_1628 = arith.cmpi eq, %select_n3A_1482, %eq3A_1627 : i32
        %convert_element_type3A_1629 = arith.extui %eq3A_1628 : i1 to i32
        %cond3A_1630 = arith.constant 0 : i32
        %cond3A_1631 = arith.cmpi ne, %convert_element_type3A_1629, %cond3A_1630 : i32
        scf.if %cond3A_1631 {
          %add3A_1637 = arith.addi %mul3A_2, %select_n3A_1450 : i32
          %add3A_1638 = arith.constant 2 : i32
          %add3A_1639 = arith.addi %add3A_1637, %add3A_1638 : i32
          %jit3A_1640 = arith.constant 32 : i32
          %div3A_1641 = arith.divsi %add3A_1639, %jit3A_1640 : i32
          %sign3A_1642 = arith.constant 0 : i32
          %sign3A_1643 = arith.cmpi sgt, %add3A_1639, %sign3A_1642 : i32
          %sign3A_1644 = arith.extui %sign3A_1643 : i1 to i32
          %sign3A_1645 = arith.constant 0 : i32
          %sign3A_1646 = arith.cmpi slt, %add3A_1639, %sign3A_1645 : i32
          %sign3A_1647 = arith.extui %sign3A_1646 : i1 to i32
          %sign3A_1648 = arith.subi %sign3A_1644, %sign3A_1647 : i32
          %sign3A_1649 = arith.constant 0 : i32
          %sign3A_1650 = arith.cmpi sgt, %jit3A_1640, %sign3A_1649 : i32
          %sign3A_1651 = arith.extui %sign3A_1650 : i1 to i32
          %sign3A_1652 = arith.constant 0 : i32
          %sign3A_1653 = arith.cmpi slt, %jit3A_1640, %sign3A_1652 : i32
          %sign3A_1654 = arith.extui %sign3A_1653 : i1 to i32
          %sign3A_1655 = arith.subi %sign3A_1651, %sign3A_1654 : i32
          %ne3A_1656 = arith.cmpi ne, %sign3A_1648, %sign3A_1655 : i32
          %rem3A_1657 = arith.remsi %add3A_1639, %jit3A_1640 : i32
          %ne3A_1658 = arith.constant 0 : i32
          %ne3A_1659 = arith.cmpi ne, %rem3A_1657, %ne3A_1658 : i32
          %and3A_1660 = arith.andi %ne3A_1656, %ne3A_1659 : i1
          %sub3A_1661 = arith.constant 1 : i32
          %sub3A_1662 = arith.subi %div3A_1641, %sub3A_1661 : i32
          %select_n3A_1663 = arith.select %and3A_1660, %sub3A_1662, %div3A_1641 : i32
          %jit3A_1664 = arith.constant 32 : i32
          %eq3A_1665 = arith.constant 0 : i32
          %eq3A_1666 = arith.cmpi eq, %jit3A_1664, %eq3A_1665 : i32
          %jit3A_1667 = arith.constant 1 : i32
          %select_n3A_1668 = arith.select %eq3A_1666, %jit3A_1667, %jit3A_1664 : i32
          %rem3A_1669 = arith.remsi %add3A_1639, %select_n3A_1668 : i32
          %ne3A_1670 = arith.constant 0 : i32
          %ne3A_1671 = arith.cmpi ne, %rem3A_1669, %ne3A_1670 : i32
          %lt3A_1672 = arith.constant 0 : i32
          %lt3A_1673 = arith.cmpi slt, %rem3A_1669, %lt3A_1672 : i32
          %lt3A_1674 = arith.constant 0 : i32
          %lt3A_1675 = arith.cmpi slt, %select_n3A_1668, %lt3A_1674 : i32
          %ne3A_1676 = arith.xori %lt3A_1673, %lt3A_1675 : i1
          %and3A_1677 = arith.andi %ne3A_1676, %ne3A_1671 : i1
          %add3A_1678 = arith.addi %rem3A_1669, %select_n3A_1668 : i32
          %select_n3A_1679 = arith.select %and3A_1677, %add3A_1678, %rem3A_1669 : i32
          %dma_start3A_1680 = arith.constant 0 : i32
          %dma_start3A_1681 = arith.constant 0 : i32
          %dma_start3A_1682 = arith.constant 0 : i32
          %dma_start3A_1683 = tpu.memref_slice %arg5[%dma_start3A_1680, %dma_start3A_1681, %dma_start3A_1682] : memref<2x8x128xi32, #tpu.memory_space<vmem>> -> memref<1x8x128xi32, #tpu.memory_space<vmem>>
          %dma_start3A_1684 = tpu.memref_squeeze %dma_start3A_1683 : memref<1x8x128xi32, #tpu.memory_space<vmem>> -> memref<8x128xi32, #tpu.memory_space<vmem>>
          %dma_start3A_1685 = arith.constant 0 : i32
          %dma_start3A_1686 = arith.constant 0 : i32
          %dma_start3A_1687 = tpu.memref_slice %arg3[%select_n3A_1663, %select_n3A_1679, %dma_start3A_1685, %dma_start3A_1686] : memref<25x32x8x128xi32, #tpu.memory_space<hbm>> -> memref<1x1x8x128xi32, #tpu.memory_space<hbm>>
          %dma_start3A_1688 = tpu.memref_squeeze %dma_start3A_1687 : memref<1x1x8x128xi32, #tpu.memory_space<hbm>> -> memref<8x128xi32, #tpu.memory_space<hbm>>
          %dma_start3A_1689 = arith.constant 0 : i32
          %dma_start3A_1690 = arith.constant 0 : i32
          %dma_start3A_1691 = tpu.memref_slice %arg5[%dma_start3A_1680, %dma_start3A_1689, %dma_start3A_1690] : memref<2x8x128xi32, #tpu.memory_space<vmem>> -> memref<1x8x128xi32, #tpu.memory_space<vmem>>
          %dma_start3A_1692 = tpu.memref_squeeze %dma_start3A_1691 : memref<1x8x128xi32, #tpu.memory_space<vmem>> -> memref<8x128xi32, #tpu.memory_space<vmem>>
          %dma_start3A_1693 = arith.constant 0 : i32
          %dma_start3A_1694 = arith.constant 0 : i32
          %dma_start3A_1695 = tpu.memref_slice %arg3[%select_n3A_1663, %select_n3A_1679, %dma_start3A_1693, %dma_start3A_1694] : memref<25x32x8x128xi32, #tpu.memory_space<hbm>> -> memref<1x1x8x128xi32, #tpu.memory_space<hbm>>
          %dma_start3A_1696 = tpu.memref_squeeze %dma_start3A_1695 : memref<1x1x8x128xi32, #tpu.memory_space<hbm>> -> memref<8x128xi32, #tpu.memory_space<hbm>>
          tpu.enqueue_dma source(%dma_start3A_1696 : memref<8x128xi32, #tpu.memory_space<hbm>>) target(%dma_start3A_1692 : memref<8x128xi32, #tpu.memory_space<vmem>>) target_semaphore(%arg8 : memref<!tpu.dma_semaphore, #tpu.memory_space<semaphore_mem>>)
        } else {
        }
        %eq3A_1632 = arith.constant 1 : i32
        %eq3A_1633 = arith.cmpi eq, %select_n3A_1482, %eq3A_1632 : i32
        %convert_element_type3A_1634 = arith.extui %eq3A_1633 : i1 to i32
        %cond3A_1635 = arith.constant 0 : i32
        %cond3A_1636 = arith.cmpi ne, %convert_element_type3A_1634, %cond3A_1635 : i32
        scf.if %cond3A_1636 {
          %add3A_1637 = arith.addi %mul3A_2, %select_n3A_1450 : i32
          %add3A_1638 = arith.constant 2 : i32
          %add3A_1639 = arith.addi %add3A_1637, %add3A_1638 : i32
          %jit3A_1640 = arith.constant 32 : i32
          %div3A_1641 = arith.divsi %add3A_1639, %jit3A_1640 : i32
          %sign3A_1642 = arith.constant 0 : i32
          %sign3A_1643 = arith.cmpi sgt, %add3A_1639, %sign3A_1642 : i32
          %sign3A_1644 = arith.extui %sign3A_1643 : i1 to i32
          %sign3A_1645 = arith.constant 0 : i32
          %sign3A_1646 = arith.cmpi slt, %add3A_1639, %sign3A_1645 : i32
          %sign3A_1647 = arith.extui %sign3A_1646 : i1 to i32
          %sign3A_1648 = arith.subi %sign3A_1644, %sign3A_1647 : i32
          %sign3A_1649 = arith.constant 0 : i32
          %sign3A_1650 = arith.cmpi sgt, %jit3A_1640, %sign3A_1649 : i32
          %sign3A_1651 = arith.extui %sign3A_1650 : i1 to i32
          %sign3A_1652 = arith.constant 0 : i32
          %sign3A_1653 = arith.cmpi slt, %jit3A_1640, %sign3A_1652 : i32
          %sign3A_1654 = arith.extui %sign3A_1653 : i1 to i32
          %sign3A_1655 = arith.subi %sign3A_1651, %sign3A_1654 : i32
          %ne3A_1656 = arith.cmpi ne, %sign3A_1648, %sign3A_1655 : i32
          %rem3A_1657 = arith.remsi %add3A_1639, %jit3A_1640 : i32
          %ne3A_1658 = arith.constant 0 : i32
          %ne3A_1659 = arith.cmpi ne, %rem3A_1657, %ne3A_1658 : i32
          %and3A_1660 = arith.andi %ne3A_1656, %ne3A_1659 : i1
          %sub3A_1661 = arith.constant 1 : i32
          %sub3A_1662 = arith.subi %div3A_1641, %sub3A_1661 : i32
          %select_n3A_1663 = arith.select %and3A_1660, %sub3A_1662, %div3A_1641 : i32
          %jit3A_1664 = arith.constant 32 : i32
          %eq3A_1665 = arith.constant 0 : i32
          %eq3A_1666 = arith.cmpi eq, %jit3A_1664, %eq3A_1665 : i32
          %jit3A_1667 = arith.constant 1 : i32
          %select_n3A_1668 = arith.select %eq3A_1666, %jit3A_1667, %jit3A_1664 : i32
          %rem3A_1669 = arith.remsi %add3A_1639, %select_n3A_1668 : i32
          %ne3A_1670 = arith.constant 0 : i32
          %ne3A_1671 = arith.cmpi ne, %rem3A_1669, %ne3A_1670 : i32
          %lt3A_1672 = arith.constant 0 : i32
          %lt3A_1673 = arith.cmpi slt, %rem3A_1669, %lt3A_1672 : i32
          %lt3A_1674 = arith.constant 0 : i32
          %lt3A_1675 = arith.cmpi slt, %select_n3A_1668, %lt3A_1674 : i32
          %ne3A_1676 = arith.xori %lt3A_1673, %lt3A_1675 : i1
          %and3A_1677 = arith.andi %ne3A_1676, %ne3A_1671 : i1
          %add3A_1678 = arith.addi %rem3A_1669, %select_n3A_1668 : i32
          %select_n3A_1679 = arith.select %and3A_1677, %add3A_1678, %rem3A_1669 : i32
          %dma_start3A_1680 = arith.constant 1 : i32
          %dma_start3A_1681 = arith.constant 0 : i32
          %dma_start3A_1682 = arith.constant 0 : i32
          %dma_start3A_1683 = tpu.memref_slice %arg5[%dma_start3A_1680, %dma_start3A_1681, %dma_start3A_1682] : memref<2x8x128xi32, #tpu.memory_space<vmem>> -> memref<1x8x128xi32, #tpu.memory_space<vmem>>
          %dma_start3A_1684 = tpu.memref_squeeze %dma_start3A_1683 : memref<1x8x128xi32, #tpu.memory_space<vmem>> -> memref<8x128xi32, #tpu.memory_space<vmem>>
          %dma_start3A_1685 = arith.constant 0 : i32
          %dma_start3A_1686 = arith.constant 0 : i32
          %dma_start3A_1687 = tpu.memref_slice %arg3[%select_n3A_1663, %select_n3A_1679, %dma_start3A_1685, %dma_start3A_1686] : memref<25x32x8x128xi32, #tpu.memory_space<hbm>> -> memref<1x1x8x128xi32, #tpu.memory_space<hbm>>
          %dma_start3A_1688 = tpu.memref_squeeze %dma_start3A_1687 : memref<1x1x8x128xi32, #tpu.memory_space<hbm>> -> memref<8x128xi32, #tpu.memory_space<hbm>>
          %dma_start3A_1689 = arith.constant 0 : i32
          %dma_start3A_1690 = arith.constant 0 : i32
          %dma_start3A_1691 = tpu.memref_slice %arg5[%dma_start3A_1680, %dma_start3A_1689, %dma_start3A_1690] : memref<2x8x128xi32, #tpu.memory_space<vmem>> -> memref<1x8x128xi32, #tpu.memory_space<vmem>>
          %dma_start3A_1692 = tpu.memref_squeeze %dma_start3A_1691 : memref<1x8x128xi32, #tpu.memory_space<vmem>> -> memref<8x128xi32, #tpu.memory_space<vmem>>
          %dma_start3A_1693 = arith.constant 0 : i32
          %dma_start3A_1694 = arith.constant 0 : i32
          %dma_start3A_1695 = tpu.memref_slice %arg3[%select_n3A_1663, %select_n3A_1679, %dma_start3A_1693, %dma_start3A_1694] : memref<25x32x8x128xi32, #tpu.memory_space<hbm>> -> memref<1x1x8x128xi32, #tpu.memory_space<hbm>>
          %dma_start3A_1696 = tpu.memref_squeeze %dma_start3A_1695 : memref<1x1x8x128xi32, #tpu.memory_space<hbm>> -> memref<8x128xi32, #tpu.memory_space<hbm>>
          tpu.enqueue_dma source(%dma_start3A_1696 : memref<8x128xi32, #tpu.memory_space<hbm>>) target(%dma_start3A_1692 : memref<8x128xi32, #tpu.memory_space<vmem>>) target_semaphore(%arg9 : memref<!tpu.dma_semaphore, #tpu.memory_space<semaphore_mem>>)
        } else {
        }
      } else {
      }
      %gt3A_1504 = arith.constant 0 : i32
      %gt3A_1505 = arith.cmpi sgt, %scan3A_610, %gt3A_1504 : i32
      %convert_element_type3A_1506 = arith.extui %gt3A_1505 : i1 to i32
      %cond3A_1507 = arith.constant 0 : i32
      %cond3A_1508 = arith.cmpi ne, %convert_element_type3A_1506, %cond3A_1507 : i32
      scf.if %cond3A_1508 {
        %sub3A_1627 = arith.constant 5 : i32
        %sub3A_1628 = arith.subi %add3A_1426, %sub3A_1627 : i32
        %jit3A_1629 = arith.constant 8 : i32
        %div3A_1630 = arith.divsi %sub3A_1628, %jit3A_1629 : i32
        %sign3A_1631 = arith.constant 0 : i32
        %sign3A_1632 = arith.cmpi sgt, %sub3A_1628, %sign3A_1631 : i32
        %sign3A_1633 = arith.extui %sign3A_1632 : i1 to i32
        %sign3A_1634 = arith.constant 0 : i32
        %sign3A_1635 = arith.cmpi slt, %sub3A_1628, %sign3A_1634 : i32
        %sign3A_1636 = arith.extui %sign3A_1635 : i1 to i32
        %sign3A_1637 = arith.subi %sign3A_1633, %sign3A_1636 : i32
        %sign3A_1638 = arith.constant 0 : i32
        %sign3A_1639 = arith.cmpi sgt, %jit3A_1629, %sign3A_1638 : i32
        %sign3A_1640 = arith.extui %sign3A_1639 : i1 to i32
        %sign3A_1641 = arith.constant 0 : i32
        %sign3A_1642 = arith.cmpi slt, %jit3A_1629, %sign3A_1641 : i32
        %sign3A_1643 = arith.extui %sign3A_1642 : i1 to i32
        %sign3A_1644 = arith.subi %sign3A_1640, %sign3A_1643 : i32
        %ne3A_1645 = arith.cmpi ne, %sign3A_1637, %sign3A_1644 : i32
        %rem3A_1646 = arith.remsi %sub3A_1628, %jit3A_1629 : i32
        %ne3A_1647 = arith.constant 0 : i32
        %ne3A_1648 = arith.cmpi ne, %rem3A_1646, %ne3A_1647 : i32
        %and3A_1649 = arith.andi %ne3A_1645, %ne3A_1648 : i1
        %sub3A_1650 = arith.constant 1 : i32
        %sub3A_1651 = arith.subi %div3A_1630, %sub3A_1650 : i32
        %select_n3A_1652 = arith.select %and3A_1649, %sub3A_1651, %div3A_1630 : i32
        %add3A_1653 = arith.addi %mul3A_2, %select_n3A_1652 : i32
        %jit3A_1654 = arith.constant 32 : i32
        %div3A_1655 = arith.divsi %add3A_1653, %jit3A_1654 : i32
        %sign3A_1656 = arith.constant 0 : i32
        %sign3A_1657 = arith.cmpi sgt, %add3A_1653, %sign3A_1656 : i32
        %sign3A_1658 = arith.extui %sign3A_1657 : i1 to i32
        %sign3A_1659 = arith.constant 0 : i32
        %sign3A_1660 = arith.cmpi slt, %add3A_1653, %sign3A_1659 : i32
        %sign3A_1661 = arith.extui %sign3A_1660 : i1 to i32
        %sign3A_1662 = arith.subi %sign3A_1658, %sign3A_1661 : i32
        %sign3A_1663 = arith.constant 0 : i32
        %sign3A_1664 = arith.cmpi sgt, %jit3A_1654, %sign3A_1663 : i32
        %sign3A_1665 = arith.extui %sign3A_1664 : i1 to i32
        %sign3A_1666 = arith.constant 0 : i32
        %sign3A_1667 = arith.cmpi slt, %jit3A_1654, %sign3A_1666 : i32
        %sign3A_1668 = arith.extui %sign3A_1667 : i1 to i32
        %sign3A_1669 = arith.subi %sign3A_1665, %sign3A_1668 : i32
        %ne3A_1670 = arith.cmpi ne, %sign3A_1662, %sign3A_1669 : i32
        %rem3A_1671 = arith.remsi %add3A_1653, %jit3A_1654 : i32
        %ne3A_1672 = arith.constant 0 : i32
        %ne3A_1673 = arith.cmpi ne, %rem3A_1671, %ne3A_1672 : i32
        %and3A_1674 = arith.andi %ne3A_1670, %ne3A_1673 : i1
        %sub3A_1675 = arith.constant 1 : i32
        %sub3A_1676 = arith.subi %div3A_1655, %sub3A_1675 : i32
        %select_n3A_1677 = arith.select %and3A_1674, %sub3A_1676, %div3A_1655 : i32
        %mul3A_1678 = arith.constant 8 : i32
        %mul3A_1679 = arith.muli %select_n3A_1677, %mul3A_1678 : i32
        %jit3A_1680 = arith.constant 8 : i32
        %eq3A_1681 = arith.constant 0 : i32
        %eq3A_1682 = arith.cmpi eq, %jit3A_1680, %eq3A_1681 : i32
        %jit3A_1683 = arith.constant 1 : i32
        %select_n3A_1684 = arith.select %eq3A_1682, %jit3A_1683, %jit3A_1680 : i32
        %rem3A_1685 = arith.remsi %sub3A_1628, %select_n3A_1684 : i32
        %ne3A_1686 = arith.constant 0 : i32
        %ne3A_1687 = arith.cmpi ne, %rem3A_1685, %ne3A_1686 : i32
        %lt3A_1688 = arith.constant 0 : i32
        %lt3A_1689 = arith.cmpi slt, %rem3A_1685, %lt3A_1688 : i32
        %lt3A_1690 = arith.constant 0 : i32
        %lt3A_1691 = arith.cmpi slt, %select_n3A_1684, %lt3A_1690 : i32
        %ne3A_1692 = arith.xori %lt3A_1689, %lt3A_1691 : i1
        %and3A_1693 = arith.andi %ne3A_1692, %ne3A_1687 : i1
        %add3A_1694 = arith.addi %rem3A_1685, %select_n3A_1684 : i32
        %select_n3A_1695 = arith.select %and3A_1693, %add3A_1694, %rem3A_1685 : i32
        %add3A_1696 = arith.addi %mul3A_1679, %select_n3A_1695 : i32
        %jit3A_1697 = arith.constant 32 : i32
        %eq3A_1698 = arith.constant 0 : i32
        %eq3A_1699 = arith.cmpi eq, %jit3A_1697, %eq3A_1698 : i32
        %jit3A_1700 = arith.constant 1 : i32
        %select_n3A_1701 = arith.select %eq3A_1699, %jit3A_1700, %jit3A_1697 : i32
        %rem3A_1702 = arith.remsi %add3A_1653, %select_n3A_1701 : i32
        %ne3A_1703 = arith.constant 0 : i32
        %ne3A_1704 = arith.cmpi ne, %rem3A_1702, %ne3A_1703 : i32
        %lt3A_1705 = arith.constant 0 : i32
        %lt3A_1706 = arith.cmpi slt, %rem3A_1702, %lt3A_1705 : i32
        %lt3A_1707 = arith.constant 0 : i32
        %lt3A_1708 = arith.cmpi slt, %select_n3A_1701, %lt3A_1707 : i32
        %ne3A_1709 = arith.xori %lt3A_1706, %lt3A_1708 : i1
        %and3A_1710 = arith.andi %ne3A_1709, %ne3A_1704 : i1
        %add3A_1711 = arith.addi %rem3A_1702, %select_n3A_1701 : i32
        %select_n3A_1712 = arith.select %and3A_1710, %add3A_1711, %rem3A_1702 : i32
        %dma_wait3A_1713 = arith.constant 4 : i32
        %dma_wait3A_1714 = arith.constant 0 : i32
        %dma_wait3A_1715 = arith.constant 0 : i32
        %dma_wait3A_1716 = arith.constant 0 : i32
        %dma_wait3A_1717 = tpu.memref_slice %arg7[%dma_wait3A_1713, %dma_wait3A_1714, %dma_wait3A_1715, %dma_wait3A_1716] : memref<5x8x8x129xf32, #tpu.memory_space<vmem>> -> memref<1x8x8x128xf32, #tpu.memory_space<vmem>>
        %dma_wait3A_1718 = tpu.memref_squeeze %dma_wait3A_1717 : memref<1x8x8x128xf32, #tpu.memory_space<vmem>> -> memref<8x8x128xf32, #tpu.memory_space<vmem>>
        %dma_wait3A_1719 = arith.constant 0 : i32
        %dma_wait3A_1720 = arith.constant 0 : i32
        %dma_wait3A_1721 = arith.constant 0 : i32
        %dma_wait3A_1722 = tpu.memref_slice %arg4[%add3A_1696, %dma_wait3A_1719, %select_n3A_1712, %dma_wait3A_1720, %dma_wait3A_1721] : memref<200x8x32x8x128xf32, #tpu.memory_space<hbm>> -> memref<1x8x1x8x128xf32, #tpu.memory_space<hbm>>
        %dma_wait3A_1723 = tpu.memref_squeeze %dma_wait3A_1722 : memref<1x8x1x8x128xf32, #tpu.memory_space<hbm>> -> memref<8x8x128xf32, #tpu.memory_space<hbm>>
        %dma_wait3A_1724 = arith.constant 0 : i32
        %dma_wait3A_1725 = arith.constant 0 : i32
        %dma_wait3A_1726 = arith.constant 0 : i32
        %dma_wait3A_1727 = tpu.memref_slice %arg4[%add3A_1696, %dma_wait3A_1724, %select_n3A_1712, %dma_wait3A_1725, %dma_wait3A_1726] : memref<200x8x32x8x128xf32, #tpu.memory_space<hbm>> -> memref<1x8x1x8x128xf32, #tpu.memory_space<hbm>>
        %dma_wait3A_1728 = tpu.memref_squeeze %dma_wait3A_1727 : memref<1x8x1x8x128xf32, #tpu.memory_space<hbm>> -> memref<8x8x128xf32, #tpu.memory_space<hbm>>
        %dma_wait3A_1729 = arith.constant 0 : i32
        %dma_wait3A_1730 = arith.constant 0 : i32
        %dma_wait3A_1731 = arith.constant 0 : i32
        %dma_wait3A_1732 = tpu.memref_slice %arg7[%dma_wait3A_1713, %dma_wait3A_1729, %dma_wait3A_1730, %dma_wait3A_1731] : memref<5x8x8x129xf32, #tpu.memory_space<vmem>> -> memref<1x8x8x128xf32, #tpu.memory_space<vmem>>
        %dma_wait3A_1733 = tpu.memref_squeeze %dma_wait3A_1732 : memref<1x8x8x128xf32, #tpu.memory_space<vmem>> -> memref<8x8x128xf32, #tpu.memory_space<vmem>>
        tpu.wait_dma2 semaphore(%arg19 : memref<!tpu.dma_semaphore, #tpu.memory_space<semaphore_mem>>) src(%dma_wait3A_1733 : memref<8x8x128xf32, #tpu.memory_space<vmem>>) dst(%dma_wait3A_1728 : memref<8x8x128xf32, #tpu.memory_space<hbm>>)
      } else {
      }
      %parallel_loop3A_1509 = arith.constant 0 : i32
      %parallel_loop3A_1510 = arith.constant 128 : i32
      %parallel_loop3A_1511 = arith.constant 1 : i32
      %parallel_loop3A_1512 = arith.constant 4 : i32
      scf.for %parallel_loop3A_1627 = %parallel_loop3A_1509 to %parallel_loop3A_1510 step %parallel_loop3A_1511  : i32 {
        %parallel_loop3A_1628 = vector.broadcast %parallel_loop3A_1627 : i32 to vector<16xi32>
        %parallel_loop3A_1629 = arith.constant 4 : i32
        %parallel_loop3A_1630 = arith.index_cast %parallel_loop3A_1629 : i32 to index
        %parallel_loop3A_1631 = arith.index_cast %parallel_loop3A_1627 : i32 to index
        %parallel_loop3A_1632 = arith.constant 0 : index
        %parallel_loop3A_1633 = tpu.vector_load %arg6[%parallel_loop3A_1630, %parallel_loop3A_1631, %parallel_loop3A_1632] {strides = array<i32>} : memref<5x128x64xf32, #tpu.memory_space<vmem>>, vector<16xf32>,
        %parallel_loop3A_1634 = arith.constant 8.000000e+00 : f32
        %parallel_loop3A_1635 = vector.broadcast %parallel_loop3A_1634 : f32 to vector<16xf32>
        %parallel_loop3A_1636 = arith.mulf %parallel_loop3A_1633, %parallel_loop3A_1635 : vector<16xf32>
        %parallel_loop3A_1637 = arith.constant 0 : i32
        %parallel_loop3A_1638 = arith.constant 0 : i32
        %parallel_loop3A_1639 = arith.constant 0 : i32
        %parallel_loop3A_1640 = tpu.memref_slice %arg7[%parallel_loop3A_1512, %parallel_loop3A_1637, %parallel_loop3A_1638, %parallel_loop3A_1639] : memref<5x8x8x129xf32, #tpu.memory_space<vmem>> -> memref<1x8x8x129xf32, #tpu.memory_space<vmem>>
        %parallel_loop3A_1641 = tpu.memref_squeeze %parallel_loop3A_1640 : memref<1x8x8x129xf32, #tpu.memory_space<vmem>> -> memref<8x8x129xf32, #tpu.memory_space<vmem>>
        tpu.vector_store_idx %parallel_loop3A_1641[%shift_right_arithmetic3A_7, %and3A_34, %parallel_loop3A_1628], %parallel_loop3A_1636 : memref<8x8x129xf32, #tpu.memory_space<vmem>>[vector<16xi32>, vector<16xi32>, vector<16xi32>], vector<16xf32>,
        %parallel_loop3A_1642 = arith.constant 4 : i32
        %parallel_loop3A_1643 = arith.index_cast %parallel_loop3A_1642 : i32 to index
        %parallel_loop3A_1644 = arith.index_cast %parallel_loop3A_1627 : i32 to index
        %parallel_loop3A_1645 = arith.constant 16 : index
        %parallel_loop3A_1646 = tpu.vector_load %arg6[%parallel_loop3A_1643, %parallel_loop3A_1644, %parallel_loop3A_1645] {strides = array<i32>} : memref<5x128x64xf32, #tpu.memory_space<vmem>>, vector<16xf32>,
        %parallel_loop3A_1647 = arith.constant 8.000000e+00 : f32
        %parallel_loop3A_1648 = vector.broadcast %parallel_loop3A_1647 : f32 to vector<16xf32>
        %parallel_loop3A_1649 = arith.mulf %parallel_loop3A_1646, %parallel_loop3A_1648 : vector<16xf32>
        %parallel_loop3A_1650 = arith.constant 0 : i32
        %parallel_loop3A_1651 = arith.constant 0 : i32
        %parallel_loop3A_1652 = arith.constant 0 : i32
        %parallel_loop3A_1653 = tpu.memref_slice %arg7[%parallel_loop3A_1512, %parallel_loop3A_1650, %parallel_loop3A_1651, %parallel_loop3A_1652] : memref<5x8x8x129xf32, #tpu.memory_space<vmem>> -> memref<1x8x8x129xf32, #tpu.memory_space<vmem>>
        %parallel_loop3A_1654 = tpu.memref_squeeze %parallel_loop3A_1653 : memref<1x8x8x129xf32, #tpu.memory_space<vmem>> -> memref<8x8x129xf32, #tpu.memory_space<vmem>>
        tpu.vector_store_idx %parallel_loop3A_1654[%shift_right_arithmetic3A_14, %and3A_41, %parallel_loop3A_1628], %parallel_loop3A_1649 : memref<8x8x129xf32, #tpu.memory_space<vmem>>[vector<16xi32>, vector<16xi32>, vector<16xi32>], vector<16xf32>,
        %parallel_loop3A_1655 = arith.constant 4 : i32
        %parallel_loop3A_1656 = arith.index_cast %parallel_loop3A_1655 : i32 to index
        %parallel_loop3A_1657 = arith.index_cast %parallel_loop3A_1627 : i32 to index
        %parallel_loop3A_1658 = arith.constant 32 : index
        %parallel_loop3A_1659 = tpu.vector_load %arg6[%parallel_loop3A_1656, %parallel_loop3A_1657, %parallel_loop3A_1658] {strides = array<i32>} : memref<5x128x64xf32, #tpu.memory_space<vmem>>, vector<16xf32>,
        %parallel_loop3A_1660 = arith.constant 8.000000e+00 : f32
        %parallel_loop3A_1661 = vector.broadcast %parallel_loop3A_1660 : f32 to vector<16xf32>
        %parallel_loop3A_1662 = arith.mulf %parallel_loop3A_1659, %parallel_loop3A_1661 : vector<16xf32>
        %parallel_loop3A_1663 = arith.constant 0 : i32
        %parallel_loop3A_1664 = arith.constant 0 : i32
        %parallel_loop3A_1665 = arith.constant 0 : i32
        %parallel_loop3A_1666 = tpu.memref_slice %arg7[%parallel_loop3A_1512, %parallel_loop3A_1663, %parallel_loop3A_1664, %parallel_loop3A_1665] : memref<5x8x8x129xf32, #tpu.memory_space<vmem>> -> memref<1x8x8x129xf32, #tpu.memory_space<vmem>>
        %parallel_loop3A_1667 = tpu.memref_squeeze %parallel_loop3A_1666 : memref<1x8x8x129xf32, #tpu.memory_space<vmem>> -> memref<8x8x129xf32, #tpu.memory_space<vmem>>
        tpu.vector_store_idx %parallel_loop3A_1667[%shift_right_arithmetic3A_21, %and3A_48, %parallel_loop3A_1628], %parallel_loop3A_1662 : memref<8x8x129xf32, #tpu.memory_space<vmem>>[vector<16xi32>, vector<16xi32>, vector<16xi32>], vector<16xf32>,
        %parallel_loop3A_1668 = arith.constant 4 : i32
        %parallel_loop3A_1669 = arith.index_cast %parallel_loop3A_1668 : i32 to index
        %parallel_loop3A_1670 = arith.index_cast %parallel_loop3A_1627 : i32 to index
        %parallel_loop3A_1671 = arith.constant 48 : index
        %parallel_loop3A_1672 = tpu.vector_load %arg6[%parallel_loop3A_1669, %parallel_loop3A_1670, %parallel_loop3A_1671] {strides = array<i32>} : memref<5x128x64xf32, #tpu.memory_space<vmem>>, vector<16xf32>,
        %parallel_loop3A_1673 = arith.constant 8.000000e+00 : f32
        %parallel_loop3A_1674 = vector.broadcast %parallel_loop3A_1673 : f32 to vector<16xf32>
        %parallel_loop3A_1675 = arith.mulf %parallel_loop3A_1672, %parallel_loop3A_1674 : vector<16xf32>
        %parallel_loop3A_1676 = arith.constant 0 : i32
        %parallel_loop3A_1677 = arith.constant 0 : i32
        %parallel_loop3A_1678 = arith.constant 0 : i32
        %parallel_loop3A_1679 = tpu.memref_slice %arg7[%parallel_loop3A_1512, %parallel_loop3A_1676, %parallel_loop3A_1677, %parallel_loop3A_1678] : memref<5x8x8x129xf32, #tpu.memory_space<vmem>> -> memref<1x8x8x129xf32, #tpu.memory_space<vmem>>
        %parallel_loop3A_1680 = tpu.memref_squeeze %parallel_loop3A_1679 : memref<1x8x8x129xf32, #tpu.memory_space<vmem>> -> memref<8x8x129xf32, #tpu.memory_space<vmem>>
        tpu.vector_store_idx %parallel_loop3A_1680[%shift_right_arithmetic3A_28, %and3A_55, %parallel_loop3A_1628], %parallel_loop3A_1675 : memref<8x8x129xf32, #tpu.memory_space<vmem>>[vector<16xi32>, vector<16xi32>, vector<16xi32>], vector<16xf32>,
      } {sc.loop_unroll_factor = 8 : i64, sc.parallel_access}
      %jit3A_1513 = arith.constant 8 : i32
      %div3A_1514 = arith.divsi %add3A_1426, %jit3A_1513 : i32
      %sign3A_1515 = arith.constant 0 : i32
      %sign3A_1516 = arith.cmpi sgt, %add3A_1426, %sign3A_1515 : i32
      %sign3A_1517 = arith.extui %sign3A_1516 : i1 to i32
      %sign3A_1518 = arith.constant 0 : i32
      %sign3A_1519 = arith.cmpi slt, %add3A_1426, %sign3A_1518 : i32
      %sign3A_1520 = arith.extui %sign3A_1519 : i1 to i32
      %sign3A_1521 = arith.subi %sign3A_1517, %sign3A_1520 : i32
      %sign3A_1522 = arith.constant 0 : i32
      %sign3A_1523 = arith.cmpi sgt, %jit3A_1513, %sign3A_1522 : i32
      %sign3A_1524 = arith.extui %sign3A_1523 : i1 to i32
      %sign3A_1525 = arith.constant 0 : i32
      %sign3A_1526 = arith.cmpi slt, %jit3A_1513, %sign3A_1525 : i32
      %sign3A_1527 = arith.extui %sign3A_1526 : i1 to i32
      %sign3A_1528 = arith.subi %sign3A_1524, %sign3A_1527 : i32
      %ne3A_1529 = arith.cmpi ne, %sign3A_1521, %sign3A_1528 : i32
      %rem3A_1530 = arith.remsi %add3A_1426, %jit3A_1513 : i32
      %ne3A_1531 = arith.constant 0 : i32
      %ne3A_1532 = arith.cmpi ne, %rem3A_1530, %ne3A_1531 : i32
      %and3A_1533 = arith.andi %ne3A_1529, %ne3A_1532 : i1
      %sub3A_1534 = arith.constant 1 : i32
      %sub3A_1535 = arith.subi %div3A_1514, %sub3A_1534 : i32
      %select_n3A_1536 = arith.select %and3A_1533, %sub3A_1535, %div3A_1514 : i32
      %add3A_1537 = arith.addi %mul3A_2, %select_n3A_1536 : i32
      %jit3A_1538 = arith.constant 32 : i32
      %div3A_1539 = arith.divsi %add3A_1537, %jit3A_1538 : i32
      %sign3A_1540 = arith.constant 0 : i32
      %sign3A_1541 = arith.cmpi sgt, %add3A_1537, %sign3A_1540 : i32
      %sign3A_1542 = arith.extui %sign3A_1541 : i1 to i32
      %sign3A_1543 = arith.constant 0 : i32
      %sign3A_1544 = arith.cmpi slt, %add3A_1537, %sign3A_1543 : i32
      %sign3A_1545 = arith.extui %sign3A_1544 : i1 to i32
      %sign3A_1546 = arith.subi %sign3A_1542, %sign3A_1545 : i32
      %sign3A_1547 = arith.constant 0 : i32
      %sign3A_1548 = arith.cmpi sgt, %jit3A_1538, %sign3A_1547 : i32
      %sign3A_1549 = arith.extui %sign3A_1548 : i1 to i32
      %sign3A_1550 = arith.constant 0 : i32
      %sign3A_1551 = arith.cmpi slt, %jit3A_1538, %sign3A_1550 : i32
      %sign3A_1552 = arith.extui %sign3A_1551 : i1 to i32
      %sign3A_1553 = arith.subi %sign3A_1549, %sign3A_1552 : i32
      %ne3A_1554 = arith.cmpi ne, %sign3A_1546, %sign3A_1553 : i32
      %rem3A_1555 = arith.remsi %add3A_1537, %jit3A_1538 : i32
      %ne3A_1556 = arith.constant 0 : i32
      %ne3A_1557 = arith.cmpi ne, %rem3A_1555, %ne3A_1556 : i32
      %and3A_1558 = arith.andi %ne3A_1554, %ne3A_1557 : i1
      %sub3A_1559 = arith.constant 1 : i32
      %sub3A_1560 = arith.subi %div3A_1539, %sub3A_1559 : i32
      %select_n3A_1561 = arith.select %and3A_1558, %sub3A_1560, %div3A_1539 : i32
      %mul3A_1562 = arith.constant 8 : i32
      %mul3A_1563 = arith.muli %select_n3A_1561, %mul3A_1562 : i32
      %jit3A_1564 = arith.constant 8 : i32
      %eq3A_1565 = arith.constant 0 : i32
      %eq3A_1566 = arith.cmpi eq, %jit3A_1564, %eq3A_1565 : i32
      %jit3A_1567 = arith.constant 1 : i32
      %select_n3A_1568 = arith.select %eq3A_1566, %jit3A_1567, %jit3A_1564 : i32
      %rem3A_1569 = arith.remsi %add3A_1426, %select_n3A_1568 : i32
      %ne3A_1570 = arith.constant 0 : i32
      %ne3A_1571 = arith.cmpi ne, %rem3A_1569, %ne3A_1570 : i32
      %lt3A_1572 = arith.constant 0 : i32
      %lt3A_1573 = arith.cmpi slt, %rem3A_1569, %lt3A_1572 : i32
      %lt3A_1574 = arith.constant 0 : i32
      %lt3A_1575 = arith.cmpi slt, %select_n3A_1568, %lt3A_1574 : i32
      %ne3A_1576 = arith.xori %lt3A_1573, %lt3A_1575 : i1
      %and3A_1577 = arith.andi %ne3A_1576, %ne3A_1571 : i1
      %add3A_1578 = arith.addi %rem3A_1569, %select_n3A_1568 : i32
      %select_n3A_1579 = arith.select %and3A_1577, %add3A_1578, %rem3A_1569 : i32
      %add3A_1580 = arith.addi %mul3A_1563, %select_n3A_1579 : i32
      %jit3A_1581 = arith.constant 32 : i32
      %eq3A_1582 = arith.constant 0 : i32
      %eq3A_1583 = arith.cmpi eq, %jit3A_1581, %eq3A_1582 : i32
      %jit3A_1584 = arith.constant 1 : i32
      %select_n3A_1585 = arith.select %eq3A_1583, %jit3A_1584, %jit3A_1581 : i32
      %rem3A_1586 = arith.remsi %add3A_1537, %select_n3A_1585 : i32
      %ne3A_1587 = arith.constant 0 : i32
      %ne3A_1588 = arith.cmpi ne, %rem3A_1586, %ne3A_1587 : i32
      %lt3A_1589 = arith.constant 0 : i32
      %lt3A_1590 = arith.cmpi slt, %rem3A_1586, %lt3A_1589 : i32
      %lt3A_1591 = arith.constant 0 : i32
      %lt3A_1592 = arith.cmpi slt, %select_n3A_1585, %lt3A_1591 : i32
      %ne3A_1593 = arith.xori %lt3A_1590, %lt3A_1592 : i1
      %and3A_1594 = arith.andi %ne3A_1593, %ne3A_1588 : i1
      %add3A_1595 = arith.addi %rem3A_1586, %select_n3A_1585 : i32
      %select_n3A_1596 = arith.select %and3A_1594, %add3A_1595, %rem3A_1586 : i32
      %dma_start3A_1597 = arith.constant 4 : i32
      %dma_start3A_1598 = arith.constant 0 : i32
      %dma_start3A_1599 = arith.constant 0 : i32
      %dma_start3A_1600 = arith.constant 0 : i32
      %dma_start3A_1601 = tpu.memref_slice %arg7[%dma_start3A_1597, %dma_start3A_1598, %dma_start3A_1599, %dma_start3A_1600] : memref<5x8x8x129xf32, #tpu.memory_space<vmem>> -> memref<1x8x8x128xf32, #tpu.memory_space<vmem>>
      %dma_start3A_1602 = tpu.memref_squeeze %dma_start3A_1601 : memref<1x8x8x128xf32, #tpu.memory_space<vmem>> -> memref<8x8x128xf32, #tpu.memory_space<vmem>>
      %dma_start3A_1603 = arith.constant 0 : i32
      %dma_start3A_1604 = arith.constant 0 : i32
      %dma_start3A_1605 = arith.constant 0 : i32
      %dma_start3A_1606 = tpu.memref_slice %arg4[%add3A_1580, %dma_start3A_1603, %select_n3A_1596, %dma_start3A_1604, %dma_start3A_1605] : memref<200x8x32x8x128xf32, #tpu.memory_space<hbm>> -> memref<1x8x1x8x128xf32, #tpu.memory_space<hbm>>
      %dma_start3A_1607 = tpu.memref_squeeze %dma_start3A_1606 : memref<1x8x1x8x128xf32, #tpu.memory_space<hbm>> -> memref<8x8x128xf32, #tpu.memory_space<hbm>>
      %dma_start3A_1608 = arith.constant 0 : i32
      %dma_start3A_1609 = arith.constant 0 : i32
      %dma_start3A_1610 = arith.constant 0 : i32
      %dma_start3A_1611 = tpu.memref_slice %arg4[%add3A_1580, %dma_start3A_1608, %select_n3A_1596, %dma_start3A_1609, %dma_start3A_1610] : memref<200x8x32x8x128xf32, #tpu.memory_space<hbm>> -> memref<1x8x1x8x128xf32, #tpu.memory_space<hbm>>
      %dma_start3A_1612 = tpu.memref_squeeze %dma_start3A_1611 : memref<1x8x1x8x128xf32, #tpu.memory_space<hbm>> -> memref<8x8x128xf32, #tpu.memory_space<hbm>>
      %dma_start3A_1613 = arith.constant 0 : i32
      %dma_start3A_1614 = arith.constant 0 : i32
      %dma_start3A_1615 = arith.constant 0 : i32
      %dma_start3A_1616 = tpu.memref_slice %arg7[%dma_start3A_1597, %dma_start3A_1613, %dma_start3A_1614, %dma_start3A_1615] : memref<5x8x8x129xf32, #tpu.memory_space<vmem>> -> memref<1x8x8x128xf32, #tpu.memory_space<vmem>>
      %dma_start3A_1617 = tpu.memref_squeeze %dma_start3A_1616 : memref<1x8x8x128xf32, #tpu.memory_space<vmem>> -> memref<8x8x128xf32, #tpu.memory_space<vmem>>
      tpu.enqueue_dma source(%dma_start3A_1617 : memref<8x8x128xf32, #tpu.memory_space<vmem>>) target(%dma_start3A_1612 : memref<8x8x128xf32, #tpu.memory_space<hbm>>) target_semaphore(%arg19 : memref<!tpu.dma_semaphore, #tpu.memory_space<semaphore_mem>>)
      %add3A_1618 = arith.constant 5 : i32
      %add3A_1619 = arith.addi %add3A_1426, %add3A_1618 : i32
      %sub3A_1620 = arith.constant 1 : i32
      %sub3A_1621 = arith.subi %add3A_1619, %sub3A_1620 : i32
      %lt3A_1622 = arith.constant 200 : i32
      %lt3A_1623 = arith.cmpi slt, %sub3A_1621, %lt3A_1622 : i32
      %convert_element_type3A_1624 = arith.extui %lt3A_1623 : i1 to i32
      %cond3A_1625 = arith.constant 0 : i32
      %cond3A_1626 = arith.cmpi ne, %convert_element_type3A_1624, %cond3A_1625 : i32
      scf.if %cond3A_1626 {
        %jit3A_1627 = arith.constant 8 : i32
        %div3A_1628 = arith.divsi %sub3A_1621, %jit3A_1627 : i32
        %sign3A_1629 = arith.constant 0 : i32
        %sign3A_1630 = arith.cmpi sgt, %sub3A_1621, %sign3A_1629 : i32
        %sign3A_1631 = arith.extui %sign3A_1630 : i1 to i32
        %sign3A_1632 = arith.constant 0 : i32
        %sign3A_1633 = arith.cmpi slt, %sub3A_1621, %sign3A_1632 : i32
        %sign3A_1634 = arith.extui %sign3A_1633 : i1 to i32
        %sign3A_1635 = arith.subi %sign3A_1631, %sign3A_1634 : i32
        %sign3A_1636 = arith.constant 0 : i32
        %sign3A_1637 = arith.cmpi sgt, %jit3A_1627, %sign3A_1636 : i32
        %sign3A_1638 = arith.extui %sign3A_1637 : i1 to i32
        %sign3A_1639 = arith.constant 0 : i32
        %sign3A_1640 = arith.cmpi slt, %jit3A_1627, %sign3A_1639 : i32
        %sign3A_1641 = arith.extui %sign3A_1640 : i1 to i32
        %sign3A_1642 = arith.subi %sign3A_1638, %sign3A_1641 : i32
        %ne3A_1643 = arith.cmpi ne, %sign3A_1635, %sign3A_1642 : i32
        %rem3A_1644 = arith.remsi %sub3A_1621, %jit3A_1627 : i32
        %ne3A_1645 = arith.constant 0 : i32
        %ne3A_1646 = arith.cmpi ne, %rem3A_1644, %ne3A_1645 : i32
        %and3A_1647 = arith.andi %ne3A_1643, %ne3A_1646 : i1
        %sub3A_1648 = arith.constant 1 : i32
        %sub3A_1649 = arith.subi %div3A_1628, %sub3A_1648 : i32
        %select_n3A_1650 = arith.select %and3A_1647, %sub3A_1649, %div3A_1628 : i32
        %jit3A_1651 = arith.constant 8 : i32
        %eq3A_1652 = arith.constant 0 : i32
        %eq3A_1653 = arith.cmpi eq, %jit3A_1651, %eq3A_1652 : i32
        %jit3A_1654 = arith.constant 1 : i32
        %select_n3A_1655 = arith.select %eq3A_1653, %jit3A_1654, %jit3A_1651 : i32
        %rem3A_1656 = arith.remsi %sub3A_1621, %select_n3A_1655 : i32
        %ne3A_1657 = arith.constant 0 : i32
        %ne3A_1658 = arith.cmpi ne, %rem3A_1656, %ne3A_1657 : i32
        %lt3A_1659 = arith.constant 0 : i32
        %lt3A_1660 = arith.cmpi slt, %rem3A_1656, %lt3A_1659 : i32
        %lt3A_1661 = arith.constant 0 : i32
        %lt3A_1662 = arith.cmpi slt, %select_n3A_1655, %lt3A_1661 : i32
        %ne3A_1663 = arith.xori %lt3A_1660, %lt3A_1662 : i1
        %and3A_1664 = arith.andi %ne3A_1663, %ne3A_1658 : i1
        %add3A_1665 = arith.addi %rem3A_1656, %select_n3A_1655 : i32
        %select_n3A_1666 = arith.select %and3A_1664, %add3A_1665, %rem3A_1656 : i32
        %jit3A_1667 = arith.constant 2 : i32
        %eq3A_1668 = arith.constant 0 : i32
        %eq3A_1669 = arith.cmpi eq, %jit3A_1667, %eq3A_1668 : i32
        %jit3A_1670 = arith.constant 1 : i32
        %select_n3A_1671 = arith.select %eq3A_1669, %jit3A_1670, %jit3A_1667 : i32
        %rem3A_1672 = arith.remsi %select_n3A_1650, %select_n3A_1671 : i32
        %ne3A_1673 = arith.constant 0 : i32
        %ne3A_1674 = arith.cmpi ne, %rem3A_1672, %ne3A_1673 : i32
        %lt3A_1675 = arith.constant 0 : i32
        %lt3A_1676 = arith.cmpi slt, %rem3A_1672, %lt3A_1675 : i32
        %lt3A_1677 = arith.constant 0 : i32
        %lt3A_1678 = arith.cmpi slt, %select_n3A_1671, %lt3A_1677 : i32
        %ne3A_1679 = arith.xori %lt3A_1676, %lt3A_1678 : i1
        %and3A_1680 = arith.andi %ne3A_1679, %ne3A_1674 : i1
        %add3A_1681 = arith.addi %rem3A_1672, %select_n3A_1671 : i32
        %select_n3A_1682 = arith.select %and3A_1680, %add3A_1681, %rem3A_1672 : i32
        %eq3A_1683 = arith.constant 0 : i32
        %eq3A_1684 = arith.cmpi eq, %select_n3A_1666, %eq3A_1683 : i32
        %convert_element_type3A_1685 = arith.extui %eq3A_1684 : i1 to i32
        %cond3A_1686 = arith.constant 0 : i32
        %cond3A_1687 = arith.cmpi ne, %convert_element_type3A_1685, %cond3A_1686 : i32
        scf.if %cond3A_1687 {
          %eq3A_1699 = arith.constant 0 : i32
          %eq3A_1700 = arith.cmpi eq, %select_n3A_1682, %eq3A_1699 : i32
          %convert_element_type3A_1701 = arith.extui %eq3A_1700 : i1 to i32
          %cond3A_1702 = arith.constant 0 : i32
          %cond3A_1703 = arith.cmpi ne, %convert_element_type3A_1701, %cond3A_1702 : i32
          scf.if %cond3A_1703 {
            %add3A_1709 = arith.addi %mul3A_2, %select_n3A_1650 : i32
            %jit3A_1710 = arith.constant 32 : i32
            %div3A_1711 = arith.divsi %add3A_1709, %jit3A_1710 : i32
            %sign3A_1712 = arith.constant 0 : i32
            %sign3A_1713 = arith.cmpi sgt, %add3A_1709, %sign3A_1712 : i32
            %sign3A_1714 = arith.extui %sign3A_1713 : i1 to i32
            %sign3A_1715 = arith.constant 0 : i32
            %sign3A_1716 = arith.cmpi slt, %add3A_1709, %sign3A_1715 : i32
            %sign3A_1717 = arith.extui %sign3A_1716 : i1 to i32
            %sign3A_1718 = arith.subi %sign3A_1714, %sign3A_1717 : i32
            %sign3A_1719 = arith.constant 0 : i32
            %sign3A_1720 = arith.cmpi sgt, %jit3A_1710, %sign3A_1719 : i32
            %sign3A_1721 = arith.extui %sign3A_1720 : i1 to i32
            %sign3A_1722 = arith.constant 0 : i32
            %sign3A_1723 = arith.cmpi slt, %jit3A_1710, %sign3A_1722 : i32
            %sign3A_1724 = arith.extui %sign3A_1723 : i1 to i32
            %sign3A_1725 = arith.subi %sign3A_1721, %sign3A_1724 : i32
            %ne3A_1726 = arith.cmpi ne, %sign3A_1718, %sign3A_1725 : i32
            %rem3A_1727 = arith.remsi %add3A_1709, %jit3A_1710 : i32
            %ne3A_1728 = arith.constant 0 : i32
            %ne3A_1729 = arith.cmpi ne, %rem3A_1727, %ne3A_1728 : i32
            %and3A_1730 = arith.andi %ne3A_1726, %ne3A_1729 : i1
            %sub3A_1731 = arith.constant 1 : i32
            %sub3A_1732 = arith.subi %div3A_1711, %sub3A_1731 : i32
            %select_n3A_1733 = arith.select %and3A_1730, %sub3A_1732, %div3A_1711 : i32
            %jit3A_1734 = arith.constant 32 : i32
            %eq3A_1735 = arith.constant 0 : i32
            %eq3A_1736 = arith.cmpi eq, %jit3A_1734, %eq3A_1735 : i32
            %jit3A_1737 = arith.constant 1 : i32
            %select_n3A_1738 = arith.select %eq3A_1736, %jit3A_1737, %jit3A_1734 : i32
            %rem3A_1739 = arith.remsi %add3A_1709, %select_n3A_1738 : i32
            %ne3A_1740 = arith.constant 0 : i32
            %ne3A_1741 = arith.cmpi ne, %rem3A_1739, %ne3A_1740 : i32
            %lt3A_1742 = arith.constant 0 : i32
            %lt3A_1743 = arith.cmpi slt, %rem3A_1739, %lt3A_1742 : i32
            %lt3A_1744 = arith.constant 0 : i32
            %lt3A_1745 = arith.cmpi slt, %select_n3A_1738, %lt3A_1744 : i32
            %ne3A_1746 = arith.xori %lt3A_1743, %lt3A_1745 : i1
            %and3A_1747 = arith.andi %ne3A_1746, %ne3A_1741 : i1
            %add3A_1748 = arith.addi %rem3A_1739, %select_n3A_1738 : i32
            %select_n3A_1749 = arith.select %and3A_1747, %add3A_1748, %rem3A_1739 : i32
            %dma_wait3A_1750 = arith.constant 0 : i32
            %dma_wait3A_1751 = arith.constant 0 : i32
            %dma_wait3A_1752 = arith.constant 0 : i32
            %dma_wait3A_1753 = tpu.memref_slice %arg5[%dma_wait3A_1750, %dma_wait3A_1751, %dma_wait3A_1752] : memref<2x8x128xi32, #tpu.memory_space<vmem>> -> memref<1x8x128xi32, #tpu.memory_space<vmem>>
            %dma_wait3A_1754 = tpu.memref_squeeze %dma_wait3A_1753 : memref<1x8x128xi32, #tpu.memory_space<vmem>> -> memref<8x128xi32, #tpu.memory_space<vmem>>
            %dma_wait3A_1755 = arith.constant 0 : i32
            %dma_wait3A_1756 = arith.constant 0 : i32
            %dma_wait3A_1757 = tpu.memref_slice %arg3[%select_n3A_1733, %select_n3A_1749, %dma_wait3A_1755, %dma_wait3A_1756] : memref<25x32x8x128xi32, #tpu.memory_space<hbm>> -> memref<1x1x8x128xi32, #tpu.memory_space<hbm>>
            %dma_wait3A_1758 = tpu.memref_squeeze %dma_wait3A_1757 : memref<1x1x8x128xi32, #tpu.memory_space<hbm>> -> memref<8x128xi32, #tpu.memory_space<hbm>>
            %dma_wait3A_1759 = arith.constant 0 : i32
            %dma_wait3A_1760 = arith.constant 0 : i32
            %dma_wait3A_1761 = tpu.memref_slice %arg5[%dma_wait3A_1750, %dma_wait3A_1759, %dma_wait3A_1760] : memref<2x8x128xi32, #tpu.memory_space<vmem>> -> memref<1x8x128xi32, #tpu.memory_space<vmem>>
            %dma_wait3A_1762 = tpu.memref_squeeze %dma_wait3A_1761 : memref<1x8x128xi32, #tpu.memory_space<vmem>> -> memref<8x128xi32, #tpu.memory_space<vmem>>
            %dma_wait3A_1763 = arith.constant 0 : i32
            %dma_wait3A_1764 = arith.constant 0 : i32
            %dma_wait3A_1765 = tpu.memref_slice %arg3[%select_n3A_1733, %select_n3A_1749, %dma_wait3A_1763, %dma_wait3A_1764] : memref<25x32x8x128xi32, #tpu.memory_space<hbm>> -> memref<1x1x8x128xi32, #tpu.memory_space<hbm>>
            %dma_wait3A_1766 = tpu.memref_squeeze %dma_wait3A_1765 : memref<1x1x8x128xi32, #tpu.memory_space<hbm>> -> memref<8x128xi32, #tpu.memory_space<hbm>>
            tpu.wait_dma2 semaphore(%arg8 : memref<!tpu.dma_semaphore, #tpu.memory_space<semaphore_mem>>) src(%dma_wait3A_1766 : memref<8x128xi32, #tpu.memory_space<hbm>>) dst(%dma_wait3A_1762 : memref<8x128xi32, #tpu.memory_space<vmem>>)
          } else {
          }
          %eq3A_1704 = arith.constant 1 : i32
          %eq3A_1705 = arith.cmpi eq, %select_n3A_1682, %eq3A_1704 : i32
          %convert_element_type3A_1706 = arith.extui %eq3A_1705 : i1 to i32
          %cond3A_1707 = arith.constant 0 : i32
          %cond3A_1708 = arith.cmpi ne, %convert_element_type3A_1706, %cond3A_1707 : i32
          scf.if %cond3A_1708 {
            %add3A_1709 = arith.addi %mul3A_2, %select_n3A_1650 : i32
            %jit3A_1710 = arith.constant 32 : i32
            %div3A_1711 = arith.divsi %add3A_1709, %jit3A_1710 : i32
            %sign3A_1712 = arith.constant 0 : i32
            %sign3A_1713 = arith.cmpi sgt, %add3A_1709, %sign3A_1712 : i32
            %sign3A_1714 = arith.extui %sign3A_1713 : i1 to i32
            %sign3A_1715 = arith.constant 0 : i32
            %sign3A_1716 = arith.cmpi slt, %add3A_1709, %sign3A_1715 : i32
            %sign3A_1717 = arith.extui %sign3A_1716 : i1 to i32
            %sign3A_1718 = arith.subi %sign3A_1714, %sign3A_1717 : i32
            %sign3A_1719 = arith.constant 0 : i32
            %sign3A_1720 = arith.cmpi sgt, %jit3A_1710, %sign3A_1719 : i32
            %sign3A_1721 = arith.extui %sign3A_1720 : i1 to i32
            %sign3A_1722 = arith.constant 0 : i32
            %sign3A_1723 = arith.cmpi slt, %jit3A_1710, %sign3A_1722 : i32
            %sign3A_1724 = arith.extui %sign3A_1723 : i1 to i32
            %sign3A_1725 = arith.subi %sign3A_1721, %sign3A_1724 : i32
            %ne3A_1726 = arith.cmpi ne, %sign3A_1718, %sign3A_1725 : i32
            %rem3A_1727 = arith.remsi %add3A_1709, %jit3A_1710 : i32
            %ne3A_1728 = arith.constant 0 : i32
            %ne3A_1729 = arith.cmpi ne, %rem3A_1727, %ne3A_1728 : i32
            %and3A_1730 = arith.andi %ne3A_1726, %ne3A_1729 : i1
            %sub3A_1731 = arith.constant 1 : i32
            %sub3A_1732 = arith.subi %div3A_1711, %sub3A_1731 : i32
            %select_n3A_1733 = arith.select %and3A_1730, %sub3A_1732, %div3A_1711 : i32
            %jit3A_1734 = arith.constant 32 : i32
            %eq3A_1735 = arith.constant 0 : i32
            %eq3A_1736 = arith.cmpi eq, %jit3A_1734, %eq3A_1735 : i32
            %jit3A_1737 = arith.constant 1 : i32
            %select_n3A_1738 = arith.select %eq3A_1736, %jit3A_1737, %jit3A_1734 : i32
            %rem3A_1739 = arith.remsi %add3A_1709, %select_n3A_1738 : i32
            %ne3A_1740 = arith.constant 0 : i32
            %ne3A_1741 = arith.cmpi ne, %rem3A_1739, %ne3A_1740 : i32
            %lt3A_1742 = arith.constant 0 : i32
            %lt3A_1743 = arith.cmpi slt, %rem3A_1739, %lt3A_1742 : i32
            %lt3A_1744 = arith.constant 0 : i32
            %lt3A_1745 = arith.cmpi slt, %select_n3A_1738, %lt3A_1744 : i32
            %ne3A_1746 = arith.xori %lt3A_1743, %lt3A_1745 : i1
            %and3A_1747 = arith.andi %ne3A_1746, %ne3A_1741 : i1
            %add3A_1748 = arith.addi %rem3A_1739, %select_n3A_1738 : i32
            %select_n3A_1749 = arith.select %and3A_1747, %add3A_1748, %rem3A_1739 : i32
            %dma_wait3A_1750 = arith.constant 1 : i32
            %dma_wait3A_1751 = arith.constant 0 : i32
            %dma_wait3A_1752 = arith.constant 0 : i32
            %dma_wait3A_1753 = tpu.memref_slice %arg5[%dma_wait3A_1750, %dma_wait3A_1751, %dma_wait3A_1752] : memref<2x8x128xi32, #tpu.memory_space<vmem>> -> memref<1x8x128xi32, #tpu.memory_space<vmem>>
            %dma_wait3A_1754 = tpu.memref_squeeze %dma_wait3A_1753 : memref<1x8x128xi32, #tpu.memory_space<vmem>> -> memref<8x128xi32, #tpu.memory_space<vmem>>
            %dma_wait3A_1755 = arith.constant 0 : i32
            %dma_wait3A_1756 = arith.constant 0 : i32
            %dma_wait3A_1757 = tpu.memref_slice %arg3[%select_n3A_1733, %select_n3A_1749, %dma_wait3A_1755, %dma_wait3A_1756] : memref<25x32x8x128xi32, #tpu.memory_space<hbm>> -> memref<1x1x8x128xi32, #tpu.memory_space<hbm>>
            %dma_wait3A_1758 = tpu.memref_squeeze %dma_wait3A_1757 : memref<1x1x8x128xi32, #tpu.memory_space<hbm>> -> memref<8x128xi32, #tpu.memory_space<hbm>>
            %dma_wait3A_1759 = arith.constant 0 : i32
            %dma_wait3A_1760 = arith.constant 0 : i32
            %dma_wait3A_1761 = tpu.memref_slice %arg5[%dma_wait3A_1750, %dma_wait3A_1759, %dma_wait3A_1760] : memref<2x8x128xi32, #tpu.memory_space<vmem>> -> memref<1x8x128xi32, #tpu.memory_space<vmem>>
            %dma_wait3A_1762 = tpu.memref_squeeze %dma_wait3A_1761 : memref<1x8x128xi32, #tpu.memory_space<vmem>> -> memref<8x128xi32, #tpu.memory_space<vmem>>
            %dma_wait3A_1763 = arith.constant 0 : i32
            %dma_wait3A_1764 = arith.constant 0 : i32
            %dma_wait3A_1765 = tpu.memref_slice %arg3[%select_n3A_1733, %select_n3A_1749, %dma_wait3A_1763, %dma_wait3A_1764] : memref<25x32x8x128xi32, #tpu.memory_space<hbm>> -> memref<1x1x8x128xi32, #tpu.memory_space<hbm>>
            %dma_wait3A_1766 = tpu.memref_squeeze %dma_wait3A_1765 : memref<1x1x8x128xi32, #tpu.memory_space<hbm>> -> memref<8x128xi32, #tpu.memory_space<hbm>>
            tpu.wait_dma2 semaphore(%arg9 : memref<!tpu.dma_semaphore, #tpu.memory_space<semaphore_mem>>) src(%dma_wait3A_1766 : memref<8x128xi32, #tpu.memory_space<hbm>>) dst(%dma_wait3A_1762 : memref<8x128xi32, #tpu.memory_space<vmem>>)
          } else {
          }
        } else {
        }
        %dma_start3A_1688 = arith.constant 3 : i32
        %dma_start3A_1689 = arith.constant 0 : i32
        %dma_start3A_1690 = arith.constant 0 : i32
        %dma_start3A_1691 = tpu.memref_slice %arg6[%dma_start3A_1688, %dma_start3A_1689, %dma_start3A_1690] : memref<5x128x64xf32, #tpu.memory_space<vmem>> -> memref<1x128x64xf32, #tpu.memory_space<vmem>>
        %dma_start3A_1692 = tpu.memref_squeeze %dma_start3A_1691 : memref<1x128x64xf32, #tpu.memory_space<vmem>> -> memref<128x64xf32, #tpu.memory_space<vmem>>
        %dma_start3A_1693 = arith.constant 0 : i32
        %dma_start3A_1694 = tpu.memref_slice %arg5[%select_n3A_1682, %select_n3A_1666, %dma_start3A_1693] : memref<2x8x128xi32, #tpu.memory_space<vmem>> -> memref<1x1x128xi32, #tpu.memory_space<vmem>>
        %dma_start3A_1695 = tpu.memref_squeeze %dma_start3A_1694 : memref<1x1x128xi32, #tpu.memory_space<vmem>> -> memref<128xi32, #tpu.memory_space<vmem>>
        %dma_start3A_1696 = arith.constant 0 : i32
        %dma_start3A_1697 = arith.constant 0 : i32
        %dma_start3A_1698 = tpu.memref_slice %arg2[%dma_start3A_1696, %dma_start3A_1697] : memref<1000000x64xf32, #tpu.memory_space<hbm>> -> memref<1000000x64xf32, #tpu.memory_space<hbm>>
        tpu.enqueue_indirect_dma source(%dma_start3A_1698 : memref<1000000x64xf32, #tpu.memory_space<hbm>>) target(%dma_start3A_1692 : memref<128x64xf32, #tpu.memory_space<vmem>>) offsets(%dma_start3A_1695 : memref<128xi32, #tpu.memory_space<vmem>>) semaphore(%arg13 : memref<!tpu.dma_semaphore, #tpu.memory_space<semaphore_mem>>)
      } else {
      }
    }
    %scan3A_274 = arith.constant 40 : i32
    %add3A_275 = arith.constant 24 : i32
    %add3A_276 = arith.addi %mul3A_2, %add3A_275 : i32
    %jit3A_277 = arith.constant 32 : i32
    %div3A_278 = arith.divsi %add3A_276, %jit3A_277 : i32
    %sign3A_279 = arith.constant 0 : i32
    %sign3A_280 = arith.cmpi sgt, %add3A_276, %sign3A_279 : i32
    %sign3A_281 = arith.extui %sign3A_280 : i1 to i32
    %sign3A_282 = arith.constant 0 : i32
    %sign3A_283 = arith.cmpi slt, %add3A_276, %sign3A_282 : i32
    %sign3A_284 = arith.extui %sign3A_283 : i1 to i32
    %sign3A_285 = arith.subi %sign3A_281, %sign3A_284 : i32
    %sign3A_286 = arith.constant 0 : i32
    %sign3A_287 = arith.cmpi sgt, %jit3A_277, %sign3A_286 : i32
    %sign3A_288 = arith.extui %sign3A_287 : i1 to i32
    %sign3A_289 = arith.constant 0 : i32
    %sign3A_290 = arith.cmpi slt, %jit3A_277, %sign3A_289 : i32
    %sign3A_291 = arith.extui %sign3A_290 : i1 to i32
    %sign3A_292 = arith.subi %sign3A_288, %sign3A_291 : i32
    %ne3A_293 = arith.cmpi ne, %sign3A_285, %sign3A_292 : i32
    %rem3A_294 = arith.remsi %add3A_276, %jit3A_277 : i32
    %ne3A_295 = arith.constant 0 : i32
    %ne3A_296 = arith.cmpi ne, %rem3A_294, %ne3A_295 : i32
    %and3A_297 = arith.andi %ne3A_293, %ne3A_296 : i1
    %sub3A_298 = arith.constant 1 : i32
    %sub3A_299 = arith.subi %div3A_278, %sub3A_298 : i32
    %select_n3A_300 = arith.select %and3A_297, %sub3A_299, %div3A_278 : i32
    %mul3A_301 = arith.constant 8 : i32
    %mul3A_302 = arith.muli %select_n3A_300, %mul3A_301 : i32
    %add3A_303 = arith.constant 3 : i32
    %add3A_304 = arith.addi %mul3A_302, %add3A_303 : i32
    %jit3A_305 = arith.constant 32 : i32
    %eq3A_306 = arith.constant 0 : i32
    %eq3A_307 = arith.cmpi eq, %jit3A_305, %eq3A_306 : i32
    %jit3A_308 = arith.constant 1 : i32
    %select_n3A_309 = arith.select %eq3A_307, %jit3A_308, %jit3A_305 : i32
    %rem3A_310 = arith.remsi %add3A_276, %select_n3A_309 : i32
    %ne3A_311 = arith.constant 0 : i32
    %ne3A_312 = arith.cmpi ne, %rem3A_310, %ne3A_311 : i32
    %lt3A_313 = arith.constant 0 : i32
    %lt3A_314 = arith.cmpi slt, %rem3A_310, %lt3A_313 : i32
    %lt3A_315 = arith.constant 0 : i32
    %lt3A_316 = arith.cmpi slt, %select_n3A_309, %lt3A_315 : i32
    %ne3A_317 = arith.xori %lt3A_314, %lt3A_316 : i1
    %and3A_318 = arith.andi %ne3A_317, %ne3A_312 : i1
    %add3A_319 = arith.addi %rem3A_310, %select_n3A_309 : i32
    %select_n3A_320 = arith.select %and3A_318, %add3A_319, %rem3A_310 : i32
    %dma_wait3A_321 = arith.constant 0 : i32
    %dma_wait3A_322 = arith.constant 0 : i32
    %dma_wait3A_323 = arith.constant 0 : i32
    %dma_wait3A_324 = arith.constant 0 : i32
    %dma_wait3A_325 = tpu.memref_slice %arg7[%dma_wait3A_321, %dma_wait3A_322, %dma_wait3A_323, %dma_wait3A_324] : memref<5x8x8x129xf32, #tpu.memory_space<vmem>> -> memref<1x8x8x128xf32, #tpu.memory_space<vmem>>
    %dma_wait3A_326 = tpu.memref_squeeze %dma_wait3A_325 : memref<1x8x8x128xf32, #tpu.memory_space<vmem>> -> memref<8x8x128xf32, #tpu.memory_space<vmem>>
    %dma_wait3A_327 = arith.constant 0 : i32
    %dma_wait3A_328 = arith.constant 0 : i32
    %dma_wait3A_329 = arith.constant 0 : i32
    %dma_wait3A_330 = tpu.memref_slice %arg4[%add3A_304, %dma_wait3A_327, %select_n3A_320, %dma_wait3A_328, %dma_wait3A_329] : memref<200x8x32x8x128xf32, #tpu.memory_space<hbm>> -> memref<1x8x1x8x128xf32, #tpu.memory_space<hbm>>
    %dma_wait3A_331 = tpu.memref_squeeze %dma_wait3A_330 : memref<1x8x1x8x128xf32, #tpu.memory_space<hbm>> -> memref<8x8x128xf32, #tpu.memory_space<hbm>>
    %dma_wait3A_332 = arith.constant 0 : i32
    %dma_wait3A_333 = arith.constant 0 : i32
    %dma_wait3A_334 = arith.constant 0 : i32
    %dma_wait3A_335 = tpu.memref_slice %arg4[%add3A_304, %dma_wait3A_332, %select_n3A_320, %dma_wait3A_333, %dma_wait3A_334] : memref<200x8x32x8x128xf32, #tpu.memory_space<hbm>> -> memref<1x8x1x8x128xf32, #tpu.memory_space<hbm>>
    %dma_wait3A_336 = tpu.memref_squeeze %dma_wait3A_335 : memref<1x8x1x8x128xf32, #tpu.memory_space<hbm>> -> memref<8x8x128xf32, #tpu.memory_space<hbm>>
    %dma_wait3A_337 = arith.constant 0 : i32
    %dma_wait3A_338 = arith.constant 0 : i32
    %dma_wait3A_339 = arith.constant 0 : i32
    %dma_wait3A_340 = tpu.memref_slice %arg7[%dma_wait3A_321, %dma_wait3A_337, %dma_wait3A_338, %dma_wait3A_339] : memref<5x8x8x129xf32, #tpu.memory_space<vmem>> -> memref<1x8x8x128xf32, #tpu.memory_space<vmem>>
    %dma_wait3A_341 = tpu.memref_squeeze %dma_wait3A_340 : memref<1x8x8x128xf32, #tpu.memory_space<vmem>> -> memref<8x8x128xf32, #tpu.memory_space<vmem>>
    tpu.wait_dma2 semaphore(%arg15 : memref<!tpu.dma_semaphore, #tpu.memory_space<semaphore_mem>>) src(%dma_wait3A_341 : memref<8x8x128xf32, #tpu.memory_space<vmem>>) dst(%dma_wait3A_336 : memref<8x8x128xf32, #tpu.memory_space<hbm>>)
    %add3A_342 = arith.constant 24 : i32
    %add3A_343 = arith.addi %mul3A_2, %add3A_342 : i32
    %jit3A_344 = arith.constant 32 : i32
    %div3A_345 = arith.divsi %add3A_343, %jit3A_344 : i32
    %sign3A_346 = arith.constant 0 : i32
    %sign3A_347 = arith.cmpi sgt, %add3A_343, %sign3A_346 : i32
    %sign3A_348 = arith.extui %sign3A_347 : i1 to i32
    %sign3A_349 = arith.constant 0 : i32
    %sign3A_350 = arith.cmpi slt, %add3A_343, %sign3A_349 : i32
    %sign3A_351 = arith.extui %sign3A_350 : i1 to i32
    %sign3A_352 = arith.subi %sign3A_348, %sign3A_351 : i32
    %sign3A_353 = arith.constant 0 : i32
    %sign3A_354 = arith.cmpi sgt, %jit3A_344, %sign3A_353 : i32
    %sign3A_355 = arith.extui %sign3A_354 : i1 to i32
    %sign3A_356 = arith.constant 0 : i32
    %sign3A_357 = arith.cmpi slt, %jit3A_344, %sign3A_356 : i32
    %sign3A_358 = arith.extui %sign3A_357 : i1 to i32
    %sign3A_359 = arith.subi %sign3A_355, %sign3A_358 : i32
    %ne3A_360 = arith.cmpi ne, %sign3A_352, %sign3A_359 : i32
    %rem3A_361 = arith.remsi %add3A_343, %jit3A_344 : i32
    %ne3A_362 = arith.constant 0 : i32
    %ne3A_363 = arith.cmpi ne, %rem3A_361, %ne3A_362 : i32
    %and3A_364 = arith.andi %ne3A_360, %ne3A_363 : i1
    %sub3A_365 = arith.constant 1 : i32
    %sub3A_366 = arith.subi %div3A_345, %sub3A_365 : i32
    %select_n3A_367 = arith.select %and3A_364, %sub3A_366, %div3A_345 : i32
    %mul3A_368 = arith.constant 8 : i32
    %mul3A_369 = arith.muli %select_n3A_367, %mul3A_368 : i32
    %add3A_370 = arith.constant 4 : i32
    %add3A_371 = arith.addi %mul3A_369, %add3A_370 : i32
    %jit3A_372 = arith.constant 32 : i32
    %eq3A_373 = arith.constant 0 : i32
    %eq3A_374 = arith.cmpi eq, %jit3A_372, %eq3A_373 : i32
    %jit3A_375 = arith.constant 1 : i32
    %select_n3A_376 = arith.select %eq3A_374, %jit3A_375, %jit3A_372 : i32
    %rem3A_377 = arith.remsi %add3A_343, %select_n3A_376 : i32
    %ne3A_378 = arith.constant 0 : i32
    %ne3A_379 = arith.cmpi ne, %rem3A_377, %ne3A_378 : i32
    %lt3A_380 = arith.constant 0 : i32
    %lt3A_381 = arith.cmpi slt, %rem3A_377, %lt3A_380 : i32
    %lt3A_382 = arith.constant 0 : i32
    %lt3A_383 = arith.cmpi slt, %select_n3A_376, %lt3A_382 : i32
    %ne3A_384 = arith.xori %lt3A_381, %lt3A_383 : i1
    %and3A_385 = arith.andi %ne3A_384, %ne3A_379 : i1
    %add3A_386 = arith.addi %rem3A_377, %select_n3A_376 : i32
    %select_n3A_387 = arith.select %and3A_385, %add3A_386, %rem3A_377 : i32
    %dma_wait3A_388 = arith.constant 1 : i32
    %dma_wait3A_389 = arith.constant 0 : i32
    %dma_wait3A_390 = arith.constant 0 : i32
    %dma_wait3A_391 = arith.constant 0 : i32
    %dma_wait3A_392 = tpu.memref_slice %arg7[%dma_wait3A_388, %dma_wait3A_389, %dma_wait3A_390, %dma_wait3A_391] : memref<5x8x8x129xf32, #tpu.memory_space<vmem>> -> memref<1x8x8x128xf32, #tpu.memory_space<vmem>>
    %dma_wait3A_393 = tpu.memref_squeeze %dma_wait3A_392 : memref<1x8x8x128xf32, #tpu.memory_space<vmem>> -> memref<8x8x128xf32, #tpu.memory_space<vmem>>
    %dma_wait3A_394 = arith.constant 0 : i32
    %dma_wait3A_395 = arith.constant 0 : i32
    %dma_wait3A_396 = arith.constant 0 : i32
    %dma_wait3A_397 = tpu.memref_slice %arg4[%add3A_371, %dma_wait3A_394, %select_n3A_387, %dma_wait3A_395, %dma_wait3A_396] : memref<200x8x32x8x128xf32, #tpu.memory_space<hbm>> -> memref<1x8x1x8x128xf32, #tpu.memory_space<hbm>>
    %dma_wait3A_398 = tpu.memref_squeeze %dma_wait3A_397 : memref<1x8x1x8x128xf32, #tpu.memory_space<hbm>> -> memref<8x8x128xf32, #tpu.memory_space<hbm>>
    %dma_wait3A_399 = arith.constant 0 : i32
    %dma_wait3A_400 = arith.constant 0 : i32
    %dma_wait3A_401 = arith.constant 0 : i32
    %dma_wait3A_402 = tpu.memref_slice %arg4[%add3A_371, %dma_wait3A_399, %select_n3A_387, %dma_wait3A_400, %dma_wait3A_401] : memref<200x8x32x8x128xf32, #tpu.memory_space<hbm>> -> memref<1x8x1x8x128xf32, #tpu.memory_space<hbm>>
    %dma_wait3A_403 = tpu.memref_squeeze %dma_wait3A_402 : memref<1x8x1x8x128xf32, #tpu.memory_space<hbm>> -> memref<8x8x128xf32, #tpu.memory_space<hbm>>
    %dma_wait3A_404 = arith.constant 0 : i32
    %dma_wait3A_405 = arith.constant 0 : i32
    %dma_wait3A_406 = arith.constant 0 : i32
    %dma_wait3A_407 = tpu.memref_slice %arg7[%dma_wait3A_388, %dma_wait3A_404, %dma_wait3A_405, %dma_wait3A_406] : memref<5x8x8x129xf32, #tpu.memory_space<vmem>> -> memref<1x8x8x128xf32, #tpu.memory_space<vmem>>
    %dma_wait3A_408 = tpu.memref_squeeze %dma_wait3A_407 : memref<1x8x8x128xf32, #tpu.memory_space<vmem>> -> memref<8x8x128xf32, #tpu.memory_space<vmem>>
    tpu.wait_dma2 semaphore(%arg16 : memref<!tpu.dma_semaphore, #tpu.memory_space<semaphore_mem>>) src(%dma_wait3A_408 : memref<8x8x128xf32, #tpu.memory_space<vmem>>) dst(%dma_wait3A_403 : memref<8x8x128xf32, #tpu.memory_space<hbm>>)
    %add3A_409 = arith.constant 24 : i32
    %add3A_410 = arith.addi %mul3A_2, %add3A_409 : i32
    %jit3A_411 = arith.constant 32 : i32
    %div3A_412 = arith.divsi %add3A_410, %jit3A_411 : i32
    %sign3A_413 = arith.constant 0 : i32
    %sign3A_414 = arith.cmpi sgt, %add3A_410, %sign3A_413 : i32
    %sign3A_415 = arith.extui %sign3A_414 : i1 to i32
    %sign3A_416 = arith.constant 0 : i32
    %sign3A_417 = arith.cmpi slt, %add3A_410, %sign3A_416 : i32
    %sign3A_418 = arith.extui %sign3A_417 : i1 to i32
    %sign3A_419 = arith.subi %sign3A_415, %sign3A_418 : i32
    %sign3A_420 = arith.constant 0 : i32
    %sign3A_421 = arith.cmpi sgt, %jit3A_411, %sign3A_420 : i32
    %sign3A_422 = arith.extui %sign3A_421 : i1 to i32
    %sign3A_423 = arith.constant 0 : i32
    %sign3A_424 = arith.cmpi slt, %jit3A_411, %sign3A_423 : i32
    %sign3A_425 = arith.extui %sign3A_424 : i1 to i32
    %sign3A_426 = arith.subi %sign3A_422, %sign3A_425 : i32
    %ne3A_427 = arith.cmpi ne, %sign3A_419, %sign3A_426 : i32
    %rem3A_428 = arith.remsi %add3A_410, %jit3A_411 : i32
    %ne3A_429 = arith.constant 0 : i32
    %ne3A_430 = arith.cmpi ne, %rem3A_428, %ne3A_429 : i32
    %and3A_431 = arith.andi %ne3A_427, %ne3A_430 : i1
    %sub3A_432 = arith.constant 1 : i32
    %sub3A_433 = arith.subi %div3A_412, %sub3A_432 : i32
    %select_n3A_434 = arith.select %and3A_431, %sub3A_433, %div3A_412 : i32
    %mul3A_435 = arith.constant 8 : i32
    %mul3A_436 = arith.muli %select_n3A_434, %mul3A_435 : i32
    %add3A_437 = arith.constant 5 : i32
    %add3A_438 = arith.addi %mul3A_436, %add3A_437 : i32
    %jit3A_439 = arith.constant 32 : i32
    %eq3A_440 = arith.constant 0 : i32
    %eq3A_441 = arith.cmpi eq, %jit3A_439, %eq3A_440 : i32
    %jit3A_442 = arith.constant 1 : i32
    %select_n3A_443 = arith.select %eq3A_441, %jit3A_442, %jit3A_439 : i32
    %rem3A_444 = arith.remsi %add3A_410, %select_n3A_443 : i32
    %ne3A_445 = arith.constant 0 : i32
    %ne3A_446 = arith.cmpi ne, %rem3A_444, %ne3A_445 : i32
    %lt3A_447 = arith.constant 0 : i32
    %lt3A_448 = arith.cmpi slt, %rem3A_444, %lt3A_447 : i32
    %lt3A_449 = arith.constant 0 : i32
    %lt3A_450 = arith.cmpi slt, %select_n3A_443, %lt3A_449 : i32
    %ne3A_451 = arith.xori %lt3A_448, %lt3A_450 : i1
    %and3A_452 = arith.andi %ne3A_451, %ne3A_446 : i1
    %add3A_453 = arith.addi %rem3A_444, %select_n3A_443 : i32
    %select_n3A_454 = arith.select %and3A_452, %add3A_453, %rem3A_444 : i32
    %dma_wait3A_455 = arith.constant 2 : i32
    %dma_wait3A_456 = arith.constant 0 : i32
    %dma_wait3A_457 = arith.constant 0 : i32
    %dma_wait3A_458 = arith.constant 0 : i32
    %dma_wait3A_459 = tpu.memref_slice %arg7[%dma_wait3A_455, %dma_wait3A_456, %dma_wait3A_457, %dma_wait3A_458] : memref<5x8x8x129xf32, #tpu.memory_space<vmem>> -> memref<1x8x8x128xf32, #tpu.memory_space<vmem>>
    %dma_wait3A_460 = tpu.memref_squeeze %dma_wait3A_459 : memref<1x8x8x128xf32, #tpu.memory_space<vmem>> -> memref<8x8x128xf32, #tpu.memory_space<vmem>>
    %dma_wait3A_461 = arith.constant 0 : i32
    %dma_wait3A_462 = arith.constant 0 : i32
    %dma_wait3A_463 = arith.constant 0 : i32
    %dma_wait3A_464 = tpu.memref_slice %arg4[%add3A_438, %dma_wait3A_461, %select_n3A_454, %dma_wait3A_462, %dma_wait3A_463] : memref<200x8x32x8x128xf32, #tpu.memory_space<hbm>> -> memref<1x8x1x8x128xf32, #tpu.memory_space<hbm>>
    %dma_wait3A_465 = tpu.memref_squeeze %dma_wait3A_464 : memref<1x8x1x8x128xf32, #tpu.memory_space<hbm>> -> memref<8x8x128xf32, #tpu.memory_space<hbm>>
    %dma_wait3A_466 = arith.constant 0 : i32
    %dma_wait3A_467 = arith.constant 0 : i32
    %dma_wait3A_468 = arith.constant 0 : i32
    %dma_wait3A_469 = tpu.memref_slice %arg4[%add3A_438, %dma_wait3A_466, %select_n3A_454, %dma_wait3A_467, %dma_wait3A_468] : memref<200x8x32x8x128xf32, #tpu.memory_space<hbm>> -> memref<1x8x1x8x128xf32, #tpu.memory_space<hbm>>
    %dma_wait3A_470 = tpu.memref_squeeze %dma_wait3A_469 : memref<1x8x1x8x128xf32, #tpu.memory_space<hbm>> -> memref<8x8x128xf32, #tpu.memory_space<hbm>>
    %dma_wait3A_471 = arith.constant 0 : i32
    %dma_wait3A_472 = arith.constant 0 : i32
    %dma_wait3A_473 = arith.constant 0 : i32
    %dma_wait3A_474 = tpu.memref_slice %arg7[%dma_wait3A_455, %dma_wait3A_471, %dma_wait3A_472, %dma_wait3A_473] : memref<5x8x8x129xf32, #tpu.memory_space<vmem>> -> memref<1x8x8x128xf32, #tpu.memory_space<vmem>>
    %dma_wait3A_475 = tpu.memref_squeeze %dma_wait3A_474 : memref<1x8x8x128xf32, #tpu.memory_space<vmem>> -> memref<8x8x128xf32, #tpu.memory_space<vmem>>
    tpu.wait_dma2 semaphore(%arg17 : memref<!tpu.dma_semaphore, #tpu.memory_space<semaphore_mem>>) src(%dma_wait3A_475 : memref<8x8x128xf32, #tpu.memory_space<vmem>>) dst(%dma_wait3A_470 : memref<8x8x128xf32, #tpu.memory_space<hbm>>)
    %add3A_476 = arith.constant 24 : i32
    %add3A_477 = arith.addi %mul3A_2, %add3A_476 : i32
    %jit3A_478 = arith.constant 32 : i32
    %div3A_479 = arith.divsi %add3A_477, %jit3A_478 : i32
    %sign3A_480 = arith.constant 0 : i32
    %sign3A_481 = arith.cmpi sgt, %add3A_477, %sign3A_480 : i32
    %sign3A_482 = arith.extui %sign3A_481 : i1 to i32
    %sign3A_483 = arith.constant 0 : i32
    %sign3A_484 = arith.cmpi slt, %add3A_477, %sign3A_483 : i32
    %sign3A_485 = arith.extui %sign3A_484 : i1 to i32
    %sign3A_486 = arith.subi %sign3A_482, %sign3A_485 : i32
    %sign3A_487 = arith.constant 0 : i32
    %sign3A_488 = arith.cmpi sgt, %jit3A_478, %sign3A_487 : i32
    %sign3A_489 = arith.extui %sign3A_488 : i1 to i32
    %sign3A_490 = arith.constant 0 : i32
    %sign3A_491 = arith.cmpi slt, %jit3A_478, %sign3A_490 : i32
    %sign3A_492 = arith.extui %sign3A_491 : i1 to i32
    %sign3A_493 = arith.subi %sign3A_489, %sign3A_492 : i32
    %ne3A_494 = arith.cmpi ne, %sign3A_486, %sign3A_493 : i32
    %rem3A_495 = arith.remsi %add3A_477, %jit3A_478 : i32
    %ne3A_496 = arith.constant 0 : i32
    %ne3A_497 = arith.cmpi ne, %rem3A_495, %ne3A_496 : i32
    %and3A_498 = arith.andi %ne3A_494, %ne3A_497 : i1
    %sub3A_499 = arith.constant 1 : i32
    %sub3A_500 = arith.subi %div3A_479, %sub3A_499 : i32
    %select_n3A_501 = arith.select %and3A_498, %sub3A_500, %div3A_479 : i32
    %mul3A_502 = arith.constant 8 : i32
    %mul3A_503 = arith.muli %select_n3A_501, %mul3A_502 : i32
    %add3A_504 = arith.constant 6 : i32
    %add3A_505 = arith.addi %mul3A_503, %add3A_504 : i32
    %jit3A_506 = arith.constant 32 : i32
    %eq3A_507 = arith.constant 0 : i32
    %eq3A_508 = arith.cmpi eq, %jit3A_506, %eq3A_507 : i32
    %jit3A_509 = arith.constant 1 : i32
    %select_n3A_510 = arith.select %eq3A_508, %jit3A_509, %jit3A_506 : i32
    %rem3A_511 = arith.remsi %add3A_477, %select_n3A_510 : i32
    %ne3A_512 = arith.constant 0 : i32
    %ne3A_513 = arith.cmpi ne, %rem3A_511, %ne3A_512 : i32
    %lt3A_514 = arith.constant 0 : i32
    %lt3A_515 = arith.cmpi slt, %rem3A_511, %lt3A_514 : i32
    %lt3A_516 = arith.constant 0 : i32
    %lt3A_517 = arith.cmpi slt, %select_n3A_510, %lt3A_516 : i32
    %ne3A_518 = arith.xori %lt3A_515, %lt3A_517 : i1
    %and3A_519 = arith.andi %ne3A_518, %ne3A_513 : i1
    %add3A_520 = arith.addi %rem3A_511, %select_n3A_510 : i32
    %select_n3A_521 = arith.select %and3A_519, %add3A_520, %rem3A_511 : i32
    %dma_wait3A_522 = arith.constant 3 : i32
    %dma_wait3A_523 = arith.constant 0 : i32
    %dma_wait3A_524 = arith.constant 0 : i32
    %dma_wait3A_525 = arith.constant 0 : i32
    %dma_wait3A_526 = tpu.memref_slice %arg7[%dma_wait3A_522, %dma_wait3A_523, %dma_wait3A_524, %dma_wait3A_525] : memref<5x8x8x129xf32, #tpu.memory_space<vmem>> -> memref<1x8x8x128xf32, #tpu.memory_space<vmem>>
    %dma_wait3A_527 = tpu.memref_squeeze %dma_wait3A_526 : memref<1x8x8x128xf32, #tpu.memory_space<vmem>> -> memref<8x8x128xf32, #tpu.memory_space<vmem>>
    %dma_wait3A_528 = arith.constant 0 : i32
    %dma_wait3A_529 = arith.constant 0 : i32
    %dma_wait3A_530 = arith.constant 0 : i32
    %dma_wait3A_531 = tpu.memref_slice %arg4[%add3A_505, %dma_wait3A_528, %select_n3A_521, %dma_wait3A_529, %dma_wait3A_530] : memref<200x8x32x8x128xf32, #tpu.memory_space<hbm>> -> memref<1x8x1x8x128xf32, #tpu.memory_space<hbm>>
    %dma_wait3A_532 = tpu.memref_squeeze %dma_wait3A_531 : memref<1x8x1x8x128xf32, #tpu.memory_space<hbm>> -> memref<8x8x128xf32, #tpu.memory_space<hbm>>
    %dma_wait3A_533 = arith.constant 0 : i32
    %dma_wait3A_534 = arith.constant 0 : i32
    %dma_wait3A_535 = arith.constant 0 : i32
    %dma_wait3A_536 = tpu.memref_slice %arg4[%add3A_505, %dma_wait3A_533, %select_n3A_521, %dma_wait3A_534, %dma_wait3A_535] : memref<200x8x32x8x128xf32, #tpu.memory_space<hbm>> -> memref<1x8x1x8x128xf32, #tpu.memory_space<hbm>>
    %dma_wait3A_537 = tpu.memref_squeeze %dma_wait3A_536 : memref<1x8x1x8x128xf32, #tpu.memory_space<hbm>> -> memref<8x8x128xf32, #tpu.memory_space<hbm>>
    %dma_wait3A_538 = arith.constant 0 : i32
    %dma_wait3A_539 = arith.constant 0 : i32
    %dma_wait3A_540 = arith.constant 0 : i32
    %dma_wait3A_541 = tpu.memref_slice %arg7[%dma_wait3A_522, %dma_wait3A_538, %dma_wait3A_539, %dma_wait3A_540] : memref<5x8x8x129xf32, #tpu.memory_space<vmem>> -> memref<1x8x8x128xf32, #tpu.memory_space<vmem>>
    %dma_wait3A_542 = tpu.memref_squeeze %dma_wait3A_541 : memref<1x8x8x128xf32, #tpu.memory_space<vmem>> -> memref<8x8x128xf32, #tpu.memory_space<vmem>>
    tpu.wait_dma2 semaphore(%arg18 : memref<!tpu.dma_semaphore, #tpu.memory_space<semaphore_mem>>) src(%dma_wait3A_542 : memref<8x8x128xf32, #tpu.memory_space<vmem>>) dst(%dma_wait3A_537 : memref<8x8x128xf32, #tpu.memory_space<hbm>>)
    %add3A_543 = arith.constant 24 : i32
    %add3A_544 = arith.addi %mul3A_2, %add3A_543 : i32
    %jit3A_545 = arith.constant 32 : i32
    %div3A_546 = arith.divsi %add3A_544, %jit3A_545 : i32
    %sign3A_547 = arith.constant 0 : i32
    %sign3A_548 = arith.cmpi sgt, %add3A_544, %sign3A_547 : i32
    %sign3A_549 = arith.extui %sign3A_548 : i1 to i32
    %sign3A_550 = arith.constant 0 : i32
    %sign3A_551 = arith.cmpi slt, %add3A_544, %sign3A_550 : i32
    %sign3A_552 = arith.extui %sign3A_551 : i1 to i32
    %sign3A_553 = arith.subi %sign3A_549, %sign3A_552 : i32
    %sign3A_554 = arith.constant 0 : i32
    %sign3A_555 = arith.cmpi sgt, %jit3A_545, %sign3A_554 : i32
    %sign3A_556 = arith.extui %sign3A_555 : i1 to i32
    %sign3A_557 = arith.constant 0 : i32
    %sign3A_558 = arith.cmpi slt, %jit3A_545, %sign3A_557 : i32
    %sign3A_559 = arith.extui %sign3A_558 : i1 to i32
    %sign3A_560 = arith.subi %sign3A_556, %sign3A_559 : i32
    %ne3A_561 = arith.cmpi ne, %sign3A_553, %sign3A_560 : i32
    %rem3A_562 = arith.remsi %add3A_544, %jit3A_545 : i32
    %ne3A_563 = arith.constant 0 : i32
    %ne3A_564 = arith.cmpi ne, %rem3A_562, %ne3A_563 : i32
    %and3A_565 = arith.andi %ne3A_561, %ne3A_564 : i1
    %sub3A_566 = arith.constant 1 : i32
    %sub3A_567 = arith.subi %div3A_546, %sub3A_566 : i32
    %select_n3A_568 = arith.select %and3A_565, %sub3A_567, %div3A_546 : i32
    %mul3A_569 = arith.constant 8 : i32
    %mul3A_570 = arith.muli %select_n3A_568, %mul3A_569 : i32
    %add3A_571 = arith.constant 7 : i32
    %add3A_572 = arith.addi %mul3A_570, %add3A_571 : i32
    %jit3A_573 = arith.constant 32 : i32
    %eq3A_574 = arith.constant 0 : i32
    %eq3A_575 = arith.cmpi eq, %jit3A_573, %eq3A_574 : i32
    %jit3A_576 = arith.constant 1 : i32
    %select_n3A_577 = arith.select %eq3A_575, %jit3A_576, %jit3A_573 : i32
    %rem3A_578 = arith.remsi %add3A_544, %select_n3A_577 : i32
    %ne3A_579 = arith.constant 0 : i32
    %ne3A_580 = arith.cmpi ne, %rem3A_578, %ne3A_579 : i32
    %lt3A_581 = arith.constant 0 : i32
    %lt3A_582 = arith.cmpi slt, %rem3A_578, %lt3A_581 : i32
    %lt3A_583 = arith.constant 0 : i32
    %lt3A_584 = arith.cmpi slt, %select_n3A_577, %lt3A_583 : i32
    %ne3A_585 = arith.xori %lt3A_582, %lt3A_584 : i1
    %and3A_586 = arith.andi %ne3A_585, %ne3A_580 : i1
    %add3A_587 = arith.addi %rem3A_578, %select_n3A_577 : i32
    %select_n3A_588 = arith.select %and3A_586, %add3A_587, %rem3A_578 : i32
    %dma_wait3A_589 = arith.constant 4 : i32
    %dma_wait3A_590 = arith.constant 0 : i32
    %dma_wait3A_591 = arith.constant 0 : i32
    %dma_wait3A_592 = arith.constant 0 : i32
    %dma_wait3A_593 = tpu.memref_slice %arg7[%dma_wait3A_589, %dma_wait3A_590, %dma_wait3A_591, %dma_wait3A_592] : memref<5x8x8x129xf32, #tpu.memory_space<vmem>> -> memref<1x8x8x128xf32, #tpu.memory_space<vmem>>
    %dma_wait3A_594 = tpu.memref_squeeze %dma_wait3A_593 : memref<1x8x8x128xf32, #tpu.memory_space<vmem>> -> memref<8x8x128xf32, #tpu.memory_space<vmem>>
    %dma_wait3A_595 = arith.constant 0 : i32
    %dma_wait3A_596 = arith.constant 0 : i32
    %dma_wait3A_597 = arith.constant 0 : i32
    %dma_wait3A_598 = tpu.memref_slice %arg4[%add3A_572, %dma_wait3A_595, %select_n3A_588, %dma_wait3A_596, %dma_wait3A_597] : memref<200x8x32x8x128xf32, #tpu.memory_space<hbm>> -> memref<1x8x1x8x128xf32, #tpu.memory_space<hbm>>
    %dma_wait3A_599 = tpu.memref_squeeze %dma_wait3A_598 : memref<1x8x1x8x128xf32, #tpu.memory_space<hbm>> -> memref<8x8x128xf32, #tpu.memory_space<hbm>>
    %dma_wait3A_600 = arith.constant 0 : i32
    %dma_wait3A_601 = arith.constant 0 : i32
    %dma_wait3A_602 = arith.constant 0 : i32
    %dma_wait3A_603 = tpu.memref_slice %arg4[%add3A_572, %dma_wait3A_600, %select_n3A_588, %dma_wait3A_601, %dma_wait3A_602] : memref<200x8x32x8x128xf32, #tpu.memory_space<hbm>> -> memref<1x8x1x8x128xf32, #tpu.memory_space<hbm>>
    %dma_wait3A_604 = tpu.memref_squeeze %dma_wait3A_603 : memref<1x8x1x8x128xf32, #tpu.memory_space<hbm>> -> memref<8x8x128xf32, #tpu.memory_space<hbm>>
    %dma_wait3A_605 = arith.constant 0 : i32
    %dma_wait3A_606 = arith.constant 0 : i32
    %dma_wait3A_607 = arith.constant 0 : i32
    %dma_wait3A_608 = tpu.memref_slice %arg7[%dma_wait3A_589, %dma_wait3A_605, %dma_wait3A_606, %dma_wait3A_607] : memref<5x8x8x129xf32, #tpu.memory_space<vmem>> -> memref<1x8x8x128xf32, #tpu.memory_space<vmem>>
    %dma_wait3A_609 = tpu.memref_squeeze %dma_wait3A_608 : memref<1x8x8x128xf32, #tpu.memory_space<vmem>> -> memref<8x8x128xf32, #tpu.memory_space<vmem>>
    tpu.wait_dma2 semaphore(%arg19 : memref<!tpu.dma_semaphore, #tpu.memory_space<semaphore_mem>>) src(%dma_wait3A_609 : memref<8x8x128xf32, #tpu.memory_space<vmem>>) dst(%dma_wait3A_604 : memref<8x8x128xf32, #tpu.memory_space<hbm>>)
    return
  }
}

</mosaic_0001>

<sc_bundles>
// kernel: kernel.3.cloned.1.call-start
scs
__scs_entry_jumppad:
0x0: {  	(pc) =	sbr.rel $0x88, $3  }
0x1: {  	(tag) =	ssettag $0x0;
	lr =	simm.s32 $0x1  }
0x2: {  	[smem:$0x3F9F] =	sst lr;
	_ =	strace $0xD0000000  }
0x3: {  	_ = 	snop  }
0x4: {  	_ = 	snop  }
0x5: {  	_ = 	snop  }
0x6: {  	_ = 	snop  }
0x7: {  	_ = 	snop  }
__scs_overlays_trampoline_lowered:
0x8: {  	[smem:$0x3FAE] =	sst s0  }
0x9: {  	[smem:$0x3FAF] =	sst s1  }
0xa: {  	[smem:$0x3FB0] =	sst s2  }
0xb: {  	[smem:$0x3FB1] =	sst s3  }
0xc: {  	[smem:$0x3FB2] =	sst s4  }
0xd: {  	[smem:$0x3FB3] =	sst s5  }
0xe: {  	[smem:$0x3FB4] =	sst s6  }
0xf: {  	[smem:$0x3FB5] =	sst s7  }
0x10: {  	[smem:$0x3FB6] =	sst s8  }
0x11: {  	[smem:$0x3FB7] =	sst s9;
	s0 =	simm.s32 @!p0 $0x0  }
0x12: {  	s1 =	sld [smem:$0x3F9D];
	s0 =	simm.s32 @p0 $0x1  }
0x13: {  	[smem:$0x3FB8] =	sst s0;
	s0 =	simm.s32 @!p1 $0x0  }
0x14: {  	s2 =	sld [smem:$0x3F9C];
	s0 =	simm.s32 @p1 $0x1  }
0x15: {  	[smem:$0x3FB9] =	sst s0;
	s0 =	simm.s32 @!p2 $0x0  }
0x16: {  	s3 =	sld [smem:$0x3FDB];
	s0 =	simm.s32 @p2 $0x1  }
0x17: {  	s4 =	simm.s32 $0x1BF5;
	[smem:$0x3FBB] =	sst s0  }
0x18: {  	s0 =	sld [smem:$0x3F9E];
	_ =	swait.ge [sflag:s4], $0x0  }
0x19: {  	s7 =	sld [smem:$0x3F9F]  }
0x1a: {  	s8 =	sadd.s32 $0xFFFFE003, lr  }
0x1b: {  	s9 =	sadd.s32 $0xFFFFFEF7, lr;
	s5 =	simm.s32 $0xFFFFFFFF;
	p2 =	slt.u32 s8, $0xFFFFF086  }
0x1c: {  	p1 =	slt.u32 s9, $0xF7A;
	s5 =	simm.s32 @!p2 $0x0  }
0x1d: {  	s5 =	simm.s32 @p1 $0x1;
	p0 =	seq.s32 s7, s2  }
0x1e: {  	s7 =	smul.u32 @!p0 $0xF7A, s2;
	p2 =	seq.s32 @!p0 s5, $0x0  }
0x1f: {  	s9 =	smul.u32 $0xF7A, s1;
	s8 =	simm.s32 @!p0 $0x1BF5;
	p2 =	por !p2, p0  }
0x20: {  	[sflag:s8] =	ssyncset.s32 @!p0 $0xFFFFF086;
	s6 =	sadd.s32 @!p0 s3, s7;
	s7 =	simm.s32 @!p0 $0x108  }
0x21: {  	s3 =	sadd.s32 s3, s9;
	s6 =	sadd.s32 @!p0 $0x88, s6;
	s7 =	simm.s32 @p2 $0x1082  }
0x22: {  	[simem:s7], [sflag:s8] =	dma.local @!p0 [hbm:s6], $0xF7A  }
0x23: {  	s9 =	sor.u32 $0xD0000000, s2;
	s6 =	simm.s32 $0x108;
	_ =	swait.ge @!p0 [sflag:s8], $0x0  }
0x24: {  	s3 =	sadd.s32 $0x88, s3;
	s6 =	simm.s32 @!p1 $0x1082;
	[sflag:s4] =	ssyncset.s32 $0xFFFFF086  }
0x25: {  	[simem:s6], [sflag:s4] =	dma.local [hbm:s3], $0xF7A  }
0x26: {  	[smem:$0x3F9F] =	sst s1;
	(tag) =	ssettag s2;
	_ =	strace s9  }
0x27: {  	s1 =	sld [smem:$0x3FAF]  }
0x28: {  	s2 =	sld [smem:$0x3FB0]  }
0x29: {  	s4 =	sld [smem:$0x3FB2]  }
0x2a: {  	p0 =	seq.s32 s5, $0x0;
	s5 =	sld [smem:$0x3FB3]  }
0x2b: {  	s6 =	sld [smem:$0x3FB4]  }
0x2c: {  	s7 =	sld [smem:$0x3FB5]  }
0x2d: {  	s3 =	simm.s32 $0x108;
	s8 =	sld [smem:$0x3FB6]  }
0x2e: {  	s3 =	simm.s32 @!p0 $0x1082;
	s9 =	sld [smem:$0x3FB7]  }
0x2f: {  	lr =	sadd.s32 s0, s3;
	s0 =	sld [smem:$0x3FAE]  }
0x30: {  	s3 =	sld [smem:$0x3FB1]  }
0x31: {  	[smem:$0x3FBA] =	sst s10  }
0x32: {  	s10 =	sld [smem:$0x3FB8];
	_ =	sdelay $0x3  }
0x33: {  	p0 =	seq.s32 s10, $0x1;
	s10 =	sld [smem:$0x3FBA];
	_ =	sdelay $0x3  }
0x34: {  	[smem:$0x3FBA] =	sst s10  }
0x35: {  	s10 =	sld [smem:$0x3FB9];
	_ =	sdelay $0x3  }
0x36: {  	p1 =	seq.s32 s10, $0x1;
	s10 =	sld [smem:$0x3FBA];
	_ =	sdelay $0x3  }
0x37: {  	[smem:$0x3FBA] =	sst s10  }
0x38: {  	s10 =	sld [smem:$0x3FBB]  }
0x39: {  	_ = 	snop;
	(pc) =	sbr.ind lr, $3  }
0x3a: {  	_ = 	snop  }
0x3b: {  	_ = 	snop  }
0x3c: {  	p2 =	seq.s32 s10, $0x1;
	s10 =	sld [smem:$0x3FBA]  }
0x3d: {  	_ =	shalt  }
0x3e: {  	_ =	shalt  }
0x3f: {  	_ =	shalt  }
0x40: {  	_ =	shalt  }
0x41: {  	_ =	shalt  }
0x42: {  	_ =	shalt  }
0x43: {  	_ =	shalt  }
0x44: {  	_ =	shalt  }
0x45: {  	_ =	shalt  }
0x46: {  	_ =	shalt  }
0x47: {  	_ =	shalt  }
0x48: {  	_ =	shalt  }
0x49: {  	_ =	shalt  }
0x4a: {  	_ =	shalt  }
0x4b: {  	_ =	shalt  }
0x4c: {  	_ =	shalt  }
0x4d: {  	_ =	shalt  }
0x4e: {  	_ =	shalt  }
0x4f: {  	_ =	shalt  }
0x50: {  	_ =	shalt  }
0x51: {  	_ =	shalt  }
0x52: {  	_ =	shalt  }
0x53: {  	_ =	shalt  }
0x54: {  	_ =	shalt  }
0x55: {  	_ =	shalt  }
0x56: {  	_ =	shalt  }
0x57: {  	_ =	shalt  }
0x58: {  	_ =	shalt  }
0x59: {  	_ =	shalt  }
0x5a: {  	_ =	shalt  }
0x5b: {  	_ =	shalt  }
0x5c: {  	_ =	shalt  }
0x5d: {  	_ =	shalt  }
0x5e: {  	_ =	shalt  }
0x5f: {  	_ =	shalt  }
0x60: {  	_ =	shalt  }
0x61: {  	_ =	shalt  }
0x62: {  	_ =	shalt  }
0x63: {  	_ =	shalt  }
0x64: {  	_ =	shalt  }
0x65: {  	_ =	shalt  }
0x66: {  	_ =	shalt  }
0x67: {  	_ =	shalt  }
0x68: {  	_ =	shalt  }
0x69: {  	_ =	shalt  }
0x6a: {  	_ =	shalt  }
0x6b: {  	_ =	shalt  }
0x6c: {  	_ =	shalt  }
0x6d: {  	_ =	shalt  }
0x6e: {  	_ =	shalt  }
0x6f: {  	_ =	shalt  }
0x70: {  	_ =	shalt  }
0x71: {  	_ =	shalt  }
0x72: {  	_ =	shalt  }
0x73: {  	_ =	shalt  }
0x74: {  	_ =	shalt  }
0x75: {  	_ =	shalt  }
0x76: {  	_ =	shalt  }
0x77: {  	_ =	shalt  }
0x78: {  	_ =	shalt  }
0x79: {  	_ =	shalt  }
0x7a: {  	_ =	shalt  }
0x7b: {  	_ =	shalt  }
0x7c: {  	_ =	shalt  }
0x7d: {  	_ =	shalt  }
0x7e: {  	_ =	shalt  }
0x7f: {  	_ =	shalt  }
0x80: {  	_ =	shalt  }
0x81: {  	_ =	shalt  }
0x82: {  	_ =	shalt  }
0x83: {  	_ =	shalt  }
0x84: {  	_ =	shalt  }
0x85: {  	_ =	shalt  }
0x86: {  	_ =	shalt  }
0x87: {  	_ =	shalt  }
.Lfunc_end0:
.L_simem_size_0:
called_computation_lowered:
.L_overlay_start_0:
0x88: {  	s2 =	sld [smem:$0x3FD9]  }
0x89: {  	s3 =	sld [smem:$0x3FFE];
	_ =	sdelay $0x1  }
0x8a: {  	s1 =	srdreg.scid  }
0x8b: {  	s0 =	sand.u32 $0x1, s1  }
0x8c: {  	s17 =	sshll.u32 s0, $0xA;
	s2 =	sadd.s32 s3, s2  }
0x8d: {  	s2 =	sadd.s32 s2, s17  }
0x8e: {  	[smem:$0x3FC6] =	sst s2  }
0x8f: {  	_ = 	snop  }
0x90: {  	s2 =	sld [smem:$0x3FC9]  }
0x91: {  	s18 =	sld [smem:$0x3FD0];
	(tm) =	ssettm $0x1  }
0x92: {  	s4 =	sld [smem:$0x3FFB];
	_ =	sdelay $0x3  }
0x93: {  	_ =	strace s4  }
0x94: {  	s4 =	sld [smem:$0x3FFC];
	_ =	sdelay $0x3  }
0x95: {  	_ =	strace s4  }
0x96: {  	s4 =	sld [smem:$0x3FFD];
	_ =	sdelay $0x3  }
0x97: {  	_ =	strace s4  }
0x98: {  	_ =	strace $0x8FFFFFFF  }
0x99: {  	s19 =	sld [smem:$0x3FDB];
	_ =	sdelay $0x1  }
0x9a: {  	s5 =	simm.s32 $_scs_section_size  }
0x9b: {  	s6 =	simm.s32 $_size__tile_overlayer_lowered;
	s7 =	simm.s32 $_tile_overlayer_lowered  }
0x9c: {  	s22 =	simm.s32 $0x1BFF;
	s21 =	sshll.u32 s7, $0x1;
	s4 =	sadd.s32 s5, s19  }
0x9d: {  	s8 =	simm.s32 $0x0;
	s20 =	sshll.u32 s6, $0x1;
	s6 =	sadd.s32 s21, s4  }
0x9e: {  	[timem:s8], [sflag:s22] =	dma.local [hbm:s6], s20  }
0x9f: {  	_ =	swait.ge [sflag:s22], s20  }
0xa0: {  	s5 =	ssub.s32 $0x0, s20;
	[sflag:s22] =	ssyncset.done $0x0  }
0xa1: {  	[sflag:s22] =	ssyncadd.s32 s5;
	_ =	sdelay $0x1  }
0xa2: {  	s23 =	simm.s32 $0x1B8B  }
0xa3: {  	_ =	swait.ge [sflag:s23], $0x1  }
0xa4: {  	[sflag:s23] =	ssyncset.done $0x0  }
0xa5: {  	s25 =	simm.s32 $0x1B8E;
	s24 =	sld [smem:$0x3FFE];
	[sflag:s23] =	ssyncadd.s32 $0xFFFFFFFF  }
0xa6: {  	s26 =	simm.s32 $execute0_lowered;
	[smem:$0x3FD2] =	sst s25  }
0xa7: {  	s6 =	sshll.u32 s26, $0x1;
	_ =	strace $0x80000046;
	[dreg:$0x1] =	wrdreg $0xFFFFFFFF  }
0xa8: {  	s28 =	simm.s32 $_size_execute0_lowered;
	s4 =	sadd.s32 s4, s6;
	[dreg:$0x0] =	wrdreg $0x0  }
0xa9: {  	s6 =	sshll.u32 s28, $0x1;
	[dreg:$0x2] =	wrdreg s4  }
0xaa: {  	[dreg:$0x3] =	wrdreg s6  }
0xab: {  	[dreg:$0x4] =	wrdreg $0xC0  }
0xac: {  	_ =	task [dreg:s8], $0x5FFFF  }
0xad: {  	[dreg:$0x1] =	wrdreg $0xFFFFFFFF  }
0xae: {  	[dreg:$0x0] =	wrdreg $0x60  }
0xaf: {  	[dreg:$0x2] =	wrdreg s24  }
0xb0: {  	[dreg:$0x3] =	wrdreg s2  }
0xb1: {  	[dreg:$0x4] =	wrdreg s18  }
0xb2: {  	[dreg:$0x5] =	wrdreg $0x9  }
0xb3: {  	_ =	task.clear_ibuf [dreg:s8], $0x6FFFF;
	_ =	strace $0x90000046  }
0xb4: {  	s29 =	simm.s32 $0x9;
	_ =	strace $0x80000048  }
0xb5: {  	_ =	swait.ge [sflag:s29], $0x1  }
0xb6: {  	[sflag:s29] =	ssyncadd.s32 $0xFFFFFFFF  }
0xb7: {  	_ =	strace $0x90000048  }
0xb8: {  	_ =	sfence  }
0xb9: {  	s30 =	sld [smem:$0x0];
	_ =	sdelay $0x2  }
0xba: {  	s31 =	sshll.u32 s1, $0xD;
	s1 =	sshrl.u32 s1, $0x2  }
0xbb: {  	s3 =	sand.u32 $0x4000, s31;
	s1 =	sadd.s32 s1, s30  }
0xbc: {  	s0 =	sor.u32 s3, s0;
	s1 =	sshll.u32 s1, $0x11  }
0xbd: {  	s0 =	sor.u32 s1, s0  }
0xbe: {  	s0 =	sadd.s32 $0x8F2B, s0  }
0xbf: {  	[sflag:s0] =	ssyncadd.remote.s32 $0x1  }
0xc0: {  	_ =	sfence.sel $0xFFFF  }
0xc1: {  	[dreg:$0x0] =	wrdreg $0xFFFFFFFF;
	(pc) =	sbr.abs _section_cstart, $3  }
0xc2: {  	[dreg:$0x1] =	wrdreg $0xFFFFFFFF  }
0xc3: {  	_ =	task.clear_ibuf [dreg:s8], $0x2FFFF;
	_ =	strace $0x9FFFFFFF  }
0xc4: {  	(tm) =	ssettm $0x7FFFFFFF  }
0xc5: {  	_ =	shalt  }
tec
execute0_lowered:
.L_overlay_start_1:
0x0: {  	(tag) =	ssettag $0x1  }
0x1: {  	s0 =	rddreg [dreg:$0x0];
	s4 =	stileid.u32;
	v0 =	vlaneseq.u32  }
0x2: {  	s2 =	rddreg [dreg:$0x1];
	s5 =	sshll.u32 s4, $0x1;
	s4 =	simm.s32 $0x0;
	v8 =	vmul.u32 $0x88, v0  }
0x3: {  	[smem:$0x7FF] =	sst s4  }
0x4: {  	s3 =	rddreg [dreg:$0x2];
	_ =	strace $0x80000047;
	v10 =	vadd.s32 $0x880, v8;
	[tilespmem:$0x1FE10] =	vst v8  }
0x5: {  	v0 =	vadd.s32 $0x1100, v8;
	[tilespmem:$0x1FE20] =	vst v10  }
0x6: {  	v9 =	vadd.s32 $0x1980, v8;
	[tilespmem:$0x1FE30] =	vst v0  }
0x7: {  	v12 =	vor.u32 $0x1, v8;
	[tilespmem:$0x1FE40] =	vst v9  }
0x8: {  	v14 =	vadd.s32 $0x881, v8;
	[tilespmem:$0x1FE50] =	vst v12  }
0x9: {  	v13 =	vadd.s32 $0x1101, v8;
	[tilespmem:$0x1FE60] =	vst v14  }
0xa: {  	v30 =	vadd.s32 $0x1981, v8;
	[tilespmem:$0x1FE70] =	vst v13  }
0xb: {  	v16 =	vor.u32 $0x2, v8;
	[tilespmem:$0x1FE80] =	vst v30  }
0xc: {  	v18 =	vadd.s32 $0x882, v8;
	[tilespmem:$0x1FE90] =	vst v16  }
0xd: {  	v20 =	vadd.s32 $0x1102, v8;
	[tilespmem:$0x1FEA0] =	vst v18  }
0xe: {  	v23 =	vadd.s32 $0x1982, v8;
	[tilespmem:$0x1FEB0] =	vst v20  }
0xf: {  	v24 =	vor.u32 $0x3, v8;
	[tilespmem:$0x1FEC0] =	vst v23  }
0x10: {  	v21 =	vadd.s32 $0x883, v8;
	[tilespmem:$0x1FED0] =	vst v24  }
0x11: {  	v7 =	vadd.s32 $0x1103, v8;
	[tilespmem:$0x1FEE0] =	vst v21  }
0x12: {  	v27 =	vadd.s32 $0x1983, v8;
	[tilespmem:$0x1FEF0] =	vst v7  }
0x13: {  	v32 =	vor.u32 $0x4, v8;
	[tilespmem:$0x1FF00] =	vst v27  }
0x14: {  	v5 =	vadd.s32 $0x884, v8;
	[tilespmem:$0x1FF10] =	vst v32  }
0x15: {  	v22 =	vadd.s32 $0x1104, v8;
	[tilespmem:$0x1FF20] =	vst v5  }
0x16: {  	v29 =	vadd.s32 $0x1984, v8;
	[tilespmem:$0x1FF30] =	vst v22  }
0x17: {  	s1 =	srdreg.scid;
	v28 =	vor.u32 $0x5, v8;
	[tilespmem:$0x1FF40] =	vst v29  }
0x18: {  	s10 =	simm.s32 $0x400;
	s12 =	simm.s32 $0x80;
	s18 =	simm.s32 $0x6800;
	v11 =	vadd.s32 $0x885, v8;
	[tilespmem:$0x1FF50] =	vst v28  }
0x19: {  	s19 =	simm.s32 $0x3;
	s20 =	simm.s32 $0xA800;
	s1 =	sand.u32 $0x1, s1;
	v25 =	vadd.s32 $0x1105, v8;
	[tilespmem:$0x1FF60] =	vst v11  }
0x1a: {  	s21 =	simm.s32 $0x8800;
	s22 =	simm.s32 $0x4;
	s6 =	sor.u32 s1, s5;
	v3 =	vadd.s32 $0x1985, v8;
	[tilespmem:$0x1FF70] =	vst v25  }
0x1b: {  	s23 =	simm.s32 $0xCA00;
	s24 =	simm.s32 $0x5;
	s5 =	smul.u32 $0x6400, s6;
	v19 =	vor.u32 $0x6, v8;
	[tilespmem:$0x1FF80] =	vst v3  }
0x1c: {  	s28 =	simm.s32 $0x10E00;
	s1 =	ssub.s32 $0x2, s1;
	s8 =	smul.u32 $0xC80, s6;
	v26 =	vadd.s32 $0x886, v8;
	[tilespmem:$0x1FF90] =	vst v19  }
0x1d: {  	s29 =	simm.s32 $0x7;
	s7 =	sshrl.u32 s1, $0x1;
	s6 =	smul.u32 $0x19, s6;
	v4 =	vadd.s32 $0x1106, v8;
	[tilespmem:$0x1FFA0] =	vst v26  }
.Ltmp0:
0x1e: {  	s30 =	simm.s32 $0x13000;
	v2 =	vadd.s32 $0x1986, v8;
	s25 =	ssub.s32 s1, s7;
	[tilespmem:$0x1FFB0] =	vst v4;
	(pc) =	sbr.rel .LBB2_1-.Ltmp0, $4  }
0x1f: {  	v15 =	vor.u32 $0x7, v8;
	[tilespmem:$0x1FFC0] =	vst v2;
	s9 =	sshrl.u32 s5, $0x3;
	s5 =	sadd.s32 $0xF42800, s0;
	s31 =	sadd.s32 s2, s8  }
0x20: {  	v57 =	vadd.s32 $0x1987, v8;
	[tilespmem:$0x1FFD0] =	vst v15;
	s0 =	smax.u32 s25, $0x1;
	s26 =	sadd.s32 s2, s9;
	[dreg:$0x4] =	wrdreg s31  }
0x21: {  	v1 =	vimm.s32 $0x0;
	vm0 =	vcmask $0x300;
	v6 =	vadd.s32 $0x1107, v8;
	s7 =	simm.s32 $0x0;
	[tilespmem:$0x1FFE0] =	vst v57;
	[dreg:$0x6] =	wrdreg s0;
	s1 =	sadd.s32 $0x80, s26  }
0x22: {  	v1 =	vsel vm0, $0x3, v1;
	v63 =	vadd.s32 $0x887, v8;
	[tilespmem:$0x1FFF0] =	vst v6;
	s25 =	simm.s32 $0xEC00;
	s26 =	simm.s32 $0x6;
	[dreg:$0x5] =	wrdreg s1  }
.LBB2_24:
0x23: {  	s0 =	simm.s32 $0x8  }
0x24: {  	_ =	swait.ge [sflag:s0], $0x2000  }
0x25: {  	[sflag:s0] =	ssyncset.done $0x0  }
0x26: {  	s15 =	simm.s32 $0x9;
	[sflag:s0] =	ssyncadd.s32 $0xFFFFE000  }
0x27: {  	_ =	swait.ge [sflag:s15], $0x2000  }
0x28: {  	[sflag:s15] =	ssyncset.done $0x0  }
0x29: {  	s16 =	simm.s32 $0xA;
	[sflag:s15] =	ssyncadd.s32 $0xFFFFE000  }
0x2a: {  	_ =	swait.ge [sflag:s16], $0x2000  }
0x2b: {  	[sflag:s16] =	ssyncset.done $0x0  }
0x2c: {  	s17 =	simm.s32 $0xB;
	[sflag:s16] =	ssyncadd.s32 $0xFFFFE000  }
0x2d: {  	_ =	swait.ge [sflag:s17], $0x2000  }
0x2e: {  	[sflag:s17] =	ssyncset.done $0x0  }
0x2f: {  	s1 =	simm.s32 $0xC;
	[sflag:s17] =	ssyncadd.s32 $0xFFFFE000  }
0x30: {  	_ =	swait.ge [sflag:s1], $0x2000  }
0x31: {  	v8 =	vld [tilespmem:$0x1FE10]  }
0x32: {  	v9 =	vld [tilespmem:$0x1FE40]  }
0x33: {  	v12 =	vld [tilespmem:$0x1FE50]  }
0x34: {  	v13 =	vld [tilespmem:$0x1FE70]  }
0x35: {  	v16 =	vld [tilespmem:$0x1FE90]  }
0x36: {  	v20 =	vld [tilespmem:$0x1FEB0]  }
0x37: {  	s7 =	rddreg [dreg:$0x7];
	v23 =	vld [tilespmem:$0x1FEC0]  }
0x38: {  	s31 =	rddreg [dreg:$0x6];
	v24 =	vld [tilespmem:$0x1FED0];
	s7 =	sadd.s32 $0x1, s7  }
0x39: {  	v27 =	vld [tilespmem:$0x1FF00];
	p0 =	sne.s32 s7, s31  }
.Ltmp1:
0x3a: {  	v32 =	vld [tilespmem:$0x1FF10];
	(pc) =	sbr.rel @!p0 .LBB2_25-.Ltmp1, $4  }
0x3b: {  	v29 =	vld [tilespmem:$0x1FF40]  }
0x3c: {  	v28 =	vld [tilespmem:$0x1FF50]  }
0x3d: {  	[sflag:s1] =	ssyncset.done $0x0;
	v19 =	vld [tilespmem:$0x1FF90]  }
0x3e: {  	v15 =	vld [tilespmem:$0x1FFD0];
	[sflag:s1] =	ssyncadd.s32 $0xFFFFE000  }
.LBB2_1:
0x3f: {  	[dreg:$0x7] =	wrdreg s7  }
0x40: {  	s0 =	rddreg [dreg:$0x4]  }
0x41: {  	[tilespmem:s4], [sflag:$0x1] =	stream.linear.gather [hbm4b:s0+s4], $0x400, $0x38;
	[tilespmem:$0x15200] =	vst v63  }
0x42: {  	s13 =	rddreg [dreg:$0x5];
	s14 =	simm.s32 $0x1  }
0x43: {  	[tilespmem:s10], [sflag:$0x2] =	stream.linear.gather [hbm4b:s13+s4], $0x400, $0x38;
	[tilespmem:$0x15200] =	vst v63  }
0x44: {  	_ =	swait.ge [sflag:s14], $0x400  }
0x45: {  	[sflag:s14] =	ssyncset.done $0x0  }
0x46: {  	s15 =	simm.s32 $0x800;
	[sflag:s14] =	ssyncadd.s32 $0xFFFFFC00  }
0x47: {  	[tilespmem:s15], [sflag:$0x3] =	stream.indirect.gather [hbm4b:s5+s12], $0x40, s4, s12, $0xb8;
	[tilespmem:$0x15200] =	vst v63  }
0x48: {  	s16 =	simm.s32 $0x2800  }
0x49: {  	[tilespmem:s16], [sflag:$0x4] =	stream.indirect.gather [hbm4b:s5+s12], $0x40, s12, s12, $0xb8;
	[tilespmem:$0x15200] =	vst v63  }
0x4a: {  	s17 =	simm.s32 $0x100;
	s1 =	simm.s32 $0x4800  }
0x4b: {  	[tilespmem:s1], [sflag:$0x5] =	stream.indirect.gather [hbm4b:s5+s12], $0x40, s17, s12, $0xb8;
	[tilespmem:$0x15200] =	vst v63  }
0x4c: {  	s31 =	simm.s32 $0x180;
	s16 =	simm.s32 $0x0  }
0x4d: {  	[tilespmem:s18], [sflag:$0x6] =	stream.indirect.gather [hbm4b:s5+s12], $0x40, s31, s12, $0xb8;
	[tilespmem:$0x15200] =	vst v63  }
.LBB2_2:
0x4e: {  	s7 =	smul.u32 $0x5, s16;
	_ =	sdelay $0x1  }
0x4f: {  	p1 =	sgt.u32 s16, $0x24;
	s17 =	sand.u32 $0x7, s7  }
0x50: {  	p0 =	sne.s32 @!p1 s17, $0x7  }
0x51: {  	s8 =	sshrl.u32 s7, $0x3;
	p0 =	por p1, p0  }
0x52: {  	s0 =	sadd.s32 @!p0 s6, s8  }
0x53: {  	s1 =	sand.u32 @!p0 $0x1, s8;
	s0 =	sshll.u32 @!p0 s0, $0x7  }
0x54: {  	_ =	swait.ge [sflag:s19], $0x2000;
	p2 =	seq.s32 @!p0 s1, $0x1;
	s0 =	sadd.s32 @!p0 $0x100, s0  }
0x55: {  	[sflag:s19] =	ssyncset.done $0x0;
	p3 =	por p2, p0;
	s0 =	sand.u32 @!p0 $0xFFFFF80, s0  }
0x56: {  	[sflag:s19] =	ssyncadd.s32 $0xFFFFE000;
	s1 =	simm.s32 @!p3 $0x0;
	s0 =	sadd.s32 @!p0 s2, s0  }
0x57: {  	[tilespmem:s1], [sflag:$0x1] =	stream.linear.gather @!p3 [hbm4b:s0+s1], $0x400, $0x38;
	[tilespmem:$0x15200] =	vst v63  }
0x58: {  	s1 =	sand.u32 @!p3 $0x8, s7  }
0x59: {  	s15 =	simm.s32 $0x0;
	p3 =	seq.s32 @!p3 s1, $0x0  }
0x5a: {  	s31 =	simm.s32 $0x1;
	s11 =	simm.s32 $0x3;
	p2 =	por @!p0 p2, !p3  }
0x5b: {  	s9 =	simm.s32 $0x4;
	s13 =	simm.s32 $0x5;
	p0 =	por p0, !p2  }
0x5c: {  	v33 =	vmov s15;
	v34 =	vmov s31;
	[tilespmem:s10], [sflag:$0x2] =	stream.linear.gather @!p0 [hbm4b:s0+s4], $0x400, $0x38;
	[tilespmem:$0x15200] =	vst v63  }
0x5d: {  	s14 =	simm.s32 $0x6;
	v36 =	vmov s11;
	v37 =	vmov s9;
	v38 =	vmov s13;
	p0 =	seq.s32 s16, $0x0  }
0x5e: {  	v39 =	vmov s14;
	s15 =	simm.s32 $0x7;
	v33 =	vshrl.u32 v33, $0x3;
	v34 =	vshrl.u32 v34, $0x3;
	s9 =	simm.s32 @!p0 $0x8  }
0x5f: {  	v40 =	vmov s15;
	v36 =	vshrl.u32 v36, $0x3;
	v37 =	vshrl.u32 v37, $0x3;
	_ =	swait.ge @!p0 [sflag:s9], $0x2000  }
0x60: {  	v38 =	vshrl.u32 v38, $0x3;
	v42 =	vshrl.u32 v39, $0x3;
	v40 =	vshrl.u32 v40, $0x3;
	s1 =	simm.s32 $0x2;
	[sflag:s9] =	ssyncset.done @!p0 $0x0  }
0x61: {  	v33 =	vshll.u32 v33, v1;
	v40 =	vshll.u32 v40, v1;
	v35 =	vmov s1;
	s1 =	simm.s32 $0x900;
	[sflag:s9] =	ssyncadd.s32 @!p0 $0xFFFFE000  }
0x62: {  	v17 =	vmovc v22;
	v34 =	vshll.u32 v34, v1;
	v36 =	vshll.u32 v36, v1;
	v22 =	vbroadcast v40, $0x0;
	v57 =	vld [tilespmem:s1+$0xC0]  }
0x63: {  	v2 =	vmovc v27;
	v44 =	vshll.u32 v37, v1;
	v27 =	vbroadcast v33, $0x0;
	v35 =	vshrl.u32 v35, $0x3;
	v43 =	vld [tilespmem:s1+$0xFFFFFF00]  }
0x64: {  	v31 =	vbroadcast v34, $0x0;
	v46 =	vadd.s32 v15, v22;
	v35 =	vshll.u32 v35, v1;
	v45 =	vld [tilespmem:s1+$0xFFFFFF40]  }
0x65: {  	v58 =	vshll.u32 v38, v1;
	v59 =	vadd.s32 v8, v27;
	v37 =	vbroadcast v35, $0x0;
	v47 =	vld [tilespmem:s1+$0xFFFFFF80]  }
0x66: {  	v42 =	vshll.u32 v42, v1;
	v36 =	vbroadcast v36, $0x0;
	v48 =	vadd.s32 v12, v31;
	v49 =	vld [tilespmem:s1+$0xFFFFFFC0]  }
0x67: {  	v35 =	vbroadcast v44, $0x0;
	v50 =	vadd.s32 v16, v37;
	v51 =	vld [tilespmem:s1+$0x0];
	v60 =	vmul.f32 $8.000000000e+00, v57  }
0x68: {  	v33 =	vbroadcast v58, $0x0;
	v52 =	vadd.s32 v24, v36;
	v53 =	vld [tilespmem:s1+$0x40];
	v43 =	vmul.f32 $8.000000000e+00, v43  }
0x69: {  	v34 =	vbroadcast v42, $0x0;
	v54 =	vadd.s32 v32, v35;
	v55 =	vld [tilespmem:s1+$0x80];
	v45 =	vmul.f32 $8.000000000e+00, v45;
	[tilespmem:v46+s20+$0x0] =	vst.idx.msk $0xffff, v60  }
0x6a: {  	s31 =	simm.s32 $0x8;
	v62 =	vmul.f32 $8.000000000e+00, v47;
	[tilespmem:v59+s20+$0x0] =	vst.idx.msk $0xffff, v43;
	v43 =	vadd.s32 v28, v33;
	v44 =	vld [tilespmem:s1+$0xD0]  }
0x6b: {  	v61 =	vmov s31;
	v47 =	vadd.s32 v19, v34;
	[tilespmem:v48+s20+$0x0] =	vst.idx.msk $0xffff, v45;
	v60 =	vmul.f32 $8.000000000e+00, v49;
	v32 =	vld [tilespmem:s1+$0xFFFFFF10]  }
0x6c: {  	v42 =	vshrl.u32 v61, $0x3;
	v61 =	vmul.f32 $8.000000000e+00, v51;
	[tilespmem:v50+s20+$0x0] =	vst.idx.msk $0xffff, v62;
	v50 =	vadd.s32 v63, v22;
	v49 =	vld [tilespmem:s1+$0xFFFFFF50]  }
0x6d: {  	v56 =	vadd.s32 v10, v27;
	v62 =	vmul.f32 $8.000000000e+00, v53;
	v57 =	vld [tilespmem:s1+$0xFFFFFF90];
	[tilespmem:v52+s20+$0x0] =	vst.idx.msk $0xffff, v60  }
0x6e: {  	v38 =	vmul.f32 $8.000000000e+00, v55;
	v53 =	vadd.s32 v14, v31;
	[tilespmem:v54+s20+$0x0] =	vst.idx.msk $0xffff, v61;
	v58 =	vld [tilespmem:s1+$0xFFFFFFD0]  }
0x6f: {  	v55 =	vadd.s32 v18, v37;
	v59 =	vld [tilespmem:s1+$0x10];
	[tilespmem:v43+s20+$0x0] =	vst.idx.msk $0xffff, v62;
	v43 =	vmul.f32 $8.000000000e+00, v44  }
0x70: {  	v46 =	vadd.s32 v21, v36;
	[tilespmem:v47+s20+$0x0] =	vst.idx.msk $0xffff, v38;
	v32 =	vmul.f32 $8.000000000e+00, v32;
	v60 =	vld [tilespmem:s1+$0x50]  }
0x71: {  	v61 =	vld [tilespmem:s1+$0x90];
	v39 =	vmul.f32 $8.000000000e+00, v49;
	v49 =	vadd.s32 v5, v35;
	[tilespmem:v50+s20+$0x0] =	vst.idx.msk $0xffff, v43  }
0x72: {  	v45 =	vadd.s32 v11, v33;
	v62 =	vmul.f32 $8.000000000e+00, v57;
	[tilespmem:v56+s20+$0x0] =	vst.idx.msk $0xffff, v32;
	v50 =	vld [tilespmem:s1+$0xE0]  }
0x73: {  	[tilespmem:v53+s20+$0x0] =	vst.idx.msk $0xffff, v39;
	v32 =	vmul.f32 $8.000000000e+00, v58;
	v53 =	vadd.s32 v26, v34;
	v56 =	vld [tilespmem:s1+$0xFFFFFF20]  }
0x74: {  	s31 =	simm.s32 $0xE;
	[tilespmem:v55+s20+$0x0] =	vst.idx.msk $0xffff, v62;
	v39 =	vmul.f32 $8.000000000e+00, v59;
	v55 =	vadd.s32 v6, v22;
	v57 =	vld [tilespmem:s1+$0xFFFFFF60]  }
0x75: {  	s15 =	simm.s32 $0xD;
	v38 =	vmov s31;
	v58 =	vadd.s32 v0, v27;
	v59 =	vld [tilespmem:s1+$0xFFFFFFA0];
	[tilespmem:v46+s20+$0x0] =	vst.idx.msk $0xffff, v32;
	v46 =	vmul.f32 $8.000000000e+00, v60  }
0x76: {  	v30 =	vmovc v7;
	v44 =	vmov s15;
	v47 =	vmul.f32 $8.000000000e+00, v61;
	v60 =	vadd.s32 v13, v31;
	v62 =	vld [tilespmem:s1+$0xFFFFFFE0];
	[tilespmem:v49+s20+$0x0] =	vst.idx.msk $0xffff, v39  }
0x77: {  	v7 =	vmovc v63;
	v41 =	vshrl.u32 v44, $0x3;
	v49 =	vadd.s32 v20, v37;
	[tilespmem:v45+s20+$0x0] =	vst.idx.msk $0xffff, v46;
	v44 =	vmul.f32 $8.000000000e+00, v50  }
0x78: {  	v43 =	vshll.u32 v42, v1;
	v39 =	vadd.s32 v30, v36;
	v63 =	vld [tilespmem:s1+$0x20];
	[tilespmem:v53+s20+$0x0] =	vst.idx.msk $0xffff, v47;
	v50 =	vmul.f32 $8.000000000e+00, v56  }
0x79: {  	v42 =	vshrl.u32 v38, $0x3;
	v38 =	vbroadcast v43, $0x0;
	v40 =	vld [tilespmem:s1+$0x60];
	v43 =	vmul.f32 $8.000000000e+00, v57;
	[tilespmem:v55+s20+$0x0] =	vst.idx.msk $0xffff, v44  }
0x7a: {  	v61 =	vld [tilespmem:s1+$0xA0];
	v46 =	vmul.f32 $8.000000000e+00, v59;
	[tilespmem:v58+s20+$0x0] =	vst.idx.msk $0xffff, v50  }
0x7b: {  	s11 =	simm.s32 $0xA;
	[tilespmem:v60+s20+$0x0] =	vst.idx.msk $0xffff, v43;
	v62 =	vmul.f32 $8.000000000e+00, v62;
	v56 =	vld [tilespmem:s1+$0xF0]  }
0x7c: {  	s13 =	simm.s32 $0xB;
	s9 =	simm.s32 $0x9;
	v51 =	vmov s11;
	v57 =	vadd.s32 v17, v35;
	[tilespmem:v49+s20+$0x0] =	vst.idx.msk $0xffff, v46;
	v50 =	vld [tilespmem:s1+$0xFFFFFF30]  }
0x7d: {  	s14 =	simm.s32 $0xC;
	v51 =	vshrl.u32 v51, $0x3;
	v48 =	vmov s9;
	v52 =	vmov s13;
	v32 =	vmovc v26;
	v26 =	vmovc v0;
	v0 =	vld [tilespmem:$0x1FFE0];
	[tilespmem:v39+s20+$0x0] =	vst.idx.msk $0xffff, v62  }
0x7e: {  	v3 =	vmovc v23;
	v23 =	vmovc v30;
	v54 =	vmov s14;
	v48 =	vshrl.u32 v48, $0x3;
	v52 =	vshrl.u32 v52, $0x3;
	v30 =	vld [tilespmem:$0x1FE80]  }
0x7f: {  	v54 =	vshrl.u32 v54, $0x3;
	v45 =	vshll.u32 v52, v1;
	v52 =	vld [tilespmem:s1+$0xFFFFFF70];
	v63 =	vmul.f32 $8.000000000e+00, v63  }
0x80: {  	v24 =	vmovc v17;
	v47 =	vshll.u32 v48, v1;
	v48 =	vadd.s32 v9, v27;
	v55 =	vadd.s32 v25, v33;
	v49 =	vld [tilespmem:s1+$0xFFFFFFB0]  }
0x81: {  	v27 =	vmov v2;
	v44 =	vshll.u32 v51, v1;
	v46 =	vshll.u32 v54, v1;
	v54 =	vld [tilespmem:s1+$0xFFFFFFF0];
	[tilespmem:v57+s20+$0x0] =	vst.idx.msk $0xffff, v63  }
0x82: {  	v17 =	vmovc v25;
	v51 =	vadd.s32 v4, v34;
	v43 =	vshll.u32 v41, v1;
	v25 =	vmovc v32;
	v39 =	vmul.f32 $8.000000000e+00, v40;
	v32 =	vld [tilespmem:$0x1FFC0]  }
0x83: {  	s0 =	simm.s32 $0x10;
	s9 =	simm.s32 $0xF;
	v40 =	vmul.f32 $8.000000000e+00, v61;
	v53 =	vadd.s32 v0, v22;
	v22 =	vmovc v23;
	v23 =	vmovc v3;
	v41 =	vadd.s32 v30, v31;
	v31 =	vld [tilespmem:$0x1FF80]  }
.LBB2_3:
0x84: {  	_ = 	snop  }
0x85: {  	v58 =	vld [tilespmem:s1+$0x30]  }
0x86: {  	v37 =	vadd.s32 v23, v37;
	v0 =	vld [tilespmem:$0x1FED0];
	[tilespmem:v55+s20+$0x0] =	vst.idx.msk $0xffff, v39;
	v50 =	vmul.f32 $8.000000000e+00, v50  }
0x87: {  	v36 =	vadd.s32 v27, v36;
	[tilespmem:v51+s20+$0x0] =	vst.idx.msk $0xffff, v40;
	v62 =	vld [tilespmem:s1+$0x70];
	v60 =	vmul.f32 $8.000000000e+00, v56  }
0x88: {  	v57 =	vmov s9;
	v63 =	vmul.f32 $8.000000000e+00, v52;
	v52 =	vld [tilespmem:s1+$0xB0];
	s1 =	sadd.s32 $0x200, s1;
	[tilespmem:v48+s20+$0x0] =	vst.idx.msk $0xffff, v50  }
0x89: {  	v33 =	vadd.s32 v31, v33;
	v61 =	vshrl.u32 v57, $0x3;
	v55 =	vmul.f32 $8.000000000e+00, v49;
	[tilespmem:v53+s20+$0x0] =	vst.idx.msk $0xffff, v60;
	v48 =	vld [tilespmem:s1+$0xFFFFFF00]  }
0x8a: {  	v39 =	vmov v38;
	v38 =	vshll.u32 v61, v1;
	v57 =	vmul.f32 $8.000000000e+00, v54;
	[tilespmem:v41+s20+$0x0] =	vst.idx.msk $0xffff, v63  }
0x8b: {  	v35 =	vadd.s32 v29, v35;
	v34 =	vadd.s32 v32, v34;
	v40 =	vbroadcast v38, $0x0;
	[tilespmem:v37+s20+$0x0] =	vst.idx.msk $0xffff, v55;
	v53 =	vld [tilespmem:s1+$0xC0]  }
0x8c: {  	v51 =	vadd.s32 v8, v39;
	v41 =	vbroadcast v47, $0x0;
	[tilespmem:v36+s20+$0x0] =	vst.idx.msk $0xffff, v57;
	v36 =	vbroadcast v45, $0x0;
	v59 =	vld [tilespmem:s1+$0xFFFFFF40]  }
0x8d: {  	v47 =	vadd.s32 v15, v40;
	v60 =	vmul.f32 $8.000000000e+00, v58;
	v61 =	vld [tilespmem:s1+$0xFFFFFF80];
	v62 =	vmul.f32 $8.000000000e+00, v62  }
0x8e: {  	v37 =	vbroadcast v44, $0x0;
	v58 =	vmul.f32 $8.000000000e+00, v48;
	v48 =	vadd.s32 v0, v36;
	v0 =	vld [tilespmem:$0x1FF10]  }
0x8f: {  	v63 =	vld [tilespmem:s1+$0xFFFFFFC0];
	v49 =	vadd.s32 v12, v41;
	v56 =	vmul.f32 $8.000000000e+00, v52;
	[tilespmem:v33+s20+$0x0] =	vst.idx.msk $0xffff, v62  }
0x90: {  	[tilespmem:v35+s20+$0x0] =	vst.idx.msk $0xffff, v60;
	v45 =	vadd.s32 v16, v37;
	v33 =	vbroadcast v43, $0x0;
	v57 =	vmul.f32 $8.000000000e+00, v53;
	v53 =	vld [tilespmem:s1+$0x40]  }
0x91: {  	v35 =	vbroadcast v46, $0x0;
	v52 =	vld [tilespmem:s1+$0x0];
	[tilespmem:v34+s20+$0x0] =	vst.idx.msk $0xffff, v56  }
0x92: {  	v42 =	vshll.u32 v42, v1;
	v62 =	vadd.s32 v28, v33;
	v59 =	vmul.f32 $8.000000000e+00, v59;
	[tilespmem:v47+s20+$0x0] =	vst.idx.msk $0xffff, v57  }
0x93: {  	v34 =	vbroadcast v42, $0x0;
	v50 =	vld [tilespmem:s1+$0x80];
	v61 =	vmul.f32 $8.000000000e+00, v61;
	[tilespmem:v51+s20+$0x0] =	vst.idx.msk $0xffff, v58;
	v43 =	vadd.s32 v0, v35  }
0x94: {  	v63 =	vmul.f32 $8.000000000e+00, v63;
	[tilespmem:v49+s20+$0x0] =	vst.idx.msk $0xffff, v59;
	v47 =	vld [tilespmem:s1+$0xD0]  }
0x95: {  	v60 =	vmov s0;
	v49 =	vadd.s32 v19, v34;
	[tilespmem:v45+s20+$0x0] =	vst.idx.msk $0xffff, v61;
	v51 =	vld [tilespmem:s1+$0xFFFFFF10];
	v61 =	vmul.f32 $8.000000000e+00, v53  }
0x96: {  	v42 =	vshrl.u32 v60, $0x3;
	v60 =	vmul.f32 $8.000000000e+00, v52;
	v45 =	vadd.s32 v7, v40;
	v55 =	vld [tilespmem:s1+$0xFFFFFF50];
	[tilespmem:v48+s20+$0x0] =	vst.idx.msk $0xffff, v63  }
0x97: {  	v56 =	vadd.s32 v10, v39;
	v57 =	vld [tilespmem:s1+$0xFFFFFF90];
	[tilespmem:v62+s20+$0x0] =	vst.idx.msk $0xffff, v61  }
0x98: {  	s31 =	sadd.s32 $0x1, s0;
	v53 =	vadd.s32 v14, v41;
	v58 =	vld [tilespmem:s1+$0xFFFFFFD0];
	[tilespmem:v43+s20+$0x0] =	vst.idx.msk $0xffff, v60;
	v43 =	vmul.f32 $8.000000000e+00, v50  }
0x99: {  	v54 =	vmov s31;
	v38 =	vmul.f32 $8.000000000e+00, v47;
	v50 =	vadd.s32 v18, v37;
	v60 =	vld [tilespmem:s1+$0x50]  }
0x9a: {  	s14 =	sadd.s32 $0x4, s0;
	v54 =	vshrl.u32 v54, $0x3;
	v47 =	vmul.f32 $8.000000000e+00, v51;
	v51 =	vadd.s32 v21, v36;
	v59 =	vld [tilespmem:s1+$0x10];
	[tilespmem:v49+s20+$0x0] =	vst.idx.msk $0xffff, v43  }
0x9b: {  	s15 =	sadd.s32 $0x5, s0;
	v44 =	vmov s14;
	[tilespmem:v45+s20+$0x0] =	vst.idx.msk $0xffff, v38;
	v45 =	vadd.s32 v11, v33;
	v49 =	vmul.f32 $8.000000000e+00, v55;
	v61 =	vld [tilespmem:s1+$0x90]  }
0x9c: {  	s11 =	sadd.s32 $0x2, s0;
	v46 =	vmov s15;
	v62 =	vmul.f32 $8.000000000e+00, v57;
	[tilespmem:v56+s20+$0x0] =	vst.idx.msk $0xffff, v47;
	v47 =	vld [tilespmem:s1+$0xE0];
	v55 =	vadd.s32 v5, v35  }
0x9d: {  	s13 =	sadd.s32 $0x3, s0;
	v52 =	vmov s11;
	v56 =	vld [tilespmem:s1+$0xFFFFFF20];
	v63 =	vmul.f32 $8.000000000e+00, v58;
	[tilespmem:v53+s20+$0x0] =	vst.idx.msk $0xffff, v49;
	v53 =	vadd.s32 v25, v34  }
0x9e: {  	v52 =	vshrl.u32 v52, $0x3;
	v48 =	vmov s13;
	v57 =	vld [tilespmem:s1+$0xFFFFFF60];
	[tilespmem:v50+s20+$0x0] =	vst.idx.msk $0xffff, v62;
	v49 =	vmul.f32 $8.000000000e+00, v60  }
0x9f: {  	v38 =	vshll.u32 v42, v1;
	[tilespmem:v51+s20+$0x0] =	vst.idx.msk $0xffff, v63;
	v50 =	vadd.s32 v6, v40;
	v42 =	vmul.f32 $8.000000000e+00, v59;
	v59 =	vld [tilespmem:s1+$0xFFFFFFA0]  }
0xa0: {  	v58 =	vadd.s32 v26, v39;
	v60 =	vshrl.u32 v44, $0x3;
	v62 =	vld [tilespmem:s1+$0xFFFFFFE0];
	[tilespmem:v45+s20+$0x0] =	vst.idx.msk $0xffff, v49;
	v44 =	vmul.f32 $8.000000000e+00, v61  }
0xa1: {  	s31 =	sadd.s32 $0x6, s0;
	v0 =	vadd.s32 v22, v36;
	v48 =	vshrl.u32 v48, $0x3;
	v51 =	vadd.s32 v13, v41;
	[tilespmem:v55+s20+$0x0] =	vst.idx.msk $0xffff, v42;
	v2 =	vld [tilespmem:s1+$0x60]  }
0xa2: {  	v43 =	vmov s31;
	v45 =	vmul.f32 $8.000000000e+00, v47;
	v61 =	vshrl.u32 v46, $0x3;
	v63 =	vld [tilespmem:s1+$0x20];
	[tilespmem:v53+s20+$0x0] =	vst.idx.msk $0xffff, v44  }
0xa3: {  	v46 =	vadd.s32 v20, v37;
	v42 =	vshrl.u32 v43, $0x3;
	v55 =	vmul.f32 $8.000000000e+00, v56;
	v3 =	vld [tilespmem:s1+$0xA0]  }
0xa4: {  	p2 =	slt.u32 s0, $0x78;
	v49 =	vmul.f32 $8.000000000e+00, v57;
	v57 =	vadd.s32 v24, v35;
	[tilespmem:v50+s20+$0x0] =	vst.idx.msk $0xffff, v45;
	v43 =	vmul.f32 $8.000000000e+00, v59;
	v59 =	vld [tilespmem:$0x1FFE0]  }
.Ltmp2:
0xa5: {  	v41 =	vadd.s32 v30, v41;
	v47 =	vshll.u32 v54, v1;
	[tilespmem:v58+s20+$0x0] =	vst.idx.msk $0xffff, v55;
	v62 =	vmul.f32 $8.000000000e+00, v62;
	v56 =	vld [tilespmem:s1+$0xF0];
	(pc) =	sbr.rel @p2 .LBB2_3-.Ltmp2, $4  }
0xa6: {  	v38 =	vbroadcast v38, $0x0;
	v55 =	vadd.s32 v17, v33;
	v44 =	vshll.u32 v52, v1;
	v50 =	vld [tilespmem:s1+$0xFFFFFF30];
	[tilespmem:v51+s20+$0x0] =	vst.idx.msk $0xffff, v49  }
0xa7: {  	v45 =	vshll.u32 v48, v1;
	v48 =	vadd.s32 v9, v39;
	[tilespmem:v0+s20+$0x0] =	vst.idx.msk $0xffff, v62;
	v52 =	vld [tilespmem:s1+$0xFFFFFF70];
	v63 =	vmul.f32 $8.000000000e+00, v63  }
0xa8: {  	v51 =	vadd.s32 v4, v34;
	[tilespmem:v46+s20+$0x0] =	vst.idx.msk $0xffff, v43;
	v46 =	vshll.u32 v60, v1;
	v39 =	vmul.f32 $8.000000000e+00, v2;
	v54 =	vld [tilespmem:s1+$0xFFFFFFF0]  }
0xa9: {  	s9 =	sadd.s32 $0x7, s0;
	s0 =	sadd.s32 $0x8, s0;
	v43 =	vshll.u32 v61, v1;
	v49 =	vld [tilespmem:s1+$0xFFFFFFB0];
	v53 =	vadd.s32 v59, v40;
	[tilespmem:v57+s20+$0x0] =	vst.idx.msk $0xffff, v63;
	v40 =	vmul.f32 $8.000000000e+00, v3  }
0xaa: {  	_ =	sdelay $0x3  }
0xab: {  	v2 =	vadd.s32 v23, v37;
	v3 =	vld [tilespmem:s1+$0x30];
	[tilespmem:v55+s20+$0x0] =	vst.idx.msk $0xffff, v39;
	v57 =	vmul.f32 $8.000000000e+00, v56  }
0xac: {  	v36 =	vadd.s32 v27, v36;
	v58 =	vmul.f32 $8.000000000e+00, v50;
	v60 =	vld [tilespmem:s1+$0x70];
	[tilespmem:v51+s20+$0x0] =	vst.idx.msk $0xffff, v40  }
0xad: {  	v35 =	vadd.s32 v29, v35;
	v61 =	vmul.f32 $8.000000000e+00, v52;
	v51 =	vld [tilespmem:s1+$0xB0];
	[tilespmem:v53+s20+$0x0] =	vst.idx.msk $0xffff, v57  }
0xae: {  	v33 =	vadd.s32 v31, v33;
	[tilespmem:v48+s20+$0x0] =	vst.idx.msk $0xffff, v58;
	v62 =	vmul.f32 $8.000000000e+00, v49  }
0xaf: {  	v34 =	vadd.s32 v32, v34;
	v63 =	vmul.f32 $8.000000000e+00, v54;
	[tilespmem:v41+s20+$0x0] =	vst.idx.msk $0xffff, v61  }
0xb0: {  	v0 =	vmov s9;
	s0 =	sadd.s32 $0x200, s1;
	[tilespmem:v2+s20+$0x0] =	vst.idx.msk $0xffff, v62;
	v2 =	vmul.f32 $8.000000000e+00, v3  }
0xb1: {  	v0 =	vshrl.u32 v0, $0x3;
	v37 =	vld [tilespmem:s0+$0xC0];
	[tilespmem:v36+s20+$0x0] =	vst.idx.msk $0xffff, v63;
	v57 =	vmul.f32 $8.000000000e+00, v60  }
0xb2: {  	v0 =	vshll.u32 v0, v1;
	v48 =	vld [tilespmem:s0+$0xFFFFFF00];
	[tilespmem:v35+s20+$0x0] =	vst.idx.msk $0xffff, v2;
	v2 =	vmul.f32 $8.000000000e+00, v51  }
0xb3: {  	v0 =	vbroadcast v0, $0x0;
	v41 =	vld [tilespmem:s0+$0xFFFFFF40];
	[tilespmem:v33+s20+$0x0] =	vst.idx.msk $0xffff, v57  }
0xb4: {  	v52 =	vld [tilespmem:$0x1FED0];
	[tilespmem:v34+s20+$0x0] =	vst.idx.msk $0xffff, v2  }
0xb5: {  	v47 =	vbroadcast v47, $0x0;
	v49 =	vadd.s32 v15, v0;
	v53 =	vld [tilespmem:$0x1FF10]  }
0xb6: {  	v44 =	vbroadcast v44, $0x0;
	v56 =	vld [tilespmem:s0+$0xFFFFFF80];
	v3 =	vadd.s32 v8, v38  }
0xb7: {  	v42 =	vshll.u32 v42, v1;
	v45 =	vbroadcast v45, $0x0;
	v58 =	vadd.s32 v12, v47;
	v60 =	vld [tilespmem:s0+$0xFFFFFFC0]  }
0xb8: {  	v46 =	vbroadcast v46, $0x0;
	v61 =	vadd.s32 v16, v44;
	v62 =	vld [tilespmem:s0+$0x0];
	v37 =	vmul.f32 $8.000000000e+00, v37  }
0xb9: {  	v43 =	vbroadcast v43, $0x0;
	v63 =	vmul.f32 $8.000000000e+00, v48;
	v48 =	vld [tilespmem:s0+$0x40];
	v36 =	vadd.s32 v52, v45  }
0xba: {  	v42 =	vbroadcast v42, $0x0;
	v2 =	vmul.f32 $8.000000000e+00, v41;
	v41 =	vld [tilespmem:s0+$0x80];
	[tilespmem:v49+s20+$0x0] =	vst.idx.msk $0xffff, v37;
	v34 =	vadd.s32 v53, v46  }
0xbb: {  	[tilespmem:v3+s20+$0x0] =	vst.idx.msk $0xffff, v63;
	v3 =	vmul.f32 $8.000000000e+00, v56;
	v56 =	vadd.s32 v28, v43;
	v37 =	vld [tilespmem:s0+$0xD0]  }
0xbc: {  	v57 =	vld [tilespmem:s0+$0xFFFFFF10];
	[tilespmem:v58+s20+$0x0] =	vst.idx.msk $0xffff, v2;
	v2 =	vmul.f32 $8.000000000e+00, v60;
	v58 =	vadd.s32 v19, v42  }
0xbd: {  	v60 =	vld [tilespmem:s0+$0xFFFFFF50];
	[tilespmem:v61+s20+$0x0] =	vst.idx.msk $0xffff, v3;
	v3 =	vmul.f32 $8.000000000e+00, v62;
	v61 =	vadd.s32 v7, v0  }
0xbe: {  	v62 =	vadd.s32 v10, v38;
	v63 =	vld [tilespmem:s0+$0xFFFFFF90];
	[tilespmem:v36+s20+$0x0] =	vst.idx.msk $0xffff, v2;
	v2 =	vmul.f32 $8.000000000e+00, v48  }
0xbf: {  	v36 =	vadd.s32 v14, v47;
	v55 =	vld [tilespmem:s0+$0xFFFFFFD0];
	[tilespmem:v34+s20+$0x0] =	vst.idx.msk $0xffff, v3;
	v3 =	vmul.f32 $8.000000000e+00, v41  }
0xc0: {  	v34 =	vadd.s32 v18, v44;
	[tilespmem:v56+s20+$0x0] =	vst.idx.msk $0xffff, v2;
	v2 =	vmul.f32 $8.000000000e+00, v37;
	v41 =	vld [tilespmem:s0+$0x10]  }
0xc1: {  	v56 =	vmul.f32 $8.000000000e+00, v57;
	v37 =	vadd.s32 v21, v45;
	v57 =	vld [tilespmem:s0+$0x50];
	[tilespmem:v58+s20+$0x0] =	vst.idx.msk $0xffff, v3  }
0xc2: {  	v40 =	vadd.s32 v5, v46;
	v3 =	vmul.f32 $8.000000000e+00, v60;
	[tilespmem:v61+s20+$0x0] =	vst.idx.msk $0xffff, v2;
	v49 =	vld [tilespmem:s0+$0x90]  }
0xc3: {  	[tilespmem:v62+s20+$0x0] =	vst.idx.msk $0xffff, v56;
	v2 =	vmul.f32 $8.000000000e+00, v63;
	v58 =	vadd.s32 v11, v43;
	v35 =	vld [tilespmem:s0+$0xE0]  }
0xc4: {  	v50 =	vld [tilespmem:s0+$0xFFFFFF20];
	[tilespmem:v36+s20+$0x0] =	vst.idx.msk $0xffff, v3;
	v3 =	vmul.f32 $8.000000000e+00, v55;
	v36 =	vadd.s32 v25, v42  }
0xc5: {  	v55 =	vld [tilespmem:s0+$0xFFFFFF60];
	[tilespmem:v34+s20+$0x0] =	vst.idx.msk $0xffff, v2;
	v34 =	vadd.s32 v6, v0;
	v2 =	vmul.f32 $8.000000000e+00, v41  }
0xc6: {  	v41 =	vadd.s32 v26, v38;
	v56 =	vld [tilespmem:s0+$0xFFFFFFA0];
	[tilespmem:v37+s20+$0x0] =	vst.idx.msk $0xffff, v3;
	v3 =	vmul.f32 $8.000000000e+00, v57  }
0xc7: {  	v37 =	vadd.s32 v13, v47;
	v57 =	vld [tilespmem:s0+$0xFFFFFFE0];
	[tilespmem:v40+s20+$0x0] =	vst.idx.msk $0xffff, v2;
	v2 =	vmul.f32 $8.000000000e+00, v49  }
0xc8: {  	v40 =	vadd.s32 v20, v44;
	[tilespmem:v58+s20+$0x0] =	vst.idx.msk $0xffff, v3;
	v3 =	vmul.f32 $8.000000000e+00, v35;
	v49 =	vld [tilespmem:s0+$0x20]  }
0xc9: {  	v58 =	vmul.f32 $8.000000000e+00, v50;
	v35 =	vadd.s32 v22, v45;
	v50 =	vld [tilespmem:s0+$0x60];
	[tilespmem:v36+s20+$0x0] =	vst.idx.msk $0xffff, v2  }
0xca: {  	v2 =	vmul.f32 $8.000000000e+00, v55;
	v36 =	vadd.s32 v24, v46;
	[tilespmem:v34+s20+$0x0] =	vst.idx.msk $0xffff, v3;
	v55 =	vld [tilespmem:s0+$0xA0]  }
0xcb: {  	[tilespmem:v41+s20+$0x0] =	vst.idx.msk $0xffff, v58;
	v3 =	vmul.f32 $8.000000000e+00, v56;
	v56 =	vadd.s32 v17, v43;
	v34 =	vld [tilespmem:s0+$0xF0]  }
0xcc: {  	v41 =	vld [tilespmem:s0+$0xFFFFFF30];
	[tilespmem:v37+s20+$0x0] =	vst.idx.msk $0xffff, v2;
	v2 =	vmul.f32 $8.000000000e+00, v57;
	v57 =	vadd.s32 v4, v42  }
0xcd: {  	v0 =	vadd.s32 v59, v0;
	v58 =	vld [tilespmem:s0+$0xFFFFFF70];
	[tilespmem:v40+s20+$0x0] =	vst.idx.msk $0xffff, v3;
	v3 =	vmul.f32 $8.000000000e+00, v49  }
0xce: {  	v38 =	vadd.s32 v9, v38;
	v40 =	vld [tilespmem:s0+$0xFFFFFFB0];
	[tilespmem:v35+s20+$0x0] =	vst.idx.msk $0xffff, v2;
	v2 =	vmul.f32 $8.000000000e+00, v50  }
0xcf: {  	v59 =	vadd.s32 v30, v47;
	v30 =	vld [tilespmem:s0+$0xFFFFFFF0];
	[tilespmem:v36+s20+$0x0] =	vst.idx.msk $0xffff, v3;
	v3 =	vmul.f32 $8.000000000e+00, v55  }
0xd0: {  	v49 =	vadd.s32 v23, v44;
	[tilespmem:v56+s20+$0x0] =	vst.idx.msk $0xffff, v2;
	v2 =	vmul.f32 $8.000000000e+00, v34;
	v50 =	vld [tilespmem:s0+$0x30]  }
0xd1: {  	v55 =	vadd.s32 v27, v45;
	v51 =	vmul.f32 $8.000000000e+00, v41;
	v56 =	vld [tilespmem:s0+$0x70];
	[tilespmem:v57+s20+$0x0] =	vst.idx.msk $0xffff, v3  }
0xd2: {  	v3 =	vmul.f32 $8.000000000e+00, v58;
	v57 =	vadd.s32 v29, v46;
	[tilespmem:v0+s20+$0x0] =	vst.idx.msk $0xffff, v2;
	v58 =	vld [tilespmem:s0+$0xB0]  }
0xd3: {  	v54 =	vmov v32;
	v2 =	vadd.s32 v31, v43;
	[tilespmem:v38+s20+$0x0] =	vst.idx.msk $0xffff, v51;
	v0 =	vmul.f32 $8.000000000e+00, v40  }
0xd4: {  	[tilespmem:v59+s20+$0x0] =	vst.idx.msk $0xffff, v3;
	v3 =	vmul.f32 $8.000000000e+00, v30;
	v59 =	vadd.s32 v54, v42  }
0xd5: {  	s14 =	sadd.s32 s6, s8;
	[tilespmem:v49+s20+$0x0] =	vst.idx.msk $0xffff, v0;
	v0 =	vmul.f32 $8.000000000e+00, v50  }
0xd6: {  	s31 =	sshll.u32 s17, $0xF;
	s15 =	sshll.u32 s14, $0xD;
	[tilespmem:v55+s20+$0x0] =	vst.idx.msk $0xffff, v3;
	v3 =	vmul.f32 $8.000000000e+00, v56  }
0xd7: {  	s8 =	sadd.s32 s3, s31;
	s1 =	sand.u32 $0xFFC0000, s15;
	s0 =	sshll.u32 s14, $0x7;
	[tilespmem:v57+s20+$0x0] =	vst.idx.msk $0xffff, v0;
	v0 =	vmul.f32 $8.000000000e+00, v58  }
0xd8: {  	s1 =	sadd.s32 s1, s8;
	s0 =	sand.u32 $0xF80, s0;
	[tilespmem:v2+s20+$0x0] =	vst.idx.msk $0xffff, v3  }
0xd9: {  	s8 =	simm.s32 $0xA800;
	s1 =	sadd.s32 s0, s1;
	[tilespmem:v59+s20+$0x0] =	vst.idx.msk $0xffff, v0  }
0xda: {  	[hbm4b:s1+s4] =	stream.linear.scatter [tilespmem:s8], [sflag:$0x8], $0x80, $0x38;
	[tilespmem:$0x15200] =	vst v63  }
0xdb: {  	s9 =	simm.s32 $0xA888;
	s11 =	sadd.s32 $0x10, s1  }
0xdc: {  	[hbm4b:s11+s4] =	stream.linear.scatter [tilespmem:s9], [sflag:$0x8], $0x80, $0x38;
	[tilespmem:$0x15200] =	vst v63  }
0xdd: {  	s13 =	simm.s32 $0xA910;
	s15 =	simm.s32 $0xA998;
	s14 =	sadd.s32 $0x20, s1  }
0xde: {  	[hbm4b:s14+s4] =	stream.linear.scatter [tilespmem:s13], [sflag:$0x8], $0x80, $0x38;
	[tilespmem:$0x15200] =	vst v63  }
0xdf: {  	s0 =	simm.s32 $0x440;
	s31 =	sadd.s32 $0x30, s1;
	s8 =	simm.s32 $0x2200  }
0xe0: {  	[hbm4b:s31+s4] =	stream.linear.scatter [tilespmem:s15], [sflag:$0x8], $0x80, $0x38;
	[tilespmem:$0x15200] =	vst v63  }
0xe1: {  	v32 =	vmov v10;
	s9 =	simm.s32 $0xAA20;
	s11 =	sadd.s32 $0x40, s1;
	s13 =	simm.s32 $0xAAA8  }
0xe2: {  	v10 =	vmov v5;
	[hbm4b:s11+s4] =	stream.linear.scatter [tilespmem:s9], [sflag:$0x8], $0x80, $0x38;
	[tilespmem:$0x15200] =	vst v63  }
0xe3: {  	v5 =	vmovc v7;
	v60 =	vmovc v11;
	v61 =	vmov v25;
	v11 =	vmov v26;
	v63 =	vmov v13;
	s14 =	sadd.s32 $0x50, s1;
	s15 =	simm.s32 $0xAB30;
	s31 =	sadd.s32 $0x60, s1  }
0xe4: {  	v62 =	vmovc v20;
	v25 =	vmovc v21;
	v26 =	vmov v32;
	v9 =	vmov v8;
	v32 =	vmov v12;
	[hbm4b:s14+s4] =	stream.linear.scatter [tilespmem:s13], [sflag:$0x8], $0x80, $0x38;
	[tilespmem:$0x15200] =	vst v63  }
0xe5: {  	v13 =	vmovc v16;
	v22 =	vmovc v17;
	v20 =	vmov v53;
	v17 =	vmov v24;
	v24 =	vmov v52;
	s9 =	simm.s32 $0xABB8;
	s11 =	sadd.s32 $0x70, s1;
	s1 =	sadd.s32 $0x1000, s1  }
0xe6: {  	v4 =	vmovc v15;
	v40 =	vmovc v14;
	v14 =	vmov v18;
	v18 =	vmov v10;
	v10 =	vmov v28;
	[hbm4b:s31+s4] =	stream.linear.scatter [tilespmem:s15], [sflag:$0x8], $0x80, $0x38;
	[tilespmem:$0x15200] =	vst v63  }
.LBB2_5:
0xe7: {  	[hbm4b:s11+s4] =	stream.linear.scatter [tilespmem:s9], [sflag:$0x8], $0x80, $0x38;
	[tilespmem:$0x15200] =	vst v63  }
0xe8: {  	s9 =	smov.u32 s0;
	s0 =	smov.u32 s8  }
0xe9: {  	s13 =	sadd.s32 $0x1100, s8;
	s0 =	sshra.s32 s0, $0x2;
	s11 =	sadd.s32 $0xA800, s9  }
0xea: {  	[hbm4b:s1+s4] =	stream.linear.scatter [tilespmem:s11], [sflag:$0x8], $0x80, $0x38;
	[tilespmem:$0x15200] =	vst v63  }
0xeb: {  	p2 =	sne.s32 s8, $0x7700;
	s8 =	sadd.s32 $0xA888, s9;
	s11 =	sadd.s32 $0x10, s1  }
0xec: {  	[hbm4b:s11+s4] =	stream.linear.scatter [tilespmem:s8], [sflag:$0x8], $0x80, $0x38;
	[tilespmem:$0x15200] =	vst v63  }
0xed: {  	s8 =	sadd.s32 $0xA910, s9;
	s11 =	sadd.s32 $0x20, s1  }
0xee: {  	[hbm4b:s11+s4] =	stream.linear.scatter [tilespmem:s8], [sflag:$0x8], $0x80, $0x38;
	[tilespmem:$0x15200] =	vst v63  }
0xef: {  	s8 =	sadd.s32 $0xA998, s9;
	s11 =	sadd.s32 $0x30, s1  }
0xf0: {  	[hbm4b:s11+s4] =	stream.linear.scatter [tilespmem:s8], [sflag:$0x8], $0x80, $0x38;
	[tilespmem:$0x15200] =	vst v63  }
0xf1: {  	s8 =	sadd.s32 $0xAA20, s9;
	s11 =	sadd.s32 $0x40, s1  }
0xf2: {  	[hbm4b:s11+s4] =	stream.linear.scatter [tilespmem:s8], [sflag:$0x8], $0x80, $0x38;
	[tilespmem:$0x15200] =	vst v63  }
.Ltmp3:
0xf3: {  	s8 =	sadd.s32 $0xAAA8, s9;
	s11 =	sadd.s32 $0x50, s1;
	(pc) =	sbr.rel @p2 .LBB2_5-.Ltmp3, $4  }
0xf4: {  	[hbm4b:s11+s4] =	stream.linear.scatter [tilespmem:s8], [sflag:$0x8], $0x80, $0x38;
	[tilespmem:$0x15200] =	vst v63  }
0xf5: {  	s8 =	sadd.s32 $0xAB30, s9;
	s11 =	sadd.s32 $0x60, s1;
	s9 =	sadd.s32 $0xABB8, s9  }
0xf6: {  	[hbm4b:s11+s4] =	stream.linear.scatter [tilespmem:s8], [sflag:$0x8], $0x80, $0x38;
	[tilespmem:$0x15200] =	vst v63  }
0xf7: {  	s11 =	sadd.s32 $0x70, s1;
	s1 =	sadd.s32 $0x1000, s1;
	s8 =	smov.u32 s13  }
0xf8: {  	[hbm4b:s11+s4] =	stream.linear.scatter [tilespmem:s9], [sflag:$0x8], $0x80, $0x38;
	[tilespmem:$0x15200] =	vst v63  }
0xf9: {  	s8 =	sadd.s32 $0xA800, s0  }
0xfa: {  	[hbm4b:s1+s4] =	stream.linear.scatter [tilespmem:s8], [sflag:$0x8], $0x80, $0x38;
	[tilespmem:$0x15200] =	vst v63  }
0xfb: {  	s14 =	sadd.s32 $0xA888, s0;
	s15 =	sadd.s32 $0x10, s1  }
0xfc: {  	[hbm4b:s15+s4] =	stream.linear.scatter [tilespmem:s14], [sflag:$0x8], $0x80, $0x38;
	[tilespmem:$0x15200] =	vst v63  }
0xfd: {  	s11 =	sadd.s32 $0xA910, s0;
	s13 =	sadd.s32 $0x20, s1  }
0xfe: {  	[hbm4b:s13+s4] =	stream.linear.scatter [tilespmem:s11], [sflag:$0x8], $0x80, $0x38;
	[tilespmem:$0x15200] =	vst v63  }
0xff: {  	s14 =	sadd.s32 $0xA998, s0;
	s15 =	sadd.s32 $0x30, s1  }
0x100: {  	[hbm4b:s15+s4] =	stream.linear.scatter [tilespmem:s14], [sflag:$0x8], $0x80, $0x38;
	[tilespmem:$0x15200] =	vst v63  }
0x101: {  	s11 =	sadd.s32 $0xAA20, s0;
	s13 =	sadd.s32 $0x40, s1  }
0x102: {  	[hbm4b:s13+s4] =	stream.linear.scatter [tilespmem:s11], [sflag:$0x8], $0x80, $0x38;
	[tilespmem:$0x15200] =	vst v63  }
0x103: {  	s14 =	sadd.s32 $0xAAA8, s0;
	s15 =	sadd.s32 $0x50, s1  }
0x104: {  	[hbm4b:s15+s4] =	stream.linear.scatter [tilespmem:s14], [sflag:$0x8], $0x80, $0x38;
	[tilespmem:$0x15200] =	vst v63  }
0x105: {  	s9 =	sadd.s32 $0xAB30, s0;
	s11 =	sadd.s32 $0x60, s1  }
0x106: {  	[hbm4b:s11+s4] =	stream.linear.scatter [tilespmem:s9], [sflag:$0x8], $0x80, $0x38;
	[tilespmem:$0x15200] =	vst v63  }
0x107: {  	s11 =	sadd.s32 $0x4, s7  }
0x108: {  	s13 =	sadd.s32 $0xABB8, s0;
	s14 =	sadd.s32 $0x70, s1;
	s8 =	sand.u32 $0x7, s11  }
0x109: {  	[hbm4b:s14+s4] =	stream.linear.scatter [tilespmem:s13], [sflag:$0x8], $0x80, $0x38;
	[tilespmem:$0x15200] =	vst v63  }
0x10a: {  	s9 =	sand.u32 $0x8, s11;
	p2 =	sne.s32 s8, $0x0  }
0x10b: {  	p3 =	seq.s32 @!p2 s9, $0x0  }
0x10c: {  	s0 =	simm.s32 @!p2 $0x1;
	p3 =	por !p3, p2  }
0x10d: {  	s0 =	simm.s32 @p3 $0x2  }
0x10e: {  	_ =	swait.ge @!p2 [sflag:s0], $0x400  }
0x10f: {  	s15 =	sshll.u32 s9, $0x7;
	s13 =	sshll.u32 s8, $0x7;
	[sflag:s0] =	ssyncset.done @!p2 $0x0  }
0x110: {  	s13 =	sadd.s32 s13, s15;
	[sflag:s0] =	ssyncadd.s32 @!p2 $0xFFFFFC00  }
0x111: {  	[tilespmem:s21], [sflag:$0x7] =	stream.indirect.gather [hbm4b:s5+s12], $0x40, s13, s12, $0xb8;
	[tilespmem:$0x15200] =	vst v63  }
0x112: {  	s13 =	sadd.s32 $0x1, s7  }
0x113: {  	s31 =	sand.u32 $0x7, s13  }
0x114: {  	s15 =	simm.s32 $0x1;
	p2 =	sne.s32 @!p1 s31, $0x7  }
0x115: {  	v2 =	vmov s15;
	s15 =	simm.s32 $0x4;
	s1 =	sshrl.u32 s13, $0x3;
	p2 =	por p1, p2  }
0x116: {  	v34 =	vmov s15;
	s15 =	simm.s32 $0x6;
	s0 =	sadd.s32 @!p2 s6, s1  }
0x117: {  	_ =	swait.ge [sflag:s22], $0x2000;
	s14 =	sand.u32 @!p2 $0x1, s1;
	s0 =	sshll.u32 @!p2 s0, $0x7  }
0x118: {  	[sflag:s22] =	ssyncset.done $0x0;
	p3 =	seq.s32 @!p2 s14, $0x1;
	s0 =	sadd.s32 @!p2 $0x100, s0  }
0x119: {  	[sflag:s22] =	ssyncadd.s32 $0xFFFFE000;
	p4 =	por p3, p2;
	s0 =	sand.u32 @!p2 $0xFFFFF80, s0  }
0x11a: {  	s14 =	simm.s32 @!p4 $0x0;
	s13 =	sand.u32 @!p4 $0x8, s13;
	s0 =	sadd.s32 @!p2 s2, s0  }
0x11b: {  	[tilespmem:s14], [sflag:$0x1] =	stream.linear.gather @!p4 [hbm4b:s0+s14], $0x400, $0x38;
	[tilespmem:$0x15200] =	vst v63  }
0x11c: {  	p4 =	seq.s32 @!p4 s13, $0x0;
	s14 =	simm.s32 $0x0;
	s13 =	simm.s32 $0x2  }
0x11d: {  	p3 =	por @!p2 p3, !p4;
	v0 =	vmov s14;
	s14 =	simm.s32 $0x3;
	v3 =	vmov s13;
	s13 =	simm.s32 $0x5  }
0x11e: {  	p2 =	por p2, !p3;
	v33 =	vmov s14;
	s14 =	simm.s32 @!p0 $0x9;
	v35 =	vmov s13;
	s13 =	simm.s32 $0x7  }
0x11f: {  	v2 =	vshrl.u32 v2, $0x3;
	v36 =	vmov s15;
	[tilespmem:s10], [sflag:$0x2] =	stream.linear.gather @!p2 [hbm4b:s0+s4], $0x400, $0x38;
	[tilespmem:$0x15200] =	vst v63  }
0x120: {  	v34 =	vshrl.u32 v34, $0x3;
	v2 =	vshll.u32 v2, v1;
	v37 =	vmov s13;
	_ =	swait.ge @!p0 [sflag:s14], $0x2000  }
0x121: {  	v36 =	vshrl.u32 v36, $0x3;
	v0 =	vshrl.u32 v0, $0x3;
	v37 =	vshrl.u32 v37, $0x3;
	[sflag:s14] =	ssyncset.done @!p0 $0x0  }
0x122: {  	v8 =	vbroadcast v2, $0x0;
	v0 =	vshll.u32 v0, v1;
	s0 =	simm.s32 $0x29F0;
	v37 =	vshll.u32 v37, v1;
	[sflag:s14] =	ssyncadd.s32 @!p0 $0xFFFFE000  }
0x123: {  	v34 =	vshll.u32 v34, v1;
	v39 =	vbroadcast v0, $0x0;
	v41 =	vbroadcast v37, $0x0;
	v0 =	vld [tilespmem:s0+$0xFFFFFFD0]  }
0x124: {  	v46 =	vadd.s32 v32, v8;
	v3 =	vshrl.u32 v3, $0x3;
	v33 =	vshrl.u32 v33, $0x3;
	v38 =	vld [tilespmem:s0+$0xFFFFFE10]  }
0x125: {  	v35 =	vshrl.u32 v35, $0x3;
	v3 =	vshll.u32 v3, v1;
	v42 =	vld [tilespmem:s0+$0xFFFFFE50];
	v2 =	vadd.s32 v4, v41  }
0x126: {  	v33 =	vshll.u32 v33, v1;
	v44 =	vadd.s32 v9, v39;
	v37 =	vbroadcast v3, $0x0;
	v45 =	vld [tilespmem:s0+$0xFFFFFE90]  }
0x127: {  	v43 =	vshll.u32 v35, v1;
	v3 =	vshll.u32 v36, v1;
	v36 =	vbroadcast v33, $0x0;
	v47 =	vld [tilespmem:s0+$0xFFFFFED0]  }
0x128: {  	v35 =	vbroadcast v34, $0x0;
	v49 =	vld [tilespmem:s0+$0xFFFFFF10];
	v48 =	vadd.s32 v13, v37;
	v0 =	vmul.f32 $8.000000000e+00, v0  }
0x129: {  	v33 =	vbroadcast v43, $0x0;
	v51 =	vld [tilespmem:s0+$0xFFFFFF50];
	v50 =	vadd.s32 v24, v36;
	v38 =	vmul.f32 $8.000000000e+00, v38  }
0x12a: {  	v58 =	vadd.s32 v20, v35;
	v52 =	vld [tilespmem:s0+$0xFFFFFF90];
	v34 =	vbroadcast v3, $0x0;
	v42 =	vmul.f32 $8.000000000e+00, v42;
	[tilespmem:v2+s23+$0x0] =	vst.idx.msk $0xffff, v0  }
0x12b: {  	v3 =	vadd.s32 v10, v33;
	[tilespmem:v44+s23+$0x0] =	vst.idx.msk $0xffff, v38;
	v2 =	vmul.f32 $8.000000000e+00, v45;
	v38 =	vld [tilespmem:s0+$0xFFFFFFE0]  }
0x12c: {  	v59 =	vmul.f32 $8.000000000e+00, v47;
	[tilespmem:v46+s23+$0x0] =	vst.idx.msk $0xffff, v42;
	v45 =	vadd.s32 v19, v34;
	v44 =	vld [tilespmem:s0+$0xFFFFFE20]  }
0x12d: {  	v47 =	vld [tilespmem:s0+$0xFFFFFE60];
	[tilespmem:v48+s23+$0x0] =	vst.idx.msk $0xffff, v2;
	v2 =	vmul.f32 $8.000000000e+00, v49;
	v48 =	vadd.s32 v5, v41  }
0x12e: {  	v53 =	vadd.s32 v26, v39;
	[tilespmem:v50+s23+$0x0] =	vst.idx.msk $0xffff, v59;
	v42 =	vmul.f32 $8.000000000e+00, v51;
	v54 =	vld [tilespmem:s0+$0xFFFFFEA0]  }
0x12f: {  	v51 =	vadd.s32 v40, v8;
	v55 =	vld [tilespmem:s0+$0xFFFFFEE0];
	[tilespmem:v58+s23+$0x0] =	vst.idx.msk $0xffff, v2;
	v2 =	vmul.f32 $8.000000000e+00, v52  }
0x130: {  	s15 =	simm.s32 $0x8;
	[tilespmem:v3+s23+$0x0] =	vst.idx.msk $0xffff, v42;
	v52 =	vadd.s32 v14, v37;
	v56 =	vld [tilespmem:s0+$0xFFFFFF20];
	v3 =	vmul.f32 $8.000000000e+00, v38  }
0x131: {  	s14 =	simm.s32 $0x9;
	v0 =	vmov s15;
	v57 =	vld [tilespmem:s0+$0xFFFFFF60];
	v42 =	vmul.f32 $8.000000000e+00, v44;
	v44 =	vadd.s32 v25, v36;
	[tilespmem:v45+s23+$0x0] =	vst.idx.msk $0xffff, v2  }
0x132: {  	v46 =	vmov s14;
	v45 =	vmul.f32 $8.000000000e+00, v47;
	v47 =	vadd.s32 v18, v35;
	v58 =	vld [tilespmem:s0+$0xFFFFFFA0];
	[tilespmem:v48+s23+$0x0] =	vst.idx.msk $0xffff, v3  }
0x133: {  	s14 =	simm.s32 $0xB;
	v0 =	vshrl.u32 v0, $0x3;
	[tilespmem:v53+s23+$0x0] =	vst.idx.msk $0xffff, v42;
	v3 =	vmul.f32 $8.000000000e+00, v54;
	v42 =	vadd.s32 v60, v33;
	v48 =	vld [tilespmem:s0+$0xFFFFFFF0]  }
0x134: {  	v29 =	vmovc v40;
	s15 =	simm.s32 $0xA;
	v50 =	vmov s14;
	v40 =	vmul.f32 $8.000000000e+00, v55;
	[tilespmem:v51+s23+$0x0] =	vst.idx.msk $0xffff, v45;
	v51 =	vadd.s32 v61, v34;
	v53 =	vld [tilespmem:s0+$0xFFFFFE30]  }
0x135: {  	v49 =	vmov s15;
	v54 =	vld [tilespmem:s0+$0xFFFFFE70];
	[tilespmem:v52+s23+$0x0] =	vst.idx.msk $0xffff, v3;
	v3 =	vmul.f32 $8.000000000e+00, v56;
	v52 =	vadd.s32 v6, v41  }
0x136: {  	s15 =	simm.s32 $0xC;
	v59 =	vshrl.u32 v50, $0x3;
	v50 =	vadd.s32 v11, v39;
	[tilespmem:v44+s23+$0x0] =	vst.idx.msk $0xffff, v40;
	v44 =	vmul.f32 $8.000000000e+00, v57  }
0x137: {  	v43 =	vmov s15;
	s15 =	simm.s32 $0xE;
	v45 =	vadd.s32 v63, v8;
	[tilespmem:v47+s23+$0x0] =	vst.idx.msk $0xffff, v3;
	v3 =	vmul.f32 $8.000000000e+00, v58  }
0x138: {  	s14 =	simm.s32 $0xD;
	v0 =	vshll.u32 v0, v1;
	v2 =	vmov s15;
	[tilespmem:v42+s23+$0x0] =	vst.idx.msk $0xffff, v44;
	v56 =	vmul.f32 $8.000000000e+00, v48  }
0x139: {  	v38 =	vmov s14;
	v6 =	vmovc v11;
	v42 =	vshrl.u32 v2, $0x3;
	v2 =	vmul.f32 $8.000000000e+00, v53;
	v11 =	vld [tilespmem:$0x1FEF0];
	[tilespmem:v51+s23+$0x0] =	vst.idx.msk $0xffff, v3  }
0x13a: {  	v55 =	vld [tilespmem:s0+$0xFFFFFEB0];
	v58 =	vshrl.u32 v38, $0x3;
	v38 =	vbroadcast v0, $0x0;
	v0 =	vmul.f32 $8.000000000e+00, v54;
	[tilespmem:v52+s23+$0x0] =	vst.idx.msk $0xffff, v56  }
0x13b: {  	[tilespmem:v50+s23+$0x0] =	vst.idx.msk $0xffff, v2  }
0x13c: {  	v27 =	vmov v60;
	v60 =	vadd.s32 v62, v37;
	[tilespmem:v45+s23+$0x0] =	vst.idx.msk $0xffff, v0  }
0x13d: {  	v28 =	vmov v9;
	v9 =	vmov v24;
	v24 =	vmov v5;
	v5 =	vld [tilespmem:$0x1FFB0]  }
0x13e: {  	v57 =	vld [tilespmem:s0+$0xFFFFFEF0]  }
0x13f: {  	v21 =	vmov v20;
	v20 =	vmov v61;
	v61 =	vld [tilespmem:s0+$0xFFFFFF30];
	v2 =	vmul.f32 $8.000000000e+00, v55  }
0x140: {  	v12 =	vmov v63;
	v63 =	vld [tilespmem:s0+$0xFFFFFF70]  }
0x141: {  	v40 =	vld [tilespmem:s0+$0xFFFFFFB0];
	[tilespmem:v60+s23+$0x0] =	vst.idx.msk $0xffff, v2  }
0x142: {  	v16 =	vmov v62;
	v62 =	vadd.s32 v11, v36;
	v51 =	vadd.s32 v5, v34;
	v5 =	vld [tilespmem:$0x1FFE0]  }
0x143: {  	v56 =	vld [tilespmem:s0+$0x0]  }
0x144: {  	v3 =	vadd.s32 v17, v35;
	v50 =	vld [tilespmem:s0+$0xFFFFFE40]  }
0x145: {  	v49 =	vshrl.u32 v49, $0x3;
	v0 =	vmul.f32 $8.000000000e+00, v57;
	v52 =	vld [tilespmem:s0+$0xFFFFFE80]  }
0x146: {  	v44 =	vshll.u32 v49, v1;
	v49 =	vld [tilespmem:s0+$0xFFFFFEC0]  }
0x147: {  	v2 =	vmul.f32 $8.000000000e+00, v61;
	v53 =	vadd.s32 v5, v41;
	v5 =	vld [tilespmem:$0x1FE40];
	[tilespmem:v62+s23+$0x0] =	vst.idx.msk $0xffff, v0  }
0x148: {  	v0 =	vld [tilespmem:$0x1FE80]  }
0x149: {  	v54 =	vld [tilespmem:s0+$0xFFFFFF00];
	[tilespmem:v3+s23+$0x0] =	vst.idx.msk $0xffff, v2  }
0x14a: {  	v7 =	vld [tilespmem:$0x1FEC0]  }
0x14b: {  	v30 =	vmovc v19;
	v23 =	vmovc v18;
	v19 =	vmov v25;
	v46 =	vshrl.u32 v46, $0x3;
	v18 =	vmov v9;
	v9 =	vld [tilespmem:$0x1FF40]  }
0x14c: {  	v25 =	vmovc v22;
	v55 =	vadd.s32 v22, v33;
	v22 =	vmovc v21;
	v21 =	vmov v6;
	v6 =	vmov v28;
	v28 =	vld [tilespmem:$0x1FF80]  }
0x14d: {  	v31 =	vmovc v26;
	v26 =	vmovc v10;
	v43 =	vshrl.u32 v43, $0x3;
	v47 =	vshll.u32 v46, v1;
	v41 =	vadd.s32 v0, v8;
	v8 =	vld [tilespmem:$0x1FF00]  }
0x14e: {  	v10 =	vmovc v32;
	v46 =	vshll.u32 v43, v1;
	v43 =	vshll.u32 v58, v1;
	v45 =	vshll.u32 v59, v1;
	v32 =	vld [tilespmem:$0x1FFD0]  }
0x14f: {  	v15 =	vmovc v14;
	s13 =	simm.s32 $0x10;
	v14 =	vmovc v13;
	s14 =	simm.s32 $0xF;
	v40 =	vmul.f32 $8.000000000e+00, v40;
	v13 =	vld [tilespmem:$0x1FFC0];
	v48 =	vadd.s32 v5, v39;
	v39 =	vmul.f32 $8.000000000e+00, v63  }
.LBB2_7:
0x150: {  	_ = 	snop  }
0x151: {  	v0 =	vmov s14  }
0x152: {  	v2 =	vadd.s32 v7, v37;
	v3 =	vld [tilespmem:s0+$0xFFFFFF40];
	v36 =	vadd.s32 v8, v36;
	[tilespmem:v55+s23+$0x0] =	vst.idx.msk $0xffff, v39;
	v63 =	vmul.f32 $8.000000000e+00, v56  }
0x153: {  	v35 =	vadd.s32 v9, v35;
	v0 =	vshrl.u32 v0, $0x3;
	[tilespmem:v51+s23+$0x0] =	vst.idx.msk $0xffff, v40;
	v57 =	vld [tilespmem:s0+$0xFFFFFF80];
	v56 =	vmul.f32 $8.000000000e+00, v50  }
0x154: {  	v33 =	vadd.s32 v28, v33;
	v0 =	vshll.u32 v0, v1;
	v59 =	vld [tilespmem:s0+$0xFFFFFFC0];
	s0 =	sadd.s32 $0x200, s0;
	v58 =	vmul.f32 $8.000000000e+00, v52;
	[tilespmem:v53+s23+$0x0] =	vst.idx.msk $0xffff, v63  }
0x155: {  	v42 =	vshll.u32 v42, v1;
	v40 =	vbroadcast v0, $0x0;
	v0 =	vmul.f32 $8.000000000e+00, v49;
	[tilespmem:v48+s23+$0x0] =	vst.idx.msk $0xffff, v56;
	v53 =	vld [tilespmem:s0+$0xFFFFFFD0]  }
0x156: {  	v34 =	vadd.s32 v13, v34;
	v39 =	vmov v38;
	v61 =	vmul.f32 $8.000000000e+00, v54;
	[tilespmem:v41+s23+$0x0] =	vst.idx.msk $0xffff, v58;
	v38 =	vld [tilespmem:s0+$0xFFFFFE10]  }
0x157: {  	v41 =	vbroadcast v47, $0x0;
	v63 =	vadd.s32 v32, v40;
	[tilespmem:v2+s23+$0x0] =	vst.idx.msk $0xffff, v0;
	v0 =	vmul.f32 $8.000000000e+00, v3;
	v62 =	vld [tilespmem:s0+$0xFFFFFE50]  }
0x158: {  	v37 =	vbroadcast v44, $0x0;
	v2 =	vadd.s32 v6, v39;
	[tilespmem:v36+s23+$0x0] =	vst.idx.msk $0xffff, v61;
	v3 =	vld [tilespmem:s0+$0xFFFFFE90];
	v60 =	vmul.f32 $8.000000000e+00, v57  }
0x159: {  	v36 =	vbroadcast v45, $0x0;
	v61 =	vld [tilespmem:s0+$0xFFFFFED0];
	v48 =	vadd.s32 v10, v41;
	[tilespmem:v35+s23+$0x0] =	vst.idx.msk $0xffff, v0;
	v0 =	vmul.f32 $8.000000000e+00, v59  }
0x15a: {  	v45 =	vadd.s32 v14, v37;
	v35 =	vbroadcast v46, $0x0;
	v51 =	vld [tilespmem:s0+$0xFFFFFF10];
	[tilespmem:v33+s23+$0x0] =	vst.idx.msk $0xffff, v60;
	v56 =	vmul.f32 $8.000000000e+00, v53  }
0x15b: {  	v44 =	vadd.s32 v18, v36;
	v33 =	vbroadcast v43, $0x0;
	v57 =	vld [tilespmem:s0+$0xFFFFFF50];
	[tilespmem:v34+s23+$0x0] =	vst.idx.msk $0xffff, v0;
	v38 =	vmul.f32 $8.000000000e+00, v38  }
0x15c: {  	v58 =	vadd.s32 v22, v35;
	v34 =	vbroadcast v42, $0x0;
	v59 =	vld [tilespmem:s0+$0xFFFFFF90];
	v0 =	vmul.f32 $8.000000000e+00, v62;
	[tilespmem:v63+s23+$0x0] =	vst.idx.msk $0xffff, v56  }
0x15d: {  	[tilespmem:v2+s23+$0x0] =	vst.idx.msk $0xffff, v38;
	v2 =	vmul.f32 $8.000000000e+00, v3;
	v3 =	vadd.s32 v26, v33;
	v63 =	vld [tilespmem:s0+$0xFFFFFFE0]  }
0x15e: {  	v47 =	vadd.s32 v30, v34;
	[tilespmem:v48+s23+$0x0] =	vst.idx.msk $0xffff, v0;
	v0 =	vmul.f32 $8.000000000e+00, v61;
	v60 =	vld [tilespmem:s0+$0xFFFFFE20]  }
0x15f: {  	v61 =	vld [tilespmem:s0+$0xFFFFFE60];
	[tilespmem:v45+s23+$0x0] =	vst.idx.msk $0xffff, v2;
	v2 =	vmul.f32 $8.000000000e+00, v51;
	v45 =	vadd.s32 v24, v40  }
0x160: {  	v4 =	vld [tilespmem:$0x1FFF0];
	v62 =	vmov s13;
	v53 =	vadd.s32 v31, v39;
	[tilespmem:v44+s23+$0x0] =	vst.idx.msk $0xffff, v0;
	v0 =	vmul.f32 $8.000000000e+00, v57  }
0x161: {  	v52 =	vadd.s32 v29, v41;
	v42 =	vshrl.u32 v62, $0x3;
	v62 =	vld [tilespmem:s0+$0xFFFFFEA0];
	[tilespmem:v58+s23+$0x0] =	vst.idx.msk $0xffff, v2;
	v2 =	vmul.f32 $8.000000000e+00, v59  }
0x162: {  	s15 =	sadd.s32 $0x1, s13;
	v55 =	vld [tilespmem:s0+$0xFFFFFEE0];
	[tilespmem:v3+s23+$0x0] =	vst.idx.msk $0xffff, v0;
	v0 =	vmul.f32 $8.000000000e+00, v63  }
0x163: {  	v49 =	vadd.s32 v15, v37;
	v48 =	vmov s15;
	s15 =	sadd.s32 $0x2, s13;
	v56 =	vld [tilespmem:s0+$0xFFFFFF20];
	v63 =	vmul.f32 $8.000000000e+00, v60;
	[tilespmem:v47+s23+$0x0] =	vst.idx.msk $0xffff, v2  }
0x164: {  	v51 =	vmov s15;
	s15 =	sadd.s32 $0x3, s13;
	v60 =	vadd.s32 v19, v36;
	v57 =	vld [tilespmem:s0+$0xFFFFFF60];
	v61 =	vmul.f32 $8.000000000e+00, v61;
	[tilespmem:v45+s23+$0x0] =	vst.idx.msk $0xffff, v0  }
0x165: {  	v50 =	vadd.s32 v23, v35;
	v44 =	vmov s15;
	v58 =	vld [tilespmem:s0+$0xFFFFFFA0];
	[tilespmem:v53+s23+$0x0] =	vst.idx.msk $0xffff, v63  }
0x166: {  	s15 =	sadd.s32 $0x4, s13;
	v0 =	vshll.u32 v42, v1;
	v62 =	vmul.f32 $8.000000000e+00, v62;
	v42 =	vadd.s32 v27, v33;
	[tilespmem:v52+s23+$0x0] =	vst.idx.msk $0xffff, v61;
	v53 =	vld [tilespmem:s0+$0xFFFFFE30]  }
0x167: {  	v43 =	vmov s15;
	v63 =	vmul.f32 $8.000000000e+00, v55;
	v52 =	vadd.s32 v20, v34;
	v54 =	vld [tilespmem:s0+$0xFFFFFE70]  }
0x168: {  	s15 =	sadd.s32 $0x5, s13;
	v59 =	vshrl.u32 v44, $0x3;
	v44 =	vadd.s32 v21, v39;
	v45 =	vld [tilespmem:s0+$0xFFFFFFF0];
	[tilespmem:v49+s23+$0x0] =	vst.idx.msk $0xffff, v62;
	v38 =	vmul.f32 $8.000000000e+00, v56  }
0x169: {  	v3 =	vmov s15;
	s15 =	sadd.s32 $0x6, s13;
	v55 =	vld [tilespmem:s0+$0xFFFFFEB0];
	[tilespmem:v60+s23+$0x0] =	vst.idx.msk $0xffff, v63;
	v46 =	vmul.f32 $8.000000000e+00, v57;
	v57 =	vadd.s32 v12, v41  }
0x16a: {  	v2 =	vmov s15;
	v49 =	vadd.s32 v4, v40;
	v60 =	vld [tilespmem:s0+$0xFFFFFEF0];
	[tilespmem:v50+s23+$0x0] =	vst.idx.msk $0xffff, v38;
	v50 =	vmul.f32 $8.000000000e+00, v58  }
0x16b: {  	v58 =	vadd.s32 v16, v37;
	v61 =	vld [tilespmem:s0+$0xFFFFFF30];
	[tilespmem:v42+s23+$0x0] =	vst.idx.msk $0xffff, v46;
	v42 =	vshrl.u32 v2, $0x3;
	v2 =	vmul.f32 $8.000000000e+00, v53  }
0x16c: {  	v62 =	vadd.s32 v11, v36;
	v38 =	vbroadcast v0, $0x0;
	v63 =	vld [tilespmem:s0+$0xFFFFFF70];
	[tilespmem:v52+s23+$0x0] =	vst.idx.msk $0xffff, v50;
	v0 =	vmul.f32 $8.000000000e+00, v54  }
0x16d: {  	v45 =	vmul.f32 $8.000000000e+00, v45;
	v5 =	vld [tilespmem:s0+$0xFFFFFFB0];
	[tilespmem:v44+s23+$0x0] =	vst.idx.msk $0xffff, v2  }
0x16e: {  	v2 =	vmul.f32 $8.000000000e+00, v55;
	[tilespmem:v57+s23+$0x0] =	vst.idx.msk $0xffff, v0;
	v57 =	vld [tilespmem:$0x1FFE0]  }
0x16f: {  	[tilespmem:v49+s23+$0x0] =	vst.idx.msk $0xffff, v45;
	v0 =	vmul.f32 $8.000000000e+00, v60;
	v60 =	vld [tilespmem:$0x1FFB0]  }
0x170: {  	[tilespmem:v58+s23+$0x0] =	vst.idx.msk $0xffff, v2;
	v2 =	vmul.f32 $8.000000000e+00, v61;
	v61 =	vld [tilespmem:$0x1FE40]  }
0x171: {  	p2 =	slt.u32 s13, $0x78;
	v48 =	vshrl.u32 v48, $0x3;
	v4 =	vadd.s32 v17, v35;
	[tilespmem:v62+s23+$0x0] =	vst.idx.msk $0xffff, v0;
	v0 =	vld [tilespmem:$0x1FE80]  }
.Ltmp4:
0x172: {  	v51 =	vshrl.u32 v51, $0x3;
	v43 =	vshrl.u32 v43, $0x3;
	v3 =	vshrl.u32 v3, $0x3;
	v56 =	vld [tilespmem:s0+$0x0];
	(pc) =	sbr.rel @p2 .LBB2_7-.Ltmp4, $4  }
0x173: {  	v47 =	vshll.u32 v48, v1;
	v46 =	vshll.u32 v43, v1;
	v43 =	vshll.u32 v3, v1;
	v50 =	vld [tilespmem:s0+$0xFFFFFE40]  }
0x174: {  	v55 =	vadd.s32 v25, v33;
	v44 =	vshll.u32 v51, v1;
	v45 =	vshll.u32 v59, v1;
	v52 =	vld [tilespmem:s0+$0xFFFFFE80]  }
0x175: {  	v49 =	vld [tilespmem:s0+$0xFFFFFEC0];
	v53 =	vadd.s32 v57, v40;
	v40 =	vmul.f32 $8.000000000e+00, v5;
	v51 =	vadd.s32 v60, v34  }
0x176: {  	s14 =	sadd.s32 $0x7, s13;
	s13 =	sadd.s32 $0x8, s13;
	v54 =	vld [tilespmem:s0+$0xFFFFFF00];
	[tilespmem:v4+s23+$0x0] =	vst.idx.msk $0xffff, v2;
	v48 =	vadd.s32 v61, v39;
	v39 =	vmul.f32 $8.000000000e+00, v63;
	v41 =	vadd.s32 v0, v41  }
0x177: {  	_ =	sdelay $0x3  }
0x178: {  	v0 =	vmov s14;
	v2 =	vadd.s32 v7, v37;
	v3 =	vld [tilespmem:s0+$0xFFFFFF40];
	v4 =	vmul.f32 $8.000000000e+00, v56;
	[tilespmem:v55+s23+$0x0] =	vst.idx.msk $0xffff, v39  }
0x179: {  	v36 =	vadd.s32 v8, v36;
	[tilespmem:v51+s23+$0x0] =	vst.idx.msk $0xffff, v40;
	v0 =	vshrl.u32 v0, $0x3;
	v5 =	vmul.f32 $8.000000000e+00, v50;
	v61 =	vld [tilespmem:s0+$0xFFFFFF80]  }
0x17a: {  	v35 =	vadd.s32 v9, v35;
	s14 =	sadd.s32 $0x200, s0;
	v40 =	vld [tilespmem:s0+$0xFFFFFFC0];
	v0 =	vshll.u32 v0, v1;
	v62 =	vmul.f32 $8.000000000e+00, v52;
	[tilespmem:v53+s23+$0x0] =	vst.idx.msk $0xffff, v4  }
0x17b: {  	v33 =	vadd.s32 v28, v33;
	v4 =	vld [tilespmem:s14+$0xFFFFFFD0];
	v0 =	vbroadcast v0, $0x0;
	[tilespmem:v48+s23+$0x0] =	vst.idx.msk $0xffff, v5;
	v63 =	vmul.f32 $8.000000000e+00, v49  }
0x17c: {  	v42 =	vshll.u32 v42, v1;
	v34 =	vadd.s32 v13, v34;
	v52 =	vld [tilespmem:s14+$0xFFFFFE10];
	[tilespmem:v41+s23+$0x0] =	vst.idx.msk $0xffff, v62;
	v53 =	vmul.f32 $8.000000000e+00, v54  }
0x17d: {  	v47 =	vbroadcast v47, $0x0;
	v54 =	vld [tilespmem:s14+$0xFFFFFE50];
	v56 =	vadd.s32 v32, v0;
	[tilespmem:v2+s23+$0x0] =	vst.idx.msk $0xffff, v63;
	v2 =	vmul.f32 $8.000000000e+00, v3  }
0x17e: {  	v44 =	vbroadcast v44, $0x0;
	v58 =	vld [tilespmem:s14+$0xFFFFFE90];
	v3 =	vadd.s32 v6, v38;
	[tilespmem:v36+s23+$0x0] =	vst.idx.msk $0xffff, v53;
	v59 =	vmul.f32 $8.000000000e+00, v61  }
0x17f: {  	v45 =	vbroadcast v45, $0x0;
	v60 =	vadd.s32 v10, v47;
	v61 =	vld [tilespmem:s14+$0xFFFFFED0];
	[tilespmem:v35+s23+$0x0] =	vst.idx.msk $0xffff, v2;
	v2 =	vmul.f32 $8.000000000e+00, v40  }
0x180: {  	v46 =	vbroadcast v46, $0x0;
	v62 =	vadd.s32 v14, v44;
	v63 =	vld [tilespmem:s14+$0xFFFFFF10];
	v4 =	vmul.f32 $8.000000000e+00, v4;
	[tilespmem:v33+s23+$0x0] =	vst.idx.msk $0xffff, v59  }
0x181: {  	v43 =	vbroadcast v43, $0x0;
	v36 =	vadd.s32 v18, v45;
	v14 =	vmul.f32 $8.000000000e+00, v52;
	v52 =	vld [tilespmem:s14+$0xFFFFFF50];
	[tilespmem:v34+s23+$0x0] =	vst.idx.msk $0xffff, v2  }
0x182: {  	v42 =	vbroadcast v42, $0x0;
	v53 =	vadd.s32 v22, v46;
	v2 =	vmul.f32 $8.000000000e+00, v54;
	v54 =	vld [tilespmem:s14+$0xFFFFFF90];
	[tilespmem:v56+s23+$0x0] =	vst.idx.msk $0xffff, v4  }
0x183: {  	[tilespmem:v3+s23+$0x0] =	vst.idx.msk $0xffff, v14;
	v3 =	vmul.f32 $8.000000000e+00, v58;
	v56 =	vadd.s32 v26, v43;
	v58 =	vld [tilespmem:s14+$0xFFFFFFE0]  }
0x184: {  	v59 =	vadd.s32 v30, v42;
	v33 =	vld [tilespmem:s14+$0xFFFFFE20];
	[tilespmem:v60+s23+$0x0] =	vst.idx.msk $0xffff, v2;
	v2 =	vmul.f32 $8.000000000e+00, v61  }
0x185: {  	v18 =	vadd.s32 v24, v0;
	v14 =	vld [tilespmem:s14+$0xFFFFFE60];
	[tilespmem:v62+s23+$0x0] =	vst.idx.msk $0xffff, v3;
	v3 =	vmul.f32 $8.000000000e+00, v63  }
0x186: {  	v22 =	vadd.s32 v31, v38;
	v63 =	vmov v24;
	v24 =	vld [tilespmem:s14+$0xFFFFFEA0];
	[tilespmem:v36+s23+$0x0] =	vst.idx.msk $0xffff, v2;
	v2 =	vmul.f32 $8.000000000e+00, v52  }
0x187: {  	v26 =	vadd.s32 v29, v47;
	[tilespmem:v53+s23+$0x0] =	vst.idx.msk $0xffff, v3;
	v3 =	vmul.f32 $8.000000000e+00, v54  }
0x188: {  	v30 =	vadd.s32 v15, v44;
	[tilespmem:v56+s23+$0x0] =	vst.idx.msk $0xffff, v2;
	v2 =	vmul.f32 $8.000000000e+00, v58  }
0x189: {  	v51 =	vmul.f32 $8.000000000e+00, v33;
	[tilespmem:v59+s23+$0x0] =	vst.idx.msk $0xffff, v3  }
0x18a: {  	v3 =	vmul.f32 $8.000000000e+00, v14;
	[tilespmem:v18+s23+$0x0] =	vst.idx.msk $0xffff, v2  }
0x18b: {  	v29 =	vld [tilespmem:s14+$0xFFFFFEE0];
	[tilespmem:v22+s23+$0x0] =	vst.idx.msk $0xffff, v51;
	v2 =	vmul.f32 $8.000000000e+00, v24  }
0x18c: {  	v31 =	vld [tilespmem:s14+$0xFFFFFF20];
	[tilespmem:v26+s23+$0x0] =	vst.idx.msk $0xffff, v3  }
0x18d: {  	v53 =	vld [tilespmem:s14+$0xFFFFFF60];
	[tilespmem:v30+s23+$0x0] =	vst.idx.msk $0xffff, v2  }
0x18e: {  	v52 =	vadd.s32 v19, v45;
	v6 =	vld [tilespmem:$0x1FFF0]  }
0x18f: {  	v54 =	vadd.s32 v23, v46;
	v56 =	vld [tilespmem:s14+$0xFFFFFFA0]  }
0x190: {  	v58 =	vadd.s32 v27, v43;
	v40 =	vld [tilespmem:s14+$0xFFFFFE30]  }
0x191: {  	v59 =	vadd.s32 v20, v42;
	v35 =	vld [tilespmem:s14+$0xFFFFFFF0];
	v3 =	vmul.f32 $8.000000000e+00, v29  }
0x192: {  	v62 =	vadd.s32 v21, v38;
	v60 =	vld [tilespmem:s14+$0xFFFFFE70];
	v2 =	vmul.f32 $8.000000000e+00, v31  }
0x193: {  	v14 =	vld [tilespmem:s14+$0xFFFFFEB0];
	[tilespmem:v52+s23+$0x0] =	vst.idx.msk $0xffff, v3;
	v3 =	vmul.f32 $8.000000000e+00, v53;
	v61 =	vadd.s32 v6, v0  }
0x194: {  	v15 =	vadd.s32 v12, v47;
	[tilespmem:v54+s23+$0x0] =	vst.idx.msk $0xffff, v2;
	v2 =	vmul.f32 $8.000000000e+00, v56  }
0x195: {  	v19 =	vadd.s32 v16, v44;
	[tilespmem:v58+s23+$0x0] =	vst.idx.msk $0xffff, v3;
	v21 =	vmul.f32 $8.000000000e+00, v40  }
0x196: {  	v3 =	vmul.f32 $8.000000000e+00, v35;
	[tilespmem:v59+s23+$0x0] =	vst.idx.msk $0xffff, v2  }
0x197: {  	v2 =	vmul.f32 $8.000000000e+00, v60;
	[tilespmem:v62+s23+$0x0] =	vst.idx.msk $0xffff, v21  }
0x198: {  	v18 =	vld [tilespmem:s14+$0xFFFFFEF0];
	[tilespmem:v61+s23+$0x0] =	vst.idx.msk $0xffff, v3;
	v3 =	vmul.f32 $8.000000000e+00, v14  }
0x199: {  	[tilespmem:v15+s23+$0x0] =	vst.idx.msk $0xffff, v2  }
0x19a: {  	v22 =	vadd.s32 v11, v45;
	v29 =	vld [tilespmem:$0x1FFB0];
	[tilespmem:v19+s23+$0x0] =	vst.idx.msk $0xffff, v3  }
0x19b: {  	v55 =	vmov v8;
	v8 =	vld [tilespmem:$0x1FE40]  }
0x19c: {  	v20 =	vld [tilespmem:s14+$0xFFFFFF30]  }
0x19d: {  	v23 =	vld [tilespmem:s14+$0xFFFFFF70];
	v2 =	vmul.f32 $8.000000000e+00, v18  }
0x19e: {  	v24 =	vadd.s32 v17, v46;
	v26 =	vld [tilespmem:s14+$0xFFFFFFB0]  }
0x19f: {  	v27 =	vadd.s32 v25, v43;
	v34 =	vld [tilespmem:s14+$0x0];
	[tilespmem:v22+s23+$0x0] =	vst.idx.msk $0xffff, v2  }
0x1a0: {  	v31 =	vadd.s32 v29, v42;
	v50 =	vadd.s32 v8, v38;
	v8 =	vld [tilespmem:$0x1FE80]  }
0x1a1: {  	v0 =	vadd.s32 v57, v0;
	v3 =	vmul.f32 $8.000000000e+00, v20;
	v51 =	vld [tilespmem:s14+$0xFFFFFEC0]  }
0x1a2: {  	v41 =	vld [tilespmem:s14+$0xFFFFFE40];
	v2 =	vmul.f32 $8.000000000e+00, v23  }
0x1a3: {  	v54 =	vadd.s32 v7, v44;
	v49 =	vld [tilespmem:s14+$0xFFFFFE80];
	[tilespmem:v24+s23+$0x0] =	vst.idx.msk $0xffff, v3;
	v3 =	vmul.f32 $8.000000000e+00, v26  }
0x1a4: {  	[tilespmem:v27+s23+$0x0] =	vst.idx.msk $0xffff, v2;
	v2 =	vmul.f32 $8.000000000e+00, v34;
	v56 =	vld [tilespmem:s14+$0xFFFFFF40]  }
0x1a5: {  	v53 =	vld [tilespmem:s14+$0xFFFFFF00];
	[tilespmem:v31+s23+$0x0] =	vst.idx.msk $0xffff, v3;
	v52 =	vadd.s32 v8, v47  }
0x1a6: {  	v60 =	vadd.s32 v9, v46;
	[tilespmem:v0+s23+$0x0] =	vst.idx.msk $0xffff, v2;
	v0 =	vmul.f32 $8.000000000e+00, v51;
	v61 =	vld [tilespmem:s14+$0xFFFFFFC0]  }
0x1a7: {  	v58 =	vadd.s32 v55, v45;
	v57 =	vmul.f32 $8.000000000e+00, v41;
	v59 =	vld [tilespmem:s14+$0xFFFFFF80]  }
0x1a8: {  	v62 =	vadd.s32 v13, v42;
	v3 =	vmul.f32 $8.000000000e+00, v49;
	[tilespmem:v54+s23+$0x0] =	vst.idx.msk $0xffff, v0  }
0x1a9: {  	v2 =	vadd.s32 v28, v43;
	[tilespmem:v50+s23+$0x0] =	vst.idx.msk $0xffff, v57;
	v0 =	vmul.f32 $8.000000000e+00, v56  }
0x1aa: {  	s15 =	sadd.s32 s6, s1;
	[tilespmem:v52+s23+$0x0] =	vst.idx.msk $0xffff, v3;
	v3 =	vmul.f32 $8.000000000e+00, v53  }
0x1ab: {  	s13 =	sshll.u32 s31, $0xF;
	s1 =	sshll.u32 s15, $0xD;
	[tilespmem:v60+s23+$0x0] =	vst.idx.msk $0xffff, v0;
	v0 =	vmul.f32 $8.000000000e+00, v61  }
0x1ac: {  	s13 =	sadd.s32 s3, s13;
	s1 =	sand.u32 $0xFFC0000, s1;
	s0 =	sshll.u32 s15, $0x7;
	[tilespmem:v58+s23+$0x0] =	vst.idx.msk $0xffff, v3;
	v3 =	vmul.f32 $8.000000000e+00, v59  }
0x1ad: {  	s0 =	sand.u32 $0xF80, s0;
	s1 =	sadd.s32 s1, s13;
	[tilespmem:v62+s23+$0x0] =	vst.idx.msk $0xffff, v0  }
0x1ae: {  	s13 =	simm.s32 $0xCA00;
	s1 =	sadd.s32 s0, s1;
	[tilespmem:v2+s23+$0x0] =	vst.idx.msk $0xffff, v3  }
0x1af: {  	[hbm4b:s1+s4] =	stream.linear.scatter [tilespmem:s13], [sflag:$0x9], $0x80, $0x38;
	[tilespmem:$0x15200] =	vst v63  }
0x1b0: {  	s15 =	sadd.s32 $0x10, s1;
	s14 =	simm.s32 $0xCA88  }
0x1b1: {  	[hbm4b:s15+s4] =	stream.linear.scatter [tilespmem:s14], [sflag:$0x9], $0x80, $0x38;
	[tilespmem:$0x15200] =	vst v63  }
0x1b2: {  	s14 =	simm.s32 $0xCB10;
	s15 =	sadd.s32 $0x20, s1  }
0x1b3: {  	[hbm4b:s15+s4] =	stream.linear.scatter [tilespmem:s14], [sflag:$0x9], $0x80, $0x38;
	[tilespmem:$0x15200] =	vst v63  }
0x1b4: {  	s14 =	simm.s32 $0xCB98;
	s15 =	sadd.s32 $0x30, s1  }
0x1b5: {  	[hbm4b:s15+s4] =	stream.linear.scatter [tilespmem:s14], [sflag:$0x9], $0x80, $0x38;
	[tilespmem:$0x15200] =	vst v63  }
0x1b6: {  	s14 =	simm.s32 $0xCC20;
	s15 =	sadd.s32 $0x40, s1  }
0x1b7: {  	[hbm4b:s15+s4] =	stream.linear.scatter [tilespmem:s14], [sflag:$0x9], $0x80, $0x38;
	[tilespmem:$0x15200] =	vst v63  }
0x1b8: {  	s0 =	simm.s32 $0x440;
	s14 =	simm.s32 $0xCCA8;
	s15 =	sadd.s32 $0x50, s1  }
0x1b9: {  	[hbm4b:s15+s4] =	stream.linear.scatter [tilespmem:s14], [sflag:$0x9], $0x80, $0x38;
	[tilespmem:$0x15200] =	vst v63  }
0x1ba: {  	s31 =	sadd.s32 $0x70, s1;
	s14 =	simm.s32 $0xCD30;
	s15 =	sadd.s32 $0x60, s1  }
0x1bb: {  	[hbm4b:s15+s4] =	stream.linear.scatter [tilespmem:s14], [sflag:$0x9], $0x80, $0x38;
	[tilespmem:$0x15200] =	vst v63  }
0x1bc: {  	v9 =	vmov v6;
	s13 =	simm.s32 $0x2200;
	s1 =	sadd.s32 $0x1000, s1;
	s14 =	simm.s32 $0xCDB8  }
.LBB2_9:
0x1bd: {  	[hbm4b:s31+s4] =	stream.linear.scatter [tilespmem:s14], [sflag:$0x9], $0x80, $0x38;
	[tilespmem:$0x15200] =	vst v63  }
0x1be: {  	s14 =	smov.u32 s0;
	s0 =	smov.u32 s13  }
0x1bf: {  	s15 =	sadd.s32 $0x1100, s13;
	s0 =	sshra.s32 s0, $0x2;
	s31 =	sadd.s32 $0xCA00, s14  }
0x1c0: {  	[hbm4b:s1+s4] =	stream.linear.scatter [tilespmem:s31], [sflag:$0x9], $0x80, $0x38;
	[tilespmem:$0x15200] =	vst v63  }
0x1c1: {  	p2 =	sne.s32 s13, $0x7700;
	s13 =	sadd.s32 $0xCA88, s14;
	s31 =	sadd.s32 $0x10, s1  }
0x1c2: {  	[hbm4b:s31+s4] =	stream.linear.scatter [tilespmem:s13], [sflag:$0x9], $0x80, $0x38;
	[tilespmem:$0x15200] =	vst v63  }
0x1c3: {  	s13 =	sadd.s32 $0xCB10, s14;
	s31 =	sadd.s32 $0x20, s1  }
0x1c4: {  	[hbm4b:s31+s4] =	stream.linear.scatter [tilespmem:s13], [sflag:$0x9], $0x80, $0x38;
	[tilespmem:$0x15200] =	vst v63  }
0x1c5: {  	s13 =	sadd.s32 $0xCB98, s14;
	s31 =	sadd.s32 $0x30, s1  }
0x1c6: {  	[hbm4b:s31+s4] =	stream.linear.scatter [tilespmem:s13], [sflag:$0x9], $0x80, $0x38;
	[tilespmem:$0x15200] =	vst v63  }
0x1c7: {  	s13 =	sadd.s32 $0xCC20, s14;
	s31 =	sadd.s32 $0x40, s1  }
0x1c8: {  	[hbm4b:s31+s4] =	stream.linear.scatter [tilespmem:s13], [sflag:$0x9], $0x80, $0x38;
	[tilespmem:$0x15200] =	vst v63  }
.Ltmp5:
0x1c9: {  	s13 =	sadd.s32 $0xCCA8, s14;
	s31 =	sadd.s32 $0x50, s1;
	(pc) =	sbr.rel @p2 .LBB2_9-.Ltmp5, $4  }
0x1ca: {  	[hbm4b:s31+s4] =	stream.linear.scatter [tilespmem:s13], [sflag:$0x9], $0x80, $0x38;
	[tilespmem:$0x15200] =	vst v63  }
0x1cb: {  	s13 =	sadd.s32 $0xCD30, s14;
	s31 =	sadd.s32 $0x60, s1;
	s14 =	sadd.s32 $0xCDB8, s14  }
0x1cc: {  	[hbm4b:s31+s4] =	stream.linear.scatter [tilespmem:s13], [sflag:$0x9], $0x80, $0x38;
	[tilespmem:$0x15200] =	vst v63  }
0x1cd: {  	s31 =	sadd.s32 $0x70, s1;
	s1 =	sadd.s32 $0x1000, s1;
	s13 =	smov.u32 s15  }
0x1ce: {  	[hbm4b:s31+s4] =	stream.linear.scatter [tilespmem:s14], [sflag:$0x9], $0x80, $0x38;
	[tilespmem:$0x15200] =	vst v63  }
0x1cf: {  	s13 =	sadd.s32 $0xCA00, s0  }
0x1d0: {  	[hbm4b:s1+s4] =	stream.linear.scatter [tilespmem:s13], [sflag:$0x9], $0x80, $0x38;
	[tilespmem:$0x15200] =	vst v63  }
0x1d1: {  	s14 =	sadd.s32 $0xCA88, s0;
	s15 =	sadd.s32 $0x10, s1  }
0x1d2: {  	[hbm4b:s15+s4] =	stream.linear.scatter [tilespmem:s14], [sflag:$0x9], $0x80, $0x38;
	[tilespmem:$0x15200] =	vst v63  }
0x1d3: {  	s14 =	sadd.s32 $0xCB10, s0;
	s15 =	sadd.s32 $0x20, s1  }
0x1d4: {  	[hbm4b:s15+s4] =	stream.linear.scatter [tilespmem:s14], [sflag:$0x9], $0x80, $0x38;
	[tilespmem:$0x15200] =	vst v63  }
0x1d5: {  	s14 =	sadd.s32 $0xCB98, s0;
	s15 =	sadd.s32 $0x30, s1  }
0x1d6: {  	[hbm4b:s15+s4] =	stream.linear.scatter [tilespmem:s14], [sflag:$0x9], $0x80, $0x38;
	[tilespmem:$0x15200] =	vst v63  }
0x1d7: {  	s14 =	sadd.s32 $0xCC20, s0;
	s15 =	sadd.s32 $0x40, s1  }
0x1d8: {  	[hbm4b:s15+s4] =	stream.linear.scatter [tilespmem:s14], [sflag:$0x9], $0x80, $0x38;
	[tilespmem:$0x15200] =	vst v63  }
0x1d9: {  	s14 =	sadd.s32 $0xCCA8, s0;
	s15 =	sadd.s32 $0x50, s1  }
0x1da: {  	[hbm4b:s15+s4] =	stream.linear.scatter [tilespmem:s14], [sflag:$0x9], $0x80, $0x38;
	[tilespmem:$0x15200] =	vst v63  }
0x1db: {  	p2 =	seq.s32 s16, $0x27;
	s14 =	sadd.s32 $0xCD30, s0;
	s15 =	sadd.s32 $0x60, s1  }
0x1dc: {  	[hbm4b:s15+s4] =	stream.linear.scatter [tilespmem:s14], [sflag:$0x9], $0x80, $0x38;
	[tilespmem:$0x15200] =	vst v63  }
0x1dd: {  	s15 =	sadd.s32 $0xCDB8, s0;
	s0 =	sadd.s32 @!p2 $0x5, s7  }
0x1de: {  	s13 =	sadd.s32 $0x70, s1;
	s1 =	sand.u32 @!p2 $0x7, s0  }
0x1df: {  	[hbm4b:s13+s4] =	stream.linear.scatter [tilespmem:s15], [sflag:$0x9], $0x80, $0x38;
	[tilespmem:$0x15200] =	vst v63  }
0x1e0: {  	p3 =	sne.s32 @!p2 s1, $0x0  }
0x1e1: {  	s0 =	sand.u32 @!p2 $0x8, s0;
	p4 =	por p3, p2  }
0x1e2: {  	p5 =	seq.s32 @!p4 s0, $0x0  }
0x1e3: {  	p3 =	por @!p2 !p5, p3  }
0x1e4: {  	s13 =	simm.s32 @!p4 $0x1;
	p3 =	por !p3, p2  }
0x1e5: {  	s13 =	simm.s32 @!p3 $0x2  }
0x1e6: {  	s1 =	sshll.u32 @!p2 s1, $0x7;
	s0 =	sshll.u32 @!p2 s0, $0x7;
	_ =	swait.ge @!p4 [sflag:s13], $0x400  }
0x1e7: {  	s0 =	sadd.s32 @!p2 s1, s0;
	[sflag:s13] =	ssyncset.done @!p4 $0x0  }
0x1e8: {  	s1 =	simm.s32 @!p2 $0x80;
	[sflag:s13] =	ssyncadd.s32 @!p4 $0xFFFFFC00;
	s13 =	simm.s32 @!p2 $0x800  }
0x1e9: {  	[tilespmem:s13], [sflag:$0x3] =	stream.indirect.gather @!p2 [hbm4b:s5+s1], $0x40, s0, s1, $0xb8;
	[tilespmem:$0x15200] =	vst v63  }
0x1ea: {  	s13 =	sadd.s32 $0x2, s7  }
0x1eb: {  	s31 =	sand.u32 $0x7, s13  }
0x1ec: {  	p3 =	sne.s32 @!p1 s31, $0x7  }
0x1ed: {  	s1 =	sshrl.u32 s13, $0x3;
	p3 =	por p1, p3  }
0x1ee: {  	s0 =	sadd.s32 @!p3 s6, s1  }
0x1ef: {  	_ =	swait.ge [sflag:s24], $0x2000;
	s14 =	sand.u32 @!p3 $0x1, s1;
	s0 =	sshll.u32 @!p3 s0, $0x7  }
0x1f0: {  	[sflag:s24] =	ssyncset.done $0x0;
	p4 =	seq.s32 @!p3 s14, $0x1;
	s0 =	sadd.s32 @!p3 $0x100, s0  }
0x1f1: {  	[sflag:s24] =	ssyncadd.s32 $0xFFFFE000;
	p5 =	por p4, p3;
	s0 =	sand.u32 @!p3 $0xFFFFF80, s0  }
0x1f2: {  	s14 =	simm.s32 @!p5 $0x0;
	s13 =	sand.u32 @!p5 $0x8, s13;
	s0 =	sadd.s32 @!p3 s2, s0  }
0x1f3: {  	[tilespmem:s14], [sflag:$0x1] =	stream.linear.gather @!p5 [hbm4b:s0+s14], $0x400, $0x38;
	[tilespmem:$0x15200] =	vst v63  }
0x1f4: {  	p5 =	seq.s32 @!p5 s13, $0x0;
	s14 =	simm.s32 $0x0  }
0x1f5: {  	p4 =	por @!p3 p4, !p5;
	v0 =	vmov s14;
	s14 =	simm.s32 $0x3  }
0x1f6: {  	p3 =	por p3, !p4;
	v4 =	vmov s14;
	s14 =	simm.s32 @!p0 $0xA  }
0x1f7: {  	[tilespmem:s10], [sflag:$0x2] =	stream.linear.gather @!p3 [hbm4b:s0+s4], $0x400, $0x38;
	[tilespmem:$0x15200] =	vst v63  }
0x1f8: {  	s13 =	simm.s32 $0x2;
	_ =	swait.ge @!p0 [sflag:s14], $0x2000  }
0x1f9: {  	v3 =	vmov s13;
	s13 =	simm.s32 $0x5;
	v22 =	vld [tilespmem:$0x1FFD0]  }
0x1fa: {  	v33 =	vmov s13;
	s13 =	simm.s32 $0x7;
	v4 =	vshrl.u32 v4, $0x3;
	v6 =	vld [tilespmem:$0x1FE10]  }
0x1fb: {  	v35 =	vmov s13;
	v4 =	vshll.u32 v4, v1;
	v10 =	vld [tilespmem:$0x1FE50]  }
0x1fc: {  	s15 =	simm.s32 $0x1;
	v0 =	vshrl.u32 v0, $0x3;
	v35 =	vshrl.u32 v35, $0x3;
	[sflag:s14] =	ssyncset.done @!p0 $0x0;
	v36 =	vbroadcast v4, $0x0;
	v4 =	vld [tilespmem:$0x1FE90]  }
0x1fd: {  	v2 =	vmov s15;
	v0 =	vshll.u32 v0, v1;
	s0 =	simm.s32 $0x49F0;
	v35 =	vshll.u32 v35, v1;
	v7 =	vld [tilespmem:$0x1FED0];
	[sflag:s14] =	ssyncadd.s32 @!p0 $0xFFFFE000  }
0x1fe: {  	v2 =	vshrl.u32 v2, $0x3;
	v39 =	vbroadcast v0, $0x0;
	v41 =	vbroadcast v35, $0x0;
	v0 =	vld [tilespmem:s0+$0xFFFFFFD0]  }
0x1ff: {  	s15 =	simm.s32 $0x4;
	v2 =	vshll.u32 v2, v1;
	v38 =	vld [tilespmem:s0+$0xFFFFFE10]  }
0x200: {  	v5 =	vmov s15;
	v40 =	vbroadcast v2, $0x0;
	v42 =	vld [tilespmem:s0+$0xFFFFFE50];
	v2 =	vadd.s32 v22, v41  }
0x201: {  	v5 =	vshrl.u32 v5, $0x3;
	v3 =	vshrl.u32 v3, $0x3;
	v44 =	vld [tilespmem:s0+$0xFFFFFE90];
	v43 =	vadd.s32 v6, v39  }
0x202: {  	v5 =	vshll.u32 v5, v1;
	v3 =	vshll.u32 v3, v1;
	v46 =	vld [tilespmem:s0+$0xFFFFFED0]  }
0x203: {  	s15 =	simm.s32 $0x6;
	v37 =	vbroadcast v3, $0x0;
	v47 =	vld [tilespmem:s0+$0xFFFFFF10];
	v45 =	vadd.s32 v10, v40;
	v0 =	vmul.f32 $8.000000000e+00, v0  }
0x204: {  	v34 =	vmov s15;
	v35 =	vbroadcast v5, $0x0;
	v48 =	vld [tilespmem:s0+$0xFFFFFF50];
	v5 =	vmul.f32 $8.000000000e+00, v38  }
0x205: {  	v34 =	vshrl.u32 v34, $0x3;
	v4 =	vadd.s32 v4, v37;
	v56 =	vadd.s32 v7, v36;
	v7 =	vld [tilespmem:$0x1FF10];
	[tilespmem:v2+s25+$0x0] =	vst.idx.msk $0xffff, v0  }
0x206: {  	v3 =	vshll.u32 v34, v1;
	v50 =	vld [tilespmem:s0+$0xFFFFFF90];
	v42 =	vmul.f32 $8.000000000e+00, v42;
	[tilespmem:v43+s25+$0x0] =	vst.idx.msk $0xffff, v5  }
0x207: {  	v34 =	vbroadcast v3, $0x0;
	v3 =	vld [tilespmem:$0x1FF50]  }
0x208: {  	v33 =	vshrl.u32 v33, $0x3;
	v2 =	vmul.f32 $8.000000000e+00, v44;
	v5 =	vld [tilespmem:s0+$0xFFFFFFE0];
	[tilespmem:v45+s25+$0x0] =	vst.idx.msk $0xffff, v42  }
0x209: {  	v33 =	vshll.u32 v33, v1;
	v30 =	vld [tilespmem:$0x1FF90]  }
0x20a: {  	v33 =	vbroadcast v33, $0x0;
	v57 =	vmul.f32 $8.000000000e+00, v46;
	v49 =	vadd.s32 v7, v35;
	v43 =	vld [tilespmem:s0+$0xFFFFFE20];
	[tilespmem:v4+s25+$0x0] =	vst.idx.msk $0xffff, v2  }
0x20b: {  	v7 =	vld [tilespmem:$0x1FE20]  }
0x20c: {  	v59 =	vld [tilespmem:s0+$0xFFFFFE60];
	[tilespmem:v56+s25+$0x0] =	vst.idx.msk $0xffff, v57;
	v3 =	vadd.s32 v3, v33  }
0x20d: {  	v2 =	vmul.f32 $8.000000000e+00, v47;
	v11 =	vld [tilespmem:$0x1FE60]  }
0x20e: {  	v52 =	vld [tilespmem:s0+$0xFFFFFEA0];
	v58 =	vadd.s32 v30, v34  }
0x20f: {  	v60 =	vmul.f32 $8.000000000e+00, v48;
	v4 =	vadd.s32 v63, v41;
	v53 =	vld [tilespmem:s0+$0xFFFFFEE0];
	[tilespmem:v49+s25+$0x0] =	vst.idx.msk $0xffff, v2  }
0x210: {  	v15 =	vld [tilespmem:$0x1FEA0];
	v51 =	vadd.s32 v7, v39  }
0x211: {  	v2 =	vmul.f32 $8.000000000e+00, v50;
	v54 =	vld [tilespmem:s0+$0xFFFFFF20];
	[tilespmem:v3+s25+$0x0] =	vst.idx.msk $0xffff, v60  }
0x212: {  	v48 =	vadd.s32 v11, v40;
	v3 =	vmul.f32 $8.000000000e+00, v5;
	v19 =	vld [tilespmem:$0x1FEE0]  }
0x213: {  	v61 =	vmul.f32 $8.000000000e+00, v43;
	v55 =	vld [tilespmem:s0+$0xFFFFFF60];
	[tilespmem:v58+s25+$0x0] =	vst.idx.msk $0xffff, v2  }
0x214: {  	v23 =	vld [tilespmem:$0x1FF20];
	[tilespmem:v4+s25+$0x0] =	vst.idx.msk $0xffff, v3  }
0x215: {  	v32 =	vmul.f32 $8.000000000e+00, v59;
	v50 =	vadd.s32 v15, v37;
	v56 =	vld [tilespmem:s0+$0xFFFFFFA0];
	[tilespmem:v51+s25+$0x0] =	vst.idx.msk $0xffff, v61  }
0x216: {  	v27 =	vld [tilespmem:$0x1FF60]  }
0x217: {  	s15 =	simm.s32 $0x8;
	v60 =	vld [tilespmem:s0+$0xFFFFFFF0];
	[tilespmem:v48+s25+$0x0] =	vst.idx.msk $0xffff, v32;
	v62 =	vadd.s32 v19, v36  }
0x218: {  	v0 =	vmov s15;
	s15 =	simm.s32 $0xA;
	v3 =	vmul.f32 $8.000000000e+00, v52;
	v31 =	vld [tilespmem:$0x1FFA0]  }
0x219: {  	v47 =	vmov s15;
	v51 =	vld [tilespmem:s0+$0xFFFFFE30];
	v46 =	vadd.s32 v23, v35  }
0x21a: {  	v61 =	vmul.f32 $8.000000000e+00, v53;
	v52 =	vshrl.u32 v47, $0x3;
	v47 =	vld [tilespmem:s0+$0xFFFFFE70];
	[tilespmem:v50+s25+$0x0] =	vst.idx.msk $0xffff, v3  }
0x21b: {  	v8 =	vld [tilespmem:$0x1FE30];
	v4 =	vadd.s32 v27, v33  }
0x21c: {  	v3 =	vmul.f32 $8.000000000e+00, v54;
	v57 =	vld [tilespmem:s0+$0xFFFFFEB0];
	[tilespmem:v62+s25+$0x0] =	vst.idx.msk $0xffff, v61  }
0x21d: {  	v48 =	vadd.s32 v31, v34;
	v12 =	vld [tilespmem:$0x1FE70]  }
0x21e: {  	v62 =	vmul.f32 $8.000000000e+00, v55;
	v58 =	vld [tilespmem:s0+$0xFFFFFEF0];
	[tilespmem:v46+s25+$0x0] =	vst.idx.msk $0xffff, v3  }
0x21f: {  	s14 =	simm.s32 $0x9;
	v50 =	vadd.s32 v9, v41;
	v16 =	vld [tilespmem:$0x1FEB0]  }
0x220: {  	v45 =	vmov s14;
	s14 =	simm.s32 $0xB;
	s15 =	simm.s32 $0xC;
	v54 =	vadd.s32 v8, v39;
	v3 =	vmul.f32 $8.000000000e+00, v56;
	v59 =	vld [tilespmem:s0+$0xFFFFFF30];
	[tilespmem:v4+s25+$0x0] =	vst.idx.msk $0xffff, v62  }
0x221: {  	v0 =	vshrl.u32 v0, $0x3;
	v42 =	vmov s14;
	v49 =	vmov s15;
	s15 =	simm.s32 $0xE;
	v20 =	vld [tilespmem:$0x1FEF0]  }
0x222: {  	v2 =	vmov s15;
	v4 =	vmul.f32 $8.000000000e+00, v60;
	v61 =	vld [tilespmem:s0+$0xFFFFFF70];
	[tilespmem:v48+s25+$0x0] =	vst.idx.msk $0xffff, v3;
	v32 =	vadd.s32 v12, v40  }
0x223: {  	v53 =	vshrl.u32 v42, $0x3;
	v42 =	vshrl.u32 v2, $0x3;
	v2 =	vmul.f32 $8.000000000e+00, v51;
	v24 =	vld [tilespmem:$0x1FF30]  }
0x224: {  	v0 =	vshll.u32 v0, v1;
	v62 =	vld [tilespmem:s0+$0xFFFFFFB0];
	[tilespmem:v50+s25+$0x0] =	vst.idx.msk $0xffff, v4;
	v46 =	vadd.s32 v16, v37  }
0x225: {  	v38 =	vbroadcast v0, $0x0;
	v0 =	vmul.f32 $8.000000000e+00, v47;
	[tilespmem:v54+s25+$0x0] =	vst.idx.msk $0xffff, v2;
	v56 =	vld [tilespmem:s0+$0x0]  }
0x226: {  	v28 =	vld [tilespmem:$0x1FF70]  }
0x227: {  	v2 =	vmul.f32 $8.000000000e+00, v57;
	v50 =	vld [tilespmem:s0+$0xFFFFFE40];
	v60 =	vadd.s32 v20, v36;
	[tilespmem:v32+s25+$0x0] =	vst.idx.msk $0xffff, v0  }
0x228: {  	v32 =	vld [tilespmem:$0x1FFB0]  }
0x229: {  	v44 =	vshll.u32 v52, v1;
	v3 =	vadd.s32 v24, v35;
	v52 =	vld [tilespmem:s0+$0xFFFFFE80];
	[tilespmem:v46+s25+$0x0] =	vst.idx.msk $0xffff, v2  }
0x22a: {  	v0 =	vmul.f32 $8.000000000e+00, v58;
	v4 =	vld [tilespmem:$0x1FFE0]  }
0x22b: {  	v26 =	vld [tilespmem:$0x1FE40]  }
0x22c: {  	v43 =	vshrl.u32 v49, $0x3;
	v2 =	vmul.f32 $8.000000000e+00, v59;
	v49 =	vld [tilespmem:s0+$0xFFFFFEC0];
	[tilespmem:v60+s25+$0x0] =	vst.idx.msk $0xffff, v0  }
0x22d: {  	v13 =	vld [tilespmem:$0x1FE80]  }
0x22e: {  	s14 =	simm.s32 $0xD;
	v54 =	vld [tilespmem:s0+$0xFFFFFF00];
	[tilespmem:v3+s25+$0x0] =	vst.idx.msk $0xffff, v2  }
0x22f: {  	v45 =	vshrl.u32 v45, $0x3;
	v5 =	vmov s14;
	v17 =	vld [tilespmem:$0x1FEC0]  }
0x230: {  	v5 =	vshrl.u32 v5, $0x3;
	v47 =	vshll.u32 v45, v1;
	v45 =	vshll.u32 v53, v1;
	v21 =	vld [tilespmem:$0x1FF00]  }
0x231: {  	v55 =	vadd.s32 v28, v33;
	v46 =	vshll.u32 v43, v1;
	v25 =	vld [tilespmem:$0x1FF40];
	v51 =	vadd.s32 v32, v34  }
0x232: {  	v43 =	vshll.u32 v5, v1;
	v29 =	vld [tilespmem:$0x1FF80];
	v53 =	vadd.s32 v4, v41;
	v48 =	vadd.s32 v26, v39  }
0x233: {  	s13 =	simm.s32 $0x10;
	s14 =	simm.s32 $0xF;
	v18 =	vld [tilespmem:$0x1FFC0];
	v39 =	vmul.f32 $8.000000000e+00, v61;
	v41 =	vadd.s32 v13, v40;
	v40 =	vmul.f32 $8.000000000e+00, v62  }
.LBB2_11:
0x234: {  	v14 =	vld [tilespmem:$0x1FE90];
	_ =	sdelay $0x1  }
0x235: {  	v0 =	vmov s14;
	v2 =	vadd.s32 v17, v37;
	v3 =	vld [tilespmem:s0+$0xFFFFFF40];
	[tilespmem:v51+s25+$0x0] =	vst.idx.msk $0xffff, v40  }
0x236: {  	v37 =	vbroadcast v44, $0x0;
	[tilespmem:v55+s25+$0x0] =	vst.idx.msk $0xffff, v39;
	v0 =	vshrl.u32 v0, $0x3;
	v58 =	vld [tilespmem:s0+$0xFFFFFFC0];
	v4 =	vmul.f32 $8.000000000e+00, v56  }
0x237: {  	v36 =	vadd.s32 v21, v36;
	v0 =	vshll.u32 v0, v1;
	v5 =	vmul.f32 $8.000000000e+00, v50;
	v56 =	vld [tilespmem:s0+$0xFFFFFF80]  }
0x238: {  	v57 =	vmul.f32 $8.000000000e+00, v52;
	s0 =	sadd.s32 $0x200, s0;
	v60 =	vmul.f32 $8.000000000e+00, v54;
	v54 =	vadd.s32 v14, v37;
	v14 =	vld [tilespmem:$0x1FED0];
	[tilespmem:v53+s25+$0x0] =	vst.idx.msk $0xffff, v4  }
0x239: {  	v40 =	vbroadcast v0, $0x0;
	v0 =	vmul.f32 $8.000000000e+00, v49;
	[tilespmem:v48+s25+$0x0] =	vst.idx.msk $0xffff, v5;
	v4 =	vld [tilespmem:s0+$0xFFFFFFD0]  }
0x23a: {  	v35 =	vadd.s32 v25, v35;
	[tilespmem:v41+s25+$0x0] =	vst.idx.msk $0xffff, v57;
	v59 =	vld [tilespmem:s0+$0xFFFFFE10]  }
0x23b: {  	v5 =	vadd.s32 v29, v33;
	v41 =	vbroadcast v47, $0x0;
	[tilespmem:v2+s25+$0x0] =	vst.idx.msk $0xffff, v0;
	v61 =	vld [tilespmem:s0+$0xFFFFFE50]  }
0x23c: {  	v34 =	vadd.s32 v18, v34;
	v39 =	vmovc v38;
	v0 =	vmul.f32 $8.000000000e+00, v3;
	[tilespmem:v36+s25+$0x0] =	vst.idx.msk $0xffff, v60;
	v36 =	vbroadcast v45, $0x0;
	v3 =	vld [tilespmem:s0+$0xFFFFFE90]  }
0x23d: {  	v2 =	vadd.s32 v6, v39;
	v48 =	vld [tilespmem:s0+$0xFFFFFED0]  }
0x23e: {  	v53 =	vadd.s32 v10, v41;
	v38 =	vmul.f32 $8.000000000e+00, v56;
	v62 =	vadd.s32 v14, v36;
	v14 =	vld [tilespmem:$0x1FF10]  }
0x23f: {  	v52 =	vadd.s32 v22, v40;
	[tilespmem:v35+s25+$0x0] =	vst.idx.msk $0xffff, v0;
	v0 =	vmul.f32 $8.000000000e+00, v58  }
0x240: {  	[tilespmem:v5+s25+$0x0] =	vst.idx.msk $0xffff, v38;
	v5 =	vmul.f32 $8.000000000e+00, v59  }
0x241: {  	v35 =	vbroadcast v46, $0x0;
	v55 =	vld [tilespmem:s0+$0xFFFFFF10];
	[tilespmem:v34+s25+$0x0] =	vst.idx.msk $0xffff, v0;
	v0 =	vmul.f32 $8.000000000e+00, v61  }
0x242: {  	v42 =	vshll.u32 v42, v1;
	v4 =	vmul.f32 $8.000000000e+00, v4;
	[tilespmem:v2+s25+$0x0] =	vst.idx.msk $0xffff, v5;
	v2 =	vmul.f32 $8.000000000e+00, v3;
	v3 =	vld [tilespmem:$0x1FF50]  }
0x243: {  	v34 =	vbroadcast v42, $0x0;
	v58 =	vld [tilespmem:s0+$0xFFFFFF90];
	[tilespmem:v53+s25+$0x0] =	vst.idx.msk $0xffff, v0;
	v0 =	vmul.f32 $8.000000000e+00, v48;
	v57 =	vadd.s32 v14, v35  }
0x244: {  	[tilespmem:v52+s25+$0x0] =	vst.idx.msk $0xffff, v4;
	v61 =	vld [tilespmem:s0+$0xFFFFFE60]  }
0x245: {  	v33 =	vbroadcast v43, $0x0;
	v56 =	vld [tilespmem:s0+$0xFFFFFF50];
	v60 =	vadd.s32 v30, v34;
	[tilespmem:v62+s25+$0x0] =	vst.idx.msk $0xffff, v0  }
0x246: {  	v46 =	vadd.s32 v11, v41;
	[tilespmem:v54+s25+$0x0] =	vst.idx.msk $0xffff, v2;
	v2 =	vmul.f32 $8.000000000e+00, v55;
	v53 =	vld [tilespmem:s0+$0xFFFFFEE0]  }
0x247: {  	v5 =	vld [tilespmem:s0+$0xFFFFFFE0];
	v3 =	vadd.s32 v3, v33  }
0x248: {  	v42 =	vadd.s32 v19, v36;
	v59 =	vld [tilespmem:s0+$0xFFFFFE20];
	[tilespmem:v57+s25+$0x0] =	vst.idx.msk $0xffff, v2;
	v2 =	vmul.f32 $8.000000000e+00, v58  }
0x249: {  	v45 =	vadd.s32 v63, v40;
	v62 =	vmul.f32 $8.000000000e+00, v61  }
0x24a: {  	v51 =	vadd.s32 v7, v39;
	v52 =	vld [tilespmem:s0+$0xFFFFFEA0];
	v0 =	vmul.f32 $8.000000000e+00, v56;
	[tilespmem:v60+s25+$0x0] =	vst.idx.msk $0xffff, v2  }
0x24b: {  	s15 =	sadd.s32 $0x1, s13;
	v54 =	vld [tilespmem:s0+$0xFFFFFF20];
	[tilespmem:v46+s25+$0x0] =	vst.idx.msk $0xffff, v62;
	v62 =	vmul.f32 $8.000000000e+00, v53  }
0x24c: {  	v49 =	vadd.s32 v15, v37;
	v47 =	vmov s15;
	s15 =	sadd.s32 $0x2, s13;
	v61 =	vld [tilespmem:s0+$0xFFFFFFA0];
	[tilespmem:v3+s25+$0x0] =	vst.idx.msk $0xffff, v0;
	v0 =	vmul.f32 $8.000000000e+00, v5  }
0x24d: {  	v50 =	vmov s15;
	s15 =	sadd.s32 $0x3, s13;
	v4 =	vmov s13;
	v5 =	vmul.f32 $8.000000000e+00, v59;
	[tilespmem:v42+s25+$0x0] =	vst.idx.msk $0xffff, v62;
	v55 =	vld [tilespmem:s0+$0xFFFFFF60]  }
0x24e: {  	v38 =	vmov s15;
	v4 =	vshrl.u32 v4, $0x3;
	v60 =	vadd.s32 v23, v35;
	v59 =	vld [tilespmem:s0+$0xFFFFFEF0];
	[tilespmem:v45+s25+$0x0] =	vst.idx.msk $0xffff, v0  }
0x24f: {  	s15 =	sadd.s32 $0x4, s13;
	v0 =	vshll.u32 v4, v1;
	[tilespmem:v51+s25+$0x0] =	vst.idx.msk $0xffff, v5;
	v4 =	vmul.f32 $8.000000000e+00, v52;
	v5 =	vadd.s32 v27, v33;
	v52 =	vld [tilespmem:s0+$0xFFFFFE70]  }
0x250: {  	v43 =	vmov s15;
	v46 =	vadd.s32 v31, v34;
	v51 =	vld [tilespmem:s0+$0xFFFFFE30]  }
0x251: {  	s15 =	sadd.s32 $0x5, s13;
	v58 =	vadd.s32 v12, v41;
	v53 =	vshrl.u32 v38, $0x3;
	v45 =	vld [tilespmem:s0+$0xFFFFFFF0];
	[tilespmem:v49+s25+$0x0] =	vst.idx.msk $0xffff, v4;
	v4 =	vmul.f32 $8.000000000e+00, v54  }
0x252: {  	v3 =	vmov s15;
	s15 =	sadd.s32 $0x6, s13;
	v54 =	vadd.s32 v8, v39;
	v57 =	vld [tilespmem:s0+$0xFFFFFEB0];
	v55 =	vmul.f32 $8.000000000e+00, v55  }
0x253: {  	v2 =	vmov s15;
	v49 =	vadd.s32 v9, v40;
	[tilespmem:v60+s25+$0x0] =	vst.idx.msk $0xffff, v4;
	v4 =	vmul.f32 $8.000000000e+00, v61  }
0x254: {  	v38 =	vbroadcast v0, $0x0;
	v61 =	vadd.s32 v20, v36;
	v60 =	vld [tilespmem:s0+$0xFFFFFF30];
	v0 =	vmul.f32 $8.000000000e+00, v52;
	[tilespmem:v5+s25+$0x0] =	vst.idx.msk $0xffff, v55  }
0x255: {  	v48 =	vadd.s32 v16, v37;
	v42 =	vshrl.u32 v2, $0x3;
	v2 =	vmul.f32 $8.000000000e+00, v51;
	[tilespmem:v46+s25+$0x0] =	vst.idx.msk $0xffff, v4;
	v62 =	vld [tilespmem:s0+$0xFFFFFF70]  }
0x256: {  	v47 =	vshrl.u32 v47, $0x3;
	v50 =	vshrl.u32 v50, $0x3;
	v14 =	vmovc v63;
	v5 =	vmul.f32 $8.000000000e+00, v45;
	v63 =	vld [tilespmem:s0+$0xFFFFFFB0];
	[tilespmem:v58+s25+$0x0] =	vst.idx.msk $0xffff, v0  }
0x257: {  	p3 =	slt.u32 s13, $0x78;
	v4 =	vadd.s32 v24, v35;
	v0 =	vmul.f32 $8.000000000e+00, v59;
	[tilespmem:v54+s25+$0x0] =	vst.idx.msk $0xffff, v2;
	v2 =	vmul.f32 $8.000000000e+00, v57;
	v57 =	vld [tilespmem:$0x1FFE0]  }
.Ltmp6:
0x258: {  	v47 =	vshll.u32 v47, v1;
	v44 =	vshll.u32 v50, v1;
	v43 =	vshrl.u32 v43, $0x3;
	[tilespmem:v49+s25+$0x0] =	vst.idx.msk $0xffff, v5;
	v52 =	vld [tilespmem:s0+$0xFFFFFE80];
	(pc) =	sbr.rel @p3 .LBB2_11-.Ltmp6, $4  }
0x259: {  	v41 =	vadd.s32 v13, v41;
	v3 =	vshrl.u32 v3, $0x3;
	v55 =	vadd.s32 v28, v33;
	v56 =	vld [tilespmem:s0+$0x0];
	[tilespmem:v61+s25+$0x0] =	vst.idx.msk $0xffff, v0  }
0x25a: {  	v51 =	vadd.s32 v32, v34;
	v45 =	vshll.u32 v53, v1;
	v50 =	vld [tilespmem:s0+$0xFFFFFE40];
	[tilespmem:v48+s25+$0x0] =	vst.idx.msk $0xffff, v2;
	v2 =	vmul.f32 $8.000000000e+00, v60  }
0x25b: {  	v46 =	vshll.u32 v43, v1;
	v43 =	vshll.u32 v3, v1;
	v48 =	vadd.s32 v26, v39;
	v54 =	vld [tilespmem:s0+$0xFFFFFF00]  }
0x25c: {  	s14 =	sadd.s32 $0x7, s13;
	s13 =	sadd.s32 $0x8, s13;
	v49 =	vld [tilespmem:s0+$0xFFFFFEC0];
	v39 =	vmul.f32 $8.000000000e+00, v62;
	[tilespmem:v4+s25+$0x0] =	vst.idx.msk $0xffff, v2;
	v53 =	vadd.s32 v57, v40;
	v40 =	vmul.f32 $8.000000000e+00, v63;
	v63 =	vmovc v14  }
0x25d: {  	_ =	sdelay $0x3  }
0x25e: {  	v0 =	vmov s14;
	v2 =	vadd.s32 v17, v37;
	v3 =	vld [tilespmem:s0+$0xFFFFFF40];
	[tilespmem:v55+s25+$0x0] =	vst.idx.msk $0xffff, v39;
	v4 =	vmul.f32 $8.000000000e+00, v56  }
0x25f: {  	v36 =	vadd.s32 v21, v36;
	v0 =	vshrl.u32 v0, $0x3;
	[tilespmem:v51+s25+$0x0] =	vst.idx.msk $0xffff, v40;
	v56 =	vmul.f32 $8.000000000e+00, v52;
	v55 =	vld [tilespmem:s0+$0xFFFFFF80]  }
0x260: {  	v35 =	vadd.s32 v25, v35;
	s14 =	sadd.s32 $0x200, s0;
	v5 =	vmul.f32 $8.000000000e+00, v50;
	v0 =	vshll.u32 v0, v1;
	v40 =	vld [tilespmem:s0+$0xFFFFFFC0];
	[tilespmem:v53+s25+$0x0] =	vst.idx.msk $0xffff, v4  }
0x261: {  	v33 =	vadd.s32 v29, v33;
	v58 =	vld [tilespmem:s14+$0xFFFFFFD0];
	v0 =	vbroadcast v0, $0x0;
	[tilespmem:v41+s25+$0x0] =	vst.idx.msk $0xffff, v56;
	v59 =	vmul.f32 $8.000000000e+00, v49  }
0x262: {  	v34 =	vadd.s32 v18, v34;
	v60 =	vld [tilespmem:s14+$0xFFFFFE10];
	v61 =	vmul.f32 $8.000000000e+00, v54;
	[tilespmem:v48+s25+$0x0] =	vst.idx.msk $0xffff, v5  }
0x263: {  	v49 =	vadd.s32 v22, v0;
	[tilespmem:v2+s25+$0x0] =	vst.idx.msk $0xffff, v59;
	v2 =	vmul.f32 $8.000000000e+00, v3  }
0x264: {  	[tilespmem:v36+s25+$0x0] =	vst.idx.msk $0xffff, v61;
	v3 =	vadd.s32 v6, v38;
	v51 =	vmul.f32 $8.000000000e+00, v55  }
0x265: {  	v62 =	vld [tilespmem:s14+$0xFFFFFE50];
	[tilespmem:v35+s25+$0x0] =	vst.idx.msk $0xffff, v2;
	v2 =	vmul.f32 $8.000000000e+00, v40  }
0x266: {  	v4 =	vmul.f32 $8.000000000e+00, v58;
	v53 =	vld [tilespmem:$0x1FE90];
	[tilespmem:v33+s25+$0x0] =	vst.idx.msk $0xffff, v51  }
0x267: {  	v55 =	vmul.f32 $8.000000000e+00, v60;
	v56 =	vld [tilespmem:$0x1FED0];
	[tilespmem:v34+s25+$0x0] =	vst.idx.msk $0xffff, v2  }
0x268: {  	v60 =	vld [tilespmem:$0x1FF10];
	[tilespmem:v49+s25+$0x0] =	vst.idx.msk $0xffff, v4  }
0x269: {  	v47 =	vbroadcast v47, $0x0;
	v22 =	vld [tilespmem:s14+$0xFFFFFE90];
	[tilespmem:v3+s25+$0x0] =	vst.idx.msk $0xffff, v55  }
0x26a: {  	v44 =	vbroadcast v44, $0x0;
	v4 =	vld [tilespmem:$0x1FF50]  }
0x26b: {  	v45 =	vbroadcast v45, $0x0;
	v52 =	vld [tilespmem:s14+$0xFFFFFED0];
	v37 =	vadd.s32 v10, v47  }
0x26c: {  	v46 =	vbroadcast v46, $0x0;
	v54 =	vld [tilespmem:s14+$0xFFFFFF10];
	v35 =	vadd.s32 v53, v44  }
0x26d: {  	v42 =	vshll.u32 v42, v1;
	v43 =	vbroadcast v43, $0x0;
	v59 =	vld [tilespmem:s14+$0xFFFFFF50];
	v58 =	vadd.s32 v56, v45  }
0x26e: {  	v42 =	vbroadcast v42, $0x0;
	v2 =	vmul.f32 $8.000000000e+00, v62;
	v62 =	vld [tilespmem:s14+$0xFFFFFF90];
	v61 =	vadd.s32 v60, v46  }
0x26f: {  	v3 =	vmul.f32 $8.000000000e+00, v22;
	v33 =	vld [tilespmem:s14+$0xFFFFFE20];
	v4 =	vadd.s32 v4, v43  }
0x270: {  	v22 =	vld [tilespmem:s14+$0xFFFFFFE0];
	[tilespmem:v37+s25+$0x0] =	vst.idx.msk $0xffff, v2;
	v2 =	vmul.f32 $8.000000000e+00, v52;
	v52 =	vadd.s32 v30, v42  }
0x271: {  	v55 =	vadd.s32 v7, v38;
	v53 =	vld [tilespmem:s14+$0xFFFFFE60];
	[tilespmem:v35+s25+$0x0] =	vst.idx.msk $0xffff, v3;
	v3 =	vmul.f32 $8.000000000e+00, v54  }
0x272: {  	v54 =	vadd.s32 v63, v0;
	v56 =	vld [tilespmem:s14+$0xFFFFFEA0];
	[tilespmem:v58+s25+$0x0] =	vst.idx.msk $0xffff, v2;
	v2 =	vmul.f32 $8.000000000e+00, v59  }
0x273: {  	v58 =	vadd.s32 v11, v47;
	v59 =	vld [tilespmem:s14+$0xFFFFFEE0];
	[tilespmem:v61+s25+$0x0] =	vst.idx.msk $0xffff, v3;
	v3 =	vmul.f32 $8.000000000e+00, v62  }
0x274: {  	v60 =	vadd.s32 v15, v44;
	v62 =	vmul.f32 $8.000000000e+00, v33;
	v61 =	vld [tilespmem:s14+$0xFFFFFF20];
	[tilespmem:v4+s25+$0x0] =	vst.idx.msk $0xffff, v2  }
0x275: {  	v19 =	vadd.s32 v19, v45;
	v2 =	vmul.f32 $8.000000000e+00, v22;
	v22 =	vld [tilespmem:s14+$0xFFFFFF60];
	[tilespmem:v52+s25+$0x0] =	vst.idx.msk $0xffff, v3  }
0x276: {  	v30 =	vadd.s32 v23, v46;
	v3 =	vmul.f32 $8.000000000e+00, v53;
	[tilespmem:v55+s25+$0x0] =	vst.idx.msk $0xffff, v62;
	v52 =	vld [tilespmem:s14+$0xFFFFFFA0]  }
0x277: {  	v53 =	vadd.s32 v27, v43;
	[tilespmem:v54+s25+$0x0] =	vst.idx.msk $0xffff, v2;
	v40 =	vld [tilespmem:s14+$0xFFFFFE30];
	v2 =	vmul.f32 $8.000000000e+00, v56  }
0x278: {  	v54 =	vadd.s32 v31, v42;
	v35 =	vld [tilespmem:s14+$0xFFFFFFF0];
	[tilespmem:v58+s25+$0x0] =	vst.idx.msk $0xffff, v3;
	v3 =	vmul.f32 $8.000000000e+00, v59  }
0x279: {  	v58 =	vadd.s32 v8, v38;
	v55 =	vld [tilespmem:s14+$0xFFFFFE70];
	[tilespmem:v60+s25+$0x0] =	vst.idx.msk $0xffff, v2;
	v2 =	vmul.f32 $8.000000000e+00, v61  }
0x27a: {  	v56 =	vadd.s32 v9, v0;
	v59 =	vld [tilespmem:s14+$0xFFFFFEB0];
	[tilespmem:v19+s25+$0x0] =	vst.idx.msk $0xffff, v3;
	v3 =	vmul.f32 $8.000000000e+00, v22  }
0x27b: {  	v60 =	vadd.s32 v12, v47;
	v61 =	vld [tilespmem:s14+$0xFFFFFEF0];
	[tilespmem:v30+s25+$0x0] =	vst.idx.msk $0xffff, v2;
	v2 =	vmul.f32 $8.000000000e+00, v52  }
0x27c: {  	v62 =	vadd.s32 v16, v44;
	v19 =	vmul.f32 $8.000000000e+00, v40;
	v16 =	vld [tilespmem:s14+$0xFFFFFF30];
	[tilespmem:v53+s25+$0x0] =	vst.idx.msk $0xffff, v3  }
0x27d: {  	v22 =	vadd.s32 v20, v45;
	v3 =	vmul.f32 $8.000000000e+00, v35;
	v23 =	vld [tilespmem:s14+$0xFFFFFF70];
	[tilespmem:v54+s25+$0x0] =	vst.idx.msk $0xffff, v2  }
0x27e: {  	v27 =	vadd.s32 v24, v46;
	v2 =	vmul.f32 $8.000000000e+00, v55;
	[tilespmem:v58+s25+$0x0] =	vst.idx.msk $0xffff, v19;
	v30 =	vld [tilespmem:s14+$0xFFFFFFB0]  }
0x27f: {  	v31 =	vadd.s32 v28, v43;
	[tilespmem:v56+s25+$0x0] =	vst.idx.msk $0xffff, v3;
	v41 =	vld [tilespmem:s14+$0xFFFFFE40];
	v3 =	vmul.f32 $8.000000000e+00, v59  }
0x280: {  	v49 =	vadd.s32 v32, v42;
	v34 =	vld [tilespmem:s14+$0x0];
	[tilespmem:v60+s25+$0x0] =	vst.idx.msk $0xffff, v2;
	v2 =	vmul.f32 $8.000000000e+00, v61  }
0x281: {  	v51 =	vadd.s32 v26, v38;
	v50 =	vld [tilespmem:s14+$0xFFFFFE80];
	[tilespmem:v62+s25+$0x0] =	vst.idx.msk $0xffff, v3;
	v3 =	vmul.f32 $8.000000000e+00, v16  }
0x282: {  	v0 =	vadd.s32 v57, v0;
	v52 =	vld [tilespmem:s14+$0xFFFFFEC0];
	[tilespmem:v22+s25+$0x0] =	vst.idx.msk $0xffff, v2;
	v2 =	vmul.f32 $8.000000000e+00, v23  }
0x283: {  	v53 =	vadd.s32 v13, v47;
	v54 =	vld [tilespmem:s14+$0xFFFFFF00];
	[tilespmem:v27+s25+$0x0] =	vst.idx.msk $0xffff, v3;
	v3 =	vmul.f32 $8.000000000e+00, v30  }
0x284: {  	v55 =	vadd.s32 v17, v44;
	v57 =	vmul.f32 $8.000000000e+00, v41;
	v56 =	vld [tilespmem:s14+$0xFFFFFF40];
	[tilespmem:v31+s25+$0x0] =	vst.idx.msk $0xffff, v2  }
0x285: {  	v58 =	vadd.s32 v21, v45;
	v2 =	vmul.f32 $8.000000000e+00, v34;
	v59 =	vld [tilespmem:s14+$0xFFFFFF80];
	[tilespmem:v49+s25+$0x0] =	vst.idx.msk $0xffff, v3  }
0x286: {  	v60 =	vadd.s32 v25, v46;
	v3 =	vmul.f32 $8.000000000e+00, v50;
	[tilespmem:v51+s25+$0x0] =	vst.idx.msk $0xffff, v57;
	v61 =	vld [tilespmem:s14+$0xFFFFFFC0]  }
0x287: {  	[tilespmem:v0+s25+$0x0] =	vst.idx.msk $0xffff, v2;
	v2 =	vadd.s32 v29, v43;
	v0 =	vmul.f32 $8.000000000e+00, v52  }
0x288: {  	v62 =	vadd.s32 v18, v42;
	[tilespmem:v53+s25+$0x0] =	vst.idx.msk $0xffff, v3;
	v3 =	vmul.f32 $8.000000000e+00, v54  }
0x289: {  	s15 =	sadd.s32 s6, s1;
	[tilespmem:v55+s25+$0x0] =	vst.idx.msk $0xffff, v0;
	v0 =	vmul.f32 $8.000000000e+00, v56  }
0x28a: {  	s13 =	sshll.u32 s31, $0xF;
	s1 =	sshll.u32 s15, $0xD;
	[tilespmem:v58+s25+$0x0] =	vst.idx.msk $0xffff, v3;
	v3 =	vmul.f32 $8.000000000e+00, v59  }
0x28b: {  	s13 =	sadd.s32 s3, s13;
	s1 =	sand.u32 $0xFFC0000, s1;
	s0 =	sshll.u32 s15, $0x7;
	[tilespmem:v60+s25+$0x0] =	vst.idx.msk $0xffff, v0;
	v0 =	vmul.f32 $8.000000000e+00, v61  }
0x28c: {  	s0 =	sand.u32 $0xF80, s0;
	s1 =	sadd.s32 s1, s13;
	[tilespmem:v2+s25+$0x0] =	vst.idx.msk $0xffff, v3  }
0x28d: {  	s13 =	simm.s32 $0xEC00;
	s1 =	sadd.s32 s0, s1;
	[tilespmem:v62+s25+$0x0] =	vst.idx.msk $0xffff, v0  }
0x28e: {  	[hbm4b:s1+s4] =	stream.linear.scatter [tilespmem:s13], [sflag:$0xA], $0x80, $0x38;
	[tilespmem:$0x15200] =	vst v63  }
0x28f: {  	s15 =	sadd.s32 $0x10, s1;
	s14 =	simm.s32 $0xEC88  }
0x290: {  	[hbm4b:s15+s4] =	stream.linear.scatter [tilespmem:s14], [sflag:$0xA], $0x80, $0x38;
	[tilespmem:$0x15200] =	vst v63  }
0x291: {  	s14 =	simm.s32 $0xED10;
	s15 =	sadd.s32 $0x20, s1  }
0x292: {  	[hbm4b:s15+s4] =	stream.linear.scatter [tilespmem:s14], [sflag:$0xA], $0x80, $0x38;
	[tilespmem:$0x15200] =	vst v63  }
0x293: {  	s14 =	simm.s32 $0xED98;
	s15 =	sadd.s32 $0x30, s1  }
0x294: {  	[hbm4b:s15+s4] =	stream.linear.scatter [tilespmem:s14], [sflag:$0xA], $0x80, $0x38;
	[tilespmem:$0x15200] =	vst v63  }
0x295: {  	s14 =	simm.s32 $0xEE20;
	s15 =	sadd.s32 $0x40, s1  }
0x296: {  	[hbm4b:s15+s4] =	stream.linear.scatter [tilespmem:s14], [sflag:$0xA], $0x80, $0x38;
	[tilespmem:$0x15200] =	vst v63  }
0x297: {  	s0 =	simm.s32 $0x440;
	s14 =	simm.s32 $0xEEA8;
	s15 =	sadd.s32 $0x50, s1  }
0x298: {  	[hbm4b:s15+s4] =	stream.linear.scatter [tilespmem:s14], [sflag:$0xA], $0x80, $0x38;
	[tilespmem:$0x15200] =	vst v63  }
0x299: {  	s31 =	sadd.s32 $0x70, s1;
	s14 =	simm.s32 $0xEF30;
	s15 =	sadd.s32 $0x60, s1  }
0x29a: {  	[hbm4b:s15+s4] =	stream.linear.scatter [tilespmem:s14], [sflag:$0xA], $0x80, $0x38;
	[tilespmem:$0x15200] =	vst v63  }
0x29b: {  	s13 =	simm.s32 $0x2200;
	s1 =	sadd.s32 $0x1000, s1;
	s14 =	simm.s32 $0xEFB8  }
.LBB2_13:
0x29c: {  	[hbm4b:s31+s4] =	stream.linear.scatter [tilespmem:s14], [sflag:$0xA], $0x80, $0x38;
	[tilespmem:$0x15200] =	vst v63  }
0x29d: {  	s14 =	smov.u32 s0;
	s0 =	smov.u32 s13  }
0x29e: {  	s15 =	sadd.s32 $0x1100, s13;
	s0 =	sshra.s32 s0, $0x2;
	s31 =	sadd.s32 $0xEC00, s14  }
0x29f: {  	[hbm4b:s1+s4] =	stream.linear.scatter [tilespmem:s31], [sflag:$0xA], $0x80, $0x38;
	[tilespmem:$0x15200] =	vst v63  }
0x2a0: {  	p3 =	sne.s32 s13, $0x7700;
	s13 =	sadd.s32 $0xEC88, s14;
	s31 =	sadd.s32 $0x10, s1  }
0x2a1: {  	[hbm4b:s31+s4] =	stream.linear.scatter [tilespmem:s13], [sflag:$0xA], $0x80, $0x38;
	[tilespmem:$0x15200] =	vst v63  }
0x2a2: {  	s13 =	sadd.s32 $0xED10, s14;
	s31 =	sadd.s32 $0x20, s1  }
0x2a3: {  	[hbm4b:s31+s4] =	stream.linear.scatter [tilespmem:s13], [sflag:$0xA], $0x80, $0x38;
	[tilespmem:$0x15200] =	vst v63  }
0x2a4: {  	s13 =	sadd.s32 $0xED98, s14;
	s31 =	sadd.s32 $0x30, s1  }
0x2a5: {  	[hbm4b:s31+s4] =	stream.linear.scatter [tilespmem:s13], [sflag:$0xA], $0x80, $0x38;
	[tilespmem:$0x15200] =	vst v63  }
0x2a6: {  	s13 =	sadd.s32 $0xEE20, s14;
	s31 =	sadd.s32 $0x40, s1  }
0x2a7: {  	[hbm4b:s31+s4] =	stream.linear.scatter [tilespmem:s13], [sflag:$0xA], $0x80, $0x38;
	[tilespmem:$0x15200] =	vst v63  }
.Ltmp7:
0x2a8: {  	s13 =	sadd.s32 $0xEEA8, s14;
	s31 =	sadd.s32 $0x50, s1;
	(pc) =	sbr.rel @p3 .LBB2_13-.Ltmp7, $4  }
0x2a9: {  	[hbm4b:s31+s4] =	stream.linear.scatter [tilespmem:s13], [sflag:$0xA], $0x80, $0x38;
	[tilespmem:$0x15200] =	vst v63  }
0x2aa: {  	s13 =	sadd.s32 $0xEF30, s14;
	s31 =	sadd.s32 $0x60, s1;
	s14 =	sadd.s32 $0xEFB8, s14  }
0x2ab: {  	[hbm4b:s31+s4] =	stream.linear.scatter [tilespmem:s13], [sflag:$0xA], $0x80, $0x38;
	[tilespmem:$0x15200] =	vst v63  }
0x2ac: {  	s31 =	sadd.s32 $0x70, s1;
	s1 =	sadd.s32 $0x1000, s1;
	s13 =	smov.u32 s15  }
0x2ad: {  	[hbm4b:s31+s4] =	stream.linear.scatter [tilespmem:s14], [sflag:$0xA], $0x80, $0x38;
	[tilespmem:$0x15200] =	vst v63  }
0x2ae: {  	s13 =	sadd.s32 $0xEC00, s0  }
0x2af: {  	[hbm4b:s1+s4] =	stream.linear.scatter [tilespmem:s13], [sflag:$0xA], $0x80, $0x38;
	[tilespmem:$0x15200] =	vst v63  }
0x2b0: {  	s14 =	sadd.s32 $0xEC88, s0;
	s15 =	sadd.s32 $0x10, s1  }
0x2b1: {  	[hbm4b:s15+s4] =	stream.linear.scatter [tilespmem:s14], [sflag:$0xA], $0x80, $0x38;
	[tilespmem:$0x15200] =	vst v63  }
0x2b2: {  	s14 =	sadd.s32 $0xED10, s0;
	s15 =	sadd.s32 $0x20, s1  }
0x2b3: {  	[hbm4b:s15+s4] =	stream.linear.scatter [tilespmem:s14], [sflag:$0xA], $0x80, $0x38;
	[tilespmem:$0x15200] =	vst v63  }
0x2b4: {  	s14 =	sadd.s32 $0xED98, s0;
	s15 =	sadd.s32 $0x30, s1  }
0x2b5: {  	[hbm4b:s15+s4] =	stream.linear.scatter [tilespmem:s14], [sflag:$0xA], $0x80, $0x38;
	[tilespmem:$0x15200] =	vst v63  }
0x2b6: {  	s14 =	sadd.s32 $0xEE20, s0;
	s15 =	sadd.s32 $0x40, s1  }
0x2b7: {  	[hbm4b:s15+s4] =	stream.linear.scatter [tilespmem:s14], [sflag:$0xA], $0x80, $0x38;
	[tilespmem:$0x15200] =	vst v63  }
0x2b8: {  	s14 =	sadd.s32 $0xEEA8, s0;
	s15 =	sadd.s32 $0x50, s1  }
0x2b9: {  	[hbm4b:s15+s4] =	stream.linear.scatter [tilespmem:s14], [sflag:$0xA], $0x80, $0x38;
	[tilespmem:$0x15200] =	vst v63  }
0x2ba: {  	s14 =	sadd.s32 $0xEF30, s0;
	s15 =	sadd.s32 $0x60, s1  }
0x2bb: {  	[hbm4b:s15+s4] =	stream.linear.scatter [tilespmem:s14], [sflag:$0xA], $0x80, $0x38;
	[tilespmem:$0x15200] =	vst v63  }
0x2bc: {  	s15 =	sadd.s32 $0xEFB8, s0;
	s0 =	sadd.s32 @!p2 $0x6, s7  }
0x2bd: {  	s13 =	sadd.s32 $0x70, s1;
	s1 =	sand.u32 @!p2 $0x7, s0  }
0x2be: {  	[hbm4b:s13+s4] =	stream.linear.scatter [tilespmem:s15], [sflag:$0xA], $0x80, $0x38;
	[tilespmem:$0x15200] =	vst v63  }
0x2bf: {  	p3 =	sne.s32 @!p2 s1, $0x0  }
0x2c0: {  	s0 =	sand.u32 @!p2 $0x8, s0;
	p4 =	por p3, p2  }
0x2c1: {  	p5 =	seq.s32 @!p4 s0, $0x0  }
0x2c2: {  	p3 =	por @!p2 !p5, p3  }
0x2c3: {  	s13 =	simm.s32 @!p4 $0x1;
	p3 =	por !p3, p2  }
0x2c4: {  	s13 =	simm.s32 @!p3 $0x2  }
0x2c5: {  	s1 =	sshll.u32 @!p2 s1, $0x7;
	s0 =	sshll.u32 @!p2 s0, $0x7;
	_ =	swait.ge @!p4 [sflag:s13], $0x400  }
0x2c6: {  	s0 =	sadd.s32 @!p2 s1, s0;
	[sflag:s13] =	ssyncset.done @!p4 $0x0  }
0x2c7: {  	s1 =	simm.s32 @!p2 $0x80;
	[sflag:s13] =	ssyncadd.s32 @!p4 $0xFFFFFC00;
	s13 =	simm.s32 @!p2 $0x2800  }
0x2c8: {  	[tilespmem:s13], [sflag:$0x4] =	stream.indirect.gather @!p2 [hbm4b:s5+s1], $0x40, s0, s1, $0xb8;
	[tilespmem:$0x15200] =	vst v63  }
0x2c9: {  	s13 =	sadd.s32 $0x3, s7  }
0x2ca: {  	s31 =	sand.u32 $0x7, s13  }
0x2cb: {  	p3 =	sne.s32 @!p1 s31, $0x7  }
0x2cc: {  	s1 =	sshrl.u32 s13, $0x3;
	p1 =	por p1, p3  }
0x2cd: {  	s0 =	sadd.s32 @!p1 s6, s1  }
0x2ce: {  	_ =	swait.ge [sflag:s26], $0x2000;
	s14 =	sand.u32 @!p1 $0x1, s1;
	s0 =	sshll.u32 @!p1 s0, $0x7  }
0x2cf: {  	[sflag:s26] =	ssyncset.done $0x0;
	p3 =	seq.s32 @!p1 s14, $0x1;
	s0 =	sadd.s32 @!p1 $0x100, s0  }
0x2d0: {  	[sflag:s26] =	ssyncadd.s32 $0xFFFFE000;
	p4 =	por p3, p1;
	s0 =	sand.u32 @!p1 $0xFFFFF80, s0  }
0x2d1: {  	s14 =	simm.s32 @!p4 $0x0;
	s13 =	sand.u32 @!p4 $0x8, s13;
	s0 =	sadd.s32 @!p1 s2, s0  }
0x2d2: {  	[tilespmem:s14], [sflag:$0x1] =	stream.linear.gather @!p4 [hbm4b:s0+s14], $0x400, $0x38;
	[tilespmem:$0x15200] =	vst v63  }
0x2d3: {  	p4 =	seq.s32 @!p4 s13, $0x0;
	s14 =	simm.s32 $0x0  }
0x2d4: {  	p3 =	por @!p1 p3, !p4;
	v0 =	vmov s14;
	s14 =	simm.s32 $0x3  }
0x2d5: {  	p1 =	por p1, !p3;
	v4 =	vmov s14;
	s14 =	simm.s32 @!p0 $0xB  }
0x2d6: {  	[tilespmem:s10], [sflag:$0x2] =	stream.linear.gather @!p1 [hbm4b:s0+s4], $0x400, $0x38;
	[tilespmem:$0x15200] =	vst v63  }
0x2d7: {  	s13 =	simm.s32 $0x2;
	_ =	swait.ge @!p0 [sflag:s14], $0x2000  }
0x2d8: {  	v3 =	vmov s13;
	s13 =	simm.s32 $0x5;
	v22 =	vld [tilespmem:$0x1FFD0]  }
0x2d9: {  	v33 =	vmov s13;
	s13 =	simm.s32 $0x7;
	v4 =	vshrl.u32 v4, $0x3;
	v6 =	vld [tilespmem:$0x1FE10]  }
0x2da: {  	v35 =	vmov s13;
	v4 =	vshll.u32 v4, v1;
	v10 =	vld [tilespmem:$0x1FE50]  }
0x2db: {  	s15 =	simm.s32 $0x1;
	v0 =	vshrl.u32 v0, $0x3;
	v35 =	vshrl.u32 v35, $0x3;
	[sflag:s14] =	ssyncset.done @!p0 $0x0;
	v36 =	vbroadcast v4, $0x0;
	v4 =	vld [tilespmem:$0x1FE90]  }
0x2dc: {  	v2 =	vmov s15;
	v0 =	vshll.u32 v0, v1;
	s0 =	simm.s32 $0x69F0;
	v35 =	vshll.u32 v35, v1;
	v7 =	vld [tilespmem:$0x1FED0];
	[sflag:s14] =	ssyncadd.s32 @!p0 $0xFFFFE000  }
0x2dd: {  	v2 =	vshrl.u32 v2, $0x3;
	v39 =	vbroadcast v0, $0x0;
	v41 =	vbroadcast v35, $0x0;
	v0 =	vld [tilespmem:s0+$0xFFFFFFD0]  }
0x2de: {  	s15 =	simm.s32 $0x4;
	v2 =	vshll.u32 v2, v1;
	v38 =	vld [tilespmem:s0+$0xFFFFFE10]  }
0x2df: {  	v5 =	vmov s15;
	v40 =	vbroadcast v2, $0x0;
	v42 =	vld [tilespmem:s0+$0xFFFFFE50];
	v2 =	vadd.s32 v22, v41  }
0x2e0: {  	v5 =	vshrl.u32 v5, $0x3;
	v3 =	vshrl.u32 v3, $0x3;
	v44 =	vld [tilespmem:s0+$0xFFFFFE90];
	v43 =	vadd.s32 v6, v39  }
0x2e1: {  	v5 =	vshll.u32 v5, v1;
	v3 =	vshll.u32 v3, v1;
	v46 =	vld [tilespmem:s0+$0xFFFFFED0]  }
0x2e2: {  	s15 =	simm.s32 $0x6;
	v37 =	vbroadcast v3, $0x0;
	v47 =	vld [tilespmem:s0+$0xFFFFFF10];
	v45 =	vadd.s32 v10, v40;
	v0 =	vmul.f32 $8.000000000e+00, v0  }
0x2e3: {  	v34 =	vmov s15;
	v35 =	vbroadcast v5, $0x0;
	v48 =	vld [tilespmem:s0+$0xFFFFFF50];
	v5 =	vmul.f32 $8.000000000e+00, v38  }
0x2e4: {  	v34 =	vshrl.u32 v34, $0x3;
	v4 =	vadd.s32 v4, v37;
	v56 =	vadd.s32 v7, v36;
	v7 =	vld [tilespmem:$0x1FF10];
	[tilespmem:v2+s28+$0x0] =	vst.idx.msk $0xffff, v0  }
0x2e5: {  	v3 =	vshll.u32 v34, v1;
	v50 =	vld [tilespmem:s0+$0xFFFFFF90];
	v42 =	vmul.f32 $8.000000000e+00, v42;
	[tilespmem:v43+s28+$0x0] =	vst.idx.msk $0xffff, v5  }
0x2e6: {  	v34 =	vbroadcast v3, $0x0;
	v3 =	vld [tilespmem:$0x1FF50]  }
0x2e7: {  	v33 =	vshrl.u32 v33, $0x3;
	v2 =	vmul.f32 $8.000000000e+00, v44;
	v5 =	vld [tilespmem:s0+$0xFFFFFFE0];
	[tilespmem:v45+s28+$0x0] =	vst.idx.msk $0xffff, v42  }
0x2e8: {  	v33 =	vshll.u32 v33, v1;
	v30 =	vld [tilespmem:$0x1FF90]  }
0x2e9: {  	v33 =	vbroadcast v33, $0x0;
	v57 =	vmul.f32 $8.000000000e+00, v46;
	v49 =	vadd.s32 v7, v35;
	v43 =	vld [tilespmem:s0+$0xFFFFFE20];
	[tilespmem:v4+s28+$0x0] =	vst.idx.msk $0xffff, v2  }
0x2ea: {  	v7 =	vld [tilespmem:$0x1FE20]  }
0x2eb: {  	v59 =	vld [tilespmem:s0+$0xFFFFFE60];
	[tilespmem:v56+s28+$0x0] =	vst.idx.msk $0xffff, v57;
	v3 =	vadd.s32 v3, v33  }
0x2ec: {  	v2 =	vmul.f32 $8.000000000e+00, v47;
	v11 =	vld [tilespmem:$0x1FE60]  }
0x2ed: {  	v52 =	vld [tilespmem:s0+$0xFFFFFEA0];
	v58 =	vadd.s32 v30, v34  }
0x2ee: {  	v60 =	vmul.f32 $8.000000000e+00, v48;
	v4 =	vadd.s32 v63, v41;
	v53 =	vld [tilespmem:s0+$0xFFFFFEE0];
	[tilespmem:v49+s28+$0x0] =	vst.idx.msk $0xffff, v2  }
0x2ef: {  	v15 =	vld [tilespmem:$0x1FEA0];
	v51 =	vadd.s32 v7, v39  }
0x2f0: {  	v2 =	vmul.f32 $8.000000000e+00, v50;
	v54 =	vld [tilespmem:s0+$0xFFFFFF20];
	[tilespmem:v3+s28+$0x0] =	vst.idx.msk $0xffff, v60  }
0x2f1: {  	v48 =	vadd.s32 v11, v40;
	v3 =	vmul.f32 $8.000000000e+00, v5;
	v19 =	vld [tilespmem:$0x1FEE0]  }
0x2f2: {  	v61 =	vmul.f32 $8.000000000e+00, v43;
	v55 =	vld [tilespmem:s0+$0xFFFFFF60];
	[tilespmem:v58+s28+$0x0] =	vst.idx.msk $0xffff, v2  }
0x2f3: {  	v23 =	vld [tilespmem:$0x1FF20];
	[tilespmem:v4+s28+$0x0] =	vst.idx.msk $0xffff, v3  }
0x2f4: {  	v32 =	vmul.f32 $8.000000000e+00, v59;
	v50 =	vadd.s32 v15, v37;
	v56 =	vld [tilespmem:s0+$0xFFFFFFA0];
	[tilespmem:v51+s28+$0x0] =	vst.idx.msk $0xffff, v61  }
0x2f5: {  	v27 =	vld [tilespmem:$0x1FF60]  }
0x2f6: {  	s15 =	simm.s32 $0x8;
	v60 =	vld [tilespmem:s0+$0xFFFFFFF0];
	[tilespmem:v48+s28+$0x0] =	vst.idx.msk $0xffff, v32;
	v62 =	vadd.s32 v19, v36  }
0x2f7: {  	v0 =	vmov s15;
	s15 =	simm.s32 $0xA;
	v3 =	vmul.f32 $8.000000000e+00, v52;
	v31 =	vld [tilespmem:$0x1FFA0]  }
0x2f8: {  	v47 =	vmov s15;
	v51 =	vld [tilespmem:s0+$0xFFFFFE30];
	v46 =	vadd.s32 v23, v35  }
0x2f9: {  	v61 =	vmul.f32 $8.000000000e+00, v53;
	v52 =	vshrl.u32 v47, $0x3;
	v47 =	vld [tilespmem:s0+$0xFFFFFE70];
	[tilespmem:v50+s28+$0x0] =	vst.idx.msk $0xffff, v3  }
0x2fa: {  	v8 =	vld [tilespmem:$0x1FE30];
	v4 =	vadd.s32 v27, v33  }
0x2fb: {  	v3 =	vmul.f32 $8.000000000e+00, v54;
	v57 =	vld [tilespmem:s0+$0xFFFFFEB0];
	[tilespmem:v62+s28+$0x0] =	vst.idx.msk $0xffff, v61  }
0x2fc: {  	v48 =	vadd.s32 v31, v34;
	v12 =	vld [tilespmem:$0x1FE70]  }
0x2fd: {  	v62 =	vmul.f32 $8.000000000e+00, v55;
	v58 =	vld [tilespmem:s0+$0xFFFFFEF0];
	[tilespmem:v46+s28+$0x0] =	vst.idx.msk $0xffff, v3  }
0x2fe: {  	s14 =	simm.s32 $0x9;
	v50 =	vadd.s32 v9, v41;
	v16 =	vld [tilespmem:$0x1FEB0]  }
0x2ff: {  	v45 =	vmov s14;
	s14 =	simm.s32 $0xB;
	s15 =	simm.s32 $0xC;
	v54 =	vadd.s32 v8, v39;
	v3 =	vmul.f32 $8.000000000e+00, v56;
	v59 =	vld [tilespmem:s0+$0xFFFFFF30];
	[tilespmem:v4+s28+$0x0] =	vst.idx.msk $0xffff, v62  }
0x300: {  	v0 =	vshrl.u32 v0, $0x3;
	v42 =	vmov s14;
	v49 =	vmov s15;
	s15 =	simm.s32 $0xE;
	v20 =	vld [tilespmem:$0x1FEF0]  }
0x301: {  	v2 =	vmov s15;
	v4 =	vmul.f32 $8.000000000e+00, v60;
	v61 =	vld [tilespmem:s0+$0xFFFFFF70];
	[tilespmem:v48+s28+$0x0] =	vst.idx.msk $0xffff, v3;
	v32 =	vadd.s32 v12, v40  }
0x302: {  	v53 =	vshrl.u32 v42, $0x3;
	v42 =	vshrl.u32 v2, $0x3;
	v2 =	vmul.f32 $8.000000000e+00, v51;
	v24 =	vld [tilespmem:$0x1FF30]  }
0x303: {  	v0 =	vshll.u32 v0, v1;
	v62 =	vld [tilespmem:s0+$0xFFFFFFB0];
	[tilespmem:v50+s28+$0x0] =	vst.idx.msk $0xffff, v4;
	v46 =	vadd.s32 v16, v37  }
0x304: {  	v38 =	vbroadcast v0, $0x0;
	v0 =	vmul.f32 $8.000000000e+00, v47;
	[tilespmem:v54+s28+$0x0] =	vst.idx.msk $0xffff, v2;
	v56 =	vld [tilespmem:s0+$0x0]  }
0x305: {  	v28 =	vld [tilespmem:$0x1FF70]  }
0x306: {  	v2 =	vmul.f32 $8.000000000e+00, v57;
	v50 =	vld [tilespmem:s0+$0xFFFFFE40];
	v60 =	vadd.s32 v20, v36;
	[tilespmem:v32+s28+$0x0] =	vst.idx.msk $0xffff, v0  }
0x307: {  	v32 =	vld [tilespmem:$0x1FFB0]  }
0x308: {  	v44 =	vshll.u32 v52, v1;
	v3 =	vadd.s32 v24, v35;
	v52 =	vld [tilespmem:s0+$0xFFFFFE80];
	[tilespmem:v46+s28+$0x0] =	vst.idx.msk $0xffff, v2  }
0x309: {  	v0 =	vmul.f32 $8.000000000e+00, v58;
	v4 =	vld [tilespmem:$0x1FFE0]  }
0x30a: {  	v26 =	vld [tilespmem:$0x1FE40]  }
0x30b: {  	v43 =	vshrl.u32 v49, $0x3;
	v2 =	vmul.f32 $8.000000000e+00, v59;
	v49 =	vld [tilespmem:s0+$0xFFFFFEC0];
	[tilespmem:v60+s28+$0x0] =	vst.idx.msk $0xffff, v0  }
0x30c: {  	v13 =	vld [tilespmem:$0x1FE80]  }
0x30d: {  	s14 =	simm.s32 $0xD;
	v54 =	vld [tilespmem:s0+$0xFFFFFF00];
	[tilespmem:v3+s28+$0x0] =	vst.idx.msk $0xffff, v2  }
0x30e: {  	v45 =	vshrl.u32 v45, $0x3;
	v5 =	vmov s14;
	v17 =	vld [tilespmem:$0x1FEC0]  }
0x30f: {  	v5 =	vshrl.u32 v5, $0x3;
	v47 =	vshll.u32 v45, v1;
	v55 =	vadd.s32 v28, v33;
	v21 =	vld [tilespmem:$0x1FF00]  }
0x310: {  	v45 =	vshll.u32 v53, v1;
	v46 =	vshll.u32 v43, v1;
	v25 =	vld [tilespmem:$0x1FF40];
	v51 =	vadd.s32 v32, v34  }
0x311: {  	v43 =	vshll.u32 v5, v1;
	v29 =	vld [tilespmem:$0x1FF80];
	v53 =	vadd.s32 v4, v41;
	v48 =	vadd.s32 v26, v39  }
0x312: {  	s13 =	simm.s32 $0x10;
	s14 =	simm.s32 $0xF;
	v18 =	vld [tilespmem:$0x1FFC0];
	v39 =	vmul.f32 $8.000000000e+00, v61;
	v41 =	vadd.s32 v13, v40;
	v40 =	vmul.f32 $8.000000000e+00, v62  }
.LBB2_15:
0x313: {  	v0 =	vmov s14;
	v2 =	vadd.s32 v17, v37  }
0x314: {  	v3 =	vld [tilespmem:s0+$0xFFFFFF40];
	[tilespmem:v55+s28+$0x0] =	vst.idx.msk $0xffff, v39;
	v0 =	vshrl.u32 v0, $0x3;
	v5 =	vmul.f32 $8.000000000e+00, v50  }
0x315: {  	[tilespmem:v51+s28+$0x0] =	vst.idx.msk $0xffff, v40;
	v55 =	vld [tilespmem:s0+$0xFFFFFF80];
	v0 =	vshll.u32 v0, v1  }
0x316: {  	v36 =	vadd.s32 v21, v36;
	v57 =	vld [tilespmem:s0+$0xFFFFFFC0];
	s0 =	sadd.s32 $0x200, s0;
	v40 =	vbroadcast v0, $0x0;
	v0 =	vmul.f32 $8.000000000e+00, v49;
	[tilespmem:v48+s28+$0x0] =	vst.idx.msk $0xffff, v5  }
0x317: {  	v4 =	vmul.f32 $8.000000000e+00, v56;
	v5 =	vadd.s32 v29, v33;
	v58 =	vld [tilespmem:s0+$0xFFFFFE10]  }
0x318: {  	v35 =	vadd.s32 v25, v35;
	v39 =	vmov v38;
	v56 =	vmul.f32 $8.000000000e+00, v52;
	v52 =	vld [tilespmem:$0x1FE90];
	[tilespmem:v2+s28+$0x0] =	vst.idx.msk $0xffff, v0  }
0x319: {  	v59 =	vmul.f32 $8.000000000e+00, v54;
	[tilespmem:v53+s28+$0x0] =	vst.idx.msk $0xffff, v4;
	v0 =	vmul.f32 $8.000000000e+00, v3;
	v2 =	vadd.s32 v6, v39;
	v3 =	vld [tilespmem:s0+$0xFFFFFE90]  }
0x31a: {  	[tilespmem:v41+s28+$0x0] =	vst.idx.msk $0xffff, v56;
	v4 =	vld [tilespmem:s0+$0xFFFFFFD0];
	v38 =	vmul.f32 $8.000000000e+00, v55  }
0x31b: {  	[tilespmem:v36+s28+$0x0] =	vst.idx.msk $0xffff, v59;
	v60 =	vld [tilespmem:s0+$0xFFFFFE50]  }
0x31c: {  	v34 =	vadd.s32 v18, v34;
	v55 =	vld [tilespmem:$0x1FED0];
	[tilespmem:v5+s28+$0x0] =	vst.idx.msk $0xffff, v38;
	v5 =	vmul.f32 $8.000000000e+00, v58  }
0x31d: {  	v61 =	vadd.s32 v22, v40;
	v41 =	vbroadcast v47, $0x0;
	[tilespmem:v35+s28+$0x0] =	vst.idx.msk $0xffff, v0;
	v0 =	vmul.f32 $8.000000000e+00, v57;
	v57 =	vld [tilespmem:$0x1FF10]  }
0x31e: {  	v37 =	vbroadcast v44, $0x0;
	[tilespmem:v2+s28+$0x0] =	vst.idx.msk $0xffff, v5;
	v2 =	vmul.f32 $8.000000000e+00, v3;
	v3 =	vld [tilespmem:$0x1FF50]  }
0x31f: {  	v36 =	vbroadcast v45, $0x0;
	v48 =	vld [tilespmem:s0+$0xFFFFFED0];
	v62 =	vadd.s32 v10, v41  }
0x320: {  	v35 =	vbroadcast v46, $0x0;
	v53 =	vadd.s32 v52, v37;
	v54 =	vld [tilespmem:s0+$0xFFFFFF10];
	v4 =	vmul.f32 $8.000000000e+00, v4  }
0x321: {  	v42 =	vshll.u32 v42, v1;
	v33 =	vbroadcast v43, $0x0;
	[tilespmem:v34+s28+$0x0] =	vst.idx.msk $0xffff, v0;
	v38 =	vadd.s32 v55, v36;
	v56 =	vld [tilespmem:s0+$0xFFFFFF50]  }
0x322: {  	v34 =	vbroadcast v42, $0x0;
	v59 =	vld [tilespmem:s0+$0xFFFFFF90];
	v0 =	vmul.f32 $8.000000000e+00, v60;
	v58 =	vadd.s32 v57, v35;
	[tilespmem:v61+s28+$0x0] =	vst.idx.msk $0xffff, v4  }
0x323: {  	v5 =	vld [tilespmem:s0+$0xFFFFFFE0];
	v3 =	vadd.s32 v3, v33  }
0x324: {  	[tilespmem:v62+s28+$0x0] =	vst.idx.msk $0xffff, v0;
	v0 =	vmul.f32 $8.000000000e+00, v48;
	v61 =	vadd.s32 v30, v34;
	v60 =	vld [tilespmem:s0+$0xFFFFFE20]  }
0x325: {  	s15 =	sadd.s32 $0x1, s13;
	v51 =	vadd.s32 v7, v39;
	v45 =	vadd.s32 v63, v40;
	v62 =	vld [tilespmem:s0+$0xFFFFFE60];
	[tilespmem:v53+s28+$0x0] =	vst.idx.msk $0xffff, v2;
	v2 =	vmul.f32 $8.000000000e+00, v54  }
0x326: {  	v49 =	vadd.s32 v15, v37;
	v47 =	vmov s15;
	s15 =	sadd.s32 $0x2, s13;
	v52 =	vld [tilespmem:s0+$0xFFFFFEA0];
	[tilespmem:v38+s28+$0x0] =	vst.idx.msk $0xffff, v0;
	v0 =	vmul.f32 $8.000000000e+00, v56  }
0x327: {  	v50 =	vmov s15;
	v46 =	vadd.s32 v11, v41;
	v63 =	vld [tilespmem:s0+$0xFFFFFEE0];
	[tilespmem:v58+s28+$0x0] =	vst.idx.msk $0xffff, v2;
	v2 =	vmul.f32 $8.000000000e+00, v59  }
0x328: {  	v47 =	vshrl.u32 v47, $0x3;
	v50 =	vshrl.u32 v50, $0x3;
	v54 =	vld [tilespmem:s0+$0xFFFFFF20];
	[tilespmem:v3+s28+$0x0] =	vst.idx.msk $0xffff, v0;
	v0 =	vmul.f32 $8.000000000e+00, v5  }
0x329: {  	v42 =	vadd.s32 v19, v36;
	v4 =	vmov s13;
	[tilespmem:v61+s28+$0x0] =	vst.idx.msk $0xffff, v2;
	v5 =	vmul.f32 $8.000000000e+00, v60;
	v55 =	vld [tilespmem:s0+$0xFFFFFF60]  }
0x32a: {  	v4 =	vshrl.u32 v4, $0x3;
	v61 =	vadd.s32 v23, v35;
	v60 =	vmul.f32 $8.000000000e+00, v62;
	v62 =	vld [tilespmem:s0+$0xFFFFFFA0];
	[tilespmem:v45+s28+$0x0] =	vst.idx.msk $0xffff, v0  }
0x32b: {  	v0 =	vshll.u32 v4, v1;
	[tilespmem:v51+s28+$0x0] =	vst.idx.msk $0xffff, v5;
	v4 =	vmul.f32 $8.000000000e+00, v52;
	v5 =	vadd.s32 v27, v33;
	v45 =	vld [tilespmem:s0+$0xFFFFFFF0]  }
0x32c: {  	s15 =	sadd.s32 $0x3, s13;
	v47 =	vshll.u32 v47, v1;
	v63 =	vmul.f32 $8.000000000e+00, v63;
	[tilespmem:v46+s28+$0x0] =	vst.idx.msk $0xffff, v60;
	v46 =	vadd.s32 v31, v34;
	v51 =	vld [tilespmem:s0+$0xFFFFFE30]  }
0x32d: {  	v38 =	vmov s15;
	s15 =	sadd.s32 $0x4, s13;
	v52 =	vld [tilespmem:s0+$0xFFFFFE70];
	[tilespmem:v49+s28+$0x0] =	vst.idx.msk $0xffff, v4;
	v4 =	vmul.f32 $8.000000000e+00, v54;
	v49 =	vadd.s32 v9, v40  }
0x32e: {  	v43 =	vmov s15;
	s15 =	sadd.s32 $0x5, s13;
	[tilespmem:v42+s28+$0x0] =	vst.idx.msk $0xffff, v63;
	v54 =	vadd.s32 v8, v39;
	v57 =	vld [tilespmem:s0+$0xFFFFFEB0];
	v55 =	vmul.f32 $8.000000000e+00, v55  }
0x32f: {  	v44 =	vshll.u32 v50, v1;
	v3 =	vmov s15;
	s15 =	sadd.s32 $0x6, s13;
	v59 =	vld [tilespmem:s0+$0xFFFFFEF0];
	[tilespmem:v61+s28+$0x0] =	vst.idx.msk $0xffff, v4;
	v4 =	vmul.f32 $8.000000000e+00, v62  }
0x330: {  	v58 =	vadd.s32 v12, v41;
	v2 =	vmov s15;
	v60 =	vld [tilespmem:s0+$0xFFFFFF30];
	[tilespmem:v5+s28+$0x0] =	vst.idx.msk $0xffff, v55;
	v5 =	vmul.f32 $8.000000000e+00, v45  }
0x331: {  	v48 =	vadd.s32 v16, v37;
	v42 =	vshrl.u32 v2, $0x3;
	v2 =	vmul.f32 $8.000000000e+00, v51;
	[tilespmem:v46+s28+$0x0] =	vst.idx.msk $0xffff, v4;
	v62 =	vld [tilespmem:s0+$0xFFFFFF70]  }
0x332: {  	v53 =	vshrl.u32 v38, $0x3;
	v38 =	vbroadcast v0, $0x0;
	v61 =	vadd.s32 v20, v36;
	v63 =	vld [tilespmem:s0+$0xFFFFFFB0];
	[tilespmem:v49+s28+$0x0] =	vst.idx.msk $0xffff, v5  }
0x333: {  	p1 =	slt.u32 s13, $0x78;
	v0 =	vmul.f32 $8.000000000e+00, v52;
	v4 =	vadd.s32 v24, v35;
	[tilespmem:v54+s28+$0x0] =	vst.idx.msk $0xffff, v2;
	v2 =	vmul.f32 $8.000000000e+00, v57;
	v57 =	vld [tilespmem:$0x1FFE0]  }
.Ltmp8:
0x334: {  	v41 =	vadd.s32 v13, v41;
	v43 =	vshrl.u32 v43, $0x3;
	v3 =	vshrl.u32 v3, $0x3;
	v56 =	vld [tilespmem:s0+$0x0];
	(pc) =	sbr.rel @p1 .LBB2_15-.Ltmp8, $4  }
0x335: {  	v55 =	vadd.s32 v28, v33;
	v51 =	vadd.s32 v32, v34;
	[tilespmem:v58+s28+$0x0] =	vst.idx.msk $0xffff, v0;
	v0 =	vmul.f32 $8.000000000e+00, v59;
	v50 =	vld [tilespmem:s0+$0xFFFFFE40]  }
0x336: {  	v45 =	vshll.u32 v53, v1;
	v46 =	vshll.u32 v43, v1;
	v52 =	vld [tilespmem:s0+$0xFFFFFE80];
	[tilespmem:v48+s28+$0x0] =	vst.idx.msk $0xffff, v2;
	v2 =	vmul.f32 $8.000000000e+00, v60  }
0x337: {  	v43 =	vshll.u32 v3, v1;
	v48 =	vadd.s32 v26, v39;
	[tilespmem:v61+s28+$0x0] =	vst.idx.msk $0xffff, v0;
	v49 =	vld [tilespmem:s0+$0xFFFFFEC0]  }
0x338: {  	s14 =	sadd.s32 $0x7, s13;
	s13 =	sadd.s32 $0x8, s13;
	v54 =	vld [tilespmem:s0+$0xFFFFFF00];
	v39 =	vmul.f32 $8.000000000e+00, v62;
	[tilespmem:v4+s28+$0x0] =	vst.idx.msk $0xffff, v2;
	v53 =	vadd.s32 v57, v40;
	v40 =	vmul.f32 $8.000000000e+00, v63;
	v63 =	vmovc v14  }
0x339: {  	_ =	sdelay $0x3  }
0x33a: {  	v0 =	vmov s14;
	v2 =	vadd.s32 v17, v37;
	v3 =	vld [tilespmem:s0+$0xFFFFFF40];
	v4 =	vmul.f32 $8.000000000e+00, v56;
	[tilespmem:v55+s28+$0x0] =	vst.idx.msk $0xffff, v39  }
0x33b: {  	v36 =	vadd.s32 v21, v36;
	v0 =	vshrl.u32 v0, $0x3;
	v5 =	vmul.f32 $8.000000000e+00, v50;
	[tilespmem:v51+s28+$0x0] =	vst.idx.msk $0xffff, v40;
	v55 =	vld [tilespmem:s0+$0xFFFFFF80]  }
0x33c: {  	v35 =	vadd.s32 v25, v35;
	s14 =	sadd.s32 $0x200, s0;
	v0 =	vshll.u32 v0, v1;
	v56 =	vmul.f32 $8.000000000e+00, v52;
	v40 =	vld [tilespmem:s0+$0xFFFFFFC0];
	[tilespmem:v53+s28+$0x0] =	vst.idx.msk $0xffff, v4  }
0x33d: {  	v33 =	vadd.s32 v29, v33;
	v58 =	vld [tilespmem:s14+$0xFFFFFFD0];
	v0 =	vbroadcast v0, $0x0;
	[tilespmem:v48+s28+$0x0] =	vst.idx.msk $0xffff, v5;
	v59 =	vmul.f32 $8.000000000e+00, v49  }
0x33e: {  	v34 =	vadd.s32 v18, v34;
	v60 =	vld [tilespmem:s14+$0xFFFFFE10];
	[tilespmem:v41+s28+$0x0] =	vst.idx.msk $0xffff, v56;
	v61 =	vmul.f32 $8.000000000e+00, v54  }
0x33f: {  	v49 =	vadd.s32 v22, v0;
	[tilespmem:v2+s28+$0x0] =	vst.idx.msk $0xffff, v59;
	v2 =	vmul.f32 $8.000000000e+00, v3  }
0x340: {  	v3 =	vadd.s32 v6, v38;
	[tilespmem:v36+s28+$0x0] =	vst.idx.msk $0xffff, v61;
	v51 =	vmul.f32 $8.000000000e+00, v55  }
0x341: {  	v62 =	vld [tilespmem:s14+$0xFFFFFE50];
	[tilespmem:v35+s28+$0x0] =	vst.idx.msk $0xffff, v2;
	v2 =	vmul.f32 $8.000000000e+00, v40  }
0x342: {  	v4 =	vmul.f32 $8.000000000e+00, v58;
	v53 =	vld [tilespmem:$0x1FE90];
	[tilespmem:v33+s28+$0x0] =	vst.idx.msk $0xffff, v51  }
0x343: {  	v55 =	vmul.f32 $8.000000000e+00, v60;
	v56 =	vld [tilespmem:$0x1FED0];
	[tilespmem:v34+s28+$0x0] =	vst.idx.msk $0xffff, v2  }
0x344: {  	v60 =	vld [tilespmem:$0x1FF10];
	[tilespmem:v49+s28+$0x0] =	vst.idx.msk $0xffff, v4  }
0x345: {  	v47 =	vbroadcast v47, $0x0;
	v22 =	vld [tilespmem:s14+$0xFFFFFE90];
	[tilespmem:v3+s28+$0x0] =	vst.idx.msk $0xffff, v55  }
0x346: {  	v44 =	vbroadcast v44, $0x0;
	v4 =	vld [tilespmem:$0x1FF50]  }
0x347: {  	v45 =	vbroadcast v45, $0x0;
	v37 =	vadd.s32 v10, v47;
	v52 =	vld [tilespmem:s14+$0xFFFFFED0]  }
0x348: {  	v46 =	vbroadcast v46, $0x0;
	v54 =	vld [tilespmem:s14+$0xFFFFFF10];
	v35 =	vadd.s32 v53, v44  }
0x349: {  	v42 =	vshll.u32 v42, v1;
	v43 =	vbroadcast v43, $0x0;
	v59 =	vld [tilespmem:s14+$0xFFFFFF50];
	v58 =	vadd.s32 v56, v45  }
0x34a: {  	v42 =	vbroadcast v42, $0x0;
	v2 =	vmul.f32 $8.000000000e+00, v62;
	v62 =	vld [tilespmem:s14+$0xFFFFFF90];
	v61 =	vadd.s32 v60, v46  }
0x34b: {  	v3 =	vmul.f32 $8.000000000e+00, v22;
	v33 =	vld [tilespmem:s14+$0xFFFFFE20];
	v4 =	vadd.s32 v4, v43  }
0x34c: {  	v22 =	vld [tilespmem:s14+$0xFFFFFFE0];
	[tilespmem:v37+s28+$0x0] =	vst.idx.msk $0xffff, v2;
	v2 =	vmul.f32 $8.000000000e+00, v52;
	v52 =	vadd.s32 v30, v42  }
0x34d: {  	v55 =	vadd.s32 v7, v38;
	v53 =	vld [tilespmem:s14+$0xFFFFFE60];
	[tilespmem:v35+s28+$0x0] =	vst.idx.msk $0xffff, v3;
	v3 =	vmul.f32 $8.000000000e+00, v54  }
0x34e: {  	v54 =	vadd.s32 v63, v0;
	v56 =	vld [tilespmem:s14+$0xFFFFFEA0];
	[tilespmem:v58+s28+$0x0] =	vst.idx.msk $0xffff, v2;
	v2 =	vmul.f32 $8.000000000e+00, v59  }
0x34f: {  	v58 =	vadd.s32 v11, v47;
	v59 =	vld [tilespmem:s14+$0xFFFFFEE0];
	[tilespmem:v61+s28+$0x0] =	vst.idx.msk $0xffff, v3;
	v3 =	vmul.f32 $8.000000000e+00, v62  }
0x350: {  	v60 =	vadd.s32 v15, v44;
	v62 =	vmul.f32 $8.000000000e+00, v33;
	v61 =	vld [tilespmem:s14+$0xFFFFFF20];
	[tilespmem:v4+s28+$0x0] =	vst.idx.msk $0xffff, v2  }
0x351: {  	v19 =	vadd.s32 v19, v45;
	v2 =	vmul.f32 $8.000000000e+00, v22;
	v22 =	vld [tilespmem:s14+$0xFFFFFF60];
	[tilespmem:v52+s28+$0x0] =	vst.idx.msk $0xffff, v3  }
0x352: {  	v30 =	vadd.s32 v23, v46;
	v3 =	vmul.f32 $8.000000000e+00, v53;
	[tilespmem:v55+s28+$0x0] =	vst.idx.msk $0xffff, v62;
	v52 =	vld [tilespmem:s14+$0xFFFFFFA0]  }
0x353: {  	v53 =	vadd.s32 v27, v43;
	[tilespmem:v54+s28+$0x0] =	vst.idx.msk $0xffff, v2;
	v2 =	vmul.f32 $8.000000000e+00, v56;
	v40 =	vld [tilespmem:s14+$0xFFFFFE30]  }
0x354: {  	v54 =	vadd.s32 v31, v42;
	v35 =	vld [tilespmem:s14+$0xFFFFFFF0];
	[tilespmem:v58+s28+$0x0] =	vst.idx.msk $0xffff, v3;
	v3 =	vmul.f32 $8.000000000e+00, v59  }
0x355: {  	v58 =	vadd.s32 v8, v38;
	v55 =	vld [tilespmem:s14+$0xFFFFFE70];
	[tilespmem:v60+s28+$0x0] =	vst.idx.msk $0xffff, v2;
	v2 =	vmul.f32 $8.000000000e+00, v61  }
0x356: {  	v56 =	vadd.s32 v9, v0;
	v59 =	vld [tilespmem:s14+$0xFFFFFEB0];
	[tilespmem:v19+s28+$0x0] =	vst.idx.msk $0xffff, v3;
	v3 =	vmul.f32 $8.000000000e+00, v22  }
0x357: {  	v60 =	vadd.s32 v12, v47;
	v61 =	vld [tilespmem:s14+$0xFFFFFEF0];
	[tilespmem:v30+s28+$0x0] =	vst.idx.msk $0xffff, v2;
	v2 =	vmul.f32 $8.000000000e+00, v52  }
0x358: {  	v62 =	vadd.s32 v16, v44;
	v19 =	vmul.f32 $8.000000000e+00, v40;
	v16 =	vld [tilespmem:s14+$0xFFFFFF30];
	[tilespmem:v53+s28+$0x0] =	vst.idx.msk $0xffff, v3  }
0x359: {  	v22 =	vadd.s32 v20, v45;
	v3 =	vmul.f32 $8.000000000e+00, v35;
	v23 =	vld [tilespmem:s14+$0xFFFFFF70];
	[tilespmem:v54+s28+$0x0] =	vst.idx.msk $0xffff, v2  }
0x35a: {  	v27 =	vadd.s32 v24, v46;
	v2 =	vmul.f32 $8.000000000e+00, v55;
	[tilespmem:v58+s28+$0x0] =	vst.idx.msk $0xffff, v19;
	v30 =	vld [tilespmem:s14+$0xFFFFFFB0]  }
0x35b: {  	v31 =	vadd.s32 v28, v43;
	[tilespmem:v56+s28+$0x0] =	vst.idx.msk $0xffff, v3;
	v3 =	vmul.f32 $8.000000000e+00, v59;
	v41 =	vld [tilespmem:s14+$0xFFFFFE40]  }
0x35c: {  	v49 =	vadd.s32 v32, v42;
	v34 =	vld [tilespmem:s14+$0x0];
	[tilespmem:v60+s28+$0x0] =	vst.idx.msk $0xffff, v2;
	v2 =	vmul.f32 $8.000000000e+00, v61  }
0x35d: {  	v51 =	vadd.s32 v26, v38;
	v50 =	vld [tilespmem:s14+$0xFFFFFE80];
	[tilespmem:v62+s28+$0x0] =	vst.idx.msk $0xffff, v3;
	v3 =	vmul.f32 $8.000000000e+00, v16  }
0x35e: {  	v0 =	vadd.s32 v57, v0;
	v52 =	vld [tilespmem:s14+$0xFFFFFEC0];
	[tilespmem:v22+s28+$0x0] =	vst.idx.msk $0xffff, v2;
	v2 =	vmul.f32 $8.000000000e+00, v23  }
0x35f: {  	v53 =	vadd.s32 v13, v47;
	v54 =	vld [tilespmem:s14+$0xFFFFFF00];
	[tilespmem:v27+s28+$0x0] =	vst.idx.msk $0xffff, v3;
	v3 =	vmul.f32 $8.000000000e+00, v30  }
0x360: {  	v55 =	vadd.s32 v17, v44;
	v57 =	vmul.f32 $8.000000000e+00, v41;
	v56 =	vld [tilespmem:s14+$0xFFFFFF40];
	[tilespmem:v31+s28+$0x0] =	vst.idx.msk $0xffff, v2  }
0x361: {  	v58 =	vadd.s32 v21, v45;
	v2 =	vmul.f32 $8.000000000e+00, v34;
	v59 =	vld [tilespmem:s14+$0xFFFFFF80];
	[tilespmem:v49+s28+$0x0] =	vst.idx.msk $0xffff, v3  }
0x362: {  	v60 =	vadd.s32 v25, v46;
	v3 =	vmul.f32 $8.000000000e+00, v50;
	[tilespmem:v51+s28+$0x0] =	vst.idx.msk $0xffff, v57;
	v61 =	vld [tilespmem:s14+$0xFFFFFFC0]  }
0x363: {  	[tilespmem:v0+s28+$0x0] =	vst.idx.msk $0xffff, v2;
	v0 =	vmul.f32 $8.000000000e+00, v52;
	v2 =	vadd.s32 v29, v43  }
0x364: {  	v62 =	vadd.s32 v18, v42;
	[tilespmem:v53+s28+$0x0] =	vst.idx.msk $0xffff, v3;
	v3 =	vmul.f32 $8.000000000e+00, v54  }
0x365: {  	s15 =	sadd.s32 s6, s1;
	[tilespmem:v55+s28+$0x0] =	vst.idx.msk $0xffff, v0;
	v0 =	vmul.f32 $8.000000000e+00, v56  }
0x366: {  	s13 =	sshll.u32 s31, $0xF;
	s1 =	sshll.u32 s15, $0xD;
	[tilespmem:v58+s28+$0x0] =	vst.idx.msk $0xffff, v3;
	v3 =	vmul.f32 $8.000000000e+00, v59  }
0x367: {  	s13 =	sadd.s32 s3, s13;
	s1 =	sand.u32 $0xFFC0000, s1;
	s0 =	sshll.u32 s15, $0x7;
	[tilespmem:v60+s28+$0x0] =	vst.idx.msk $0xffff, v0;
	v0 =	vmul.f32 $8.000000000e+00, v61  }
0x368: {  	s0 =	sand.u32 $0xF80, s0;
	s1 =	sadd.s32 s1, s13;
	[tilespmem:v2+s28+$0x0] =	vst.idx.msk $0xffff, v3  }
0x369: {  	s13 =	simm.s32 $0x10E00;
	s1 =	sadd.s32 s0, s1;
	[tilespmem:v62+s28+$0x0] =	vst.idx.msk $0xffff, v0  }
0x36a: {  	[hbm4b:s1+s4] =	stream.linear.scatter [tilespmem:s13], [sflag:$0xB], $0x80, $0x38;
	[tilespmem:$0x15200] =	vst v63  }
0x36b: {  	s15 =	sadd.s32 $0x10, s1;
	s14 =	simm.s32 $0x10E88  }
0x36c: {  	[hbm4b:s15+s4] =	stream.linear.scatter [tilespmem:s14], [sflag:$0xB], $0x80, $0x38;
	[tilespmem:$0x15200] =	vst v63  }
0x36d: {  	s14 =	simm.s32 $0x10F10;
	s15 =	sadd.s32 $0x20, s1  }
0x36e: {  	[hbm4b:s15+s4] =	stream.linear.scatter [tilespmem:s14], [sflag:$0xB], $0x80, $0x38;
	[tilespmem:$0x15200] =	vst v63  }
0x36f: {  	s14 =	simm.s32 $0x10F98;
	s15 =	sadd.s32 $0x30, s1  }
0x370: {  	[hbm4b:s15+s4] =	stream.linear.scatter [tilespmem:s14], [sflag:$0xB], $0x80, $0x38;
	[tilespmem:$0x15200] =	vst v63  }
0x371: {  	s14 =	simm.s32 $0x11020;
	s15 =	sadd.s32 $0x40, s1  }
0x372: {  	[hbm4b:s15+s4] =	stream.linear.scatter [tilespmem:s14], [sflag:$0xB], $0x80, $0x38;
	[tilespmem:$0x15200] =	vst v63  }
0x373: {  	s0 =	simm.s32 $0x440;
	s14 =	simm.s32 $0x110A8;
	s15 =	sadd.s32 $0x50, s1  }
0x374: {  	[hbm4b:s15+s4] =	stream.linear.scatter [tilespmem:s14], [sflag:$0xB], $0x80, $0x38;
	[tilespmem:$0x15200] =	vst v63  }
0x375: {  	s31 =	sadd.s32 $0x70, s1;
	s14 =	simm.s32 $0x11130;
	s15 =	sadd.s32 $0x60, s1  }
0x376: {  	[hbm4b:s15+s4] =	stream.linear.scatter [tilespmem:s14], [sflag:$0xB], $0x80, $0x38;
	[tilespmem:$0x15200] =	vst v63  }
0x377: {  	s13 =	simm.s32 $0x2200;
	s1 =	sadd.s32 $0x1000, s1;
	s14 =	simm.s32 $0x111B8  }
.LBB2_17:
0x378: {  	[hbm4b:s31+s4] =	stream.linear.scatter [tilespmem:s14], [sflag:$0xB], $0x80, $0x38;
	[tilespmem:$0x15200] =	vst v63  }
0x379: {  	s14 =	smov.u32 s0;
	s0 =	smov.u32 s13  }
0x37a: {  	s15 =	sadd.s32 $0x1100, s13;
	s0 =	sshra.s32 s0, $0x2;
	s31 =	sadd.s32 $0x10E00, s14  }
0x37b: {  	[hbm4b:s1+s4] =	stream.linear.scatter [tilespmem:s31], [sflag:$0xB], $0x80, $0x38;
	[tilespmem:$0x15200] =	vst v63  }
0x37c: {  	p1 =	sne.s32 s13, $0x7700;
	s13 =	sadd.s32 $0x10E88, s14;
	s31 =	sadd.s32 $0x10, s1  }
0x37d: {  	[hbm4b:s31+s4] =	stream.linear.scatter [tilespmem:s13], [sflag:$0xB], $0x80, $0x38;
	[tilespmem:$0x15200] =	vst v63  }
0x37e: {  	s13 =	sadd.s32 $0x10F10, s14;
	s31 =	sadd.s32 $0x20, s1  }
0x37f: {  	[hbm4b:s31+s4] =	stream.linear.scatter [tilespmem:s13], [sflag:$0xB], $0x80, $0x38;
	[tilespmem:$0x15200] =	vst v63  }
0x380: {  	s13 =	sadd.s32 $0x10F98, s14;
	s31 =	sadd.s32 $0x30, s1  }
0x381: {  	[hbm4b:s31+s4] =	stream.linear.scatter [tilespmem:s13], [sflag:$0xB], $0x80, $0x38;
	[tilespmem:$0x15200] =	vst v63  }
0x382: {  	s13 =	sadd.s32 $0x11020, s14;
	s31 =	sadd.s32 $0x40, s1  }
0x383: {  	[hbm4b:s31+s4] =	stream.linear.scatter [tilespmem:s13], [sflag:$0xB], $0x80, $0x38;
	[tilespmem:$0x15200] =	vst v63  }
.Ltmp9:
0x384: {  	s13 =	sadd.s32 $0x110A8, s14;
	s31 =	sadd.s32 $0x50, s1;
	(pc) =	sbr.rel @p1 .LBB2_17-.Ltmp9, $4  }
0x385: {  	[hbm4b:s31+s4] =	stream.linear.scatter [tilespmem:s13], [sflag:$0xB], $0x80, $0x38;
	[tilespmem:$0x15200] =	vst v63  }
0x386: {  	s13 =	sadd.s32 $0x11130, s14;
	s31 =	sadd.s32 $0x60, s1;
	s14 =	sadd.s32 $0x111B8, s14  }
0x387: {  	[hbm4b:s31+s4] =	stream.linear.scatter [tilespmem:s13], [sflag:$0xB], $0x80, $0x38;
	[tilespmem:$0x15200] =	vst v63  }
0x388: {  	s31 =	sadd.s32 $0x70, s1;
	s1 =	sadd.s32 $0x1000, s1;
	s13 =	smov.u32 s15  }
0x389: {  	[hbm4b:s31+s4] =	stream.linear.scatter [tilespmem:s14], [sflag:$0xB], $0x80, $0x38;
	[tilespmem:$0x15200] =	vst v63  }
0x38a: {  	s13 =	sadd.s32 $0x10E00, s0  }
0x38b: {  	[hbm4b:s1+s4] =	stream.linear.scatter [tilespmem:s13], [sflag:$0xB], $0x80, $0x38;
	[tilespmem:$0x15200] =	vst v63  }
0x38c: {  	s15 =	sadd.s32 $0x10E88, s0;
	s31 =	sadd.s32 $0x10, s1  }
0x38d: {  	[hbm4b:s31+s4] =	stream.linear.scatter [tilespmem:s15], [sflag:$0xB], $0x80, $0x38;
	[tilespmem:$0x15200] =	vst v63  }
0x38e: {  	s15 =	sadd.s32 $0x10F10, s0;
	s31 =	sadd.s32 $0x20, s1  }
0x38f: {  	[hbm4b:s31+s4] =	stream.linear.scatter [tilespmem:s15], [sflag:$0xB], $0x80, $0x38;
	[tilespmem:$0x15200] =	vst v63  }
0x390: {  	s15 =	sadd.s32 $0x10F98, s0;
	s31 =	sadd.s32 $0x30, s1  }
0x391: {  	[hbm4b:s31+s4] =	stream.linear.scatter [tilespmem:s15], [sflag:$0xB], $0x80, $0x38;
	[tilespmem:$0x15200] =	vst v63  }
0x392: {  	s15 =	sadd.s32 $0x11020, s0;
	s31 =	sadd.s32 $0x40, s1  }
0x393: {  	[hbm4b:s31+s4] =	stream.linear.scatter [tilespmem:s15], [sflag:$0xB], $0x80, $0x38;
	[tilespmem:$0x15200] =	vst v63  }
0x394: {  	s15 =	sadd.s32 $0x110A8, s0;
	s31 =	sadd.s32 $0x50, s1  }
0x395: {  	[hbm4b:s31+s4] =	stream.linear.scatter [tilespmem:s15], [sflag:$0xB], $0x80, $0x38;
	[tilespmem:$0x15200] =	vst v63  }
0x396: {  	s15 =	sadd.s32 $0x11130, s0;
	s31 =	sadd.s32 $0x60, s1  }
0x397: {  	[hbm4b:s31+s4] =	stream.linear.scatter [tilespmem:s15], [sflag:$0xB], $0x80, $0x38;
	[tilespmem:$0x15200] =	vst v63  }
0x398: {  	s15 =	sadd.s32 $0x111B8, s0;
	s0 =	sadd.s32 @!p2 $0x7, s7  }
0x399: {  	s31 =	sadd.s32 $0x70, s1;
	s1 =	sand.u32 @!p2 $0x7, s0  }
0x39a: {  	[hbm4b:s31+s4] =	stream.linear.scatter [tilespmem:s15], [sflag:$0xB], $0x80, $0x38;
	[tilespmem:$0x15200] =	vst v63  }
0x39b: {  	p1 =	sne.s32 @!p2 s1, $0x0  }
0x39c: {  	s0 =	sand.u32 @!p2 $0x8, s0;
	p3 =	por p1, p2  }
0x39d: {  	p4 =	seq.s32 @!p3 s0, $0x0  }
0x39e: {  	p1 =	por @!p2 !p4, p1  }
0x39f: {  	s13 =	simm.s32 @!p3 $0x1;
	p1 =	por !p1, p2  }
0x3a0: {  	s1 =	sshll.u32 @!p2 s1, $0x7;
	s0 =	sshll.u32 @!p2 s0, $0x7;
	s13 =	simm.s32 @!p1 $0x2  }
0x3a1: {  	s0 =	sadd.s32 @!p2 s1, s0;
	_ =	swait.ge @!p3 [sflag:s13], $0x400  }
0x3a2: {  	s1 =	simm.s32 @!p2 $0x80;
	p1 =	sgt.u32 s16, $0x23;
	[sflag:s13] =	ssyncset.done @!p3 $0x0  }
0x3a3: {  	[sflag:s13] =	ssyncadd.s32 @!p3 $0xFFFFFC00;
	s13 =	simm.s32 @!p2 $0x4800;
	p3 =	sne.s32 @!p1 s8, $0x7  }
0x3a4: {  	[tilespmem:s13], [sflag:$0x5] =	stream.indirect.gather @!p2 [hbm4b:s5+s1], $0x40, s0, s1, $0xb8;
	[tilespmem:$0x15200] =	vst v63  }
0x3a5: {  	s1 =	sshrl.u32 s11, $0x3;
	p1 =	por p1, p3  }
0x3a6: {  	s0 =	sadd.s32 @!p1 s6, s1  }
0x3a7: {  	s11 =	sand.u32 @!p1 $0x1, s1;
	s0 =	sshll.u32 @!p1 s0, $0x7  }
0x3a8: {  	_ =	swait.ge [sflag:s29], $0x2000;
	p3 =	seq.s32 @!p1 s11, $0x1;
	s0 =	sadd.s32 @!p1 $0x100, s0  }
0x3a9: {  	[sflag:s29] =	ssyncset.done $0x0;
	p4 =	por p3, p1;
	s0 =	sand.u32 @!p1 $0xFFFFF80, s0  }
0x3aa: {  	[sflag:s29] =	ssyncadd.s32 $0xFFFFE000;
	s11 =	simm.s32 @!p4 $0x0;
	s0 =	sadd.s32 @!p1 s2, s0  }
0x3ab: {  	[tilespmem:s11], [sflag:$0x1] =	stream.linear.gather @!p4 [hbm4b:s0+s11], $0x400, $0x38;
	[tilespmem:$0x15200] =	vst v63  }
0x3ac: {  	p4 =	seq.s32 @!p4 s9, $0x0  }
0x3ad: {  	s11 =	simm.s32 $0x0;
	p3 =	por @!p1 p3, !p4  }
0x3ae: {  	v0 =	vmov s11;
	s11 =	simm.s32 @!p0 $0xC;
	p1 =	por p1, !p3  }
0x3af: {  	[tilespmem:s10], [sflag:$0x2] =	stream.linear.gather @!p1 [hbm4b:s0+s4], $0x400, $0x38;
	[tilespmem:$0x15200] =	vst v63  }
0x3b0: {  	s15 =	simm.s32 $0x3;
	_ =	swait.ge @!p0 [sflag:s11], $0x2000  }
0x3b1: {  	s14 =	simm.s32 $0x2;
	v4 =	vmov s15;
	v28 =	vld [tilespmem:$0x1FFD0]  }
0x3b2: {  	v3 =	vmov s14;
	s14 =	simm.s32 $0x7;
	v4 =	vshrl.u32 v4, $0x3;
	v20 =	vld [tilespmem:$0x1FE10]  }
0x3b3: {  	v35 =	vmov s14;
	v4 =	vshll.u32 v4, v1;
	v23 =	vld [tilespmem:$0x1FE50]  }
0x3b4: {  	v35 =	vshrl.u32 v35, $0x3;
	v36 =	vbroadcast v4, $0x0;
	s13 =	simm.s32 $0x1;
	v0 =	vshrl.u32 v0, $0x3;
	[sflag:s11] =	ssyncset.done @!p0 $0x0;
	v4 =	vld [tilespmem:$0x1FE90]  }
0x3b5: {  	v35 =	vshll.u32 v35, v1;
	v2 =	vmov s13;
	v0 =	vshll.u32 v0, v1;
	s0 =	simm.s32 $0x89F0;
	v6 =	vld [tilespmem:$0x1FED0];
	[sflag:s11] =	ssyncadd.s32 @!p0 $0xFFFFE000  }
0x3b6: {  	v41 =	vbroadcast v35, $0x0;
	v2 =	vshrl.u32 v2, $0x3;
	v39 =	vbroadcast v0, $0x0;
	v0 =	vld [tilespmem:s0+$0xFFFFFFD0]  }
0x3b7: {  	v3 =	vshrl.u32 v3, $0x3;
	v2 =	vshll.u32 v2, v1;
	v38 =	vld [tilespmem:s0+$0xFFFFFE10]  }
0x3b8: {  	v3 =	vshll.u32 v3, v1;
	s31 =	simm.s32 $0x4;
	v40 =	vbroadcast v2, $0x0;
	v42 =	vld [tilespmem:s0+$0xFFFFFE50];
	v2 =	vadd.s32 v28, v41  }
0x3b9: {  	v37 =	vbroadcast v3, $0x0;
	v5 =	vmov s31;
	v44 =	vld [tilespmem:s0+$0xFFFFFE90];
	v43 =	vadd.s32 v20, v39  }
0x3ba: {  	v5 =	vshrl.u32 v5, $0x3;
	v45 =	vadd.s32 v23, v40  }
0x3bb: {  	v5 =	vshll.u32 v5, v1;
	s13 =	simm.s32 $0x6;
	v4 =	vadd.s32 v4, v37;
	v0 =	vmul.f32 $8.000000000e+00, v0  }
0x3bc: {  	v35 =	vbroadcast v5, $0x0;
	v34 =	vmov s13;
	v5 =	vmul.f32 $8.000000000e+00, v38  }
0x3bd: {  	v34 =	vshrl.u32 v34, $0x3;
	v56 =	vadd.s32 v6, v36;
	v6 =	vld [tilespmem:$0x1FF10];
	v42 =	vmul.f32 $8.000000000e+00, v42;
	[tilespmem:v2+s30+$0x0] =	vst.idx.msk $0xffff, v0  }
0x3be: {  	v3 =	vshll.u32 v34, v1;
	v46 =	vld [tilespmem:s0+$0xFFFFFED0];
	[tilespmem:v43+s30+$0x0] =	vst.idx.msk $0xffff, v5;
	v2 =	vmul.f32 $8.000000000e+00, v44  }
0x3bf: {  	v34 =	vbroadcast v3, $0x0;
	v3 =	vld [tilespmem:$0x1FF50];
	[tilespmem:v45+s30+$0x0] =	vst.idx.msk $0xffff, v42  }
0x3c0: {  	v26 =	vld [tilespmem:$0x1FF90];
	[tilespmem:v4+s30+$0x0] =	vst.idx.msk $0xffff, v2  }
0x3c1: {  	v7 =	vld [tilespmem:$0x1FE20];
	_ =	sdelay $0x1  }
0x3c2: {  	v47 =	vld [tilespmem:s0+$0xFFFFFF10];
	v57 =	vmul.f32 $8.000000000e+00, v46  }
0x3c3: {  	s9 =	simm.s32 $0x5  }
0x3c4: {  	v33 =	vmov s9;
	v48 =	vld [tilespmem:s0+$0xFFFFFF50];
	v49 =	vadd.s32 v6, v35;
	[tilespmem:v56+s30+$0x0] =	vst.idx.msk $0xffff, v57  }
0x3c5: {  	v33 =	vshrl.u32 v33, $0x3;
	v10 =	vmov v7;
	v51 =	vadd.s32 v7, v39;
	v7 =	vld [tilespmem:$0x1FE60]  }
0x3c6: {  	v33 =	vshll.u32 v33, v1  }
0x3c7: {  	v33 =	vbroadcast v33, $0x0;
	v2 =	vmul.f32 $8.000000000e+00, v47;
	_ =	sdelay $0x1  }
0x3c8: {  	v50 =	vld [tilespmem:s0+$0xFFFFFF90];
	v3 =	vadd.s32 v3, v33;
	[tilespmem:v49+s30+$0x0] =	vst.idx.msk $0xffff, v2  }
0x3c9: {  	v60 =	vmul.f32 $8.000000000e+00, v48;
	v27 =	vmov v7;
	v48 =	vadd.s32 v7, v40;
	v7 =	vld [tilespmem:$0x1FEA0];
	_ =	sdelay $0x3  }
0x3ca: {  	v5 =	vld [tilespmem:s0+$0xFFFFFFE0];
	v58 =	vadd.s32 v26, v34;
	[tilespmem:v3+s30+$0x0] =	vst.idx.msk $0xffff, v60  }
0x3cb: {  	v2 =	vmul.f32 $8.000000000e+00, v50;
	v18 =	vmov v7;
	v50 =	vadd.s32 v7, v37;
	v7 =	vld [tilespmem:$0x1FEE0]  }
0x3cc: {  	v43 =	vld [tilespmem:s0+$0xFFFFFE20]  }
0x3cd: {  	v59 =	vld [tilespmem:s0+$0xFFFFFE60];
	v4 =	vadd.s32 v63, v41;
	_ =	sdelay $0x1  }
0x3ce: {  	[tilespmem:v58+s30+$0x0] =	vst.idx.msk $0xffff, v2  }
0x3cf: {  	v3 =	vmul.f32 $8.000000000e+00, v5;
	v6 =	vmov v7;
	v62 =	vadd.s32 v7, v36;
	v7 =	vld [tilespmem:$0x1FF20]  }
0x3d0: {  	v61 =	vmul.f32 $8.000000000e+00, v43  }
0x3d1: {  	v52 =	vld [tilespmem:s0+$0xFFFFFEA0];
	v32 =	vmul.f32 $8.000000000e+00, v59;
	[tilespmem:v4+s30+$0x0] =	vst.idx.msk $0xffff, v3  }
0x3d2: {  	[tilespmem:v51+s30+$0x0] =	vst.idx.msk $0xffff, v61  }
0x3d3: {  	v4 =	vld [tilespmem:$0x1FF60];
	[tilespmem:v48+s30+$0x0] =	vst.idx.msk $0xffff, v32  }
0x3d4: {  	v8 =	vmov v7;
	v46 =	vadd.s32 v7, v35;
	v7 =	vld [tilespmem:$0x1FFA0];
	_ =	sdelay $0x1  }
0x3d5: {  	v53 =	vld [tilespmem:s0+$0xFFFFFEE0];
	v3 =	vmul.f32 $8.000000000e+00, v52  }
0x3d6: {  	v54 =	vld [tilespmem:s0+$0xFFFFFF20]  }
0x3d7: {  	v55 =	vld [tilespmem:s0+$0xFFFFFF60];
	[tilespmem:v50+s30+$0x0] =	vst.idx.msk $0xffff, v3  }
0x3d8: {  	v15 =	vmov v7;
	v48 =	vadd.s32 v7, v34;
	v7 =	vld [tilespmem:$0x1FE30]  }
0x3d9: {  	v56 =	vld [tilespmem:s0+$0xFFFFFFA0]  }
0x3da: {  	s11 =	simm.s32 $0xA;
	v61 =	vmul.f32 $8.000000000e+00, v53;
	v60 =	vld [tilespmem:s0+$0xFFFFFFF0];
	v13 =	vmov v4;
	v4 =	vadd.s32 v4, v33  }
0x3db: {  	v47 =	vmov s11;
	v51 =	vld [tilespmem:s0+$0xFFFFFE30]  }
0x3dc: {  	v52 =	vshrl.u32 v47, $0x3;
	v47 =	vld [tilespmem:s0+$0xFFFFFE70];
	v3 =	vmul.f32 $8.000000000e+00, v54;
	v50 =	vadd.s32 v9, v41;
	[tilespmem:v62+s30+$0x0] =	vst.idx.msk $0xffff, v61  }
0x3dd: {  	s31 =	simm.s32 $0x9;
	v62 =	vmul.f32 $8.000000000e+00, v55;
	v31 =	vld [tilespmem:$0x1FE70];
	v54 =	vadd.s32 v7, v39  }
0x3de: {  	s13 =	simm.s32 $0xB;
	v45 =	vmov s31;
	s31 =	simm.s32 $0xE;
	v57 =	vld [tilespmem:s0+$0xFFFFFEB0];
	[tilespmem:v46+s30+$0x0] =	vst.idx.msk $0xffff, v3;
	v3 =	vmul.f32 $8.000000000e+00, v56  }
0x3df: {  	v42 =	vmov s13;
	v2 =	vmov s31;
	v24 =	vld [tilespmem:$0x1FEB0];
	[tilespmem:v4+s30+$0x0] =	vst.idx.msk $0xffff, v62;
	v4 =	vmul.f32 $8.000000000e+00, v60  }
0x3e0: {  	s14 =	simm.s32 $0xC;
	v53 =	vshrl.u32 v42, $0x3;
	v42 =	vshrl.u32 v2, $0x3;
	v2 =	vmul.f32 $8.000000000e+00, v51;
	v19 =	vmovc v7;
	v7 =	vld [tilespmem:$0x1FEF0];
	[tilespmem:v48+s30+$0x0] =	vst.idx.msk $0xffff, v3  }
0x3e1: {  	s15 =	simm.s32 $0x8;
	v49 =	vmov s14;
	v3 =	vld [tilespmem:$0x1FF30];
	[tilespmem:v50+s30+$0x0] =	vst.idx.msk $0xffff, v4  }
0x3e2: {  	v0 =	vmov s15;
	v43 =	vshrl.u32 v49, $0x3;
	v58 =	vld [tilespmem:s0+$0xFFFFFEF0];
	v49 =	vadd.s32 v31, v40;
	[tilespmem:v54+s30+$0x0] =	vst.idx.msk $0xffff, v2  }
0x3e3: {  	v0 =	vshrl.u32 v0, $0x3;
	v4 =	vld [tilespmem:$0x1FF70]  }
0x3e4: {  	v0 =	vshll.u32 v0, v1;
	v59 =	vld [tilespmem:s0+$0xFFFFFF30]  }
0x3e5: {  	v38 =	vbroadcast v0, $0x0;
	v0 =	vmul.f32 $8.000000000e+00, v47;
	v61 =	vld [tilespmem:s0+$0xFFFFFF70];
	v46 =	vadd.s32 v24, v37  }
0x3e6: {  	v62 =	vld [tilespmem:s0+$0xFFFFFFB0]  }
0x3e7: {  	v56 =	vld [tilespmem:s0+$0x0];
	[tilespmem:v49+s30+$0x0] =	vst.idx.msk $0xffff, v0  }
0x3e8: {  	v60 =	vadd.s32 v7, v36;
	v2 =	vmul.f32 $8.000000000e+00, v57;
	v12 =	vmovc v4;
	v55 =	vadd.s32 v4, v33;
	v4 =	vld [tilespmem:$0x1FFB0]  }
0x3e9: {  	v50 =	vld [tilespmem:s0+$0xFFFFFE40]  }
0x3ea: {  	v44 =	vshll.u32 v52, v1;
	v22 =	vmov v3;
	v3 =	vadd.s32 v3, v35;
	v52 =	vld [tilespmem:s0+$0xFFFFFE80];
	[tilespmem:v46+s30+$0x0] =	vst.idx.msk $0xffff, v2  }
0x3eb: {  	v0 =	vmul.f32 $8.000000000e+00, v58;
	v11 =	vld [tilespmem:$0x1FE40]  }
0x3ec: {  	v49 =	vld [tilespmem:s0+$0xFFFFFEC0]  }
0x3ed: {  	v2 =	vmul.f32 $8.000000000e+00, v59;
	v16 =	vmov v4;
	v51 =	vadd.s32 v4, v34;
	v4 =	vld [tilespmem:$0x1FFE0];
	[tilespmem:v60+s30+$0x0] =	vst.idx.msk $0xffff, v0  }
0x3ee: {  	v0 =	vld [tilespmem:$0x1FE80]  }
0x3ef: {  	s15 =	simm.s32 $0xD;
	v54 =	vld [tilespmem:s0+$0xFFFFFF00];
	[tilespmem:v3+s30+$0x0] =	vst.idx.msk $0xffff, v2  }
0x3f0: {  	v5 =	vmov s15;
	v17 =	vld [tilespmem:$0x1FEC0]  }
0x3f1: {  	v45 =	vshrl.u32 v45, $0x3;
	v5 =	vshrl.u32 v5, $0x3;
	v21 =	vld [tilespmem:$0x1FF00]  }
0x3f2: {  	v47 =	vshll.u32 v45, v1;
	v45 =	vshll.u32 v53, v1;
	v46 =	vshll.u32 v43, v1;
	v25 =	vld [tilespmem:$0x1FF40]  }
0x3f3: {  	v43 =	vshll.u32 v5, v1;
	v48 =	vadd.s32 v11, v39;
	v39 =	vmul.f32 $8.000000000e+00, v61;
	v29 =	vld [tilespmem:$0x1FF80]  }
0x3f4: {  	s9 =	simm.s32 $0x10;
	s11 =	simm.s32 $0xF;
	v32 =	vmovc v7;
	v7 =	vld [tilespmem:$0x1FFC0];
	v53 =	vadd.s32 v4, v41;
	v30 =	vmovc v0;
	v41 =	vadd.s32 v0, v40;
	v40 =	vmul.f32 $8.000000000e+00, v62  }
.LBB2_19:
0x3f5: {  	v0 =	vmov s11;
	v2 =	vadd.s32 v17, v37  }
0x3f6: {  	v3 =	vld [tilespmem:s0+$0xFFFFFF40];
	[tilespmem:v55+s30+$0x0] =	vst.idx.msk $0xffff, v39;
	v0 =	vshrl.u32 v0, $0x3;
	v5 =	vmul.f32 $8.000000000e+00, v50  }
0x3f7: {  	[tilespmem:v51+s30+$0x0] =	vst.idx.msk $0xffff, v40;
	v55 =	vld [tilespmem:s0+$0xFFFFFF80];
	v0 =	vshll.u32 v0, v1  }
0x3f8: {  	v36 =	vadd.s32 v21, v36;
	v57 =	vld [tilespmem:s0+$0xFFFFFFC0];
	s0 =	sadd.s32 $0x200, s0;
	v40 =	vbroadcast v0, $0x0;
	v0 =	vmul.f32 $8.000000000e+00, v49;
	[tilespmem:v48+s30+$0x0] =	vst.idx.msk $0xffff, v5  }
0x3f9: {  	v4 =	vmul.f32 $8.000000000e+00, v56;
	v5 =	vadd.s32 v29, v33;
	v58 =	vld [tilespmem:s0+$0xFFFFFE10]  }
0x3fa: {  	v35 =	vadd.s32 v25, v35;
	v39 =	vmov v38;
	v56 =	vmul.f32 $8.000000000e+00, v52;
	v52 =	vld [tilespmem:$0x1FE90];
	[tilespmem:v2+s30+$0x0] =	vst.idx.msk $0xffff, v0  }
0x3fb: {  	v59 =	vmul.f32 $8.000000000e+00, v54;
	[tilespmem:v53+s30+$0x0] =	vst.idx.msk $0xffff, v4;
	v0 =	vmul.f32 $8.000000000e+00, v3;
	v2 =	vadd.s32 v20, v39;
	v3 =	vld [tilespmem:s0+$0xFFFFFE90]  }
0x3fc: {  	[tilespmem:v41+s30+$0x0] =	vst.idx.msk $0xffff, v56;
	v4 =	vld [tilespmem:s0+$0xFFFFFFD0];
	v38 =	vmul.f32 $8.000000000e+00, v55  }
0x3fd: {  	[tilespmem:v36+s30+$0x0] =	vst.idx.msk $0xffff, v59;
	v60 =	vld [tilespmem:s0+$0xFFFFFE50]  }
0x3fe: {  	v34 =	vadd.s32 v7, v34;
	v55 =	vld [tilespmem:$0x1FED0];
	[tilespmem:v5+s30+$0x0] =	vst.idx.msk $0xffff, v38;
	v5 =	vmul.f32 $8.000000000e+00, v58  }
0x3ff: {  	v61 =	vadd.s32 v28, v40;
	v41 =	vbroadcast v47, $0x0;
	[tilespmem:v35+s30+$0x0] =	vst.idx.msk $0xffff, v0;
	v0 =	vmul.f32 $8.000000000e+00, v57;
	v57 =	vld [tilespmem:$0x1FF10]  }
0x400: {  	v37 =	vbroadcast v44, $0x0;
	[tilespmem:v2+s30+$0x0] =	vst.idx.msk $0xffff, v5;
	v2 =	vmul.f32 $8.000000000e+00, v3;
	v3 =	vld [tilespmem:$0x1FF50]  }
0x401: {  	v36 =	vbroadcast v45, $0x0;
	v48 =	vld [tilespmem:s0+$0xFFFFFED0];
	v62 =	vadd.s32 v23, v41  }
0x402: {  	v35 =	vbroadcast v46, $0x0;
	v53 =	vadd.s32 v52, v37;
	v54 =	vld [tilespmem:s0+$0xFFFFFF10];
	v4 =	vmul.f32 $8.000000000e+00, v4  }
0x403: {  	v42 =	vshll.u32 v42, v1;
	v33 =	vbroadcast v43, $0x0;
	[tilespmem:v34+s30+$0x0] =	vst.idx.msk $0xffff, v0;
	v38 =	vadd.s32 v55, v36;
	v56 =	vld [tilespmem:s0+$0xFFFFFF50]  }
0x404: {  	v34 =	vbroadcast v42, $0x0;
	v59 =	vld [tilespmem:s0+$0xFFFFFF90];
	v0 =	vmul.f32 $8.000000000e+00, v60;
	v58 =	vadd.s32 v57, v35;
	[tilespmem:v61+s30+$0x0] =	vst.idx.msk $0xffff, v4  }
0x405: {  	v5 =	vld [tilespmem:s0+$0xFFFFFFE0];
	v3 =	vadd.s32 v3, v33  }
0x406: {  	[tilespmem:v62+s30+$0x0] =	vst.idx.msk $0xffff, v0;
	v0 =	vmul.f32 $8.000000000e+00, v48;
	v61 =	vadd.s32 v26, v34;
	v60 =	vld [tilespmem:s0+$0xFFFFFE20]  }
0x407: {  	s31 =	sadd.s32 $0x2, s9;
	v51 =	vadd.s32 v10, v39;
	v45 =	vadd.s32 v63, v40;
	v62 =	vld [tilespmem:s0+$0xFFFFFE60];
	[tilespmem:v53+s30+$0x0] =	vst.idx.msk $0xffff, v2;
	v2 =	vmul.f32 $8.000000000e+00, v54  }
0x408: {  	v50 =	vmov s31;
	v49 =	vadd.s32 v18, v37;
	v52 =	vld [tilespmem:s0+$0xFFFFFEA0];
	[tilespmem:v38+s30+$0x0] =	vst.idx.msk $0xffff, v0;
	v0 =	vmul.f32 $8.000000000e+00, v56  }
0x409: {  	s15 =	sadd.s32 $0x1, s9;
	s14 =	sadd.s32 $0x4, s9;
	v50 =	vshrl.u32 v50, $0x3;
	v46 =	vadd.s32 v27, v41;
	v63 =	vld [tilespmem:s0+$0xFFFFFEE0];
	[tilespmem:v58+s30+$0x0] =	vst.idx.msk $0xffff, v2;
	v2 =	vmul.f32 $8.000000000e+00, v59  }
0x40a: {  	v47 =	vmov s15;
	v43 =	vmov s14;
	v54 =	vld [tilespmem:s0+$0xFFFFFF20];
	[tilespmem:v3+s30+$0x0] =	vst.idx.msk $0xffff, v0;
	v0 =	vmul.f32 $8.000000000e+00, v5  }
0x40b: {  	v42 =	vadd.s32 v6, v36;
	v4 =	vmov s9;
	[tilespmem:v61+s30+$0x0] =	vst.idx.msk $0xffff, v2;
	v5 =	vmul.f32 $8.000000000e+00, v60;
	v55 =	vld [tilespmem:s0+$0xFFFFFF60]  }
0x40c: {  	v4 =	vshrl.u32 v4, $0x3;
	v61 =	vadd.s32 v8, v35;
	v60 =	vmul.f32 $8.000000000e+00, v62;
	v62 =	vld [tilespmem:s0+$0xFFFFFFA0];
	[tilespmem:v45+s30+$0x0] =	vst.idx.msk $0xffff, v0  }
0x40d: {  	v0 =	vshll.u32 v4, v1;
	[tilespmem:v51+s30+$0x0] =	vst.idx.msk $0xffff, v5;
	v4 =	vmul.f32 $8.000000000e+00, v52;
	v5 =	vadd.s32 v13, v33;
	v45 =	vld [tilespmem:s0+$0xFFFFFFF0]  }
0x40e: {  	v44 =	vshll.u32 v50, v1;
	v63 =	vmul.f32 $8.000000000e+00, v63;
	[tilespmem:v46+s30+$0x0] =	vst.idx.msk $0xffff, v60;
	v46 =	vadd.s32 v15, v34;
	v51 =	vld [tilespmem:s0+$0xFFFFFE30]  }
0x40f: {  	v47 =	vshrl.u32 v47, $0x3;
	v52 =	vld [tilespmem:s0+$0xFFFFFE70];
	[tilespmem:v49+s30+$0x0] =	vst.idx.msk $0xffff, v4;
	v4 =	vmul.f32 $8.000000000e+00, v54;
	v49 =	vadd.s32 v9, v40  }
0x410: {  	s13 =	sadd.s32 $0x3, s9;
	v43 =	vshrl.u32 v43, $0x3;
	[tilespmem:v42+s30+$0x0] =	vst.idx.msk $0xffff, v63;
	v54 =	vadd.s32 v19, v39;
	v57 =	vld [tilespmem:s0+$0xFFFFFEB0];
	v55 =	vmul.f32 $8.000000000e+00, v55  }
0x411: {  	s31 =	sadd.s32 $0x6, s9;
	v48 =	vadd.s32 v24, v37;
	v38 =	vmov s13;
	v59 =	vld [tilespmem:s0+$0xFFFFFEF0];
	[tilespmem:v61+s30+$0x0] =	vst.idx.msk $0xffff, v4;
	v4 =	vmul.f32 $8.000000000e+00, v62  }
0x412: {  	v58 =	vadd.s32 v31, v41;
	v2 =	vmov s31;
	v60 =	vld [tilespmem:s0+$0xFFFFFF30];
	[tilespmem:v5+s30+$0x0] =	vst.idx.msk $0xffff, v55;
	v5 =	vmul.f32 $8.000000000e+00, v45  }
0x413: {  	s15 =	sadd.s32 $0x5, s9;
	v53 =	vshrl.u32 v38, $0x3;
	v42 =	vshrl.u32 v2, $0x3;
	v2 =	vmul.f32 $8.000000000e+00, v51;
	[tilespmem:v46+s30+$0x0] =	vst.idx.msk $0xffff, v4;
	v62 =	vld [tilespmem:s0+$0xFFFFFF70]  }
0x414: {  	v3 =	vmov s15;
	v38 =	vbroadcast v0, $0x0;
	v61 =	vadd.s32 v32, v36;
	v63 =	vld [tilespmem:s0+$0xFFFFFFB0];
	[tilespmem:v49+s30+$0x0] =	vst.idx.msk $0xffff, v5  }
0x415: {  	p0 =	slt.u32 s9, $0x78;
	v0 =	vmul.f32 $8.000000000e+00, v52;
	v4 =	vadd.s32 v22, v35;
	[tilespmem:v54+s30+$0x0] =	vst.idx.msk $0xffff, v2;
	v2 =	vmul.f32 $8.000000000e+00, v57;
	v57 =	vld [tilespmem:$0x1FFE0]  }
.Ltmp10:
0x416: {  	v47 =	vshll.u32 v47, v1;
	v41 =	vadd.s32 v30, v41;
	v3 =	vshrl.u32 v3, $0x3;
	v56 =	vld [tilespmem:s0+$0x0];
	(pc) =	sbr.rel @p0 .LBB2_19-.Ltmp10, $4  }
0x417: {  	v55 =	vadd.s32 v12, v33;
	v51 =	vadd.s32 v16, v34;
	[tilespmem:v58+s30+$0x0] =	vst.idx.msk $0xffff, v0;
	v0 =	vmul.f32 $8.000000000e+00, v59;
	v50 =	vld [tilespmem:s0+$0xFFFFFE40]  }
0x418: {  	v45 =	vshll.u32 v53, v1;
	v46 =	vshll.u32 v43, v1;
	v52 =	vld [tilespmem:s0+$0xFFFFFE80];
	[tilespmem:v48+s30+$0x0] =	vst.idx.msk $0xffff, v2;
	v2 =	vmul.f32 $8.000000000e+00, v60  }
0x419: {  	v43 =	vshll.u32 v3, v1;
	v48 =	vadd.s32 v11, v39;
	[tilespmem:v61+s30+$0x0] =	vst.idx.msk $0xffff, v0;
	v49 =	vld [tilespmem:s0+$0xFFFFFEC0]  }
0x41a: {  	s11 =	sadd.s32 $0x7, s9;
	s9 =	sadd.s32 $0x8, s9;
	v54 =	vld [tilespmem:s0+$0xFFFFFF00];
	v39 =	vmul.f32 $8.000000000e+00, v62;
	[tilespmem:v4+s30+$0x0] =	vst.idx.msk $0xffff, v2;
	v53 =	vadd.s32 v57, v40;
	v40 =	vmul.f32 $8.000000000e+00, v63;
	v63 =	vmovc v14  }
0x41b: {  	_ =	sdelay $0x3  }
0x41c: {  	v2 =	vadd.s32 v17, v37;
	v3 =	vld [tilespmem:s0+$0xFFFFFF40];
	v4 =	vmul.f32 $8.000000000e+00, v56;
	[tilespmem:v55+s30+$0x0] =	vst.idx.msk $0xffff, v39  }
0x41d: {  	v36 =	vadd.s32 v21, v36;
	v5 =	vmul.f32 $8.000000000e+00, v50;
	[tilespmem:v51+s30+$0x0] =	vst.idx.msk $0xffff, v40  }
0x41e: {  	v35 =	vadd.s32 v25, v35;
	v59 =	vmul.f32 $8.000000000e+00, v52;
	[tilespmem:v53+s30+$0x0] =	vst.idx.msk $0xffff, v4  }
0x41f: {  	[tilespmem:v48+s30+$0x0] =	vst.idx.msk $0xffff, v5;
	v5 =	vmul.f32 $8.000000000e+00, v49  }
0x420: {  	[tilespmem:v41+s30+$0x0] =	vst.idx.msk $0xffff, v59;
	v61 =	vmul.f32 $8.000000000e+00, v54  }
0x421: {  	v58 =	vld [tilespmem:s0+$0xFFFFFF80];
	[tilespmem:v2+s30+$0x0] =	vst.idx.msk $0xffff, v5;
	v2 =	vmul.f32 $8.000000000e+00, v3  }
0x422: {  	[tilespmem:v36+s30+$0x0] =	vst.idx.msk $0xffff, v61  }
0x423: {  	v33 =	vadd.s32 v29, v33;
	[tilespmem:v35+s30+$0x0] =	vst.idx.msk $0xffff, v2  }
0x424: {  	v0 =	vmov s11;
	v14 =	vld [tilespmem:$0x1FE90]  }
0x425: {  	v0 =	vshrl.u32 v0, $0x3  }
0x426: {  	s15 =	sadd.s32 $0x200, s0;
	v0 =	vshll.u32 v0, v1;
	v40 =	vld [tilespmem:s0+$0xFFFFFFC0];
	v53 =	vmul.f32 $8.000000000e+00, v58  }
0x427: {  	v44 =	vbroadcast v44, $0x0;
	v4 =	vld [tilespmem:s15+$0xFFFFFFD0];
	v0 =	vbroadcast v0, $0x0  }
0x428: {  	v34 =	vadd.s32 v7, v34;
	v60 =	vld [tilespmem:s15+$0xFFFFFE10];
	[tilespmem:v33+s30+$0x0] =	vst.idx.msk $0xffff, v53  }
0x429: {  	v52 =	vadd.s32 v28, v0;
	v56 =	vadd.s32 v14, v44;
	v14 =	vld [tilespmem:$0x1FED0]  }
0x42a: {  	v3 =	vadd.s32 v20, v38  }
0x42b: {  	v2 =	vmul.f32 $8.000000000e+00, v40  }
0x42c: {  	v45 =	vbroadcast v45, $0x0;
	v4 =	vmul.f32 $8.000000000e+00, v4  }
0x42d: {  	v62 =	vld [tilespmem:s15+$0xFFFFFE50];
	v59 =	vmul.f32 $8.000000000e+00, v60;
	[tilespmem:v34+s30+$0x0] =	vst.idx.msk $0xffff, v2  }
0x42e: {  	v60 =	vadd.s32 v14, v45;
	v14 =	vld [tilespmem:$0x1FF10];
	[tilespmem:v52+s30+$0x0] =	vst.idx.msk $0xffff, v4  }
0x42f: {  	v47 =	vbroadcast v47, $0x0;
	v5 =	vld [tilespmem:s15+$0xFFFFFE90];
	[tilespmem:v3+s30+$0x0] =	vst.idx.msk $0xffff, v59  }
0x430: {  	v4 =	vld [tilespmem:$0x1FF50]  }
0x431: {  	v55 =	vld [tilespmem:s15+$0xFFFFFED0];
	v54 =	vadd.s32 v23, v47  }
0x432: {  	v46 =	vbroadcast v46, $0x0;
	v58 =	vld [tilespmem:s15+$0xFFFFFF10]  }
0x433: {  	v42 =	vshll.u32 v42, v1;
	v43 =	vbroadcast v43, $0x0;
	v61 =	vld [tilespmem:s15+$0xFFFFFF50]  }
0x434: {  	v42 =	vbroadcast v42, $0x0;
	v28 =	vld [tilespmem:s15+$0xFFFFFF90];
	v2 =	vmul.f32 $8.000000000e+00, v62;
	v62 =	vadd.s32 v14, v46  }
0x435: {  	v3 =	vmul.f32 $8.000000000e+00, v5;
	v5 =	vld [tilespmem:s15+$0xFFFFFFE0];
	v4 =	vadd.s32 v4, v43  }
0x436: {  	v52 =	vadd.s32 v26, v42;
	v33 =	vld [tilespmem:s15+$0xFFFFFE20];
	[tilespmem:v54+s30+$0x0] =	vst.idx.msk $0xffff, v2;
	v2 =	vmul.f32 $8.000000000e+00, v55  }
0x437: {  	v54 =	vadd.s32 v63, v0;
	v53 =	vld [tilespmem:s15+$0xFFFFFE60];
	[tilespmem:v56+s30+$0x0] =	vst.idx.msk $0xffff, v3;
	v3 =	vmul.f32 $8.000000000e+00, v58  }
0x438: {  	v55 =	vadd.s32 v10, v38;
	v56 =	vld [tilespmem:s15+$0xFFFFFEA0];
	[tilespmem:v60+s30+$0x0] =	vst.idx.msk $0xffff, v2;
	v2 =	vmul.f32 $8.000000000e+00, v61  }
0x439: {  	v58 =	vadd.s32 v27, v47;
	v59 =	vld [tilespmem:s15+$0xFFFFFEE0];
	[tilespmem:v62+s30+$0x0] =	vst.idx.msk $0xffff, v3;
	v3 =	vmul.f32 $8.000000000e+00, v28  }
0x43a: {  	v60 =	vadd.s32 v18, v44;
	v61 =	vld [tilespmem:s15+$0xFFFFFF20];
	[tilespmem:v4+s30+$0x0] =	vst.idx.msk $0xffff, v2;
	v2 =	vmul.f32 $8.000000000e+00, v5  }
0x43b: {  	v4 =	vmul.f32 $8.000000000e+00, v33;
	v5 =	vadd.s32 v6, v45;
	v62 =	vld [tilespmem:s15+$0xFFFFFF60];
	[tilespmem:v52+s30+$0x0] =	vst.idx.msk $0xffff, v3  }
0x43c: {  	v28 =	vadd.s32 v8, v46;
	v3 =	vmul.f32 $8.000000000e+00, v53;
	v52 =	vld [tilespmem:s15+$0xFFFFFFA0];
	[tilespmem:v54+s30+$0x0] =	vst.idx.msk $0xffff, v2  }
0x43d: {  	[tilespmem:v55+s30+$0x0] =	vst.idx.msk $0xffff, v4;
	v2 =	vmul.f32 $8.000000000e+00, v56;
	v4 =	vadd.s32 v13, v43;
	v35 =	vld [tilespmem:s15+$0xFFFFFFF0]  }
0x43e: {  	v53 =	vadd.s32 v15, v42;
	v40 =	vld [tilespmem:s15+$0xFFFFFE30];
	[tilespmem:v58+s30+$0x0] =	vst.idx.msk $0xffff, v3;
	v3 =	vmul.f32 $8.000000000e+00, v59  }
0x43f: {  	v55 =	vadd.s32 v9, v0;
	v54 =	vld [tilespmem:s15+$0xFFFFFE70];
	[tilespmem:v60+s30+$0x0] =	vst.idx.msk $0xffff, v2;
	v2 =	vmul.f32 $8.000000000e+00, v61  }
0x440: {  	v56 =	vadd.s32 v19, v38;
	v58 =	vld [tilespmem:s15+$0xFFFFFEB0];
	[tilespmem:v5+s30+$0x0] =	vst.idx.msk $0xffff, v3;
	v3 =	vmul.f32 $8.000000000e+00, v62  }
0x441: {  	v5 =	vadd.s32 v31, v47;
	v59 =	vld [tilespmem:s15+$0xFFFFFEF0];
	[tilespmem:v28+s30+$0x0] =	vst.idx.msk $0xffff, v2;
	v2 =	vmul.f32 $8.000000000e+00, v52  }
0x442: {  	v60 =	vadd.s32 v24, v44;
	v61 =	vld [tilespmem:s15+$0xFFFFFF30];
	[tilespmem:v4+s30+$0x0] =	vst.idx.msk $0xffff, v3;
	v3 =	vmul.f32 $8.000000000e+00, v35  }
0x443: {  	v62 =	vadd.s32 v32, v45;
	v4 =	vmul.f32 $8.000000000e+00, v40;
	v28 =	vld [tilespmem:s15+$0xFFFFFF70];
	[tilespmem:v53+s30+$0x0] =	vst.idx.msk $0xffff, v2  }
0x444: {  	v31 =	vadd.s32 v22, v46;
	v2 =	vmul.f32 $8.000000000e+00, v54;
	v52 =	vld [tilespmem:s15+$0xFFFFFFB0];
	[tilespmem:v55+s30+$0x0] =	vst.idx.msk $0xffff, v3  }
0x445: {  	[tilespmem:v56+s30+$0x0] =	vst.idx.msk $0xffff, v4;
	v3 =	vmul.f32 $8.000000000e+00, v58;
	v4 =	vadd.s32 v12, v43;
	v34 =	vld [tilespmem:s15+$0x0]  }
0x446: {  	v41 =	vld [tilespmem:s15+$0xFFFFFE40];
	[tilespmem:v5+s30+$0x0] =	vst.idx.msk $0xffff, v2;
	v2 =	vmul.f32 $8.000000000e+00, v59;
	v5 =	vadd.s32 v16, v42  }
0x447: {  	v0 =	vadd.s32 v57, v0;
	v53 =	vld [tilespmem:s15+$0xFFFFFE80];
	[tilespmem:v60+s30+$0x0] =	vst.idx.msk $0xffff, v3;
	v3 =	vmul.f32 $8.000000000e+00, v61  }
0x448: {  	v54 =	vadd.s32 v11, v38;
	v55 =	vld [tilespmem:s15+$0xFFFFFEC0];
	[tilespmem:v62+s30+$0x0] =	vst.idx.msk $0xffff, v2;
	v2 =	vmul.f32 $8.000000000e+00, v28  }
0x449: {  	v56 =	vadd.s32 v30, v47;
	v57 =	vld [tilespmem:s15+$0xFFFFFF00];
	[tilespmem:v31+s30+$0x0] =	vst.idx.msk $0xffff, v3;
	v3 =	vmul.f32 $8.000000000e+00, v52  }
0x44a: {  	v58 =	vadd.s32 v17, v44;
	v59 =	vld [tilespmem:s15+$0xFFFFFF40];
	[tilespmem:v4+s30+$0x0] =	vst.idx.msk $0xffff, v2;
	v2 =	vmul.f32 $8.000000000e+00, v34  }
0x44b: {  	v60 =	vadd.s32 v21, v45;
	v4 =	vmul.f32 $8.000000000e+00, v41;
	v61 =	vld [tilespmem:s15+$0xFFFFFF80];
	[tilespmem:v5+s30+$0x0] =	vst.idx.msk $0xffff, v3  }
0x44c: {  	v3 =	vmul.f32 $8.000000000e+00, v53;
	v5 =	vadd.s32 v25, v46;
	v62 =	vld [tilespmem:s15+$0xFFFFFFC0];
	[tilespmem:v0+s30+$0x0] =	vst.idx.msk $0xffff, v2  }
0x44d: {  	[tilespmem:v54+s30+$0x0] =	vst.idx.msk $0xffff, v4;
	v0 =	vmul.f32 $8.000000000e+00, v55;
	v2 =	vadd.s32 v29, v43  }
0x44e: {  	v4 =	vadd.s32 v7, v42;
	[tilespmem:v56+s30+$0x0] =	vst.idx.msk $0xffff, v3;
	v3 =	vmul.f32 $8.000000000e+00, v57  }
0x44f: {  	s31 =	sadd.s32 s6, s1;
	[tilespmem:v58+s30+$0x0] =	vst.idx.msk $0xffff, v0;
	v0 =	vmul.f32 $8.000000000e+00, v59  }
0x450: {  	s8 =	sshll.u32 s8, $0xF;
	s1 =	sshll.u32 s31, $0xD;
	[tilespmem:v60+s30+$0x0] =	vst.idx.msk $0xffff, v3;
	v3 =	vmul.f32 $8.000000000e+00, v61  }
0x451: {  	s8 =	sadd.s32 s3, s8;
	s1 =	sand.u32 $0xFFC0000, s1;
	s0 =	sshll.u32 s31, $0x7;
	[tilespmem:v5+s30+$0x0] =	vst.idx.msk $0xffff, v0;
	v0 =	vmul.f32 $8.000000000e+00, v62  }
0x452: {  	s0 =	sand.u32 $0xF80, s0;
	s1 =	sadd.s32 s1, s8;
	[tilespmem:v2+s30+$0x0] =	vst.idx.msk $0xffff, v3  }
0x453: {  	s8 =	simm.s32 $0x13000;
	s1 =	sadd.s32 s0, s1;
	[tilespmem:v4+s30+$0x0] =	vst.idx.msk $0xffff, v0  }
0x454: {  	[hbm4b:s1+s4] =	stream.linear.scatter [tilespmem:s8], [sflag:$0xC], $0x80, $0x38;
	[tilespmem:$0x15200] =	vst v63  }
0x455: {  	s9 =	simm.s32 $0x13088;
	s11 =	sadd.s32 $0x10, s1  }
0x456: {  	[hbm4b:s11+s4] =	stream.linear.scatter [tilespmem:s9], [sflag:$0xC], $0x80, $0x38;
	[tilespmem:$0x15200] =	vst v63  }
0x457: {  	s13 =	simm.s32 $0x13110;
	s0 =	simm.s32 $0x440;
	s14 =	sadd.s32 $0x20, s1  }
0x458: {  	[hbm4b:s14+s4] =	stream.linear.scatter [tilespmem:s13], [sflag:$0xC], $0x80, $0x38;
	[tilespmem:$0x15200] =	vst v63  }
0x459: {  	s31 =	sadd.s32 $0x30, s1;
	s15 =	simm.s32 $0x13198;
	s8 =	simm.s32 $0x2200  }
0x45a: {  	[hbm4b:s31+s4] =	stream.linear.scatter [tilespmem:s15], [sflag:$0xC], $0x80, $0x38;
	[tilespmem:$0x15200] =	vst v63  }
0x45b: {  	s9 =	simm.s32 $0x13220;
	s11 =	sadd.s32 $0x40, s1;
	s13 =	simm.s32 $0x132A8  }
0x45c: {  	[hbm4b:s11+s4] =	stream.linear.scatter [tilespmem:s9], [sflag:$0xC], $0x80, $0x38;
	[tilespmem:$0x15200] =	vst v63  }
0x45d: {  	s14 =	sadd.s32 $0x50, s1;
	s15 =	simm.s32 $0x13330;
	s31 =	sadd.s32 $0x60, s1  }
0x45e: {  	[hbm4b:s14+s4] =	stream.linear.scatter [tilespmem:s13], [sflag:$0xC], $0x80, $0x38;
	[tilespmem:$0x15200] =	vst v63  }
0x45f: {  	v26 =	vmovc v15;
	v14 =	vmovc v27;
	v11 =	vmov v13;
	v21 =	vmov v6;
	v6 =	vmov v9;
	s9 =	simm.s32 $0x133B8;
	s11 =	sadd.s32 $0x70, s1;
	s1 =	sadd.s32 $0x1000, s1  }
0x460: {  	v25 =	vmovc v12;
	v7 =	vmovc v32;
	v5 =	vmov v8;
	v4 =	vmov v16;
	v0 =	vmov v19;
	[hbm4b:s31+s4] =	stream.linear.scatter [tilespmem:s15], [sflag:$0xC], $0x80, $0x38;
	[tilespmem:$0x15200] =	vst v63  }
.LBB2_21:
0x461: {  	[hbm4b:s11+s4] =	stream.linear.scatter [tilespmem:s9], [sflag:$0xC], $0x80, $0x38;
	[tilespmem:$0x15200] =	vst v63  }
0x462: {  	s9 =	smov.u32 s0;
	s0 =	smov.u32 s8  }
0x463: {  	s13 =	sadd.s32 $0x1100, s8;
	s0 =	sshra.s32 s0, $0x2;
	s11 =	sadd.s32 $0x13000, s9  }
0x464: {  	[hbm4b:s1+s4] =	stream.linear.scatter [tilespmem:s11], [sflag:$0xC], $0x80, $0x38;
	[tilespmem:$0x15200] =	vst v63  }
0x465: {  	p0 =	sne.s32 s8, $0x7700;
	s8 =	sadd.s32 $0x13088, s9;
	s11 =	sadd.s32 $0x10, s1  }
0x466: {  	[hbm4b:s11+s4] =	stream.linear.scatter [tilespmem:s8], [sflag:$0xC], $0x80, $0x38;
	[tilespmem:$0x15200] =	vst v63  }
0x467: {  	s8 =	sadd.s32 $0x13110, s9;
	s11 =	sadd.s32 $0x20, s1  }
0x468: {  	[hbm4b:s11+s4] =	stream.linear.scatter [tilespmem:s8], [sflag:$0xC], $0x80, $0x38;
	[tilespmem:$0x15200] =	vst v63  }
0x469: {  	s8 =	sadd.s32 $0x13198, s9;
	s11 =	sadd.s32 $0x30, s1  }
0x46a: {  	[hbm4b:s11+s4] =	stream.linear.scatter [tilespmem:s8], [sflag:$0xC], $0x80, $0x38;
	[tilespmem:$0x15200] =	vst v63  }
0x46b: {  	s8 =	sadd.s32 $0x13220, s9;
	s11 =	sadd.s32 $0x40, s1  }
0x46c: {  	[hbm4b:s11+s4] =	stream.linear.scatter [tilespmem:s8], [sflag:$0xC], $0x80, $0x38;
	[tilespmem:$0x15200] =	vst v63  }
.Ltmp11:
0x46d: {  	s8 =	sadd.s32 $0x132A8, s9;
	s11 =	sadd.s32 $0x50, s1;
	(pc) =	sbr.rel @p0 .LBB2_21-.Ltmp11, $4  }
0x46e: {  	[hbm4b:s11+s4] =	stream.linear.scatter [tilespmem:s8], [sflag:$0xC], $0x80, $0x38;
	[tilespmem:$0x15200] =	vst v63  }
0x46f: {  	s8 =	sadd.s32 $0x13330, s9;
	s11 =	sadd.s32 $0x60, s1;
	s9 =	sadd.s32 $0x133B8, s9  }
0x470: {  	[hbm4b:s11+s4] =	stream.linear.scatter [tilespmem:s8], [sflag:$0xC], $0x80, $0x38;
	[tilespmem:$0x15200] =	vst v63  }
0x471: {  	s11 =	sadd.s32 $0x70, s1;
	s1 =	sadd.s32 $0x1000, s1;
	s8 =	smov.u32 s13  }
0x472: {  	[hbm4b:s11+s4] =	stream.linear.scatter [tilespmem:s9], [sflag:$0xC], $0x80, $0x38;
	[tilespmem:$0x15200] =	vst v63  }
0x473: {  	s8 =	sadd.s32 $0x13000, s0  }
0x474: {  	[hbm4b:s1+s4] =	stream.linear.scatter [tilespmem:s8], [sflag:$0xC], $0x80, $0x38;
	[tilespmem:$0x15200] =	vst v63  }
0x475: {  	s15 =	sadd.s32 $0x13088, s0;
	s31 =	sadd.s32 $0x10, s1  }
0x476: {  	[hbm4b:s31+s4] =	stream.linear.scatter [tilespmem:s15], [sflag:$0xC], $0x80, $0x38;
	[tilespmem:$0x15200] =	vst v63  }
0x477: {  	s9 =	sadd.s32 $0x13110, s0;
	s11 =	sadd.s32 $0x20, s1  }
0x478: {  	[hbm4b:s11+s4] =	stream.linear.scatter [tilespmem:s9], [sflag:$0xC], $0x80, $0x38;
	[tilespmem:$0x15200] =	vst v63  }
0x479: {  	s13 =	sadd.s32 $0x13198, s0;
	s14 =	sadd.s32 $0x30, s1  }
0x47a: {  	[hbm4b:s14+s4] =	stream.linear.scatter [tilespmem:s13], [sflag:$0xC], $0x80, $0x38;
	[tilespmem:$0x15200] =	vst v63  }
0x47b: {  	s15 =	sadd.s32 $0x13220, s0;
	s31 =	sadd.s32 $0x40, s1  }
0x47c: {  	[hbm4b:s31+s4] =	stream.linear.scatter [tilespmem:s15], [sflag:$0xC], $0x80, $0x38;
	[tilespmem:$0x15200] =	vst v63  }
0x47d: {  	s9 =	sadd.s32 $0x132A8, s0;
	s11 =	sadd.s32 $0x50, s1  }
0x47e: {  	[hbm4b:s11+s4] =	stream.linear.scatter [tilespmem:s9], [sflag:$0xC], $0x80, $0x38;
	[tilespmem:$0x15200] =	vst v63  }
.Ltmp12:
0x47f: {  	_ = 	snop;
	(pc) =	sbr.rel @p2 .LBB2_24-.Ltmp12, $4  }
0x480: {  	s13 =	sadd.s32 $0x13330, s0;
	s14 =	sadd.s32 $0x60, s1  }
0x481: {  	[hbm4b:s14+s4] =	stream.linear.scatter [tilespmem:s13], [sflag:$0xC], $0x80, $0x38;
	[tilespmem:$0x15200] =	vst v63  }
0x482: {  	s15 =	sadd.s32 $0x133B8, s0;
	s31 =	sadd.s32 $0x70, s1  }
0x483: {  	[hbm4b:s31+s4] =	stream.linear.scatter [tilespmem:s15], [sflag:$0xC], $0x80, $0x38;
	[tilespmem:$0x15200] =	vst v63  }
0x484: {  	s0 =	sand.u32 $0x8, s7;
	p0 =	sne.s32 s17, $0x0  }
0x485: {  	p1 =	seq.s32 @!p0 s0, $0x0  }
0x486: {  	s1 =	simm.s32 @!p0 $0x2;
	p1 =	por !p1, p0  }
0x487: {  	s1 =	simm.s32 @p1 $0x1  }
0x488: {  	_ =	swait.ge @!p0 [sflag:s1], $0x400  }
0x489: {  	v8 =	vld [tilespmem:$0x1FE10]  }
0x48a: {  	v9 =	vld [tilespmem:$0x1FE40]  }
0x48b: {  	v12 =	vld [tilespmem:$0x1FE50]  }
0x48c: {  	v13 =	vld [tilespmem:$0x1FE70]  }
0x48d: {  	v16 =	vld [tilespmem:$0x1FE90]  }
0x48e: {  	v20 =	vld [tilespmem:$0x1FEB0]  }
0x48f: {  	v23 =	vld [tilespmem:$0x1FEC0]  }
0x490: {  	v24 =	vld [tilespmem:$0x1FED0]  }
0x491: {  	v27 =	vld [tilespmem:$0x1FF00]  }
.Ltmp13:
0x492: {  	v32 =	vld [tilespmem:$0x1FF10];
	(pc) =	sbr.rel .LBB2_2-.Ltmp13, $4  }
0x493: {  	p1 =	seq.s32 s0, $0x0;
	s0 =	simm.s32 $0x400;
	v29 =	vld [tilespmem:$0x1FF40]  }
0x494: {  	s31 =	sshll.u32 s17, $0x7;
	s0 =	simm.s32 @!p1 $0x0;
	[sflag:s1] =	ssyncset.done @!p0 $0x0;
	v28 =	vld [tilespmem:$0x1FF50]  }
0x495: {  	s16 =	sadd.s32 $0x1, s16;
	s0 =	sor.u32 s31, s0;
	v19 =	vld [tilespmem:$0x1FF90];
	[sflag:s1] =	ssyncadd.s32 @!p0 $0xFFFFFC00  }
0x496: {  	v15 =	vld [tilespmem:$0x1FFD0];
	[tilespmem:s18], [sflag:$0x6] =	stream.indirect.gather [hbm4b:s5+s12], $0x40, s0, s12, $0xb8  }
.LBB2_25:
0x497: {  	_ =	sfence.sel $0x180000  }
0x498: {  	[bflag:$0x0] =	sbarrier.arrive $0xFFFF  }
0x499: {  	_ =	strace $0x90000047  }
0x49a: {  	s0 =	stileid.u32;
	[bflag:$0x2] =	sbarrier.arrive $0xFFFF  }
0x49b: {  	p0 =	sne.s32 s0, $0x0;
	s0 =	rddreg [dreg:$0x3]  }
0x49c: {  	s0 =	sadd.s32 @!p0 $0x100000, s0  }
0x49d: {  	[sflag:s0] =	ssyncadd.tile.s32 @!p0 $0x1;
	_ =	shalt  }
.Lfunc_end2:
_tile_overlayer_lowered:
.L_overlay_start_2:
0x49e: {  	(tag) =	ssettag $0x2  }
0x49f: {  	s0 =	rddreg [dreg:$0x0];
	s2 =	stileid.u32  }
0x4a0: {  	s1 =	rddreg [dreg:$0x1];
	p0 =	sne.s32 s2, $0x0  }
0x4a1: {  	s3 =	rddreg [dreg:$0x2];
	[bflag:$0x3] =	sbarrier.arrive $0xFFFF;
	s2 =	simm.s32 @!p0 $0x1C0D  }
0x4a2: {  	[timem:s3], [sflag:s2] =	dma.local @!p0 [hbm:s0], s1  }
0x4a3: {  	s0 =	simm.s32 @!p0 $0xD  }
0x4a4: {  	_ =	swait.ge @!p0 [sflag:s0], s1  }
0x4a5: {  	s1 =	ssub.s32 @!p0 $0x0, s1;
	[sflag:s0] =	ssyncset.done @!p0 $0x0  }
0x4a6: {  	[sflag:s0] =	ssyncadd.s32 @!p0 s1  }
0x4a7: {  	[bflag:$0x3] =	sbarrier.arrive $0xFFFF  }
0x4a8: {  	_ =	shalt  }

</sc_bundles>
